<compile_context>
chip_gen: v7x
topology: tpu7x:2x2x1
jax: 0.10.2.dev20260603
libtpu: 0.0.44.dev20260713+nightly
codegen_flags: <defaults>
</compile_context>

<pallas_src>
import jax
import jax.numpy as jnp
from jax import lax
from jax.experimental import pallas as pl
from jax.experimental.pallas import tpu as pltpu
from jax.experimental.pallas import tpu_sc as plsc

N = 10000
D = 128
E = 320000

NC = 2
NS = 16
B = 128
E2 = E + N
EPAD = -(-E2 // (NS * B * 4)) * (NS * B * 4)
NP = 10240
RPT = NP // NS
NBLK1 = EPAD // (NS * B)
NBLK2 = EPAD // (NC * NS * B)

_MESH = plsc.VectorSubcoreMesh(core_axis_name="c", subcore_axis_name="s",
                               num_cores=NC, num_subcores=NS)


def _zero_rows(rows):
    z16 = jnp.zeros((16,), jnp.float32)

    def zr(i, _):
        rows[i // (D // 16), pl.ds((i % (D // 16)) * 16, 16)] = z16
        return 0

    lax.fori_loop(0, B * D // 16, zr, 0)


def _init_acc(rows, acc, sid):
    for j in range(RPT // B):
        pltpu.sync_copy(rows, acc.at[pl.ds(sid * RPT + j * B, B)])


def _edge_loop(val_hbm, src_hbm, gbase, dst_hbm, dbase,
               S, SC_, D2, SD, RW, SR, acc, nblk, cnt_ctx=None):

    def req_s(b, p):
        pltpu.async_copy(src_hbm.at[pl.ds(gbase + b * B, B)], S[p], SC_[p])

    def req_d(b, p):
        pltpu.async_copy(dst_hbm.at[pl.ds(dbase + b * B, B)], D2[p], SD[p])

    def gather(b, p, r):
        pltpu.make_async_copy(src_hbm.at[pl.ds(gbase + b * B, B)],
                              S[p], SC_[p]).wait()
        pltpu.async_copy(val_hbm.at[S[p]], RW[r], SR[r])

    o16 = jnp.ones((16,), jnp.float32)

    def scat(b, p, r):
        pltpu.make_async_copy(val_hbm.at[S[p]], RW[r], SR[r]).wait()
        pltpu.make_async_copy(dst_hbm.at[pl.ds(dbase + b * B, B)],
                              D2[r], SD[r]).wait()
        pltpu.sync_copy(RW[r], acc.at[D2[r]], add=True)
        if cnt_ctx is not None:
            for e in range(B // 16):
                plsc.addupdate_scatter(
                    cnt_ctx, [D2[r][pl.ds(e * 16, 16)]], o16)

    for b in range(4):
        req_s(b, b)
    for b in range(2):
        req_d(b, b)
    gather(0, 0, 0)

    main = nblk // 4 - 1

    def quad(j, _):
        for k in range(4):
            b = 4 * j + k
            gather(b + 1, (k + 1) % 4, (k + 1) % 2)
            scat(b, k, k % 2)
            req_s(b + 4, k)
            req_d(b + 2, k % 2)
        return 0

    lax.fori_loop(0, main, quad, 0)

    for bb in range(4 * main, nblk):
        k = bb % 4
        if bb + 1 < nblk:
            gather(bb + 1, (k + 1) % 4, (k + 1) % 2)
        scat(bb, k, k % 2)
        if bb + 4 < nblk:
            req_s(bb + 4, k)
        if bb + 2 < nblk:
            req_d(bb + 2, k % 2)


def _seg1_body(x_hbm, h_hbm, src_hbm, dst_hbm, sx_hbm, sh_hbm, cnt_hbm,
               s0, s1, s2, s3, d0, d1, rows0, rows1,
               cnt_v, acc,
               sc0, sc1, sc2, sc3, sd0, sd1, sr0, sr1):
    cid = lax.axis_index("c")
    sid = lax.axis_index("s")
    z16 = jnp.zeros((16,), jnp.float32)

    _zero_rows(rows0)
    _init_acc(rows0, acc, sid)

    @pl.when(cid == 0)
    def _():
        def zc(i, _):
            cnt_v[pl.ds(i * 16, 16)] = z16
            return 0

        lax.fori_loop(0, NP // 16, zc, 0)

    plsc.subcore_barrier()

    tb = sid * (NBLK1 * B)
    bufs = ([s0, s1, s2, s3], [sc0, sc1, sc2, sc3],
            [d0, d1], [sd0, sd1], [rows0, rows1], [sr0, sr1])

    @pl.when(cid == 0)
    def _():
        _edge_loop(x_hbm, src_hbm, tb, dst_hbm, tb, *bufs,
                   acc, NBLK1, cnt_ctx=cnt_v)
        pltpu.sync_copy(cnt_v, cnt_hbm.at[sid])

    @pl.when(cid == 1)
    def _():
        _edge_loop(h_hbm, src_hbm, tb, dst_hbm, tb, *bufs,
                   acc, NBLK1)

    plsc.subcore_barrier()

    @pl.when(cid == 0)
    def _():
        pltpu.sync_copy(acc.at[pl.ds(sid * RPT, RPT)],
                        sx_hbm.at[pl.ds(sid * RPT, RPT)])

    @pl.when(cid == 1)
    def _():
        pltpu.sync_copy(acc.at[pl.ds(sid * RPT, RPT)],
                        sh_hbm.at[pl.ds(sid * RPT, RPT)])


_seg1 = pl.kernel(
    _seg1_body,
    out_type=[jax.ShapeDtypeStruct((NP, D), jnp.float32),
              jax.ShapeDtypeStruct((NP, D), jnp.float32),
              jax.ShapeDtypeStruct((NS, NP), jnp.float32)],
    mesh=_MESH,
    scratch_types=[
        pltpu.VMEM((B,), jnp.int32),
        pltpu.VMEM((B,), jnp.int32),
        pltpu.VMEM((B,), jnp.int32),
        pltpu.VMEM((B,), jnp.int32),
        pltpu.VMEM((B,), jnp.int32),
        pltpu.VMEM((B,), jnp.int32),
        pltpu.VMEM((B, D), jnp.float32),
        pltpu.VMEM((B, D), jnp.float32),
        pltpu.VMEM((NP,), jnp.float32),
        pltpu.VMEM_SHARED((NP, D), jnp.float32),
    ] + [pltpu.SemaphoreType.DMA] * 8,
    compiler_params=pltpu.CompilerParams(needs_layout_passes=False),
)


def _seg2_body(rh_hbm, src_hbm, dst_hbm, sa_hbm, sb_hbm,
               s0, s1, s2, s3, d0, d1, rows0, rows1, acc,
               sc0, sc1, sc2, sc3, sd0, sd1, sr0, sr1):
    cid = lax.axis_index("c")
    sid = lax.axis_index("s")

    _zero_rows(rows0)
    _init_acc(rows0, acc, sid)

    plsc.subcore_barrier()

    wbase = (cid * NS + sid) * (NBLK2 * B)
    _edge_loop(rh_hbm, src_hbm, wbase, dst_hbm, wbase,
               [s0, s1, s2, s3], [sc0, sc1, sc2, sc3],
               [d0, d1], [sd0, sd1], [rows0, rows1], [sr0, sr1],
               acc, NBLK2)

    plsc.subcore_barrier()

    @pl.when(cid == 0)
    def _():
        pltpu.sync_copy(acc.at[pl.ds(sid * RPT, RPT)],
                        sa_hbm.at[pl.ds(sid * RPT, RPT)])

    @pl.when(cid == 1)
    def _():
        pltpu.sync_copy(acc.at[pl.ds(sid * RPT, RPT)],
                        sb_hbm.at[pl.ds(sid * RPT, RPT)])


_seg2 = pl.kernel(
    _seg2_body,
    out_type=[jax.ShapeDtypeStruct((NP, D), jnp.float32),
              jax.ShapeDtypeStruct((NP, D), jnp.float32)],
    mesh=_MESH,
    scratch_types=[
        pltpu.VMEM((B,), jnp.int32),
        pltpu.VMEM((B,), jnp.int32),
        pltpu.VMEM((B,), jnp.int32),
        pltpu.VMEM((B,), jnp.int32),
        pltpu.VMEM((B,), jnp.int32),
        pltpu.VMEM((B,), jnp.int32),
        pltpu.VMEM((B, D), jnp.float32),
        pltpu.VMEM((B, D), jnp.float32),
        pltpu.VMEM_SHARED((NP, D), jnp.float32),
    ] + [pltpu.SemaphoreType.DMA] * 8,
    compiler_params=pltpu.CompilerParams(needs_layout_passes=False),
)

BR = 1024


def _tc1_body(sx, sh, cnt, hp, wx, wh, z_o, rh_o, pxh_o, inv_o):
    cs = jnp.sum(jnp.transpose(cnt[...]), axis=1, keepdims=True)
    inv = 1.0 / jnp.maximum(cs, 1.0)
    mx = sx[...] * inv
    mh = sh[...] * inv
    px = jax.nn.relu(jnp.dot(mx, wx[...], preferred_element_type=jnp.float32))
    ph = jax.nn.relu(jnp.dot(mh, wh[...], preferred_element_type=jnp.float32))
    z = jax.nn.sigmoid(px[:, :D] + ph[:, :D])
    r = jax.nn.sigmoid(px[:, D:2 * D] + ph[:, D:2 * D])
    z_o[...] = z
    rh_o[...] = r * hp[...]
    pxh_o[...] = px[:, 2 * D:]
    inv_o[...] = inv


def _tc1(sx, sh, cnt16, hp, wx, wh):
    blk = lambda i: (i, 0)
    w0 = lambda i: (0, 0)
    return pl.pallas_call(
        _tc1_body,
        grid=(NP // BR,),
        in_specs=[
            pl.BlockSpec((BR, D), blk),
            pl.BlockSpec((BR, D), blk),
            pl.BlockSpec((NS, BR), lambda i: (0, i)),
            pl.BlockSpec((BR, D), blk),
            pl.BlockSpec((D, 3 * D), w0),
            pl.BlockSpec((D, 2 * D), w0),
        ],
        out_specs=[pl.BlockSpec((BR, D), blk)] * 3 + [pl.BlockSpec((BR, 1), blk)],
        out_shape=[jax.ShapeDtypeStruct((N, D), jnp.float32)] * 3
        + [jax.ShapeDtypeStruct((N, 1), jnp.float32)],
    )(sx, sh, cnt16, hp, wx, wh)


def _tc2_body(sa, sb, inv, hp, z, pxh, whh, out):
    m = (sa[...] + sb[...]) * inv[...]
    ph = jax.nn.relu(jnp.dot(m, whh[...], preferred_element_type=jnp.float32))
    ht = jnp.tanh(pxh[...] + ph)
    zz = z[...]
    out[...] = zz * hp[...] + (1.0 - zz) * ht


def _tc2(sa, sb, inv, hp, z, pxh, whh):
    blk = lambda i: (i, 0)
    w0 = lambda i: (0, 0)
    return pl.pallas_call(
        _tc2_body,
        grid=(NP // BR,),
        in_specs=[
            pl.BlockSpec((BR, D), blk),
            pl.BlockSpec((BR, D), blk),
            pl.BlockSpec((BR, 1), blk),
            pl.BlockSpec((BR, D), blk),
            pl.BlockSpec((BR, D), blk),
            pl.BlockSpec((BR, D), blk),
            pl.BlockSpec((D, D), w0),
        ],
        out_specs=pl.BlockSpec((BR, D), blk),
        out_shape=jax.ShapeDtypeStruct((N, D), jnp.float32),
    )(sa, sb, inv, hp, z, pxh, whh)


def kernel(x, edge_index, h_prev, W_xz, W_hz, W_xr, W_hr, W_xh, W_hh):
    loops = jnp.arange(N, dtype=jnp.int32)
    pad = EPAD - E2
    pk = jnp.arange(pad, dtype=jnp.int32)
    row = jnp.concatenate([edge_index[0], loops, pk % N])
    col = jnp.concatenate([edge_index[1], loops, N + pk % (NP - N)])

    sx, sh, cnt16 = _seg1(x, h_prev, row, col)
    wx = jnp.concatenate([W_xz, W_xr, W_xh], axis=1)
    wh = jnp.concatenate([W_hz, W_hr], axis=1)

    z, rh, pxh, inv = _tc1(sx, sh, cnt16, h_prev, wx, wh)

    s2a, s2b = _seg2(rh, row, col)

    return _tc2(s2a, s2b, inv, h_prev, z, pxh, W_hh)

# --- scband reference (transcript-rebuilt; emitter-appended) ---
"""Pipeline reference for scband-graph-gru-661424963763 (READ-ONLY COPY).

The authoritative reference and input builder live on the scoring server;
editing this copy changes nothing except your own understanding.
"""

import jax, jax.numpy as jnp
import numpy as np

N = 10000
D = 128
E = 320000


def setup_inputs(seed: int = 0) -> dict:
    key = jax.random.key(seed)
    ks = jax.random.split(key, 12)
    x = jax.random.normal(ks[0], (N, D), dtype=jnp.float32)
    edge_index = jax.random.randint(ks[1], (2, E), 0, N, dtype=jnp.int32)
    h_prev = jax.random.normal(ks[2], (N, D), dtype=jnp.float32)
    glorot = np.sqrt(2.0 / (D + D)).astype(np.float32)
    W_xz = jax.random.normal(ks[3], (D, D), dtype=jnp.float32) * glorot
    W_hz = jax.random.normal(ks[4], (D, D), dtype=jnp.float32) * glorot
    W_xr = jax.random.normal(ks[5], (D, D), dtype=jnp.float32) * glorot
    W_hr = jax.random.normal(ks[6], (D, D), dtype=jnp.float32) * glorot
    W_xh = jax.random.normal(ks[7], (D, D), dtype=jnp.float32) * glorot
    W_hh = jax.random.normal(ks[8], (D, D), dtype=jnp.float32) * glorot
    return {"x": x, "edge_index": edge_index, "h_prev": h_prev,
            "W_xz": W_xz, "W_hz": W_hz, "W_xr": W_xr, "W_hr": W_hr,
            "W_xh": W_xh, "W_hh": W_hh}


def _role_gcn_conv(x, row, col, W, n_nodes):
    # node_role=None path of RoleGCNConv: linear transform, gather at src,
    # scatter-mean at dst (self-loops already appended), then ReLU.
    # Note: the computed symmetric norm is never used by message() in the
    # original code, so it is faithfully omitted here.
    h = jnp.matmul(x, W)
    msg = jnp.take(h, row, axis=0)
    s = jax.ops.segment_sum(msg, col, num_segments=n_nodes)
    cnt = jax.ops.segment_sum(jnp.ones((row.shape[0],), dtype=h.dtype), col, num_segments=n_nodes)
    aggr = s / jnp.maximum(cnt, 1.0)[:, None]
    return jax.nn.relu(aggr)


def reference(x, edge_index, h_prev, W_xz, W_hz, W_xr, W_hr, W_xh, W_hh):
    n_nodes = x.shape[0]
    loops = jnp.arange(n_nodes, dtype=edge_index.dtype)
    row = jnp.concatenate([edge_index[0], loops], axis=0)
    col = jnp.concatenate([edge_index[1], loops], axis=0)
    z = jax.nn.sigmoid(_role_gcn_conv(x, row, col, W_xz, n_nodes)
                       + _role_gcn_conv(h_prev, row, col, W_hz, n_nodes))
    r = jax.nn.sigmoid(_role_gcn_conv(x, row, col, W_xr, n_nodes)
                       + _role_gcn_conv(h_prev, row, col, W_hr, n_nodes))
    h_tilde = jnp.tanh(_role_gcn_conv(x, row, col, W_xh, n_nodes)
                       + _role_gcn_conv(r * h_prev, row, col, W_hh, n_nodes))
    h_new = z * h_prev + (1.0 - z) * h_tilde
    return h_new

if __name__ == "__main__":
    import jax
    _d = setup_inputs()
    print(jax.jit(kernel)(*tuple(_d.values())))

</pallas_src>

<mosaic_0001>
#map = affine_map<(d0, d1) -> (0, 0)>
#map1 = affine_map<(d0, d1) -> (0)>
module attributes {stable_mosaic.version = 14 : i64} {
  func.func @_seg1_body(%arg0: i32, %arg1: i32, %arg2: memref<10000x128xf32, #tpu.memory_space<hbm>>, %arg3: memref<10000x128xf32, #tpu.memory_space<hbm>>, %arg4: memref<335872xi32, #tpu.memory_space<hbm>>, %arg5: memref<335872xi32, #tpu.memory_space<hbm>>, %arg6: memref<10240x128xf32, #tpu.memory_space<hbm>>, %arg7: memref<10240x128xf32, #tpu.memory_space<hbm>>, %arg8: memref<16x10240xf32, #tpu.memory_space<hbm>>, %arg9: memref<128xi32, #tpu.memory_space<vmem>>, %arg10: memref<128xi32, #tpu.memory_space<vmem>>, %arg11: memref<128xi32, #tpu.memory_space<vmem>>, %arg12: memref<128xi32, #tpu.memory_space<vmem>>, %arg13: memref<128xi32, #tpu.memory_space<vmem>>, %arg14: memref<128xi32, #tpu.memory_space<vmem>>, %arg15: memref<128x128xf32, #tpu.memory_space<vmem>>, %arg16: memref<128x128xf32, #tpu.memory_space<vmem>>, %arg17: memref<10240xf32, #tpu.memory_space<vmem>>, %arg18: memref<10240x128xf32, #tpu.memory_space<vmem_shared>>, %arg19: memref<!tpu.dma_semaphore, #tpu.memory_space<semaphore_mem>>, %arg20: memref<!tpu.dma_semaphore, #tpu.memory_space<semaphore_mem>>, %arg21: memref<!tpu.dma_semaphore, #tpu.memory_space<semaphore_mem>>, %arg22: memref<!tpu.dma_semaphore, #tpu.memory_space<semaphore_mem>>, %arg23: memref<!tpu.dma_semaphore, #tpu.memory_space<semaphore_mem>>, %arg24: memref<!tpu.dma_semaphore, #tpu.memory_space<semaphore_mem>>, %arg25: memref<!tpu.dma_semaphore, #tpu.memory_space<semaphore_mem>>, %arg26: memref<!tpu.dma_semaphore, #tpu.memory_space<semaphore_mem>>) attributes {dimension_semantics = [#tpu.dimension_semantics<core_parallel>, #tpu.dimension_semantics<subcore_parallel>], iteration_bounds = array<i64: 2, 16>, scalar_prefetch = 0 : i64, scratch_operands = 18 : i64, tpu.core_type = #tpu.core_type<sc_vector_subcore>, window_params = [{transform_indices = #map}, {transform_indices = #map}, {transform_indices = #map1}, {transform_indices = #map1}, {transform_indices = #map}, {transform_indices = #map}, {transform_indices = #map}]} {
    %broadcast_in_dim3A = arith.constant 0.000000e+00 : f32
    %broadcast_in_dim3A_0 = vector.broadcast %broadcast_in_dim3A : f32 to vector<16xf32>
    %broadcast_in_dim3A_1 = arith.constant 0.000000e+00 : f32
    %broadcast_in_dim3A_2 = vector.broadcast %broadcast_in_dim3A_1 : f32 to vector<16xf32>
    %scan3A = arith.constant 0 : i32
    %scan3A_3 = arith.constant 0 : i32
    %scan3A_4 = arith.constant 1024 : i32
    %scan3A_5 = arith.addi %scan3A_3, %scan3A_4 : i32
    %scan3A_6 = arith.constant 1 : i32
    %scan3A_7 = scf.for %scan3A_52 = %scan3A_3 to %scan3A_5 step %scan3A_6 iter_args(%scan3A_53 = %scan3A) -> (i32)  : i32 {
      %jit3A = arith.constant 8 : i32
      %div3A = arith.divsi %scan3A_52, %jit3A : i32
      %sign3A = arith.constant 0 : i32
      %sign3A_54 = arith.cmpi sgt, %scan3A_52, %sign3A : i32
      %sign3A_55 = arith.extui %sign3A_54 : i1 to i32
      %sign3A_56 = arith.constant 0 : i32
      %sign3A_57 = arith.cmpi slt, %scan3A_52, %sign3A_56 : i32
      %sign3A_58 = arith.extui %sign3A_57 : i1 to i32
      %sign3A_59 = arith.subi %sign3A_55, %sign3A_58 : i32
      %sign3A_60 = arith.constant 0 : i32
      %sign3A_61 = arith.cmpi sgt, %jit3A, %sign3A_60 : i32
      %sign3A_62 = arith.extui %sign3A_61 : i1 to i32
      %sign3A_63 = arith.constant 0 : i32
      %sign3A_64 = arith.cmpi slt, %jit3A, %sign3A_63 : i32
      %sign3A_65 = arith.extui %sign3A_64 : i1 to i32
      %sign3A_66 = arith.subi %sign3A_62, %sign3A_65 : i32
      %ne3A = arith.cmpi ne, %sign3A_59, %sign3A_66 : i32
      %rem3A = arith.remsi %scan3A_52, %jit3A : i32
      %ne3A_67 = arith.constant 0 : i32
      %ne3A_68 = arith.cmpi ne, %rem3A, %ne3A_67 : i32
      %and3A = arith.andi %ne3A, %ne3A_68 : i1
      %sub3A = arith.constant 1 : i32
      %sub3A_69 = arith.subi %div3A, %sub3A : i32
      %select_n3A = arith.select %and3A, %sub3A_69, %div3A : i32
      %jit3A_70 = arith.constant 8 : i32
      %eq3A_71 = arith.constant 0 : i32
      %eq3A_72 = arith.cmpi eq, %jit3A_70, %eq3A_71 : i32
      %jit3A_73 = arith.constant 1 : i32
      %select_n3A_74 = arith.select %eq3A_72, %jit3A_73, %jit3A_70 : i32
      %rem3A_75 = arith.remsi %scan3A_52, %select_n3A_74 : i32
      %ne3A_76 = arith.constant 0 : i32
      %ne3A_77 = arith.cmpi ne, %rem3A_75, %ne3A_76 : i32
      %lt3A = arith.constant 0 : i32
      %lt3A_78 = arith.cmpi slt, %rem3A_75, %lt3A : i32
      %lt3A_79 = arith.constant 0 : i32
      %lt3A_80 = arith.cmpi slt, %select_n3A_74, %lt3A_79 : i32
      %ne3A_81 = arith.xori %lt3A_78, %lt3A_80 : i1
      %and3A_82 = arith.andi %ne3A_81, %ne3A_77 : i1
      %add3A_83 = arith.addi %rem3A_75, %select_n3A_74 : i32
      %select_n3A_84 = arith.select %and3A_82, %add3A_83, %rem3A_75 : i32
      %mul3A_85 = arith.constant 16 : i32
      %mul3A_86 = arith.muli %select_n3A_84, %mul3A_85 : i32
      %swap3A = arith.index_cast %select_n3A : i32 to index
      %swap3A_87 = arith.index_cast %mul3A_86 : i32 to index
      %swap3A_88 = tpu.vector_load %arg15[%swap3A, %swap3A_87] {strides = array<i32>} : memref<128x128xf32, #tpu.memory_space<vmem>>, vector<16xf32>,
      tpu.vector_store %arg15[%swap3A, %swap3A_87], %broadcast_in_dim3A_2 {strides = array<i32>} : memref<128x128xf32, #tpu.memory_space<vmem>>, vector<16xf32>,
      %scan3A_89 = arith.constant 0 : i32
      scf.yield %scan3A_89 : i32
    }
    %scan3A_8 = arith.constant 1024 : i32
    %mul3A = arith.constant 640 : i32
    %mul3A_9 = arith.muli %arg1, %mul3A : i32
    %add3A = arith.constant 0 : i32
    %add3A_10 = arith.addi %mul3A_9, %add3A : i32
    "tpu.region"() ({
      %run_scoped3A = tpu.sem_alloc : memref<!tpu.dma_semaphore, #tpu.memory_space<semaphore_mem>>
      %dma_start3A = arith.constant 0 : i32
      %dma_start3A_52 = tpu.memref_slice %arg18[%add3A_10, %dma_start3A] : memref<10240x128xf32, #tpu.memory_space<vmem_shared>> -> memref<128x128xf32, #tpu.memory_space<vmem_shared>>
      %dma_start3A_53 = arith.constant 0 : i32
      %dma_start3A_54 = tpu.memref_slice %arg18[%add3A_10, %dma_start3A_53] : memref<10240x128xf32, #tpu.memory_space<vmem_shared>> -> memref<128x128xf32, #tpu.memory_space<vmem_shared>>
      tpu.enqueue_dma source(%arg15 : memref<128x128xf32, #tpu.memory_space<vmem>>) target(%dma_start3A_54 : memref<128x128xf32, #tpu.memory_space<vmem_shared>>) target_semaphore(%run_scoped3A : memref<!tpu.dma_semaphore, #tpu.memory_space<semaphore_mem>>)
      %dma_wait3A = arith.constant 0 : i32
      %dma_wait3A_55 = tpu.memref_slice %arg18[%add3A_10, %dma_wait3A] : memref<10240x128xf32, #tpu.memory_space<vmem_shared>> -> memref<128x128xf32, #tpu.memory_space<vmem_shared>>
      %dma_wait3A_56 = arith.constant 0 : i32
      %dma_wait3A_57 = tpu.memref_slice %arg18[%add3A_10, %dma_wait3A_56] : memref<10240x128xf32, #tpu.memory_space<vmem_shared>> -> memref<128x128xf32, #tpu.memory_space<vmem_shared>>
      tpu.wait_dma2 semaphore(%run_scoped3A : memref<!tpu.dma_semaphore, #tpu.memory_space<semaphore_mem>>) src(%arg15 : memref<128x128xf32, #tpu.memory_space<vmem>>) dst(%dma_wait3A_57 : memref<128x128xf32, #tpu.memory_space<vmem_shared>>)
      tpu.yield
    }) : () -> ()
    %mul3A_11 = arith.constant 640 : i32
    %mul3A_12 = arith.muli %arg1, %mul3A_11 : i32
    %add3A_13 = arith.constant 128 : i32
    %add3A_14 = arith.addi %mul3A_12, %add3A_13 : i32
    "tpu.region"() ({
      %run_scoped3A = tpu.sem_alloc : memref<!tpu.dma_semaphore, #tpu.memory_space<semaphore_mem>>
      %dma_start3A = arith.constant 0 : i32
      %dma_start3A_52 = tpu.memref_slice %arg18[%add3A_14, %dma_start3A] : memref<10240x128xf32, #tpu.memory_space<vmem_shared>> -> memref<128x128xf32, #tpu.memory_space<vmem_shared>>
      %dma_start3A_53 = arith.constant 0 : i32
      %dma_start3A_54 = tpu.memref_slice %arg18[%add3A_14, %dma_start3A_53] : memref<10240x128xf32, #tpu.memory_space<vmem_shared>> -> memref<128x128xf32, #tpu.memory_space<vmem_shared>>
      tpu.enqueue_dma source(%arg15 : memref<128x128xf32, #tpu.memory_space<vmem>>) target(%dma_start3A_54 : memref<128x128xf32, #tpu.memory_space<vmem_shared>>) target_semaphore(%run_scoped3A : memref<!tpu.dma_semaphore, #tpu.memory_space<semaphore_mem>>)
      %dma_wait3A = arith.constant 0 : i32
      %dma_wait3A_55 = tpu.memref_slice %arg18[%add3A_14, %dma_wait3A] : memref<10240x128xf32, #tpu.memory_space<vmem_shared>> -> memref<128x128xf32, #tpu.memory_space<vmem_shared>>
      %dma_wait3A_56 = arith.constant 0 : i32
      %dma_wait3A_57 = tpu.memref_slice %arg18[%add3A_14, %dma_wait3A_56] : memref<10240x128xf32, #tpu.memory_space<vmem_shared>> -> memref<128x128xf32, #tpu.memory_space<vmem_shared>>
      tpu.wait_dma2 semaphore(%run_scoped3A : memref<!tpu.dma_semaphore, #tpu.memory_space<semaphore_mem>>) src(%arg15 : memref<128x128xf32, #tpu.memory_space<vmem>>) dst(%dma_wait3A_57 : memref<128x128xf32, #tpu.memory_space<vmem_shared>>)
      tpu.yield
    }) : () -> ()
    %mul3A_15 = arith.constant 640 : i32
    %mul3A_16 = arith.muli %arg1, %mul3A_15 : i32
    %add3A_17 = arith.constant 256 : i32
    %add3A_18 = arith.addi %mul3A_16, %add3A_17 : i32
    "tpu.region"() ({
      %run_scoped3A = tpu.sem_alloc : memref<!tpu.dma_semaphore, #tpu.memory_space<semaphore_mem>>
      %dma_start3A = arith.constant 0 : i32
      %dma_start3A_52 = tpu.memref_slice %arg18[%add3A_18, %dma_start3A] : memref<10240x128xf32, #tpu.memory_space<vmem_shared>> -> memref<128x128xf32, #tpu.memory_space<vmem_shared>>
      %dma_start3A_53 = arith.constant 0 : i32
      %dma_start3A_54 = tpu.memref_slice %arg18[%add3A_18, %dma_start3A_53] : memref<10240x128xf32, #tpu.memory_space<vmem_shared>> -> memref<128x128xf32, #tpu.memory_space<vmem_shared>>
      tpu.enqueue_dma source(%arg15 : memref<128x128xf32, #tpu.memory_space<vmem>>) target(%dma_start3A_54 : memref<128x128xf32, #tpu.memory_space<vmem_shared>>) target_semaphore(%run_scoped3A : memref<!tpu.dma_semaphore, #tpu.memory_space<semaphore_mem>>)
      %dma_wait3A = arith.constant 0 : i32
      %dma_wait3A_55 = tpu.memref_slice %arg18[%add3A_18, %dma_wait3A] : memref<10240x128xf32, #tpu.memory_space<vmem_shared>> -> memref<128x128xf32, #tpu.memory_space<vmem_shared>>
      %dma_wait3A_56 = arith.constant 0 : i32
      %dma_wait3A_57 = tpu.memref_slice %arg18[%add3A_18, %dma_wait3A_56] : memref<10240x128xf32, #tpu.memory_space<vmem_shared>> -> memref<128x128xf32, #tpu.memory_space<vmem_shared>>
      tpu.wait_dma2 semaphore(%run_scoped3A : memref<!tpu.dma_semaphore, #tpu.memory_space<semaphore_mem>>) src(%arg15 : memref<128x128xf32, #tpu.memory_space<vmem>>) dst(%dma_wait3A_57 : memref<128x128xf32, #tpu.memory_space<vmem_shared>>)
      tpu.yield
    }) : () -> ()
    %mul3A_19 = arith.constant 640 : i32
    %mul3A_20 = arith.muli %arg1, %mul3A_19 : i32
    %add3A_21 = arith.constant 384 : i32
    %add3A_22 = arith.addi %mul3A_20, %add3A_21 : i32
    "tpu.region"() ({
      %run_scoped3A = tpu.sem_alloc : memref<!tpu.dma_semaphore, #tpu.memory_space<semaphore_mem>>
      %dma_start3A = arith.constant 0 : i32
      %dma_start3A_52 = tpu.memref_slice %arg18[%add3A_22, %dma_start3A] : memref<10240x128xf32, #tpu.memory_space<vmem_shared>> -> memref<128x128xf32, #tpu.memory_space<vmem_shared>>
      %dma_start3A_53 = arith.constant 0 : i32
      %dma_start3A_54 = tpu.memref_slice %arg18[%add3A_22, %dma_start3A_53] : memref<10240x128xf32, #tpu.memory_space<vmem_shared>> -> memref<128x128xf32, #tpu.memory_space<vmem_shared>>
      tpu.enqueue_dma source(%arg15 : memref<128x128xf32, #tpu.memory_space<vmem>>) target(%dma_start3A_54 : memref<128x128xf32, #tpu.memory_space<vmem_shared>>) target_semaphore(%run_scoped3A : memref<!tpu.dma_semaphore, #tpu.memory_space<semaphore_mem>>)
      %dma_wait3A = arith.constant 0 : i32
      %dma_wait3A_55 = tpu.memref_slice %arg18[%add3A_22, %dma_wait3A] : memref<10240x128xf32, #tpu.memory_space<vmem_shared>> -> memref<128x128xf32, #tpu.memory_space<vmem_shared>>
      %dma_wait3A_56 = arith.constant 0 : i32
      %dma_wait3A_57 = tpu.memref_slice %arg18[%add3A_22, %dma_wait3A_56] : memref<10240x128xf32, #tpu.memory_space<vmem_shared>> -> memref<128x128xf32, #tpu.memory_space<vmem_shared>>
      tpu.wait_dma2 semaphore(%run_scoped3A : memref<!tpu.dma_semaphore, #tpu.memory_space<semaphore_mem>>) src(%arg15 : memref<128x128xf32, #tpu.memory_space<vmem>>) dst(%dma_wait3A_57 : memref<128x128xf32, #tpu.memory_space<vmem_shared>>)
      tpu.yield
    }) : () -> ()
    %mul3A_23 = arith.constant 640 : i32
    %mul3A_24 = arith.muli %arg1, %mul3A_23 : i32
    %add3A_25 = arith.constant 512 : i32
    %add3A_26 = arith.addi %mul3A_24, %add3A_25 : i32
    "tpu.region"() ({
      %run_scoped3A = tpu.sem_alloc : memref<!tpu.dma_semaphore, #tpu.memory_space<semaphore_mem>>
      %dma_start3A = arith.constant 0 : i32
      %dma_start3A_52 = tpu.memref_slice %arg18[%add3A_26, %dma_start3A] : memref<10240x128xf32, #tpu.memory_space<vmem_shared>> -> memref<128x128xf32, #tpu.memory_space<vmem_shared>>
      %dma_start3A_53 = arith.constant 0 : i32
      %dma_start3A_54 = tpu.memref_slice %arg18[%add3A_26, %dma_start3A_53] : memref<10240x128xf32, #tpu.memory_space<vmem_shared>> -> memref<128x128xf32, #tpu.memory_space<vmem_shared>>
      tpu.enqueue_dma source(%arg15 : memref<128x128xf32, #tpu.memory_space<vmem>>) target(%dma_start3A_54 : memref<128x128xf32, #tpu.memory_space<vmem_shared>>) target_semaphore(%run_scoped3A : memref<!tpu.dma_semaphore, #tpu.memory_space<semaphore_mem>>)
      %dma_wait3A = arith.constant 0 : i32
      %dma_wait3A_55 = tpu.memref_slice %arg18[%add3A_26, %dma_wait3A] : memref<10240x128xf32, #tpu.memory_space<vmem_shared>> -> memref<128x128xf32, #tpu.memory_space<vmem_shared>>
      %dma_wait3A_56 = arith.constant 0 : i32
      %dma_wait3A_57 = tpu.memref_slice %arg18[%add3A_26, %dma_wait3A_56] : memref<10240x128xf32, #tpu.memory_space<vmem_shared>> -> memref<128x128xf32, #tpu.memory_space<vmem_shared>>
      tpu.wait_dma2 semaphore(%run_scoped3A : memref<!tpu.dma_semaphore, #tpu.memory_space<semaphore_mem>>) src(%arg15 : memref<128x128xf32, #tpu.memory_space<vmem>>) dst(%dma_wait3A_57 : memref<128x128xf32, #tpu.memory_space<vmem_shared>>)
      tpu.yield
    }) : () -> ()
    %eq3A = arith.constant 0 : i32
    %eq3A_27 = arith.cmpi eq, %arg0, %eq3A : i32
    %convert_element_type3A = arith.extui %eq3A_27 : i1 to i32
    %cond3A = arith.constant 0 : i32
    %cond3A_28 = arith.cmpi ne, %convert_element_type3A, %cond3A : i32
    scf.if %cond3A_28 {
      %scan3A_52 = arith.constant 0 : i32
      %scan3A_53 = arith.constant 0 : i32
      %scan3A_54 = arith.constant 640 : i32
      %scan3A_55 = arith.addi %scan3A_53, %scan3A_54 : i32
      %scan3A_56 = arith.constant 1 : i32
      %scan3A_57 = scf.for %scan3A_59 = %scan3A_53 to %scan3A_55 step %scan3A_56 iter_args(%scan3A_60 = %scan3A_52) -> (i32)  : i32 {
        %mul3A_61 = arith.constant 16 : i32
        %mul3A_62 = arith.muli %scan3A_59, %mul3A_61 : i32
        %swap3A = arith.index_cast %mul3A_62 : i32 to index
        %swap3A_63 = tpu.vector_load %arg17[%swap3A] {strides = array<i32>} : memref<10240xf32, #tpu.memory_space<vmem>>, vector<16xf32>,
        tpu.vector_store %arg17[%swap3A], %broadcast_in_dim3A_0 {strides = array<i32>} : memref<10240xf32, #tpu.memory_space<vmem>>, vector<16xf32>,
        %scan3A_64 = arith.constant 0 : i32
        scf.yield %scan3A_64 : i32
      }
      %scan3A_58 = arith.constant 640 : i32
    } else {
    }
    %barrier3A = arith.constant 0 : index
    tpu.barrier barrier_id(%barrier3A)
    %mul3A_29 = arith.constant 20992 : i32
    %mul3A_30 = arith.muli %arg1, %mul3A_29 : i32
    %eq3A_31 = arith.constant 0 : i32
    %eq3A_32 = arith.cmpi eq, %arg0, %eq3A_31 : i32
    %convert_element_type3A_33 = arith.extui %eq3A_32 : i1 to i32
    %cond3A_34 = arith.constant 0 : i32
    %cond3A_35 = arith.cmpi ne, %convert_element_type3A_33, %cond3A_34 : i32
    scf.if %cond3A_35 {
      %broadcast_in_dim3A_52 = arith.constant 1.000000e+00 : f32
      %broadcast_in_dim3A_53 = vector.broadcast %broadcast_in_dim3A_52 : f32 to vector<16xf32>
      %add3A_54 = arith.constant 0 : i32
      %add3A_55 = arith.addi %mul3A_30, %add3A_54 : i32
      %dma_start3A = tpu.memref_slice %arg4[%add3A_55] : memref<335872xi32, #tpu.memory_space<hbm>> -> memref<128xi32, #tpu.memory_space<hbm>>
      %dma_start3A_56 = tpu.memref_slice %arg4[%add3A_55] : memref<335872xi32, #tpu.memory_space<hbm>> -> memref<128xi32, #tpu.memory_space<hbm>>
      tpu.enqueue_dma source(%dma_start3A_56 : memref<128xi32, #tpu.memory_space<hbm>>) target(%arg9 : memref<128xi32, #tpu.memory_space<vmem>>) target_semaphore(%arg19 : memref<!tpu.dma_semaphore, #tpu.memory_space<semaphore_mem>>)
      %add3A_57 = arith.constant 128 : i32
      %add3A_58 = arith.addi %mul3A_30, %add3A_57 : i32
      %dma_start3A_59 = tpu.memref_slice %arg4[%add3A_58] : memref<335872xi32, #tpu.memory_space<hbm>> -> memref<128xi32, #tpu.memory_space<hbm>>
      %dma_start3A_60 = tpu.memref_slice %arg4[%add3A_58] : memref<335872xi32, #tpu.memory_space<hbm>> -> memref<128xi32, #tpu.memory_space<hbm>>
      tpu.enqueue_dma source(%dma_start3A_60 : memref<128xi32, #tpu.memory_space<hbm>>) target(%arg10 : memref<128xi32, #tpu.memory_space<vmem>>) target_semaphore(%arg20 : memref<!tpu.dma_semaphore, #tpu.memory_space<semaphore_mem>>)
      %add3A_61 = arith.constant 256 : i32
      %add3A_62 = arith.addi %mul3A_30, %add3A_61 : i32
      %dma_start3A_63 = tpu.memref_slice %arg4[%add3A_62] : memref<335872xi32, #tpu.memory_space<hbm>> -> memref<128xi32, #tpu.memory_space<hbm>>
      %dma_start3A_64 = tpu.memref_slice %arg4[%add3A_62] : memref<335872xi32, #tpu.memory_space<hbm>> -> memref<128xi32, #tpu.memory_space<hbm>>
      tpu.enqueue_dma source(%dma_start3A_64 : memref<128xi32, #tpu.memory_space<hbm>>) target(%arg11 : memref<128xi32, #tpu.memory_space<vmem>>) target_semaphore(%arg21 : memref<!tpu.dma_semaphore, #tpu.memory_space<semaphore_mem>>)
      %add3A_65 = arith.constant 384 : i32
      %add3A_66 = arith.addi %mul3A_30, %add3A_65 : i32
      %dma_start3A_67 = tpu.memref_slice %arg4[%add3A_66] : memref<335872xi32, #tpu.memory_space<hbm>> -> memref<128xi32, #tpu.memory_space<hbm>>
      %dma_start3A_68 = tpu.memref_slice %arg4[%add3A_66] : memref<335872xi32, #tpu.memory_space<hbm>> -> memref<128xi32, #tpu.memory_space<hbm>>
      tpu.enqueue_dma source(%dma_start3A_68 : memref<128xi32, #tpu.memory_space<hbm>>) target(%arg12 : memref<128xi32, #tpu.memory_space<vmem>>) target_semaphore(%arg22 : memref<!tpu.dma_semaphore, #tpu.memory_space<semaphore_mem>>)
      %add3A_69 = arith.constant 0 : i32
      %add3A_70 = arith.addi %mul3A_30, %add3A_69 : i32
      %dma_start3A_71 = tpu.memref_slice %arg5[%add3A_70] : memref<335872xi32, #tpu.memory_space<hbm>> -> memref<128xi32, #tpu.memory_space<hbm>>
      %dma_start3A_72 = tpu.memref_slice %arg5[%add3A_70] : memref<335872xi32, #tpu.memory_space<hbm>> -> memref<128xi32, #tpu.memory_space<hbm>>
      tpu.enqueue_dma source(%dma_start3A_72 : memref<128xi32, #tpu.memory_space<hbm>>) target(%arg13 : memref<128xi32, #tpu.memory_space<vmem>>) target_semaphore(%arg23 : memref<!tpu.dma_semaphore, #tpu.memory_space<semaphore_mem>>)
      %add3A_73 = arith.constant 128 : i32
      %add3A_74 = arith.addi %mul3A_30, %add3A_73 : i32
      %dma_start3A_75 = tpu.memref_slice %arg5[%add3A_74] : memref<335872xi32, #tpu.memory_space<hbm>> -> memref<128xi32, #tpu.memory_space<hbm>>
      %dma_start3A_76 = tpu.memref_slice %arg5[%add3A_74] : memref<335872xi32, #tpu.memory_space<hbm>> -> memref<128xi32, #tpu.memory_space<hbm>>
      tpu.enqueue_dma source(%dma_start3A_76 : memref<128xi32, #tpu.memory_space<hbm>>) target(%arg14 : memref<128xi32, #tpu.memory_space<vmem>>) target_semaphore(%arg24 : memref<!tpu.dma_semaphore, #tpu.memory_space<semaphore_mem>>)
      %add3A_77 = arith.constant 0 : i32
      %add3A_78 = arith.addi %mul3A_30, %add3A_77 : i32
      %dma_wait3A = tpu.memref_slice %arg4[%add3A_78] : memref<335872xi32, #tpu.memory_space<hbm>> -> memref<128xi32, #tpu.memory_space<hbm>>
      %dma_wait3A_79 = tpu.memref_slice %arg4[%add3A_78] : memref<335872xi32, #tpu.memory_space<hbm>> -> memref<128xi32, #tpu.memory_space<hbm>>
      tpu.wait_dma2 semaphore(%arg19 : memref<!tpu.dma_semaphore, #tpu.memory_space<semaphore_mem>>) src(%dma_wait3A_79 : memref<128xi32, #tpu.memory_space<hbm>>) dst(%arg9 : memref<128xi32, #tpu.memory_space<vmem>>)
      %dma_start3A_80 = arith.constant 0 : i32
      %dma_start3A_81 = arith.constant 0 : i32
      %dma_start3A_82 = tpu.memref_slice %arg2[%dma_start3A_80, %dma_start3A_81] : memref<10000x128xf32, #tpu.memory_space<hbm>> -> memref<10000x128xf32, #tpu.memory_space<hbm>>
      tpu.enqueue_indirect_dma source(%dma_start3A_82 : memref<10000x128xf32, #tpu.memory_space<hbm>>) target(%arg15 : memref<128x128xf32, #tpu.memory_space<vmem>>) offsets(%arg9 : memref<128xi32, #tpu.memory_space<vmem>>) semaphore(%arg25 : memref<!tpu.dma_semaphore, #tpu.memory_space<semaphore_mem>>)
      %scan3A_83 = arith.constant 0 : i32
      %scan3A_84 = arith.constant 0 : i32
      %scan3A_85 = arith.constant 40 : i32
      %scan3A_86 = arith.addi %scan3A_84, %scan3A_85 : i32
      %scan3A_87 = arith.constant 1 : i32
      %scan3A_88 = scf.for %scan3A_210 = %scan3A_84 to %scan3A_86 step %scan3A_87 iter_args(%scan3A_211 = %scan3A_83) -> (i32)  : i32 {
        %mul3A_212 = arith.constant 4 : i32
        %mul3A_213 = arith.muli %mul3A_212, %scan3A_210 : i32
        %add3A_214 = arith.constant 0 : i32
        %add3A_215 = arith.addi %mul3A_213, %add3A_214 : i32
        %add3A_216 = arith.constant 1 : i32
        %add3A_217 = arith.addi %add3A_215, %add3A_216 : i32
        %mul3A_218 = arith.constant 128 : i32
        %mul3A_219 = arith.muli %add3A_217, %mul3A_218 : i32
        %add3A_220 = arith.addi %mul3A_30, %mul3A_219 : i32
        %dma_wait3A_221 = tpu.memref_slice %arg4[%add3A_220] : memref<335872xi32, #tpu.memory_space<hbm>> -> memref<128xi32, #tpu.memory_space<hbm>>
        %dma_wait3A_222 = tpu.memref_slice %arg4[%add3A_220] : memref<335872xi32, #tpu.memory_space<hbm>> -> memref<128xi32, #tpu.memory_space<hbm>>
        tpu.wait_dma2 semaphore(%arg20 : memref<!tpu.dma_semaphore, #tpu.memory_space<semaphore_mem>>) src(%dma_wait3A_222 : memref<128xi32, #tpu.memory_space<hbm>>) dst(%arg10 : memref<128xi32, #tpu.memory_space<vmem>>)
        %dma_start3A_223 = arith.constant 0 : i32
        %dma_start3A_224 = arith.constant 0 : i32
        %dma_start3A_225 = tpu.memref_slice %arg2[%dma_start3A_223, %dma_start3A_224] : memref<10000x128xf32, #tpu.memory_space<hbm>> -> memref<10000x128xf32, #tpu.memory_space<hbm>>
        tpu.enqueue_indirect_dma source(%dma_start3A_225 : memref<10000x128xf32, #tpu.memory_space<hbm>>) target(%arg16 : memref<128x128xf32, #tpu.memory_space<vmem>>) offsets(%arg10 : memref<128xi32, #tpu.memory_space<vmem>>) semaphore(%arg26 : memref<!tpu.dma_semaphore, #tpu.memory_space<semaphore_mem>>)
        %dma_wait3A_226 = arith.constant 0 : i32
        %dma_wait3A_227 = arith.constant 0 : i32
        %dma_wait3A_228 = tpu.memref_slice %arg2[%dma_wait3A_226, %dma_wait3A_227] : memref<10000x128xf32, #tpu.memory_space<hbm>> -> memref<10000x128xf32, #tpu.memory_space<hbm>>
        tpu.wait_indirect_dma semaphore(%arg25 : memref<!tpu.dma_semaphore, #tpu.memory_space<semaphore_mem>>) src(%dma_wait3A_228 : memref<10000x128xf32, #tpu.memory_space<hbm>>) dst(%arg15 : memref<128x128xf32, #tpu.memory_space<vmem>>)
        %mul3A_229 = arith.constant 128 : i32
        %mul3A_230 = arith.muli %add3A_215, %mul3A_229 : i32
        %add3A_231 = arith.addi %mul3A_30, %mul3A_230 : i32
        %dma_wait3A_232 = tpu.memref_slice %arg5[%add3A_231] : memref<335872xi32, #tpu.memory_space<hbm>> -> memref<128xi32, #tpu.memory_space<hbm>>
        %dma_wait3A_233 = tpu.memref_slice %arg5[%add3A_231] : memref<335872xi32, #tpu.memory_space<hbm>> -> memref<128xi32, #tpu.memory_space<hbm>>
        tpu.wait_dma2 semaphore(%arg23 : memref<!tpu.dma_semaphore, #tpu.memory_space<semaphore_mem>>) src(%dma_wait3A_233 : memref<128xi32, #tpu.memory_space<hbm>>) dst(%arg13 : memref<128xi32, #tpu.memory_space<vmem>>)
        "tpu.region"() ({
          %run_scoped3A = tpu.sem_alloc : memref<!tpu.dma_semaphore, #tpu.memory_space<semaphore_mem>>
          %dma_start3A_421 = arith.constant 0 : i32
          %dma_start3A_422 = arith.constant 0 : i32
          %dma_start3A_423 = tpu.memref_slice %arg18[%dma_start3A_421, %dma_start3A_422] : memref<10240x128xf32, #tpu.memory_space<vmem_shared>> -> memref<10240x128xf32, #tpu.memory_space<vmem_shared>>
          tpu.enqueue_indirect_dma source(%arg15 : memref<128x128xf32, #tpu.memory_space<vmem>>) target(%dma_start3A_423 : memref<10240x128xf32, #tpu.memory_space<vmem_shared>>) offsets(%arg13 : memref<128xi32, #tpu.memory_space<vmem>>) semaphore(%run_scoped3A : memref<!tpu.dma_semaphore, #tpu.memory_space<semaphore_mem>>) {add = true}
          %dma_wait3A_424 = arith.constant 0 : i32
          %dma_wait3A_425 = arith.constant 0 : i32
          %dma_wait3A_426 = tpu.memref_slice %arg18[%dma_wait3A_424, %dma_wait3A_425] : memref<10240x128xf32, #tpu.memory_space<vmem_shared>> -> memref<10240x128xf32, #tpu.memory_space<vmem_shared>>
          tpu.wait_indirect_dma semaphore(%run_scoped3A : memref<!tpu.dma_semaphore, #tpu.memory_space<semaphore_mem>>) src(%arg15 : memref<128x128xf32, #tpu.memory_space<vmem>>) dst(%dma_wait3A_426 : memref<10240x128xf32, #tpu.memory_space<vmem_shared>>)
          tpu.yield
        }) : () -> ()
        %get3A_234 = arith.constant 0 : index
        %get3A_235 = tpu.vector_load %arg13[%get3A_234] {strides = array<i32>} : memref<128xi32, #tpu.memory_space<vmem>>, vector<16xi32>,
        tpu.vector_store_idx %arg17[%get3A_235], %broadcast_in_dim3A_53 {add = true} : memref<10240xf32, #tpu.memory_space<vmem>>[vector<16xi32>], vector<16xf32>,
        %get3A_236 = arith.constant 16 : index
        %get3A_237 = tpu.vector_load %arg13[%get3A_236] {strides = array<i32>} : memref<128xi32, #tpu.memory_space<vmem>>, vector<16xi32>,
        tpu.vector_store_idx %arg17[%get3A_237], %broadcast_in_dim3A_53 {add = true} : memref<10240xf32, #tpu.memory_space<vmem>>[vector<16xi32>], vector<16xf32>,
        %get3A_238 = arith.constant 32 : index
        %get3A_239 = tpu.vector_load %arg13[%get3A_238] {strides = array<i32>} : memref<128xi32, #tpu.memory_space<vmem>>, vector<16xi32>,
        tpu.vector_store_idx %arg17[%get3A_239], %broadcast_in_dim3A_53 {add = true} : memref<10240xf32, #tpu.memory_space<vmem>>[vector<16xi32>], vector<16xf32>,
        %get3A_240 = arith.constant 48 : index
        %get3A_241 = tpu.vector_load %arg13[%get3A_240] {strides = array<i32>} : memref<128xi32, #tpu.memory_space<vmem>>, vector<16xi32>,
        tpu.vector_store_idx %arg17[%get3A_241], %broadcast_in_dim3A_53 {add = true} : memref<10240xf32, #tpu.memory_space<vmem>>[vector<16xi32>], vector<16xf32>,
        %get3A_242 = arith.constant 64 : index
        %get3A_243 = tpu.vector_load %arg13[%get3A_242] {strides = array<i32>} : memref<128xi32, #tpu.memory_space<vmem>>, vector<16xi32>,
        tpu.vector_store_idx %arg17[%get3A_243], %broadcast_in_dim3A_53 {add = true} : memref<10240xf32, #tpu.memory_space<vmem>>[vector<16xi32>], vector<16xf32>,
        %get3A_244 = arith.constant 80 : index
        %get3A_245 = tpu.vector_load %arg13[%get3A_244] {strides = array<i32>} : memref<128xi32, #tpu.memory_space<vmem>>, vector<16xi32>,
        tpu.vector_store_idx %arg17[%get3A_245], %broadcast_in_dim3A_53 {add = true} : memref<10240xf32, #tpu.memory_space<vmem>>[vector<16xi32>], vector<16xf32>,
        %get3A_246 = arith.constant 96 : index
        %get3A_247 = tpu.vector_load %arg13[%get3A_246] {strides = array<i32>} : memref<128xi32, #tpu.memory_space<vmem>>, vector<16xi32>,
        tpu.vector_store_idx %arg17[%get3A_247], %broadcast_in_dim3A_53 {add = true} : memref<10240xf32, #tpu.memory_space<vmem>>[vector<16xi32>], vector<16xf32>,
        %get3A_248 = arith.constant 112 : index
        %get3A_249 = tpu.vector_load %arg13[%get3A_248] {strides = array<i32>} : memref<128xi32, #tpu.memory_space<vmem>>, vector<16xi32>,
        tpu.vector_store_idx %arg17[%get3A_249], %broadcast_in_dim3A_53 {add = true} : memref<10240xf32, #tpu.memory_space<vmem>>[vector<16xi32>], vector<16xf32>,
        %add3A_250 = arith.constant 4 : i32
        %add3A_251 = arith.addi %add3A_215, %add3A_250 : i32
        %mul3A_252 = arith.constant 128 : i32
        %mul3A_253 = arith.muli %add3A_251, %mul3A_252 : i32
        %add3A_254 = arith.addi %mul3A_30, %mul3A_253 : i32
        %dma_start3A_255 = tpu.memref_slice %arg4[%add3A_254] : memref<335872xi32, #tpu.memory_space<hbm>> -> memref<128xi32, #tpu.memory_space<hbm>>
        %dma_start3A_256 = tpu.memref_slice %arg4[%add3A_254] : memref<335872xi32, #tpu.memory_space<hbm>> -> memref<128xi32, #tpu.memory_space<hbm>>
        tpu.enqueue_dma source(%dma_start3A_256 : memref<128xi32, #tpu.memory_space<hbm>>) target(%arg9 : memref<128xi32, #tpu.memory_space<vmem>>) target_semaphore(%arg19 : memref<!tpu.dma_semaphore, #tpu.memory_space<semaphore_mem>>)
        %add3A_257 = arith.constant 2 : i32
        %add3A_258 = arith.addi %add3A_215, %add3A_257 : i32
        %mul3A_259 = arith.constant 128 : i32
        %mul3A_260 = arith.muli %add3A_258, %mul3A_259 : i32
        %add3A_261 = arith.addi %mul3A_30, %mul3A_260 : i32
        %dma_start3A_262 = tpu.memref_slice %arg5[%add3A_261] : memref<335872xi32, #tpu.memory_space<hbm>> -> memref<128xi32, #tpu.memory_space<hbm>>
        %dma_start3A_263 = tpu.memref_slice %arg5[%add3A_261] : memref<335872xi32, #tpu.memory_space<hbm>> -> memref<128xi32, #tpu.memory_space<hbm>>
        tpu.enqueue_dma source(%dma_start3A_263 : memref<128xi32, #tpu.memory_space<hbm>>) target(%arg13 : memref<128xi32, #tpu.memory_space<vmem>>) target_semaphore(%arg23 : memref<!tpu.dma_semaphore, #tpu.memory_space<semaphore_mem>>)
        %mul3A_264 = arith.constant 4 : i32
        %mul3A_265 = arith.muli %mul3A_264, %scan3A_210 : i32
        %add3A_266 = arith.constant 1 : i32
        %add3A_267 = arith.addi %mul3A_265, %add3A_266 : i32
        %add3A_268 = arith.constant 1 : i32
        %add3A_269 = arith.addi %add3A_267, %add3A_268 : i32
        %mul3A_270 = arith.constant 128 : i32
        %mul3A_271 = arith.muli %add3A_269, %mul3A_270 : i32
        %add3A_272 = arith.addi %mul3A_30, %mul3A_271 : i32
        %dma_wait3A_273 = tpu.memref_slice %arg4[%add3A_272] : memref<335872xi32, #tpu.memory_space<hbm>> -> memref<128xi32, #tpu.memory_space<hbm>>
        %dma_wait3A_274 = tpu.memref_slice %arg4[%add3A_272] : memref<335872xi32, #tpu.memory_space<hbm>> -> memref<128xi32, #tpu.memory_space<hbm>>
        tpu.wait_dma2 semaphore(%arg21 : memref<!tpu.dma_semaphore, #tpu.memory_space<semaphore_mem>>) src(%dma_wait3A_274 : memref<128xi32, #tpu.memory_space<hbm>>) dst(%arg11 : memref<128xi32, #tpu.memory_space<vmem>>)
        %dma_start3A_275 = arith.constant 0 : i32
        %dma_start3A_276 = arith.constant 0 : i32
        %dma_start3A_277 = tpu.memref_slice %arg2[%dma_start3A_275, %dma_start3A_276] : memref<10000x128xf32, #tpu.memory_space<hbm>> -> memref<10000x128xf32, #tpu.memory_space<hbm>>
        tpu.enqueue_indirect_dma source(%dma_start3A_277 : memref<10000x128xf32, #tpu.memory_space<hbm>>) target(%arg15 : memref<128x128xf32, #tpu.memory_space<vmem>>) offsets(%arg11 : memref<128xi32, #tpu.memory_space<vmem>>) semaphore(%arg25 : memref<!tpu.dma_semaphore, #tpu.memory_space<semaphore_mem>>)
        %dma_wait3A_278 = arith.constant 0 : i32
        %dma_wait3A_279 = arith.constant 0 : i32
        %dma_wait3A_280 = tpu.memref_slice %arg2[%dma_wait3A_278, %dma_wait3A_279] : memref<10000x128xf32, #tpu.memory_space<hbm>> -> memref<10000x128xf32, #tpu.memory_space<hbm>>
        tpu.wait_indirect_dma semaphore(%arg26 : memref<!tpu.dma_semaphore, #tpu.memory_space<semaphore_mem>>) src(%dma_wait3A_280 : memref<10000x128xf32, #tpu.memory_space<hbm>>) dst(%arg16 : memref<128x128xf32, #tpu.memory_space<vmem>>)
        %mul3A_281 = arith.constant 128 : i32
        %mul3A_282 = arith.muli %add3A_267, %mul3A_281 : i32
        %add3A_283 = arith.addi %mul3A_30, %mul3A_282 : i32
        %dma_wait3A_284 = tpu.memref_slice %arg5[%add3A_283] : memref<335872xi32, #tpu.memory_space<hbm>> -> memref<128xi32, #tpu.memory_space<hbm>>
        %dma_wait3A_285 = tpu.memref_slice %arg5[%add3A_283] : memref<335872xi32, #tpu.memory_space<hbm>> -> memref<128xi32, #tpu.memory_space<hbm>>
        tpu.wait_dma2 semaphore(%arg24 : memref<!tpu.dma_semaphore, #tpu.memory_space<semaphore_mem>>) src(%dma_wait3A_285 : memref<128xi32, #tpu.memory_space<hbm>>) dst(%arg14 : memref<128xi32, #tpu.memory_space<vmem>>)
        "tpu.region"() ({
          %run_scoped3A = tpu.sem_alloc : memref<!tpu.dma_semaphore, #tpu.memory_space<semaphore_mem>>
          %dma_start3A_421 = arith.constant 0 : i32
          %dma_start3A_422 = arith.constant 0 : i32
          %dma_start3A_423 = tpu.memref_slice %arg18[%dma_start3A_421, %dma_start3A_422] : memref<10240x128xf32, #tpu.memory_space<vmem_shared>> -> memref<10240x128xf32, #tpu.memory_space<vmem_shared>>
          tpu.enqueue_indirect_dma source(%arg16 : memref<128x128xf32, #tpu.memory_space<vmem>>) target(%dma_start3A_423 : memref<10240x128xf32, #tpu.memory_space<vmem_shared>>) offsets(%arg14 : memref<128xi32, #tpu.memory_space<vmem>>) semaphore(%run_scoped3A : memref<!tpu.dma_semaphore, #tpu.memory_space<semaphore_mem>>) {add = true}
          %dma_wait3A_424 = arith.constant 0 : i32
          %dma_wait3A_425 = arith.constant 0 : i32
          %dma_wait3A_426 = tpu.memref_slice %arg18[%dma_wait3A_424, %dma_wait3A_425] : memref<10240x128xf32, #tpu.memory_space<vmem_shared>> -> memref<10240x128xf32, #tpu.memory_space<vmem_shared>>
          tpu.wait_indirect_dma semaphore(%run_scoped3A : memref<!tpu.dma_semaphore, #tpu.memory_space<semaphore_mem>>) src(%arg16 : memref<128x128xf32, #tpu.memory_space<vmem>>) dst(%dma_wait3A_426 : memref<10240x128xf32, #tpu.memory_space<vmem_shared>>)
          tpu.yield
        }) : () -> ()
        %get3A_286 = arith.constant 0 : index
        %get3A_287 = tpu.vector_load %arg14[%get3A_286] {strides = array<i32>} : memref<128xi32, #tpu.memory_space<vmem>>, vector<16xi32>,
        tpu.vector_store_idx %arg17[%get3A_287], %broadcast_in_dim3A_53 {add = true} : memref<10240xf32, #tpu.memory_space<vmem>>[vector<16xi32>], vector<16xf32>,
        %get3A_288 = arith.constant 16 : index
        %get3A_289 = tpu.vector_load %arg14[%get3A_288] {strides = array<i32>} : memref<128xi32, #tpu.memory_space<vmem>>, vector<16xi32>,
        tpu.vector_store_idx %arg17[%get3A_289], %broadcast_in_dim3A_53 {add = true} : memref<10240xf32, #tpu.memory_space<vmem>>[vector<16xi32>], vector<16xf32>,
        %get3A_290 = arith.constant 32 : index
        %get3A_291 = tpu.vector_load %arg14[%get3A_290] {strides = array<i32>} : memref<128xi32, #tpu.memory_space<vmem>>, vector<16xi32>,
        tpu.vector_store_idx %arg17[%get3A_291], %broadcast_in_dim3A_53 {add = true} : memref<10240xf32, #tpu.memory_space<vmem>>[vector<16xi32>], vector<16xf32>,
        %get3A_292 = arith.constant 48 : index
        %get3A_293 = tpu.vector_load %arg14[%get3A_292] {strides = array<i32>} : memref<128xi32, #tpu.memory_space<vmem>>, vector<16xi32>,
        tpu.vector_store_idx %arg17[%get3A_293], %broadcast_in_dim3A_53 {add = true} : memref<10240xf32, #tpu.memory_space<vmem>>[vector<16xi32>], vector<16xf32>,
        %get3A_294 = arith.constant 64 : index
        %get3A_295 = tpu.vector_load %arg14[%get3A_294] {strides = array<i32>} : memref<128xi32, #tpu.memory_space<vmem>>, vector<16xi32>,
        tpu.vector_store_idx %arg17[%get3A_295], %broadcast_in_dim3A_53 {add = true} : memref<10240xf32, #tpu.memory_space<vmem>>[vector<16xi32>], vector<16xf32>,
        %get3A_296 = arith.constant 80 : index
        %get3A_297 = tpu.vector_load %arg14[%get3A_296] {strides = array<i32>} : memref<128xi32, #tpu.memory_space<vmem>>, vector<16xi32>,
        tpu.vector_store_idx %arg17[%get3A_297], %broadcast_in_dim3A_53 {add = true} : memref<10240xf32, #tpu.memory_space<vmem>>[vector<16xi32>], vector<16xf32>,
        %get3A_298 = arith.constant 96 : index
        %get3A_299 = tpu.vector_load %arg14[%get3A_298] {strides = array<i32>} : memref<128xi32, #tpu.memory_space<vmem>>, vector<16xi32>,
        tpu.vector_store_idx %arg17[%get3A_299], %broadcast_in_dim3A_53 {add = true} : memref<10240xf32, #tpu.memory_space<vmem>>[vector<16xi32>], vector<16xf32>,
        %get3A_300 = arith.constant 112 : index
        %get3A_301 = tpu.vector_load %arg14[%get3A_300] {strides = array<i32>} : memref<128xi32, #tpu.memory_space<vmem>>, vector<16xi32>,
        tpu.vector_store_idx %arg17[%get3A_301], %broadcast_in_dim3A_53 {add = true} : memref<10240xf32, #tpu.memory_space<vmem>>[vector<16xi32>], vector<16xf32>,
        %add3A_302 = arith.constant 4 : i32
        %add3A_303 = arith.addi %add3A_267, %add3A_302 : i32
        %mul3A_304 = arith.constant 128 : i32
        %mul3A_305 = arith.muli %add3A_303, %mul3A_304 : i32
        %add3A_306 = arith.addi %mul3A_30, %mul3A_305 : i32
        %dma_start3A_307 = tpu.memref_slice %arg4[%add3A_306] : memref<335872xi32, #tpu.memory_space<hbm>> -> memref<128xi32, #tpu.memory_space<hbm>>
        %dma_start3A_308 = tpu.memref_slice %arg4[%add3A_306] : memref<335872xi32, #tpu.memory_space<hbm>> -> memref<128xi32, #tpu.memory_space<hbm>>
        tpu.enqueue_dma source(%dma_start3A_308 : memref<128xi32, #tpu.memory_space<hbm>>) target(%arg10 : memref<128xi32, #tpu.memory_space<vmem>>) target_semaphore(%arg20 : memref<!tpu.dma_semaphore, #tpu.memory_space<semaphore_mem>>)
        %add3A_309 = arith.constant 2 : i32
        %add3A_310 = arith.addi %add3A_267, %add3A_309 : i32
        %mul3A_311 = arith.constant 128 : i32
        %mul3A_312 = arith.muli %add3A_310, %mul3A_311 : i32
        %add3A_313 = arith.addi %mul3A_30, %mul3A_312 : i32
        %dma_start3A_314 = tpu.memref_slice %arg5[%add3A_313] : memref<335872xi32, #tpu.memory_space<hbm>> -> memref<128xi32, #tpu.memory_space<hbm>>
        %dma_start3A_315 = tpu.memref_slice %arg5[%add3A_313] : memref<335872xi32, #tpu.memory_space<hbm>> -> memref<128xi32, #tpu.memory_space<hbm>>
        tpu.enqueue_dma source(%dma_start3A_315 : memref<128xi32, #tpu.memory_space<hbm>>) target(%arg14 : memref<128xi32, #tpu.memory_space<vmem>>) target_semaphore(%arg24 : memref<!tpu.dma_semaphore, #tpu.memory_space<semaphore_mem>>)
        %mul3A_316 = arith.constant 4 : i32
        %mul3A_317 = arith.muli %mul3A_316, %scan3A_210 : i32
        %add3A_318 = arith.constant 2 : i32
        %add3A_319 = arith.addi %mul3A_317, %add3A_318 : i32
        %add3A_320 = arith.constant 1 : i32
        %add3A_321 = arith.addi %add3A_319, %add3A_320 : i32
        %mul3A_322 = arith.constant 128 : i32
        %mul3A_323 = arith.muli %add3A_321, %mul3A_322 : i32
        %add3A_324 = arith.addi %mul3A_30, %mul3A_323 : i32
        %dma_wait3A_325 = tpu.memref_slice %arg4[%add3A_324] : memref<335872xi32, #tpu.memory_space<hbm>> -> memref<128xi32, #tpu.memory_space<hbm>>
        %dma_wait3A_326 = tpu.memref_slice %arg4[%add3A_324] : memref<335872xi32, #tpu.memory_space<hbm>> -> memref<128xi32, #tpu.memory_space<hbm>>
        tpu.wait_dma2 semaphore(%arg22 : memref<!tpu.dma_semaphore, #tpu.memory_space<semaphore_mem>>) src(%dma_wait3A_326 : memref<128xi32, #tpu.memory_space<hbm>>) dst(%arg12 : memref<128xi32, #tpu.memory_space<vmem>>)
        %dma_start3A_327 = arith.constant 0 : i32
        %dma_start3A_328 = arith.constant 0 : i32
        %dma_start3A_329 = tpu.memref_slice %arg2[%dma_start3A_327, %dma_start3A_328] : memref<10000x128xf32, #tpu.memory_space<hbm>> -> memref<10000x128xf32, #tpu.memory_space<hbm>>
        tpu.enqueue_indirect_dma source(%dma_start3A_329 : memref<10000x128xf32, #tpu.memory_space<hbm>>) target(%arg16 : memref<128x128xf32, #tpu.memory_space<vmem>>) offsets(%arg12 : memref<128xi32, #tpu.memory_space<vmem>>) semaphore(%arg26 : memref<!tpu.dma_semaphore, #tpu.memory_space<semaphore_mem>>)
        %dma_wait3A_330 = arith.constant 0 : i32
        %dma_wait3A_331 = arith.constant 0 : i32
        %dma_wait3A_332 = tpu.memref_slice %arg2[%dma_wait3A_330, %dma_wait3A_331] : memref<10000x128xf32, #tpu.memory_space<hbm>> -> memref<10000x128xf32, #tpu.memory_space<hbm>>
        tpu.wait_indirect_dma semaphore(%arg25 : memref<!tpu.dma_semaphore, #tpu.memory_space<semaphore_mem>>) src(%dma_wait3A_332 : memref<10000x128xf32, #tpu.memory_space<hbm>>) dst(%arg15 : memref<128x128xf32, #tpu.memory_space<vmem>>)
        %mul3A_333 = arith.constant 128 : i32
        %mul3A_334 = arith.muli %add3A_319, %mul3A_333 : i32
        %add3A_335 = arith.addi %mul3A_30, %mul3A_334 : i32
        %dma_wait3A_336 = tpu.memref_slice %arg5[%add3A_335] : memref<335872xi32, #tpu.memory_space<hbm>> -> memref<128xi32, #tpu.memory_space<hbm>>
        %dma_wait3A_337 = tpu.memref_slice %arg5[%add3A_335] : memref<335872xi32, #tpu.memory_space<hbm>> -> memref<128xi32, #tpu.memory_space<hbm>>
        tpu.wait_dma2 semaphore(%arg23 : memref<!tpu.dma_semaphore, #tpu.memory_space<semaphore_mem>>) src(%dma_wait3A_337 : memref<128xi32, #tpu.memory_space<hbm>>) dst(%arg13 : memref<128xi32, #tpu.memory_space<vmem>>)
        "tpu.region"() ({
          %run_scoped3A = tpu.sem_alloc : memref<!tpu.dma_semaphore, #tpu.memory_space<semaphore_mem>>
          %dma_start3A_421 = arith.constant 0 : i32
          %dma_start3A_422 = arith.constant 0 : i32
          %dma_start3A_423 = tpu.memref_slice %arg18[%dma_start3A_421, %dma_start3A_422] : memref<10240x128xf32, #tpu.memory_space<vmem_shared>> -> memref<10240x128xf32, #tpu.memory_space<vmem_shared>>
          tpu.enqueue_indirect_dma source(%arg15 : memref<128x128xf32, #tpu.memory_space<vmem>>) target(%dma_start3A_423 : memref<10240x128xf32, #tpu.memory_space<vmem_shared>>) offsets(%arg13 : memref<128xi32, #tpu.memory_space<vmem>>) semaphore(%run_scoped3A : memref<!tpu.dma_semaphore, #tpu.memory_space<semaphore_mem>>) {add = true}
          %dma_wait3A_424 = arith.constant 0 : i32
          %dma_wait3A_425 = arith.constant 0 : i32
          %dma_wait3A_426 = tpu.memref_slice %arg18[%dma_wait3A_424, %dma_wait3A_425] : memref<10240x128xf32, #tpu.memory_space<vmem_shared>> -> memref<10240x128xf32, #tpu.memory_space<vmem_shared>>
          tpu.wait_indirect_dma semaphore(%run_scoped3A : memref<!tpu.dma_semaphore, #tpu.memory_space<semaphore_mem>>) src(%arg15 : memref<128x128xf32, #tpu.memory_space<vmem>>) dst(%dma_wait3A_426 : memref<10240x128xf32, #tpu.memory_space<vmem_shared>>)
          tpu.yield
        }) : () -> ()
        %get3A_338 = arith.constant 0 : index
        %get3A_339 = tpu.vector_load %arg13[%get3A_338] {strides = array<i32>} : memref<128xi32, #tpu.memory_space<vmem>>, vector<16xi32>,
        tpu.vector_store_idx %arg17[%get3A_339], %broadcast_in_dim3A_53 {add = true} : memref<10240xf32, #tpu.memory_space<vmem>>[vector<16xi32>], vector<16xf32>,
        %get3A_340 = arith.constant 16 : index
        %get3A_341 = tpu.vector_load %arg13[%get3A_340] {strides = array<i32>} : memref<128xi32, #tpu.memory_space<vmem>>, vector<16xi32>,
        tpu.vector_store_idx %arg17[%get3A_341], %broadcast_in_dim3A_53 {add = true} : memref<10240xf32, #tpu.memory_space<vmem>>[vector<16xi32>], vector<16xf32>,
        %get3A_342 = arith.constant 32 : index
        %get3A_343 = tpu.vector_load %arg13[%get3A_342] {strides = array<i32>} : memref<128xi32, #tpu.memory_space<vmem>>, vector<16xi32>,
        tpu.vector_store_idx %arg17[%get3A_343], %broadcast_in_dim3A_53 {add = true} : memref<10240xf32, #tpu.memory_space<vmem>>[vector<16xi32>], vector<16xf32>,
        %get3A_344 = arith.constant 48 : index
        %get3A_345 = tpu.vector_load %arg13[%get3A_344] {strides = array<i32>} : memref<128xi32, #tpu.memory_space<vmem>>, vector<16xi32>,
        tpu.vector_store_idx %arg17[%get3A_345], %broadcast_in_dim3A_53 {add = true} : memref<10240xf32, #tpu.memory_space<vmem>>[vector<16xi32>], vector<16xf32>,
        %get3A_346 = arith.constant 64 : index
        %get3A_347 = tpu.vector_load %arg13[%get3A_346] {strides = array<i32>} : memref<128xi32, #tpu.memory_space<vmem>>, vector<16xi32>,
        tpu.vector_store_idx %arg17[%get3A_347], %broadcast_in_dim3A_53 {add = true} : memref<10240xf32, #tpu.memory_space<vmem>>[vector<16xi32>], vector<16xf32>,
        %get3A_348 = arith.constant 80 : index
        %get3A_349 = tpu.vector_load %arg13[%get3A_348] {strides = array<i32>} : memref<128xi32, #tpu.memory_space<vmem>>, vector<16xi32>,
        tpu.vector_store_idx %arg17[%get3A_349], %broadcast_in_dim3A_53 {add = true} : memref<10240xf32, #tpu.memory_space<vmem>>[vector<16xi32>], vector<16xf32>,
        %get3A_350 = arith.constant 96 : index
        %get3A_351 = tpu.vector_load %arg13[%get3A_350] {strides = array<i32>} : memref<128xi32, #tpu.memory_space<vmem>>, vector<16xi32>,
        tpu.vector_store_idx %arg17[%get3A_351], %broadcast_in_dim3A_53 {add = true} : memref<10240xf32, #tpu.memory_space<vmem>>[vector<16xi32>], vector<16xf32>,
        %get3A_352 = arith.constant 112 : index
        %get3A_353 = tpu.vector_load %arg13[%get3A_352] {strides = array<i32>} : memref<128xi32, #tpu.memory_space<vmem>>, vector<16xi32>,
        tpu.vector_store_idx %arg17[%get3A_353], %broadcast_in_dim3A_53 {add = true} : memref<10240xf32, #tpu.memory_space<vmem>>[vector<16xi32>], vector<16xf32>,
        %add3A_354 = arith.constant 4 : i32
        %add3A_355 = arith.addi %add3A_319, %add3A_354 : i32
        %mul3A_356 = arith.constant 128 : i32
        %mul3A_357 = arith.muli %add3A_355, %mul3A_356 : i32
        %add3A_358 = arith.addi %mul3A_30, %mul3A_357 : i32
        %dma_start3A_359 = tpu.memref_slice %arg4[%add3A_358] : memref<335872xi32, #tpu.memory_space<hbm>> -> memref<128xi32, #tpu.memory_space<hbm>>
        %dma_start3A_360 = tpu.memref_slice %arg4[%add3A_358] : memref<335872xi32, #tpu.memory_space<hbm>> -> memref<128xi32, #tpu.memory_space<hbm>>
        tpu.enqueue_dma source(%dma_start3A_360 : memref<128xi32, #tpu.memory_space<hbm>>) target(%arg11 : memref<128xi32, #tpu.memory_space<vmem>>) target_semaphore(%arg21 : memref<!tpu.dma_semaphore, #tpu.memory_space<semaphore_mem>>)
        %add3A_361 = arith.constant 2 : i32
        %add3A_362 = arith.addi %add3A_319, %add3A_361 : i32
        %mul3A_363 = arith.constant 128 : i32
        %mul3A_364 = arith.muli %add3A_362, %mul3A_363 : i32
        %add3A_365 = arith.addi %mul3A_30, %mul3A_364 : i32
        %dma_start3A_366 = tpu.memref_slice %arg5[%add3A_365] : memref<335872xi32, #tpu.memory_space<hbm>> -> memref<128xi32, #tpu.memory_space<hbm>>
        %dma_start3A_367 = tpu.memref_slice %arg5[%add3A_365] : memref<335872xi32, #tpu.memory_space<hbm>> -> memref<128xi32, #tpu.memory_space<hbm>>
        tpu.enqueue_dma source(%dma_start3A_367 : memref<128xi32, #tpu.memory_space<hbm>>) target(%arg13 : memref<128xi32, #tpu.memory_space<vmem>>) target_semaphore(%arg23 : memref<!tpu.dma_semaphore, #tpu.memory_space<semaphore_mem>>)
        %mul3A_368 = arith.constant 4 : i32
        %mul3A_369 = arith.muli %mul3A_368, %scan3A_210 : i32
        %add3A_370 = arith.constant 3 : i32
        %add3A_371 = arith.addi %mul3A_369, %add3A_370 : i32
        %add3A_372 = arith.constant 1 : i32
        %add3A_373 = arith.addi %add3A_371, %add3A_372 : i32
        %mul3A_374 = arith.constant 128 : i32
        %mul3A_375 = arith.muli %add3A_373, %mul3A_374 : i32
        %add3A_376 = arith.addi %mul3A_30, %mul3A_375 : i32
        %dma_wait3A_377 = tpu.memref_slice %arg4[%add3A_376] : memref<335872xi32, #tpu.memory_space<hbm>> -> memref<128xi32, #tpu.memory_space<hbm>>
        %dma_wait3A_378 = tpu.memref_slice %arg4[%add3A_376] : memref<335872xi32, #tpu.memory_space<hbm>> -> memref<128xi32, #tpu.memory_space<hbm>>
        tpu.wait_dma2 semaphore(%arg19 : memref<!tpu.dma_semaphore, #tpu.memory_space<semaphore_mem>>) src(%dma_wait3A_378 : memref<128xi32, #tpu.memory_space<hbm>>) dst(%arg9 : memref<128xi32, #tpu.memory_space<vmem>>)
        %dma_start3A_379 = arith.constant 0 : i32
        %dma_start3A_380 = arith.constant 0 : i32
        %dma_start3A_381 = tpu.memref_slice %arg2[%dma_start3A_379, %dma_start3A_380] : memref<10000x128xf32, #tpu.memory_space<hbm>> -> memref<10000x128xf32, #tpu.memory_space<hbm>>
        tpu.enqueue_indirect_dma source(%dma_start3A_381 : memref<10000x128xf32, #tpu.memory_space<hbm>>) target(%arg15 : memref<128x128xf32, #tpu.memory_space<vmem>>) offsets(%arg9 : memref<128xi32, #tpu.memory_space<vmem>>) semaphore(%arg25 : memref<!tpu.dma_semaphore, #tpu.memory_space<semaphore_mem>>)
        %dma_wait3A_382 = arith.constant 0 : i32
        %dma_wait3A_383 = arith.constant 0 : i32
        %dma_wait3A_384 = tpu.memref_slice %arg2[%dma_wait3A_382, %dma_wait3A_383] : memref<10000x128xf32, #tpu.memory_space<hbm>> -> memref<10000x128xf32, #tpu.memory_space<hbm>>
        tpu.wait_indirect_dma semaphore(%arg26 : memref<!tpu.dma_semaphore, #tpu.memory_space<semaphore_mem>>) src(%dma_wait3A_384 : memref<10000x128xf32, #tpu.memory_space<hbm>>) dst(%arg16 : memref<128x128xf32, #tpu.memory_space<vmem>>)
        %mul3A_385 = arith.constant 128 : i32
        %mul3A_386 = arith.muli %add3A_371, %mul3A_385 : i32
        %add3A_387 = arith.addi %mul3A_30, %mul3A_386 : i32
        %dma_wait3A_388 = tpu.memref_slice %arg5[%add3A_387] : memref<335872xi32, #tpu.memory_space<hbm>> -> memref<128xi32, #tpu.memory_space<hbm>>
        %dma_wait3A_389 = tpu.memref_slice %arg5[%add3A_387] : memref<335872xi32, #tpu.memory_space<hbm>> -> memref<128xi32, #tpu.memory_space<hbm>>
        tpu.wait_dma2 semaphore(%arg24 : memref<!tpu.dma_semaphore, #tpu.memory_space<semaphore_mem>>) src(%dma_wait3A_389 : memref<128xi32, #tpu.memory_space<hbm>>) dst(%arg14 : memref<128xi32, #tpu.memory_space<vmem>>)
        "tpu.region"() ({
          %run_scoped3A = tpu.sem_alloc : memref<!tpu.dma_semaphore, #tpu.memory_space<semaphore_mem>>
          %dma_start3A_421 = arith.constant 0 : i32
          %dma_start3A_422 = arith.constant 0 : i32
          %dma_start3A_423 = tpu.memref_slice %arg18[%dma_start3A_421, %dma_start3A_422] : memref<10240x128xf32, #tpu.memory_space<vmem_shared>> -> memref<10240x128xf32, #tpu.memory_space<vmem_shared>>
          tpu.enqueue_indirect_dma source(%arg16 : memref<128x128xf32, #tpu.memory_space<vmem>>) target(%dma_start3A_423 : memref<10240x128xf32, #tpu.memory_space<vmem_shared>>) offsets(%arg14 : memref<128xi32, #tpu.memory_space<vmem>>) semaphore(%run_scoped3A : memref<!tpu.dma_semaphore, #tpu.memory_space<semaphore_mem>>) {add = true}
          %dma_wait3A_424 = arith.constant 0 : i32
          %dma_wait3A_425 = arith.constant 0 : i32
          %dma_wait3A_426 = tpu.memref_slice %arg18[%dma_wait3A_424, %dma_wait3A_425] : memref<10240x128xf32, #tpu.memory_space<vmem_shared>> -> memref<10240x128xf32, #tpu.memory_space<vmem_shared>>
          tpu.wait_indirect_dma semaphore(%run_scoped3A : memref<!tpu.dma_semaphore, #tpu.memory_space<semaphore_mem>>) src(%arg16 : memref<128x128xf32, #tpu.memory_space<vmem>>) dst(%dma_wait3A_426 : memref<10240x128xf32, #tpu.memory_space<vmem_shared>>)
          tpu.yield
        }) : () -> ()
        %get3A_390 = arith.constant 0 : index
        %get3A_391 = tpu.vector_load %arg14[%get3A_390] {strides = array<i32>} : memref<128xi32, #tpu.memory_space<vmem>>, vector<16xi32>,
        tpu.vector_store_idx %arg17[%get3A_391], %broadcast_in_dim3A_53 {add = true} : memref<10240xf32, #tpu.memory_space<vmem>>[vector<16xi32>], vector<16xf32>,
        %get3A_392 = arith.constant 16 : index
        %get3A_393 = tpu.vector_load %arg14[%get3A_392] {strides = array<i32>} : memref<128xi32, #tpu.memory_space<vmem>>, vector<16xi32>,
        tpu.vector_store_idx %arg17[%get3A_393], %broadcast_in_dim3A_53 {add = true} : memref<10240xf32, #tpu.memory_space<vmem>>[vector<16xi32>], vector<16xf32>,
        %get3A_394 = arith.constant 32 : index
        %get3A_395 = tpu.vector_load %arg14[%get3A_394] {strides = array<i32>} : memref<128xi32, #tpu.memory_space<vmem>>, vector<16xi32>,
        tpu.vector_store_idx %arg17[%get3A_395], %broadcast_in_dim3A_53 {add = true} : memref<10240xf32, #tpu.memory_space<vmem>>[vector<16xi32>], vector<16xf32>,
        %get3A_396 = arith.constant 48 : index
        %get3A_397 = tpu.vector_load %arg14[%get3A_396] {strides = array<i32>} : memref<128xi32, #tpu.memory_space<vmem>>, vector<16xi32>,
        tpu.vector_store_idx %arg17[%get3A_397], %broadcast_in_dim3A_53 {add = true} : memref<10240xf32, #tpu.memory_space<vmem>>[vector<16xi32>], vector<16xf32>,
        %get3A_398 = arith.constant 64 : index
        %get3A_399 = tpu.vector_load %arg14[%get3A_398] {strides = array<i32>} : memref<128xi32, #tpu.memory_space<vmem>>, vector<16xi32>,
        tpu.vector_store_idx %arg17[%get3A_399], %broadcast_in_dim3A_53 {add = true} : memref<10240xf32, #tpu.memory_space<vmem>>[vector<16xi32>], vector<16xf32>,
        %get3A_400 = arith.constant 80 : index
        %get3A_401 = tpu.vector_load %arg14[%get3A_400] {strides = array<i32>} : memref<128xi32, #tpu.memory_space<vmem>>, vector<16xi32>,
        tpu.vector_store_idx %arg17[%get3A_401], %broadcast_in_dim3A_53 {add = true} : memref<10240xf32, #tpu.memory_space<vmem>>[vector<16xi32>], vector<16xf32>,
        %get3A_402 = arith.constant 96 : index
        %get3A_403 = tpu.vector_load %arg14[%get3A_402] {strides = array<i32>} : memref<128xi32, #tpu.memory_space<vmem>>, vector<16xi32>,
        tpu.vector_store_idx %arg17[%get3A_403], %broadcast_in_dim3A_53 {add = true} : memref<10240xf32, #tpu.memory_space<vmem>>[vector<16xi32>], vector<16xf32>,
        %get3A_404 = arith.constant 112 : index
        %get3A_405 = tpu.vector_load %arg14[%get3A_404] {strides = array<i32>} : memref<128xi32, #tpu.memory_space<vmem>>, vector<16xi32>,
        tpu.vector_store_idx %arg17[%get3A_405], %broadcast_in_dim3A_53 {add = true} : memref<10240xf32, #tpu.memory_space<vmem>>[vector<16xi32>], vector<16xf32>,
        %add3A_406 = arith.constant 4 : i32
        %add3A_407 = arith.addi %add3A_371, %add3A_406 : i32
        %mul3A_408 = arith.constant 128 : i32
        %mul3A_409 = arith.muli %add3A_407, %mul3A_408 : i32
        %add3A_410 = arith.addi %mul3A_30, %mul3A_409 : i32
        %dma_start3A_411 = tpu.memref_slice %arg4[%add3A_410] : memref<335872xi32, #tpu.memory_space<hbm>> -> memref<128xi32, #tpu.memory_space<hbm>>
        %dma_start3A_412 = tpu.memref_slice %arg4[%add3A_410] : memref<335872xi32, #tpu.memory_space<hbm>> -> memref<128xi32, #tpu.memory_space<hbm>>
        tpu.enqueue_dma source(%dma_start3A_412 : memref<128xi32, #tpu.memory_space<hbm>>) target(%arg12 : memref<128xi32, #tpu.memory_space<vmem>>) target_semaphore(%arg22 : memref<!tpu.dma_semaphore, #tpu.memory_space<semaphore_mem>>)
        %add3A_413 = arith.constant 2 : i32
        %add3A_414 = arith.addi %add3A_371, %add3A_413 : i32
        %mul3A_415 = arith.constant 128 : i32
        %mul3A_416 = arith.muli %add3A_414, %mul3A_415 : i32
        %add3A_417 = arith.addi %mul3A_30, %mul3A_416 : i32
        %dma_start3A_418 = tpu.memref_slice %arg5[%add3A_417] : memref<335872xi32, #tpu.memory_space<hbm>> -> memref<128xi32, #tpu.memory_space<hbm>>
        %dma_start3A_419 = tpu.memref_slice %arg5[%add3A_417] : memref<335872xi32, #tpu.memory_space<hbm>> -> memref<128xi32, #tpu.memory_space<hbm>>
        tpu.enqueue_dma source(%dma_start3A_419 : memref<128xi32, #tpu.memory_space<hbm>>) target(%arg14 : memref<128xi32, #tpu.memory_space<vmem>>) target_semaphore(%arg24 : memref<!tpu.dma_semaphore, #tpu.memory_space<semaphore_mem>>)
        %scan3A_420 = arith.constant 0 : i32
        scf.yield %scan3A_420 : i32
      }
      %scan3A_89 = arith.constant 40 : i32
      %add3A_90 = arith.constant 20608 : i32
      %add3A_91 = arith.addi %mul3A_30, %add3A_90 : i32
      %dma_wait3A_92 = tpu.memref_slice %arg4[%add3A_91] : memref<335872xi32, #tpu.memory_space<hbm>> -> memref<128xi32, #tpu.memory_space<hbm>>
      %dma_wait3A_93 = tpu.memref_slice %arg4[%add3A_91] : memref<335872xi32, #tpu.memory_space<hbm>> -> memref<128xi32, #tpu.memory_space<hbm>>
      tpu.wait_dma2 semaphore(%arg20 : memref<!tpu.dma_semaphore, #tpu.memory_space<semaphore_mem>>) src(%dma_wait3A_93 : memref<128xi32, #tpu.memory_space<hbm>>) dst(%arg10 : memref<128xi32, #tpu.memory_space<vmem>>)
      %dma_start3A_94 = arith.constant 0 : i32
      %dma_start3A_95 = arith.constant 0 : i32
      %dma_start3A_96 = tpu.memref_slice %arg2[%dma_start3A_94, %dma_start3A_95] : memref<10000x128xf32, #tpu.memory_space<hbm>> -> memref<10000x128xf32, #tpu.memory_space<hbm>>
      tpu.enqueue_indirect_dma source(%dma_start3A_96 : memref<10000x128xf32, #tpu.memory_space<hbm>>) target(%arg16 : memref<128x128xf32, #tpu.memory_space<vmem>>) offsets(%arg10 : memref<128xi32, #tpu.memory_space<vmem>>) semaphore(%arg26 : memref<!tpu.dma_semaphore, #tpu.memory_space<semaphore_mem>>)
      %dma_wait3A_97 = arith.constant 0 : i32
      %dma_wait3A_98 = arith.constant 0 : i32
      %dma_wait3A_99 = tpu.memref_slice %arg2[%dma_wait3A_97, %dma_wait3A_98] : memref<10000x128xf32, #tpu.memory_space<hbm>> -> memref<10000x128xf32, #tpu.memory_space<hbm>>
      tpu.wait_indirect_dma semaphore(%arg25 : memref<!tpu.dma_semaphore, #tpu.memory_space<semaphore_mem>>) src(%dma_wait3A_99 : memref<10000x128xf32, #tpu.memory_space<hbm>>) dst(%arg15 : memref<128x128xf32, #tpu.memory_space<vmem>>)
      %add3A_100 = arith.constant 20480 : i32
      %add3A_101 = arith.addi %mul3A_30, %add3A_100 : i32
      %dma_wait3A_102 = tpu.memref_slice %arg5[%add3A_101] : memref<335872xi32, #tpu.memory_space<hbm>> -> memref<128xi32, #tpu.memory_space<hbm>>
      %dma_wait3A_103 = tpu.memref_slice %arg5[%add3A_101] : memref<335872xi32, #tpu.memory_space<hbm>> -> memref<128xi32, #tpu.memory_space<hbm>>
      tpu.wait_dma2 semaphore(%arg23 : memref<!tpu.dma_semaphore, #tpu.memory_space<semaphore_mem>>) src(%dma_wait3A_103 : memref<128xi32, #tpu.memory_space<hbm>>) dst(%arg13 : memref<128xi32, #tpu.memory_space<vmem>>)
      "tpu.region"() ({
        %run_scoped3A = tpu.sem_alloc : memref<!tpu.dma_semaphore, #tpu.memory_space<semaphore_mem>>
        %dma_start3A_210 = arith.constant 0 : i32
        %dma_start3A_211 = arith.constant 0 : i32
        %dma_start3A_212 = tpu.memref_slice %arg18[%dma_start3A_210, %dma_start3A_211] : memref<10240x128xf32, #tpu.memory_space<vmem_shared>> -> memref<10240x128xf32, #tpu.memory_space<vmem_shared>>
        tpu.enqueue_indirect_dma source(%arg15 : memref<128x128xf32, #tpu.memory_space<vmem>>) target(%dma_start3A_212 : memref<10240x128xf32, #tpu.memory_space<vmem_shared>>) offsets(%arg13 : memref<128xi32, #tpu.memory_space<vmem>>) semaphore(%run_scoped3A : memref<!tpu.dma_semaphore, #tpu.memory_space<semaphore_mem>>) {add = true}
        %dma_wait3A_213 = arith.constant 0 : i32
        %dma_wait3A_214 = arith.constant 0 : i32
        %dma_wait3A_215 = tpu.memref_slice %arg18[%dma_wait3A_213, %dma_wait3A_214] : memref<10240x128xf32, #tpu.memory_space<vmem_shared>> -> memref<10240x128xf32, #tpu.memory_space<vmem_shared>>
        tpu.wait_indirect_dma semaphore(%run_scoped3A : memref<!tpu.dma_semaphore, #tpu.memory_space<semaphore_mem>>) src(%arg15 : memref<128x128xf32, #tpu.memory_space<vmem>>) dst(%dma_wait3A_215 : memref<10240x128xf32, #tpu.memory_space<vmem_shared>>)
        tpu.yield
      }) : () -> ()
      %get3A = arith.constant 0 : index
      %get3A_104 = tpu.vector_load %arg13[%get3A] {strides = array<i32>} : memref<128xi32, #tpu.memory_space<vmem>>, vector<16xi32>,
      tpu.vector_store_idx %arg17[%get3A_104], %broadcast_in_dim3A_53 {add = true} : memref<10240xf32, #tpu.memory_space<vmem>>[vector<16xi32>], vector<16xf32>,
      %get3A_105 = arith.constant 16 : index
      %get3A_106 = tpu.vector_load %arg13[%get3A_105] {strides = array<i32>} : memref<128xi32, #tpu.memory_space<vmem>>, vector<16xi32>,
      tpu.vector_store_idx %arg17[%get3A_106], %broadcast_in_dim3A_53 {add = true} : memref<10240xf32, #tpu.memory_space<vmem>>[vector<16xi32>], vector<16xf32>,
      %get3A_107 = arith.constant 32 : index
      %get3A_108 = tpu.vector_load %arg13[%get3A_107] {strides = array<i32>} : memref<128xi32, #tpu.memory_space<vmem>>, vector<16xi32>,
      tpu.vector_store_idx %arg17[%get3A_108], %broadcast_in_dim3A_53 {add = true} : memref<10240xf32, #tpu.memory_space<vmem>>[vector<16xi32>], vector<16xf32>,
      %get3A_109 = arith.constant 48 : index
      %get3A_110 = tpu.vector_load %arg13[%get3A_109] {strides = array<i32>} : memref<128xi32, #tpu.memory_space<vmem>>, vector<16xi32>,
      tpu.vector_store_idx %arg17[%get3A_110], %broadcast_in_dim3A_53 {add = true} : memref<10240xf32, #tpu.memory_space<vmem>>[vector<16xi32>], vector<16xf32>,
      %get3A_111 = arith.constant 64 : index
      %get3A_112 = tpu.vector_load %arg13[%get3A_111] {strides = array<i32>} : memref<128xi32, #tpu.memory_space<vmem>>, vector<16xi32>,
      tpu.vector_store_idx %arg17[%get3A_112], %broadcast_in_dim3A_53 {add = true} : memref<10240xf32, #tpu.memory_space<vmem>>[vector<16xi32>], vector<16xf32>,
      %get3A_113 = arith.constant 80 : index
      %get3A_114 = tpu.vector_load %arg13[%get3A_113] {strides = array<i32>} : memref<128xi32, #tpu.memory_space<vmem>>, vector<16xi32>,
      tpu.vector_store_idx %arg17[%get3A_114], %broadcast_in_dim3A_53 {add = true} : memref<10240xf32, #tpu.memory_space<vmem>>[vector<16xi32>], vector<16xf32>,
      %get3A_115 = arith.constant 96 : index
      %get3A_116 = tpu.vector_load %arg13[%get3A_115] {strides = array<i32>} : memref<128xi32, #tpu.memory_space<vmem>>, vector<16xi32>,
      tpu.vector_store_idx %arg17[%get3A_116], %broadcast_in_dim3A_53 {add = true} : memref<10240xf32, #tpu.memory_space<vmem>>[vector<16xi32>], vector<16xf32>,
      %get3A_117 = arith.constant 112 : index
      %get3A_118 = tpu.vector_load %arg13[%get3A_117] {strides = array<i32>} : memref<128xi32, #tpu.memory_space<vmem>>, vector<16xi32>,
      tpu.vector_store_idx %arg17[%get3A_118], %broadcast_in_dim3A_53 {add = true} : memref<10240xf32, #tpu.memory_space<vmem>>[vector<16xi32>], vector<16xf32>,
      %add3A_119 = arith.constant 20736 : i32
      %add3A_120 = arith.addi %mul3A_30, %add3A_119 : i32
      %dma_start3A_121 = tpu.memref_slice %arg5[%add3A_120] : memref<335872xi32, #tpu.memory_space<hbm>> -> memref<128xi32, #tpu.memory_space<hbm>>
      %dma_start3A_122 = tpu.memref_slice %arg5[%add3A_120] : memref<335872xi32, #tpu.memory_space<hbm>> -> memref<128xi32, #tpu.memory_space<hbm>>
      tpu.enqueue_dma source(%dma_start3A_122 : memref<128xi32, #tpu.memory_space<hbm>>) target(%arg13 : memref<128xi32, #tpu.memory_space<vmem>>) target_semaphore(%arg23 : memref<!tpu.dma_semaphore, #tpu.memory_space<semaphore_mem>>)
      %add3A_123 = arith.constant 20736 : i32
      %add3A_124 = arith.addi %mul3A_30, %add3A_123 : i32
      %dma_wait3A_125 = tpu.memref_slice %arg4[%add3A_124] : memref<335872xi32, #tpu.memory_space<hbm>> -> memref<128xi32, #tpu.memory_space<hbm>>
      %dma_wait3A_126 = tpu.memref_slice %arg4[%add3A_124] : memref<335872xi32, #tpu.memory_space<hbm>> -> memref<128xi32, #tpu.memory_space<hbm>>
      tpu.wait_dma2 semaphore(%arg21 : memref<!tpu.dma_semaphore, #tpu.memory_space<semaphore_mem>>) src(%dma_wait3A_126 : memref<128xi32, #tpu.memory_space<hbm>>) dst(%arg11 : memref<128xi32, #tpu.memory_space<vmem>>)
      %dma_start3A_127 = arith.constant 0 : i32
      %dma_start3A_128 = arith.constant 0 : i32
      %dma_start3A_129 = tpu.memref_slice %arg2[%dma_start3A_127, %dma_start3A_128] : memref<10000x128xf32, #tpu.memory_space<hbm>> -> memref<10000x128xf32, #tpu.memory_space<hbm>>
      tpu.enqueue_indirect_dma source(%dma_start3A_129 : memref<10000x128xf32, #tpu.memory_space<hbm>>) target(%arg15 : memref<128x128xf32, #tpu.memory_space<vmem>>) offsets(%arg11 : memref<128xi32, #tpu.memory_space<vmem>>) semaphore(%arg25 : memref<!tpu.dma_semaphore, #tpu.memory_space<semaphore_mem>>)
      %dma_wait3A_130 = arith.constant 0 : i32
      %dma_wait3A_131 = arith.constant 0 : i32
      %dma_wait3A_132 = tpu.memref_slice %arg2[%dma_wait3A_130, %dma_wait3A_131] : memref<10000x128xf32, #tpu.memory_space<hbm>> -> memref<10000x128xf32, #tpu.memory_space<hbm>>
      tpu.wait_indirect_dma semaphore(%arg26 : memref<!tpu.dma_semaphore, #tpu.memory_space<semaphore_mem>>) src(%dma_wait3A_132 : memref<10000x128xf32, #tpu.memory_space<hbm>>) dst(%arg16 : memref<128x128xf32, #tpu.memory_space<vmem>>)
      %add3A_133 = arith.constant 20608 : i32
      %add3A_134 = arith.addi %mul3A_30, %add3A_133 : i32
      %dma_wait3A_135 = tpu.memref_slice %arg5[%add3A_134] : memref<335872xi32, #tpu.memory_space<hbm>> -> memref<128xi32, #tpu.memory_space<hbm>>
      %dma_wait3A_136 = tpu.memref_slice %arg5[%add3A_134] : memref<335872xi32, #tpu.memory_space<hbm>> -> memref<128xi32, #tpu.memory_space<hbm>>
      tpu.wait_dma2 semaphore(%arg24 : memref<!tpu.dma_semaphore, #tpu.memory_space<semaphore_mem>>) src(%dma_wait3A_136 : memref<128xi32, #tpu.memory_space<hbm>>) dst(%arg14 : memref<128xi32, #tpu.memory_space<vmem>>)
      "tpu.region"() ({
        %run_scoped3A = tpu.sem_alloc : memref<!tpu.dma_semaphore, #tpu.memory_space<semaphore_mem>>
        %dma_start3A_210 = arith.constant 0 : i32
        %dma_start3A_211 = arith.constant 0 : i32
        %dma_start3A_212 = tpu.memref_slice %arg18[%dma_start3A_210, %dma_start3A_211] : memref<10240x128xf32, #tpu.memory_space<vmem_shared>> -> memref<10240x128xf32, #tpu.memory_space<vmem_shared>>
        tpu.enqueue_indirect_dma source(%arg16 : memref<128x128xf32, #tpu.memory_space<vmem>>) target(%dma_start3A_212 : memref<10240x128xf32, #tpu.memory_space<vmem_shared>>) offsets(%arg14 : memref<128xi32, #tpu.memory_space<vmem>>) semaphore(%run_scoped3A : memref<!tpu.dma_semaphore, #tpu.memory_space<semaphore_mem>>) {add = true}
        %dma_wait3A_213 = arith.constant 0 : i32
        %dma_wait3A_214 = arith.constant 0 : i32
        %dma_wait3A_215 = tpu.memref_slice %arg18[%dma_wait3A_213, %dma_wait3A_214] : memref<10240x128xf32, #tpu.memory_space<vmem_shared>> -> memref<10240x128xf32, #tpu.memory_space<vmem_shared>>
        tpu.wait_indirect_dma semaphore(%run_scoped3A : memref<!tpu.dma_semaphore, #tpu.memory_space<semaphore_mem>>) src(%arg16 : memref<128x128xf32, #tpu.memory_space<vmem>>) dst(%dma_wait3A_215 : memref<10240x128xf32, #tpu.memory_space<vmem_shared>>)
        tpu.yield
      }) : () -> ()
      %get3A_137 = arith.constant 0 : index
      %get3A_138 = tpu.vector_load %arg14[%get3A_137] {strides = array<i32>} : memref<128xi32, #tpu.memory_space<vmem>>, vector<16xi32>,
      tpu.vector_store_idx %arg17[%get3A_138], %broadcast_in_dim3A_53 {add = true} : memref<10240xf32, #tpu.memory_space<vmem>>[vector<16xi32>], vector<16xf32>,
      %get3A_139 = arith.constant 16 : index
      %get3A_140 = tpu.vector_load %arg14[%get3A_139] {strides = array<i32>} : memref<128xi32, #tpu.memory_space<vmem>>, vector<16xi32>,
      tpu.vector_store_idx %arg17[%get3A_140], %broadcast_in_dim3A_53 {add = true} : memref<10240xf32, #tpu.memory_space<vmem>>[vector<16xi32>], vector<16xf32>,
      %get3A_141 = arith.constant 32 : index
      %get3A_142 = tpu.vector_load %arg14[%get3A_141] {strides = array<i32>} : memref<128xi32, #tpu.memory_space<vmem>>, vector<16xi32>,
      tpu.vector_store_idx %arg17[%get3A_142], %broadcast_in_dim3A_53 {add = true} : memref<10240xf32, #tpu.memory_space<vmem>>[vector<16xi32>], vector<16xf32>,
      %get3A_143 = arith.constant 48 : index
      %get3A_144 = tpu.vector_load %arg14[%get3A_143] {strides = array<i32>} : memref<128xi32, #tpu.memory_space<vmem>>, vector<16xi32>,
      tpu.vector_store_idx %arg17[%get3A_144], %broadcast_in_dim3A_53 {add = true} : memref<10240xf32, #tpu.memory_space<vmem>>[vector<16xi32>], vector<16xf32>,
      %get3A_145 = arith.constant 64 : index
      %get3A_146 = tpu.vector_load %arg14[%get3A_145] {strides = array<i32>} : memref<128xi32, #tpu.memory_space<vmem>>, vector<16xi32>,
      tpu.vector_store_idx %arg17[%get3A_146], %broadcast_in_dim3A_53 {add = true} : memref<10240xf32, #tpu.memory_space<vmem>>[vector<16xi32>], vector<16xf32>,
      %get3A_147 = arith.constant 80 : index
      %get3A_148 = tpu.vector_load %arg14[%get3A_147] {strides = array<i32>} : memref<128xi32, #tpu.memory_space<vmem>>, vector<16xi32>,
      tpu.vector_store_idx %arg17[%get3A_148], %broadcast_in_dim3A_53 {add = true} : memref<10240xf32, #tpu.memory_space<vmem>>[vector<16xi32>], vector<16xf32>,
      %get3A_149 = arith.constant 96 : index
      %get3A_150 = tpu.vector_load %arg14[%get3A_149] {strides = array<i32>} : memref<128xi32, #tpu.memory_space<vmem>>, vector<16xi32>,
      tpu.vector_store_idx %arg17[%get3A_150], %broadcast_in_dim3A_53 {add = true} : memref<10240xf32, #tpu.memory_space<vmem>>[vector<16xi32>], vector<16xf32>,
      %get3A_151 = arith.constant 112 : index
      %get3A_152 = tpu.vector_load %arg14[%get3A_151] {strides = array<i32>} : memref<128xi32, #tpu.memory_space<vmem>>, vector<16xi32>,
      tpu.vector_store_idx %arg17[%get3A_152], %broadcast_in_dim3A_53 {add = true} : memref<10240xf32, #tpu.memory_space<vmem>>[vector<16xi32>], vector<16xf32>,
      %add3A_153 = arith.constant 20864 : i32
      %add3A_154 = arith.addi %mul3A_30, %add3A_153 : i32
      %dma_start3A_155 = tpu.memref_slice %arg5[%add3A_154] : memref<335872xi32, #tpu.memory_space<hbm>> -> memref<128xi32, #tpu.memory_space<hbm>>
      %dma_start3A_156 = tpu.memref_slice %arg5[%add3A_154] : memref<335872xi32, #tpu.memory_space<hbm>> -> memref<128xi32, #tpu.memory_space<hbm>>
      tpu.enqueue_dma source(%dma_start3A_156 : memref<128xi32, #tpu.memory_space<hbm>>) target(%arg14 : memref<128xi32, #tpu.memory_space<vmem>>) target_semaphore(%arg24 : memref<!tpu.dma_semaphore, #tpu.memory_space<semaphore_mem>>)
      %add3A_157 = arith.constant 20864 : i32
      %add3A_158 = arith.addi %mul3A_30, %add3A_157 : i32
      %dma_wait3A_159 = tpu.memref_slice %arg4[%add3A_158] : memref<335872xi32, #tpu.memory_space<hbm>> -> memref<128xi32, #tpu.memory_space<hbm>>
      %dma_wait3A_160 = tpu.memref_slice %arg4[%add3A_158] : memref<335872xi32, #tpu.memory_space<hbm>> -> memref<128xi32, #tpu.memory_space<hbm>>
      tpu.wait_dma2 semaphore(%arg22 : memref<!tpu.dma_semaphore, #tpu.memory_space<semaphore_mem>>) src(%dma_wait3A_160 : memref<128xi32, #tpu.memory_space<hbm>>) dst(%arg12 : memref<128xi32, #tpu.memory_space<vmem>>)
      %dma_start3A_161 = arith.constant 0 : i32
      %dma_start3A_162 = arith.constant 0 : i32
      %dma_start3A_163 = tpu.memref_slice %arg2[%dma_start3A_161, %dma_start3A_162] : memref<10000x128xf32, #tpu.memory_space<hbm>> -> memref<10000x128xf32, #tpu.memory_space<hbm>>
      tpu.enqueue_indirect_dma source(%dma_start3A_163 : memref<10000x128xf32, #tpu.memory_space<hbm>>) target(%arg16 : memref<128x128xf32, #tpu.memory_space<vmem>>) offsets(%arg12 : memref<128xi32, #tpu.memory_space<vmem>>) semaphore(%arg26 : memref<!tpu.dma_semaphore, #tpu.memory_space<semaphore_mem>>)
      %dma_wait3A_164 = arith.constant 0 : i32
      %dma_wait3A_165 = arith.constant 0 : i32
      %dma_wait3A_166 = tpu.memref_slice %arg2[%dma_wait3A_164, %dma_wait3A_165] : memref<10000x128xf32, #tpu.memory_space<hbm>> -> memref<10000x128xf32, #tpu.memory_space<hbm>>
      tpu.wait_indirect_dma semaphore(%arg25 : memref<!tpu.dma_semaphore, #tpu.memory_space<semaphore_mem>>) src(%dma_wait3A_166 : memref<10000x128xf32, #tpu.memory_space<hbm>>) dst(%arg15 : memref<128x128xf32, #tpu.memory_space<vmem>>)
      %add3A_167 = arith.constant 20736 : i32
      %add3A_168 = arith.addi %mul3A_30, %add3A_167 : i32
      %dma_wait3A_169 = tpu.memref_slice %arg5[%add3A_168] : memref<335872xi32, #tpu.memory_space<hbm>> -> memref<128xi32, #tpu.memory_space<hbm>>
      %dma_wait3A_170 = tpu.memref_slice %arg5[%add3A_168] : memref<335872xi32, #tpu.memory_space<hbm>> -> memref<128xi32, #tpu.memory_space<hbm>>
      tpu.wait_dma2 semaphore(%arg23 : memref<!tpu.dma_semaphore, #tpu.memory_space<semaphore_mem>>) src(%dma_wait3A_170 : memref<128xi32, #tpu.memory_space<hbm>>) dst(%arg13 : memref<128xi32, #tpu.memory_space<vmem>>)
      "tpu.region"() ({
        %run_scoped3A = tpu.sem_alloc : memref<!tpu.dma_semaphore, #tpu.memory_space<semaphore_mem>>
        %dma_start3A_210 = arith.constant 0 : i32
        %dma_start3A_211 = arith.constant 0 : i32
        %dma_start3A_212 = tpu.memref_slice %arg18[%dma_start3A_210, %dma_start3A_211] : memref<10240x128xf32, #tpu.memory_space<vmem_shared>> -> memref<10240x128xf32, #tpu.memory_space<vmem_shared>>
        tpu.enqueue_indirect_dma source(%arg15 : memref<128x128xf32, #tpu.memory_space<vmem>>) target(%dma_start3A_212 : memref<10240x128xf32, #tpu.memory_space<vmem_shared>>) offsets(%arg13 : memref<128xi32, #tpu.memory_space<vmem>>) semaphore(%run_scoped3A : memref<!tpu.dma_semaphore, #tpu.memory_space<semaphore_mem>>) {add = true}
        %dma_wait3A_213 = arith.constant 0 : i32
        %dma_wait3A_214 = arith.constant 0 : i32
        %dma_wait3A_215 = tpu.memref_slice %arg18[%dma_wait3A_213, %dma_wait3A_214] : memref<10240x128xf32, #tpu.memory_space<vmem_shared>> -> memref<10240x128xf32, #tpu.memory_space<vmem_shared>>
        tpu.wait_indirect_dma semaphore(%run_scoped3A : memref<!tpu.dma_semaphore, #tpu.memory_space<semaphore_mem>>) src(%arg15 : memref<128x128xf32, #tpu.memory_space<vmem>>) dst(%dma_wait3A_215 : memref<10240x128xf32, #tpu.memory_space<vmem_shared>>)
        tpu.yield
      }) : () -> ()
      %get3A_171 = arith.constant 0 : index
      %get3A_172 = tpu.vector_load %arg13[%get3A_171] {strides = array<i32>} : memref<128xi32, #tpu.memory_space<vmem>>, vector<16xi32>,
      tpu.vector_store_idx %arg17[%get3A_172], %broadcast_in_dim3A_53 {add = true} : memref<10240xf32, #tpu.memory_space<vmem>>[vector<16xi32>], vector<16xf32>,
      %get3A_173 = arith.constant 16 : index
      %get3A_174 = tpu.vector_load %arg13[%get3A_173] {strides = array<i32>} : memref<128xi32, #tpu.memory_space<vmem>>, vector<16xi32>,
      tpu.vector_store_idx %arg17[%get3A_174], %broadcast_in_dim3A_53 {add = true} : memref<10240xf32, #tpu.memory_space<vmem>>[vector<16xi32>], vector<16xf32>,
      %get3A_175 = arith.constant 32 : index
      %get3A_176 = tpu.vector_load %arg13[%get3A_175] {strides = array<i32>} : memref<128xi32, #tpu.memory_space<vmem>>, vector<16xi32>,
      tpu.vector_store_idx %arg17[%get3A_176], %broadcast_in_dim3A_53 {add = true} : memref<10240xf32, #tpu.memory_space<vmem>>[vector<16xi32>], vector<16xf32>,
      %get3A_177 = arith.constant 48 : index
      %get3A_178 = tpu.vector_load %arg13[%get3A_177] {strides = array<i32>} : memref<128xi32, #tpu.memory_space<vmem>>, vector<16xi32>,
      tpu.vector_store_idx %arg17[%get3A_178], %broadcast_in_dim3A_53 {add = true} : memref<10240xf32, #tpu.memory_space<vmem>>[vector<16xi32>], vector<16xf32>,
      %get3A_179 = arith.constant 64 : index
      %get3A_180 = tpu.vector_load %arg13[%get3A_179] {strides = array<i32>} : memref<128xi32, #tpu.memory_space<vmem>>, vector<16xi32>,
      tpu.vector_store_idx %arg17[%get3A_180], %broadcast_in_dim3A_53 {add = true} : memref<10240xf32, #tpu.memory_space<vmem>>[vector<16xi32>], vector<16xf32>,
      %get3A_181 = arith.constant 80 : index
      %get3A_182 = tpu.vector_load %arg13[%get3A_181] {strides = array<i32>} : memref<128xi32, #tpu.memory_space<vmem>>, vector<16xi32>,
      tpu.vector_store_idx %arg17[%get3A_182], %broadcast_in_dim3A_53 {add = true} : memref<10240xf32, #tpu.memory_space<vmem>>[vector<16xi32>], vector<16xf32>,
      %get3A_183 = arith.constant 96 : index
      %get3A_184 = tpu.vector_load %arg13[%get3A_183] {strides = array<i32>} : memref<128xi32, #tpu.memory_space<vmem>>, vector<16xi32>,
      tpu.vector_store_idx %arg17[%get3A_184], %broadcast_in_dim3A_53 {add = true} : memref<10240xf32, #tpu.memory_space<vmem>>[vector<16xi32>], vector<16xf32>,
      %get3A_185 = arith.constant 112 : index
      %get3A_186 = tpu.vector_load %arg13[%get3A_185] {strides = array<i32>} : memref<128xi32, #tpu.memory_space<vmem>>, vector<16xi32>,
      tpu.vector_store_idx %arg17[%get3A_186], %broadcast_in_dim3A_53 {add = true} : memref<10240xf32, #tpu.memory_space<vmem>>[vector<16xi32>], vector<16xf32>,
      %dma_wait3A_187 = arith.constant 0 : i32
      %dma_wait3A_188 = arith.constant 0 : i32
      %dma_wait3A_189 = tpu.memref_slice %arg2[%dma_wait3A_187, %dma_wait3A_188] : memref<10000x128xf32, #tpu.memory_space<hbm>> -> memref<10000x128xf32, #tpu.memory_space<hbm>>
      tpu.wait_indirect_dma semaphore(%arg26 : memref<!tpu.dma_semaphore, #tpu.memory_space<semaphore_mem>>) src(%dma_wait3A_189 : memref<10000x128xf32, #tpu.memory_space<hbm>>) dst(%arg16 : memref<128x128xf32, #tpu.memory_space<vmem>>)
      %add3A_190 = arith.constant 20864 : i32
      %add3A_191 = arith.addi %mul3A_30, %add3A_190 : i32
      %dma_wait3A_192 = tpu.memref_slice %arg5[%add3A_191] : memref<335872xi32, #tpu.memory_space<hbm>> -> memref<128xi32, #tpu.memory_space<hbm>>
      %dma_wait3A_193 = tpu.memref_slice %arg5[%add3A_191] : memref<335872xi32, #tpu.memory_space<hbm>> -> memref<128xi32, #tpu.memory_space<hbm>>
      tpu.wait_dma2 semaphore(%arg24 : memref<!tpu.dma_semaphore, #tpu.memory_space<semaphore_mem>>) src(%dma_wait3A_193 : memref<128xi32, #tpu.memory_space<hbm>>) dst(%arg14 : memref<128xi32, #tpu.memory_space<vmem>>)
      "tpu.region"() ({
        %run_scoped3A = tpu.sem_alloc : memref<!tpu.dma_semaphore, #tpu.memory_space<semaphore_mem>>
        %dma_start3A_210 = arith.constant 0 : i32
        %dma_start3A_211 = arith.constant 0 : i32
        %dma_start3A_212 = tpu.memref_slice %arg18[%dma_start3A_210, %dma_start3A_211] : memref<10240x128xf32, #tpu.memory_space<vmem_shared>> -> memref<10240x128xf32, #tpu.memory_space<vmem_shared>>
        tpu.enqueue_indirect_dma source(%arg16 : memref<128x128xf32, #tpu.memory_space<vmem>>) target(%dma_start3A_212 : memref<10240x128xf32, #tpu.memory_space<vmem_shared>>) offsets(%arg14 : memref<128xi32, #tpu.memory_space<vmem>>) semaphore(%run_scoped3A : memref<!tpu.dma_semaphore, #tpu.memory_space<semaphore_mem>>) {add = true}
        %dma_wait3A_213 = arith.constant 0 : i32
        %dma_wait3A_214 = arith.constant 0 : i32
        %dma_wait3A_215 = tpu.memref_slice %arg18[%dma_wait3A_213, %dma_wait3A_214] : memref<10240x128xf32, #tpu.memory_space<vmem_shared>> -> memref<10240x128xf32, #tpu.memory_space<vmem_shared>>
        tpu.wait_indirect_dma semaphore(%run_scoped3A : memref<!tpu.dma_semaphore, #tpu.memory_space<semaphore_mem>>) src(%arg16 : memref<128x128xf32, #tpu.memory_space<vmem>>) dst(%dma_wait3A_215 : memref<10240x128xf32, #tpu.memory_space<vmem_shared>>)
        tpu.yield
      }) : () -> ()
      %get3A_194 = arith.constant 0 : index
      %get3A_195 = tpu.vector_load %arg14[%get3A_194] {strides = array<i32>} : memref<128xi32, #tpu.memory_space<vmem>>, vector<16xi32>,
      tpu.vector_store_idx %arg17[%get3A_195], %broadcast_in_dim3A_53 {add = true} : memref<10240xf32, #tpu.memory_space<vmem>>[vector<16xi32>], vector<16xf32>,
      %get3A_196 = arith.constant 16 : index
      %get3A_197 = tpu.vector_load %arg14[%get3A_196] {strides = array<i32>} : memref<128xi32, #tpu.memory_space<vmem>>, vector<16xi32>,
      tpu.vector_store_idx %arg17[%get3A_197], %broadcast_in_dim3A_53 {add = true} : memref<10240xf32, #tpu.memory_space<vmem>>[vector<16xi32>], vector<16xf32>,
      %get3A_198 = arith.constant 32 : index
      %get3A_199 = tpu.vector_load %arg14[%get3A_198] {strides = array<i32>} : memref<128xi32, #tpu.memory_space<vmem>>, vector<16xi32>,
      tpu.vector_store_idx %arg17[%get3A_199], %broadcast_in_dim3A_53 {add = true} : memref<10240xf32, #tpu.memory_space<vmem>>[vector<16xi32>], vector<16xf32>,
      %get3A_200 = arith.constant 48 : index
      %get3A_201 = tpu.vector_load %arg14[%get3A_200] {strides = array<i32>} : memref<128xi32, #tpu.memory_space<vmem>>, vector<16xi32>,
      tpu.vector_store_idx %arg17[%get3A_201], %broadcast_in_dim3A_53 {add = true} : memref<10240xf32, #tpu.memory_space<vmem>>[vector<16xi32>], vector<16xf32>,
      %get3A_202 = arith.constant 64 : index
      %get3A_203 = tpu.vector_load %arg14[%get3A_202] {strides = array<i32>} : memref<128xi32, #tpu.memory_space<vmem>>, vector<16xi32>,
      tpu.vector_store_idx %arg17[%get3A_203], %broadcast_in_dim3A_53 {add = true} : memref<10240xf32, #tpu.memory_space<vmem>>[vector<16xi32>], vector<16xf32>,
      %get3A_204 = arith.constant 80 : index
      %get3A_205 = tpu.vector_load %arg14[%get3A_204] {strides = array<i32>} : memref<128xi32, #tpu.memory_space<vmem>>, vector<16xi32>,
      tpu.vector_store_idx %arg17[%get3A_205], %broadcast_in_dim3A_53 {add = true} : memref<10240xf32, #tpu.memory_space<vmem>>[vector<16xi32>], vector<16xf32>,
      %get3A_206 = arith.constant 96 : index
      %get3A_207 = tpu.vector_load %arg14[%get3A_206] {strides = array<i32>} : memref<128xi32, #tpu.memory_space<vmem>>, vector<16xi32>,
      tpu.vector_store_idx %arg17[%get3A_207], %broadcast_in_dim3A_53 {add = true} : memref<10240xf32, #tpu.memory_space<vmem>>[vector<16xi32>], vector<16xf32>,
      %get3A_208 = arith.constant 112 : index
      %get3A_209 = tpu.vector_load %arg14[%get3A_208] {strides = array<i32>} : memref<128xi32, #tpu.memory_space<vmem>>, vector<16xi32>,
      tpu.vector_store_idx %arg17[%get3A_209], %broadcast_in_dim3A_53 {add = true} : memref<10240xf32, #tpu.memory_space<vmem>>[vector<16xi32>], vector<16xf32>,
      "tpu.region"() ({
        %run_scoped3A = tpu.sem_alloc : memref<!tpu.dma_semaphore, #tpu.memory_space<semaphore_mem>>
        %dma_start3A_210 = arith.constant 0 : i32
        %dma_start3A_211 = tpu.memref_slice %arg8[%arg1, %dma_start3A_210] : memref<16x10240xf32, #tpu.memory_space<hbm>> -> memref<1x10240xf32, #tpu.memory_space<hbm>>
        %dma_start3A_212 = tpu.memref_squeeze %dma_start3A_211 : memref<1x10240xf32, #tpu.memory_space<hbm>> -> memref<10240xf32, #tpu.memory_space<hbm>>
        %dma_start3A_213 = arith.constant 0 : i32
        %dma_start3A_214 = tpu.memref_slice %arg8[%arg1, %dma_start3A_213] : memref<16x10240xf32, #tpu.memory_space<hbm>> -> memref<1x10240xf32, #tpu.memory_space<hbm>>
        %dma_start3A_215 = tpu.memref_squeeze %dma_start3A_214 : memref<1x10240xf32, #tpu.memory_space<hbm>> -> memref<10240xf32, #tpu.memory_space<hbm>>
        tpu.enqueue_dma source(%arg17 : memref<10240xf32, #tpu.memory_space<vmem>>) target(%dma_start3A_215 : memref<10240xf32, #tpu.memory_space<hbm>>) target_semaphore(%run_scoped3A : memref<!tpu.dma_semaphore, #tpu.memory_space<semaphore_mem>>)
        %dma_wait3A_216 = arith.constant 0 : i32
        %dma_wait3A_217 = tpu.memref_slice %arg8[%arg1, %dma_wait3A_216] : memref<16x10240xf32, #tpu.memory_space<hbm>> -> memref<1x10240xf32, #tpu.memory_space<hbm>>
        %dma_wait3A_218 = tpu.memref_squeeze %dma_wait3A_217 : memref<1x10240xf32, #tpu.memory_space<hbm>> -> memref<10240xf32, #tpu.memory_space<hbm>>
        %dma_wait3A_219 = arith.constant 0 : i32
        %dma_wait3A_220 = tpu.memref_slice %arg8[%arg1, %dma_wait3A_219] : memref<16x10240xf32, #tpu.memory_space<hbm>> -> memref<1x10240xf32, #tpu.memory_space<hbm>>
        %dma_wait3A_221 = tpu.memref_squeeze %dma_wait3A_220 : memref<1x10240xf32, #tpu.memory_space<hbm>> -> memref<10240xf32, #tpu.memory_space<hbm>>
        tpu.wait_dma2 semaphore(%run_scoped3A : memref<!tpu.dma_semaphore, #tpu.memory_space<semaphore_mem>>) src(%arg17 : memref<10240xf32, #tpu.memory_space<vmem>>) dst(%dma_wait3A_221 : memref<10240xf32, #tpu.memory_space<hbm>>)
        tpu.yield
      }) : () -> ()
    } else {
    }
    %eq3A_36 = arith.constant 1 : i32
    %eq3A_37 = arith.cmpi eq, %arg0, %eq3A_36 : i32
    %convert_element_type3A_38 = arith.extui %eq3A_37 : i1 to i32
    %cond3A_39 = arith.constant 0 : i32
    %cond3A_40 = arith.cmpi ne, %convert_element_type3A_38, %cond3A_39 : i32
    scf.if %cond3A_40 {
      %broadcast_in_dim3A_52 = arith.constant 1.000000e+00 : f32
      %broadcast_in_dim3A_53 = vector.broadcast %broadcast_in_dim3A_52 : f32 to vector<16xf32>
      %add3A_54 = arith.constant 0 : i32
      %add3A_55 = arith.addi %mul3A_30, %add3A_54 : i32
      %dma_start3A = tpu.memref_slice %arg4[%add3A_55] : memref<335872xi32, #tpu.memory_space<hbm>> -> memref<128xi32, #tpu.memory_space<hbm>>
      %dma_start3A_56 = tpu.memref_slice %arg4[%add3A_55] : memref<335872xi32, #tpu.memory_space<hbm>> -> memref<128xi32, #tpu.memory_space<hbm>>
      tpu.enqueue_dma source(%dma_start3A_56 : memref<128xi32, #tpu.memory_space<hbm>>) target(%arg9 : memref<128xi32, #tpu.memory_space<vmem>>) target_semaphore(%arg19 : memref<!tpu.dma_semaphore, #tpu.memory_space<semaphore_mem>>)
      %add3A_57 = arith.constant 128 : i32
      %add3A_58 = arith.addi %mul3A_30, %add3A_57 : i32
      %dma_start3A_59 = tpu.memref_slice %arg4[%add3A_58] : memref<335872xi32, #tpu.memory_space<hbm>> -> memref<128xi32, #tpu.memory_space<hbm>>
      %dma_start3A_60 = tpu.memref_slice %arg4[%add3A_58] : memref<335872xi32, #tpu.memory_space<hbm>> -> memref<128xi32, #tpu.memory_space<hbm>>
      tpu.enqueue_dma source(%dma_start3A_60 : memref<128xi32, #tpu.memory_space<hbm>>) target(%arg10 : memref<128xi32, #tpu.memory_space<vmem>>) target_semaphore(%arg20 : memref<!tpu.dma_semaphore, #tpu.memory_space<semaphore_mem>>)
      %add3A_61 = arith.constant 256 : i32
      %add3A_62 = arith.addi %mul3A_30, %add3A_61 : i32
      %dma_start3A_63 = tpu.memref_slice %arg4[%add3A_62] : memref<335872xi32, #tpu.memory_space<hbm>> -> memref<128xi32, #tpu.memory_space<hbm>>
      %dma_start3A_64 = tpu.memref_slice %arg4[%add3A_62] : memref<335872xi32, #tpu.memory_space<hbm>> -> memref<128xi32, #tpu.memory_space<hbm>>
      tpu.enqueue_dma source(%dma_start3A_64 : memref<128xi32, #tpu.memory_space<hbm>>) target(%arg11 : memref<128xi32, #tpu.memory_space<vmem>>) target_semaphore(%arg21 : memref<!tpu.dma_semaphore, #tpu.memory_space<semaphore_mem>>)
      %add3A_65 = arith.constant 384 : i32
      %add3A_66 = arith.addi %mul3A_30, %add3A_65 : i32
      %dma_start3A_67 = tpu.memref_slice %arg4[%add3A_66] : memref<335872xi32, #tpu.memory_space<hbm>> -> memref<128xi32, #tpu.memory_space<hbm>>
      %dma_start3A_68 = tpu.memref_slice %arg4[%add3A_66] : memref<335872xi32, #tpu.memory_space<hbm>> -> memref<128xi32, #tpu.memory_space<hbm>>
      tpu.enqueue_dma source(%dma_start3A_68 : memref<128xi32, #tpu.memory_space<hbm>>) target(%arg12 : memref<128xi32, #tpu.memory_space<vmem>>) target_semaphore(%arg22 : memref<!tpu.dma_semaphore, #tpu.memory_space<semaphore_mem>>)
      %add3A_69 = arith.constant 0 : i32
      %add3A_70 = arith.addi %mul3A_30, %add3A_69 : i32
      %dma_start3A_71 = tpu.memref_slice %arg5[%add3A_70] : memref<335872xi32, #tpu.memory_space<hbm>> -> memref<128xi32, #tpu.memory_space<hbm>>
      %dma_start3A_72 = tpu.memref_slice %arg5[%add3A_70] : memref<335872xi32, #tpu.memory_space<hbm>> -> memref<128xi32, #tpu.memory_space<hbm>>
      tpu.enqueue_dma source(%dma_start3A_72 : memref<128xi32, #tpu.memory_space<hbm>>) target(%arg13 : memref<128xi32, #tpu.memory_space<vmem>>) target_semaphore(%arg23 : memref<!tpu.dma_semaphore, #tpu.memory_space<semaphore_mem>>)
      %add3A_73 = arith.constant 128 : i32
      %add3A_74 = arith.addi %mul3A_30, %add3A_73 : i32
      %dma_start3A_75 = tpu.memref_slice %arg5[%add3A_74] : memref<335872xi32, #tpu.memory_space<hbm>> -> memref<128xi32, #tpu.memory_space<hbm>>
      %dma_start3A_76 = tpu.memref_slice %arg5[%add3A_74] : memref<335872xi32, #tpu.memory_space<hbm>> -> memref<128xi32, #tpu.memory_space<hbm>>
      tpu.enqueue_dma source(%dma_start3A_76 : memref<128xi32, #tpu.memory_space<hbm>>) target(%arg14 : memref<128xi32, #tpu.memory_space<vmem>>) target_semaphore(%arg24 : memref<!tpu.dma_semaphore, #tpu.memory_space<semaphore_mem>>)
      %add3A_77 = arith.constant 0 : i32
      %add3A_78 = arith.addi %mul3A_30, %add3A_77 : i32
      %dma_wait3A = tpu.memref_slice %arg4[%add3A_78] : memref<335872xi32, #tpu.memory_space<hbm>> -> memref<128xi32, #tpu.memory_space<hbm>>
      %dma_wait3A_79 = tpu.memref_slice %arg4[%add3A_78] : memref<335872xi32, #tpu.memory_space<hbm>> -> memref<128xi32, #tpu.memory_space<hbm>>
      tpu.wait_dma2 semaphore(%arg19 : memref<!tpu.dma_semaphore, #tpu.memory_space<semaphore_mem>>) src(%dma_wait3A_79 : memref<128xi32, #tpu.memory_space<hbm>>) dst(%arg9 : memref<128xi32, #tpu.memory_space<vmem>>)
      %dma_start3A_80 = arith.constant 0 : i32
      %dma_start3A_81 = arith.constant 0 : i32
      %dma_start3A_82 = tpu.memref_slice %arg3[%dma_start3A_80, %dma_start3A_81] : memref<10000x128xf32, #tpu.memory_space<hbm>> -> memref<10000x128xf32, #tpu.memory_space<hbm>>
      tpu.enqueue_indirect_dma source(%dma_start3A_82 : memref<10000x128xf32, #tpu.memory_space<hbm>>) target(%arg15 : memref<128x128xf32, #tpu.memory_space<vmem>>) offsets(%arg9 : memref<128xi32, #tpu.memory_space<vmem>>) semaphore(%arg25 : memref<!tpu.dma_semaphore, #tpu.memory_space<semaphore_mem>>)
      %scan3A_83 = arith.constant 0 : i32
      %scan3A_84 = arith.constant 0 : i32
      %scan3A_85 = arith.constant 40 : i32
      %scan3A_86 = arith.addi %scan3A_84, %scan3A_85 : i32
      %scan3A_87 = arith.constant 1 : i32
      %scan3A_88 = scf.for %scan3A_147 = %scan3A_84 to %scan3A_86 step %scan3A_87 iter_args(%scan3A_148 = %scan3A_83) -> (i32)  : i32 {
        %mul3A_149 = arith.constant 4 : i32
        %mul3A_150 = arith.muli %mul3A_149, %scan3A_147 : i32
        %add3A_151 = arith.constant 0 : i32
        %add3A_152 = arith.addi %mul3A_150, %add3A_151 : i32
        %add3A_153 = arith.constant 1 : i32
        %add3A_154 = arith.addi %add3A_152, %add3A_153 : i32
        %mul3A_155 = arith.constant 128 : i32
        %mul3A_156 = arith.muli %add3A_154, %mul3A_155 : i32
        %add3A_157 = arith.addi %mul3A_30, %mul3A_156 : i32
        %dma_wait3A_158 = tpu.memref_slice %arg4[%add3A_157] : memref<335872xi32, #tpu.memory_space<hbm>> -> memref<128xi32, #tpu.memory_space<hbm>>
        %dma_wait3A_159 = tpu.memref_slice %arg4[%add3A_157] : memref<335872xi32, #tpu.memory_space<hbm>> -> memref<128xi32, #tpu.memory_space<hbm>>
        tpu.wait_dma2 semaphore(%arg20 : memref<!tpu.dma_semaphore, #tpu.memory_space<semaphore_mem>>) src(%dma_wait3A_159 : memref<128xi32, #tpu.memory_space<hbm>>) dst(%arg10 : memref<128xi32, #tpu.memory_space<vmem>>)
        %dma_start3A_160 = arith.constant 0 : i32
        %dma_start3A_161 = arith.constant 0 : i32
        %dma_start3A_162 = tpu.memref_slice %arg3[%dma_start3A_160, %dma_start3A_161] : memref<10000x128xf32, #tpu.memory_space<hbm>> -> memref<10000x128xf32, #tpu.memory_space<hbm>>
        tpu.enqueue_indirect_dma source(%dma_start3A_162 : memref<10000x128xf32, #tpu.memory_space<hbm>>) target(%arg16 : memref<128x128xf32, #tpu.memory_space<vmem>>) offsets(%arg10 : memref<128xi32, #tpu.memory_space<vmem>>) semaphore(%arg26 : memref<!tpu.dma_semaphore, #tpu.memory_space<semaphore_mem>>)
        %dma_wait3A_163 = arith.constant 0 : i32
        %dma_wait3A_164 = arith.constant 0 : i32
        %dma_wait3A_165 = tpu.memref_slice %arg3[%dma_wait3A_163, %dma_wait3A_164] : memref<10000x128xf32, #tpu.memory_space<hbm>> -> memref<10000x128xf32, #tpu.memory_space<hbm>>
        tpu.wait_indirect_dma semaphore(%arg25 : memref<!tpu.dma_semaphore, #tpu.memory_space<semaphore_mem>>) src(%dma_wait3A_165 : memref<10000x128xf32, #tpu.memory_space<hbm>>) dst(%arg15 : memref<128x128xf32, #tpu.memory_space<vmem>>)
        %mul3A_166 = arith.constant 128 : i32
        %mul3A_167 = arith.muli %add3A_152, %mul3A_166 : i32
        %add3A_168 = arith.addi %mul3A_30, %mul3A_167 : i32
        %dma_wait3A_169 = tpu.memref_slice %arg5[%add3A_168] : memref<335872xi32, #tpu.memory_space<hbm>> -> memref<128xi32, #tpu.memory_space<hbm>>
        %dma_wait3A_170 = tpu.memref_slice %arg5[%add3A_168] : memref<335872xi32, #tpu.memory_space<hbm>> -> memref<128xi32, #tpu.memory_space<hbm>>
        tpu.wait_dma2 semaphore(%arg23 : memref<!tpu.dma_semaphore, #tpu.memory_space<semaphore_mem>>) src(%dma_wait3A_170 : memref<128xi32, #tpu.memory_space<hbm>>) dst(%arg13 : memref<128xi32, #tpu.memory_space<vmem>>)
        "tpu.region"() ({
          %run_scoped3A = tpu.sem_alloc : memref<!tpu.dma_semaphore, #tpu.memory_space<semaphore_mem>>
          %dma_start3A_294 = arith.constant 0 : i32
          %dma_start3A_295 = arith.constant 0 : i32
          %dma_start3A_296 = tpu.memref_slice %arg18[%dma_start3A_294, %dma_start3A_295] : memref<10240x128xf32, #tpu.memory_space<vmem_shared>> -> memref<10240x128xf32, #tpu.memory_space<vmem_shared>>
          tpu.enqueue_indirect_dma source(%arg15 : memref<128x128xf32, #tpu.memory_space<vmem>>) target(%dma_start3A_296 : memref<10240x128xf32, #tpu.memory_space<vmem_shared>>) offsets(%arg13 : memref<128xi32, #tpu.memory_space<vmem>>) semaphore(%run_scoped3A : memref<!tpu.dma_semaphore, #tpu.memory_space<semaphore_mem>>) {add = true}
          %dma_wait3A_297 = arith.constant 0 : i32
          %dma_wait3A_298 = arith.constant 0 : i32
          %dma_wait3A_299 = tpu.memref_slice %arg18[%dma_wait3A_297, %dma_wait3A_298] : memref<10240x128xf32, #tpu.memory_space<vmem_shared>> -> memref<10240x128xf32, #tpu.memory_space<vmem_shared>>
          tpu.wait_indirect_dma semaphore(%run_scoped3A : memref<!tpu.dma_semaphore, #tpu.memory_space<semaphore_mem>>) src(%arg15 : memref<128x128xf32, #tpu.memory_space<vmem>>) dst(%dma_wait3A_299 : memref<10240x128xf32, #tpu.memory_space<vmem_shared>>)
          tpu.yield
        }) : () -> ()
        %add3A_171 = arith.constant 4 : i32
        %add3A_172 = arith.addi %add3A_152, %add3A_171 : i32
        %mul3A_173 = arith.constant 128 : i32
        %mul3A_174 = arith.muli %add3A_172, %mul3A_173 : i32
        %add3A_175 = arith.addi %mul3A_30, %mul3A_174 : i32
        %dma_start3A_176 = tpu.memref_slice %arg4[%add3A_175] : memref<335872xi32, #tpu.memory_space<hbm>> -> memref<128xi32, #tpu.memory_space<hbm>>
        %dma_start3A_177 = tpu.memref_slice %arg4[%add3A_175] : memref<335872xi32, #tpu.memory_space<hbm>> -> memref<128xi32, #tpu.memory_space<hbm>>
        tpu.enqueue_dma source(%dma_start3A_177 : memref<128xi32, #tpu.memory_space<hbm>>) target(%arg9 : memref<128xi32, #tpu.memory_space<vmem>>) target_semaphore(%arg19 : memref<!tpu.dma_semaphore, #tpu.memory_space<semaphore_mem>>)
        %add3A_178 = arith.constant 2 : i32
        %add3A_179 = arith.addi %add3A_152, %add3A_178 : i32
        %mul3A_180 = arith.constant 128 : i32
        %mul3A_181 = arith.muli %add3A_179, %mul3A_180 : i32
        %add3A_182 = arith.addi %mul3A_30, %mul3A_181 : i32
        %dma_start3A_183 = tpu.memref_slice %arg5[%add3A_182] : memref<335872xi32, #tpu.memory_space<hbm>> -> memref<128xi32, #tpu.memory_space<hbm>>
        %dma_start3A_184 = tpu.memref_slice %arg5[%add3A_182] : memref<335872xi32, #tpu.memory_space<hbm>> -> memref<128xi32, #tpu.memory_space<hbm>>
        tpu.enqueue_dma source(%dma_start3A_184 : memref<128xi32, #tpu.memory_space<hbm>>) target(%arg13 : memref<128xi32, #tpu.memory_space<vmem>>) target_semaphore(%arg23 : memref<!tpu.dma_semaphore, #tpu.memory_space<semaphore_mem>>)
        %mul3A_185 = arith.constant 4 : i32
        %mul3A_186 = arith.muli %mul3A_185, %scan3A_147 : i32
        %add3A_187 = arith.constant 1 : i32
        %add3A_188 = arith.addi %mul3A_186, %add3A_187 : i32
        %add3A_189 = arith.constant 1 : i32
        %add3A_190 = arith.addi %add3A_188, %add3A_189 : i32
        %mul3A_191 = arith.constant 128 : i32
        %mul3A_192 = arith.muli %add3A_190, %mul3A_191 : i32
        %add3A_193 = arith.addi %mul3A_30, %mul3A_192 : i32
        %dma_wait3A_194 = tpu.memref_slice %arg4[%add3A_193] : memref<335872xi32, #tpu.memory_space<hbm>> -> memref<128xi32, #tpu.memory_space<hbm>>
        %dma_wait3A_195 = tpu.memref_slice %arg4[%add3A_193] : memref<335872xi32, #tpu.memory_space<hbm>> -> memref<128xi32, #tpu.memory_space<hbm>>
        tpu.wait_dma2 semaphore(%arg21 : memref<!tpu.dma_semaphore, #tpu.memory_space<semaphore_mem>>) src(%dma_wait3A_195 : memref<128xi32, #tpu.memory_space<hbm>>) dst(%arg11 : memref<128xi32, #tpu.memory_space<vmem>>)
        %dma_start3A_196 = arith.constant 0 : i32
        %dma_start3A_197 = arith.constant 0 : i32
        %dma_start3A_198 = tpu.memref_slice %arg3[%dma_start3A_196, %dma_start3A_197] : memref<10000x128xf32, #tpu.memory_space<hbm>> -> memref<10000x128xf32, #tpu.memory_space<hbm>>
        tpu.enqueue_indirect_dma source(%dma_start3A_198 : memref<10000x128xf32, #tpu.memory_space<hbm>>) target(%arg15 : memref<128x128xf32, #tpu.memory_space<vmem>>) offsets(%arg11 : memref<128xi32, #tpu.memory_space<vmem>>) semaphore(%arg25 : memref<!tpu.dma_semaphore, #tpu.memory_space<semaphore_mem>>)
        %dma_wait3A_199 = arith.constant 0 : i32
        %dma_wait3A_200 = arith.constant 0 : i32
        %dma_wait3A_201 = tpu.memref_slice %arg3[%dma_wait3A_199, %dma_wait3A_200] : memref<10000x128xf32, #tpu.memory_space<hbm>> -> memref<10000x128xf32, #tpu.memory_space<hbm>>
        tpu.wait_indirect_dma semaphore(%arg26 : memref<!tpu.dma_semaphore, #tpu.memory_space<semaphore_mem>>) src(%dma_wait3A_201 : memref<10000x128xf32, #tpu.memory_space<hbm>>) dst(%arg16 : memref<128x128xf32, #tpu.memory_space<vmem>>)
        %mul3A_202 = arith.constant 128 : i32
        %mul3A_203 = arith.muli %add3A_188, %mul3A_202 : i32
        %add3A_204 = arith.addi %mul3A_30, %mul3A_203 : i32
        %dma_wait3A_205 = tpu.memref_slice %arg5[%add3A_204] : memref<335872xi32, #tpu.memory_space<hbm>> -> memref<128xi32, #tpu.memory_space<hbm>>
        %dma_wait3A_206 = tpu.memref_slice %arg5[%add3A_204] : memref<335872xi32, #tpu.memory_space<hbm>> -> memref<128xi32, #tpu.memory_space<hbm>>
        tpu.wait_dma2 semaphore(%arg24 : memref<!tpu.dma_semaphore, #tpu.memory_space<semaphore_mem>>) src(%dma_wait3A_206 : memref<128xi32, #tpu.memory_space<hbm>>) dst(%arg14 : memref<128xi32, #tpu.memory_space<vmem>>)
        "tpu.region"() ({
          %run_scoped3A = tpu.sem_alloc : memref<!tpu.dma_semaphore, #tpu.memory_space<semaphore_mem>>
          %dma_start3A_294 = arith.constant 0 : i32
          %dma_start3A_295 = arith.constant 0 : i32
          %dma_start3A_296 = tpu.memref_slice %arg18[%dma_start3A_294, %dma_start3A_295] : memref<10240x128xf32, #tpu.memory_space<vmem_shared>> -> memref<10240x128xf32, #tpu.memory_space<vmem_shared>>
          tpu.enqueue_indirect_dma source(%arg16 : memref<128x128xf32, #tpu.memory_space<vmem>>) target(%dma_start3A_296 : memref<10240x128xf32, #tpu.memory_space<vmem_shared>>) offsets(%arg14 : memref<128xi32, #tpu.memory_space<vmem>>) semaphore(%run_scoped3A : memref<!tpu.dma_semaphore, #tpu.memory_space<semaphore_mem>>) {add = true}
          %dma_wait3A_297 = arith.constant 0 : i32
          %dma_wait3A_298 = arith.constant 0 : i32
          %dma_wait3A_299 = tpu.memref_slice %arg18[%dma_wait3A_297, %dma_wait3A_298] : memref<10240x128xf32, #tpu.memory_space<vmem_shared>> -> memref<10240x128xf32, #tpu.memory_space<vmem_shared>>
          tpu.wait_indirect_dma semaphore(%run_scoped3A : memref<!tpu.dma_semaphore, #tpu.memory_space<semaphore_mem>>) src(%arg16 : memref<128x128xf32, #tpu.memory_space<vmem>>) dst(%dma_wait3A_299 : memref<10240x128xf32, #tpu.memory_space<vmem_shared>>)
          tpu.yield
        }) : () -> ()
        %add3A_207 = arith.constant 4 : i32
        %add3A_208 = arith.addi %add3A_188, %add3A_207 : i32
        %mul3A_209 = arith.constant 128 : i32
        %mul3A_210 = arith.muli %add3A_208, %mul3A_209 : i32
        %add3A_211 = arith.addi %mul3A_30, %mul3A_210 : i32
        %dma_start3A_212 = tpu.memref_slice %arg4[%add3A_211] : memref<335872xi32, #tpu.memory_space<hbm>> -> memref<128xi32, #tpu.memory_space<hbm>>
        %dma_start3A_213 = tpu.memref_slice %arg4[%add3A_211] : memref<335872xi32, #tpu.memory_space<hbm>> -> memref<128xi32, #tpu.memory_space<hbm>>
        tpu.enqueue_dma source(%dma_start3A_213 : memref<128xi32, #tpu.memory_space<hbm>>) target(%arg10 : memref<128xi32, #tpu.memory_space<vmem>>) target_semaphore(%arg20 : memref<!tpu.dma_semaphore, #tpu.memory_space<semaphore_mem>>)
        %add3A_214 = arith.constant 2 : i32
        %add3A_215 = arith.addi %add3A_188, %add3A_214 : i32
        %mul3A_216 = arith.constant 128 : i32
        %mul3A_217 = arith.muli %add3A_215, %mul3A_216 : i32
        %add3A_218 = arith.addi %mul3A_30, %mul3A_217 : i32
        %dma_start3A_219 = tpu.memref_slice %arg5[%add3A_218] : memref<335872xi32, #tpu.memory_space<hbm>> -> memref<128xi32, #tpu.memory_space<hbm>>
        %dma_start3A_220 = tpu.memref_slice %arg5[%add3A_218] : memref<335872xi32, #tpu.memory_space<hbm>> -> memref<128xi32, #tpu.memory_space<hbm>>
        tpu.enqueue_dma source(%dma_start3A_220 : memref<128xi32, #tpu.memory_space<hbm>>) target(%arg14 : memref<128xi32, #tpu.memory_space<vmem>>) target_semaphore(%arg24 : memref<!tpu.dma_semaphore, #tpu.memory_space<semaphore_mem>>)
        %mul3A_221 = arith.constant 4 : i32
        %mul3A_222 = arith.muli %mul3A_221, %scan3A_147 : i32
        %add3A_223 = arith.constant 2 : i32
        %add3A_224 = arith.addi %mul3A_222, %add3A_223 : i32
        %add3A_225 = arith.constant 1 : i32
        %add3A_226 = arith.addi %add3A_224, %add3A_225 : i32
        %mul3A_227 = arith.constant 128 : i32
        %mul3A_228 = arith.muli %add3A_226, %mul3A_227 : i32
        %add3A_229 = arith.addi %mul3A_30, %mul3A_228 : i32
        %dma_wait3A_230 = tpu.memref_slice %arg4[%add3A_229] : memref<335872xi32, #tpu.memory_space<hbm>> -> memref<128xi32, #tpu.memory_space<hbm>>
        %dma_wait3A_231 = tpu.memref_slice %arg4[%add3A_229] : memref<335872xi32, #tpu.memory_space<hbm>> -> memref<128xi32, #tpu.memory_space<hbm>>
        tpu.wait_dma2 semaphore(%arg22 : memref<!tpu.dma_semaphore, #tpu.memory_space<semaphore_mem>>) src(%dma_wait3A_231 : memref<128xi32, #tpu.memory_space<hbm>>) dst(%arg12 : memref<128xi32, #tpu.memory_space<vmem>>)
        %dma_start3A_232 = arith.constant 0 : i32
        %dma_start3A_233 = arith.constant 0 : i32
        %dma_start3A_234 = tpu.memref_slice %arg3[%dma_start3A_232, %dma_start3A_233] : memref<10000x128xf32, #tpu.memory_space<hbm>> -> memref<10000x128xf32, #tpu.memory_space<hbm>>
        tpu.enqueue_indirect_dma source(%dma_start3A_234 : memref<10000x128xf32, #tpu.memory_space<hbm>>) target(%arg16 : memref<128x128xf32, #tpu.memory_space<vmem>>) offsets(%arg12 : memref<128xi32, #tpu.memory_space<vmem>>) semaphore(%arg26 : memref<!tpu.dma_semaphore, #tpu.memory_space<semaphore_mem>>)
        %dma_wait3A_235 = arith.constant 0 : i32
        %dma_wait3A_236 = arith.constant 0 : i32
        %dma_wait3A_237 = tpu.memref_slice %arg3[%dma_wait3A_235, %dma_wait3A_236] : memref<10000x128xf32, #tpu.memory_space<hbm>> -> memref<10000x128xf32, #tpu.memory_space<hbm>>
        tpu.wait_indirect_dma semaphore(%arg25 : memref<!tpu.dma_semaphore, #tpu.memory_space<semaphore_mem>>) src(%dma_wait3A_237 : memref<10000x128xf32, #tpu.memory_space<hbm>>) dst(%arg15 : memref<128x128xf32, #tpu.memory_space<vmem>>)
        %mul3A_238 = arith.constant 128 : i32
        %mul3A_239 = arith.muli %add3A_224, %mul3A_238 : i32
        %add3A_240 = arith.addi %mul3A_30, %mul3A_239 : i32
        %dma_wait3A_241 = tpu.memref_slice %arg5[%add3A_240] : memref<335872xi32, #tpu.memory_space<hbm>> -> memref<128xi32, #tpu.memory_space<hbm>>
        %dma_wait3A_242 = tpu.memref_slice %arg5[%add3A_240] : memref<335872xi32, #tpu.memory_space<hbm>> -> memref<128xi32, #tpu.memory_space<hbm>>
        tpu.wait_dma2 semaphore(%arg23 : memref<!tpu.dma_semaphore, #tpu.memory_space<semaphore_mem>>) src(%dma_wait3A_242 : memref<128xi32, #tpu.memory_space<hbm>>) dst(%arg13 : memref<128xi32, #tpu.memory_space<vmem>>)
        "tpu.region"() ({
          %run_scoped3A = tpu.sem_alloc : memref<!tpu.dma_semaphore, #tpu.memory_space<semaphore_mem>>
          %dma_start3A_294 = arith.constant 0 : i32
          %dma_start3A_295 = arith.constant 0 : i32
          %dma_start3A_296 = tpu.memref_slice %arg18[%dma_start3A_294, %dma_start3A_295] : memref<10240x128xf32, #tpu.memory_space<vmem_shared>> -> memref<10240x128xf32, #tpu.memory_space<vmem_shared>>
          tpu.enqueue_indirect_dma source(%arg15 : memref<128x128xf32, #tpu.memory_space<vmem>>) target(%dma_start3A_296 : memref<10240x128xf32, #tpu.memory_space<vmem_shared>>) offsets(%arg13 : memref<128xi32, #tpu.memory_space<vmem>>) semaphore(%run_scoped3A : memref<!tpu.dma_semaphore, #tpu.memory_space<semaphore_mem>>) {add = true}
          %dma_wait3A_297 = arith.constant 0 : i32
          %dma_wait3A_298 = arith.constant 0 : i32
          %dma_wait3A_299 = tpu.memref_slice %arg18[%dma_wait3A_297, %dma_wait3A_298] : memref<10240x128xf32, #tpu.memory_space<vmem_shared>> -> memref<10240x128xf32, #tpu.memory_space<vmem_shared>>
          tpu.wait_indirect_dma semaphore(%run_scoped3A : memref<!tpu.dma_semaphore, #tpu.memory_space<semaphore_mem>>) src(%arg15 : memref<128x128xf32, #tpu.memory_space<vmem>>) dst(%dma_wait3A_299 : memref<10240x128xf32, #tpu.memory_space<vmem_shared>>)
          tpu.yield
        }) : () -> ()
        %add3A_243 = arith.constant 4 : i32
        %add3A_244 = arith.addi %add3A_224, %add3A_243 : i32
        %mul3A_245 = arith.constant 128 : i32
        %mul3A_246 = arith.muli %add3A_244, %mul3A_245 : i32
        %add3A_247 = arith.addi %mul3A_30, %mul3A_246 : i32
        %dma_start3A_248 = tpu.memref_slice %arg4[%add3A_247] : memref<335872xi32, #tpu.memory_space<hbm>> -> memref<128xi32, #tpu.memory_space<hbm>>
        %dma_start3A_249 = tpu.memref_slice %arg4[%add3A_247] : memref<335872xi32, #tpu.memory_space<hbm>> -> memref<128xi32, #tpu.memory_space<hbm>>
        tpu.enqueue_dma source(%dma_start3A_249 : memref<128xi32, #tpu.memory_space<hbm>>) target(%arg11 : memref<128xi32, #tpu.memory_space<vmem>>) target_semaphore(%arg21 : memref<!tpu.dma_semaphore, #tpu.memory_space<semaphore_mem>>)
        %add3A_250 = arith.constant 2 : i32
        %add3A_251 = arith.addi %add3A_224, %add3A_250 : i32
        %mul3A_252 = arith.constant 128 : i32
        %mul3A_253 = arith.muli %add3A_251, %mul3A_252 : i32
        %add3A_254 = arith.addi %mul3A_30, %mul3A_253 : i32
        %dma_start3A_255 = tpu.memref_slice %arg5[%add3A_254] : memref<335872xi32, #tpu.memory_space<hbm>> -> memref<128xi32, #tpu.memory_space<hbm>>
        %dma_start3A_256 = tpu.memref_slice %arg5[%add3A_254] : memref<335872xi32, #tpu.memory_space<hbm>> -> memref<128xi32, #tpu.memory_space<hbm>>
        tpu.enqueue_dma source(%dma_start3A_256 : memref<128xi32, #tpu.memory_space<hbm>>) target(%arg13 : memref<128xi32, #tpu.memory_space<vmem>>) target_semaphore(%arg23 : memref<!tpu.dma_semaphore, #tpu.memory_space<semaphore_mem>>)
        %mul3A_257 = arith.constant 4 : i32
        %mul3A_258 = arith.muli %mul3A_257, %scan3A_147 : i32
        %add3A_259 = arith.constant 3 : i32
        %add3A_260 = arith.addi %mul3A_258, %add3A_259 : i32
        %add3A_261 = arith.constant 1 : i32
        %add3A_262 = arith.addi %add3A_260, %add3A_261 : i32
        %mul3A_263 = arith.constant 128 : i32
        %mul3A_264 = arith.muli %add3A_262, %mul3A_263 : i32
        %add3A_265 = arith.addi %mul3A_30, %mul3A_264 : i32
        %dma_wait3A_266 = tpu.memref_slice %arg4[%add3A_265] : memref<335872xi32, #tpu.memory_space<hbm>> -> memref<128xi32, #tpu.memory_space<hbm>>
        %dma_wait3A_267 = tpu.memref_slice %arg4[%add3A_265] : memref<335872xi32, #tpu.memory_space<hbm>> -> memref<128xi32, #tpu.memory_space<hbm>>
        tpu.wait_dma2 semaphore(%arg19 : memref<!tpu.dma_semaphore, #tpu.memory_space<semaphore_mem>>) src(%dma_wait3A_267 : memref<128xi32, #tpu.memory_space<hbm>>) dst(%arg9 : memref<128xi32, #tpu.memory_space<vmem>>)
        %dma_start3A_268 = arith.constant 0 : i32
        %dma_start3A_269 = arith.constant 0 : i32
        %dma_start3A_270 = tpu.memref_slice %arg3[%dma_start3A_268, %dma_start3A_269] : memref<10000x128xf32, #tpu.memory_space<hbm>> -> memref<10000x128xf32, #tpu.memory_space<hbm>>
        tpu.enqueue_indirect_dma source(%dma_start3A_270 : memref<10000x128xf32, #tpu.memory_space<hbm>>) target(%arg15 : memref<128x128xf32, #tpu.memory_space<vmem>>) offsets(%arg9 : memref<128xi32, #tpu.memory_space<vmem>>) semaphore(%arg25 : memref<!tpu.dma_semaphore, #tpu.memory_space<semaphore_mem>>)
        %dma_wait3A_271 = arith.constant 0 : i32
        %dma_wait3A_272 = arith.constant 0 : i32
        %dma_wait3A_273 = tpu.memref_slice %arg3[%dma_wait3A_271, %dma_wait3A_272] : memref<10000x128xf32, #tpu.memory_space<hbm>> -> memref<10000x128xf32, #tpu.memory_space<hbm>>
        tpu.wait_indirect_dma semaphore(%arg26 : memref<!tpu.dma_semaphore, #tpu.memory_space<semaphore_mem>>) src(%dma_wait3A_273 : memref<10000x128xf32, #tpu.memory_space<hbm>>) dst(%arg16 : memref<128x128xf32, #tpu.memory_space<vmem>>)
        %mul3A_274 = arith.constant 128 : i32
        %mul3A_275 = arith.muli %add3A_260, %mul3A_274 : i32
        %add3A_276 = arith.addi %mul3A_30, %mul3A_275 : i32
        %dma_wait3A_277 = tpu.memref_slice %arg5[%add3A_276] : memref<335872xi32, #tpu.memory_space<hbm>> -> memref<128xi32, #tpu.memory_space<hbm>>
        %dma_wait3A_278 = tpu.memref_slice %arg5[%add3A_276] : memref<335872xi32, #tpu.memory_space<hbm>> -> memref<128xi32, #tpu.memory_space<hbm>>
        tpu.wait_dma2 semaphore(%arg24 : memref<!tpu.dma_semaphore, #tpu.memory_space<semaphore_mem>>) src(%dma_wait3A_278 : memref<128xi32, #tpu.memory_space<hbm>>) dst(%arg14 : memref<128xi32, #tpu.memory_space<vmem>>)
        "tpu.region"() ({
          %run_scoped3A = tpu.sem_alloc : memref<!tpu.dma_semaphore, #tpu.memory_space<semaphore_mem>>
          %dma_start3A_294 = arith.constant 0 : i32
          %dma_start3A_295 = arith.constant 0 : i32
          %dma_start3A_296 = tpu.memref_slice %arg18[%dma_start3A_294, %dma_start3A_295] : memref<10240x128xf32, #tpu.memory_space<vmem_shared>> -> memref<10240x128xf32, #tpu.memory_space<vmem_shared>>
          tpu.enqueue_indirect_dma source(%arg16 : memref<128x128xf32, #tpu.memory_space<vmem>>) target(%dma_start3A_296 : memref<10240x128xf32, #tpu.memory_space<vmem_shared>>) offsets(%arg14 : memref<128xi32, #tpu.memory_space<vmem>>) semaphore(%run_scoped3A : memref<!tpu.dma_semaphore, #tpu.memory_space<semaphore_mem>>) {add = true}
          %dma_wait3A_297 = arith.constant 0 : i32
          %dma_wait3A_298 = arith.constant 0 : i32
          %dma_wait3A_299 = tpu.memref_slice %arg18[%dma_wait3A_297, %dma_wait3A_298] : memref<10240x128xf32, #tpu.memory_space<vmem_shared>> -> memref<10240x128xf32, #tpu.memory_space<vmem_shared>>
          tpu.wait_indirect_dma semaphore(%run_scoped3A : memref<!tpu.dma_semaphore, #tpu.memory_space<semaphore_mem>>) src(%arg16 : memref<128x128xf32, #tpu.memory_space<vmem>>) dst(%dma_wait3A_299 : memref<10240x128xf32, #tpu.memory_space<vmem_shared>>)
          tpu.yield
        }) : () -> ()
        %add3A_279 = arith.constant 4 : i32
        %add3A_280 = arith.addi %add3A_260, %add3A_279 : i32
        %mul3A_281 = arith.constant 128 : i32
        %mul3A_282 = arith.muli %add3A_280, %mul3A_281 : i32
        %add3A_283 = arith.addi %mul3A_30, %mul3A_282 : i32
        %dma_start3A_284 = tpu.memref_slice %arg4[%add3A_283] : memref<335872xi32, #tpu.memory_space<hbm>> -> memref<128xi32, #tpu.memory_space<hbm>>
        %dma_start3A_285 = tpu.memref_slice %arg4[%add3A_283] : memref<335872xi32, #tpu.memory_space<hbm>> -> memref<128xi32, #tpu.memory_space<hbm>>
        tpu.enqueue_dma source(%dma_start3A_285 : memref<128xi32, #tpu.memory_space<hbm>>) target(%arg12 : memref<128xi32, #tpu.memory_space<vmem>>) target_semaphore(%arg22 : memref<!tpu.dma_semaphore, #tpu.memory_space<semaphore_mem>>)
        %add3A_286 = arith.constant 2 : i32
        %add3A_287 = arith.addi %add3A_260, %add3A_286 : i32
        %mul3A_288 = arith.constant 128 : i32
        %mul3A_289 = arith.muli %add3A_287, %mul3A_288 : i32
        %add3A_290 = arith.addi %mul3A_30, %mul3A_289 : i32
        %dma_start3A_291 = tpu.memref_slice %arg5[%add3A_290] : memref<335872xi32, #tpu.memory_space<hbm>> -> memref<128xi32, #tpu.memory_space<hbm>>
        %dma_start3A_292 = tpu.memref_slice %arg5[%add3A_290] : memref<335872xi32, #tpu.memory_space<hbm>> -> memref<128xi32, #tpu.memory_space<hbm>>
        tpu.enqueue_dma source(%dma_start3A_292 : memref<128xi32, #tpu.memory_space<hbm>>) target(%arg14 : memref<128xi32, #tpu.memory_space<vmem>>) target_semaphore(%arg24 : memref<!tpu.dma_semaphore, #tpu.memory_space<semaphore_mem>>)
        %scan3A_293 = arith.constant 0 : i32
        scf.yield %scan3A_293 : i32
      }
      %scan3A_89 = arith.constant 40 : i32
      %add3A_90 = arith.constant 20608 : i32
      %add3A_91 = arith.addi %mul3A_30, %add3A_90 : i32
      %dma_wait3A_92 = tpu.memref_slice %arg4[%add3A_91] : memref<335872xi32, #tpu.memory_space<hbm>> -> memref<128xi32, #tpu.memory_space<hbm>>
      %dma_wait3A_93 = tpu.memref_slice %arg4[%add3A_91] : memref<335872xi32, #tpu.memory_space<hbm>> -> memref<128xi32, #tpu.memory_space<hbm>>
      tpu.wait_dma2 semaphore(%arg20 : memref<!tpu.dma_semaphore, #tpu.memory_space<semaphore_mem>>) src(%dma_wait3A_93 : memref<128xi32, #tpu.memory_space<hbm>>) dst(%arg10 : memref<128xi32, #tpu.memory_space<vmem>>)
      %dma_start3A_94 = arith.constant 0 : i32
      %dma_start3A_95 = arith.constant 0 : i32
      %dma_start3A_96 = tpu.memref_slice %arg3[%dma_start3A_94, %dma_start3A_95] : memref<10000x128xf32, #tpu.memory_space<hbm>> -> memref<10000x128xf32, #tpu.memory_space<hbm>>
      tpu.enqueue_indirect_dma source(%dma_start3A_96 : memref<10000x128xf32, #tpu.memory_space<hbm>>) target(%arg16 : memref<128x128xf32, #tpu.memory_space<vmem>>) offsets(%arg10 : memref<128xi32, #tpu.memory_space<vmem>>) semaphore(%arg26 : memref<!tpu.dma_semaphore, #tpu.memory_space<semaphore_mem>>)
      %dma_wait3A_97 = arith.constant 0 : i32
      %dma_wait3A_98 = arith.constant 0 : i32
      %dma_wait3A_99 = tpu.memref_slice %arg3[%dma_wait3A_97, %dma_wait3A_98] : memref<10000x128xf32, #tpu.memory_space<hbm>> -> memref<10000x128xf32, #tpu.memory_space<hbm>>
      tpu.wait_indirect_dma semaphore(%arg25 : memref<!tpu.dma_semaphore, #tpu.memory_space<semaphore_mem>>) src(%dma_wait3A_99 : memref<10000x128xf32, #tpu.memory_space<hbm>>) dst(%arg15 : memref<128x128xf32, #tpu.memory_space<vmem>>)
      %add3A_100 = arith.constant 20480 : i32
      %add3A_101 = arith.addi %mul3A_30, %add3A_100 : i32
      %dma_wait3A_102 = tpu.memref_slice %arg5[%add3A_101] : memref<335872xi32, #tpu.memory_space<hbm>> -> memref<128xi32, #tpu.memory_space<hbm>>
      %dma_wait3A_103 = tpu.memref_slice %arg5[%add3A_101] : memref<335872xi32, #tpu.memory_space<hbm>> -> memref<128xi32, #tpu.memory_space<hbm>>
      tpu.wait_dma2 semaphore(%arg23 : memref<!tpu.dma_semaphore, #tpu.memory_space<semaphore_mem>>) src(%dma_wait3A_103 : memref<128xi32, #tpu.memory_space<hbm>>) dst(%arg13 : memref<128xi32, #tpu.memory_space<vmem>>)
      "tpu.region"() ({
        %run_scoped3A = tpu.sem_alloc : memref<!tpu.dma_semaphore, #tpu.memory_space<semaphore_mem>>
        %dma_start3A_147 = arith.constant 0 : i32
        %dma_start3A_148 = arith.constant 0 : i32
        %dma_start3A_149 = tpu.memref_slice %arg18[%dma_start3A_147, %dma_start3A_148] : memref<10240x128xf32, #tpu.memory_space<vmem_shared>> -> memref<10240x128xf32, #tpu.memory_space<vmem_shared>>
        tpu.enqueue_indirect_dma source(%arg15 : memref<128x128xf32, #tpu.memory_space<vmem>>) target(%dma_start3A_149 : memref<10240x128xf32, #tpu.memory_space<vmem_shared>>) offsets(%arg13 : memref<128xi32, #tpu.memory_space<vmem>>) semaphore(%run_scoped3A : memref<!tpu.dma_semaphore, #tpu.memory_space<semaphore_mem>>) {add = true}
        %dma_wait3A_150 = arith.constant 0 : i32
        %dma_wait3A_151 = arith.constant 0 : i32
        %dma_wait3A_152 = tpu.memref_slice %arg18[%dma_wait3A_150, %dma_wait3A_151] : memref<10240x128xf32, #tpu.memory_space<vmem_shared>> -> memref<10240x128xf32, #tpu.memory_space<vmem_shared>>
        tpu.wait_indirect_dma semaphore(%run_scoped3A : memref<!tpu.dma_semaphore, #tpu.memory_space<semaphore_mem>>) src(%arg15 : memref<128x128xf32, #tpu.memory_space<vmem>>) dst(%dma_wait3A_152 : memref<10240x128xf32, #tpu.memory_space<vmem_shared>>)
        tpu.yield
      }) : () -> ()
      %add3A_104 = arith.constant 20736 : i32
      %add3A_105 = arith.addi %mul3A_30, %add3A_104 : i32
      %dma_start3A_106 = tpu.memref_slice %arg5[%add3A_105] : memref<335872xi32, #tpu.memory_space<hbm>> -> memref<128xi32, #tpu.memory_space<hbm>>
      %dma_start3A_107 = tpu.memref_slice %arg5[%add3A_105] : memref<335872xi32, #tpu.memory_space<hbm>> -> memref<128xi32, #tpu.memory_space<hbm>>
      tpu.enqueue_dma source(%dma_start3A_107 : memref<128xi32, #tpu.memory_space<hbm>>) target(%arg13 : memref<128xi32, #tpu.memory_space<vmem>>) target_semaphore(%arg23 : memref<!tpu.dma_semaphore, #tpu.memory_space<semaphore_mem>>)
      %add3A_108 = arith.constant 20736 : i32
      %add3A_109 = arith.addi %mul3A_30, %add3A_108 : i32
      %dma_wait3A_110 = tpu.memref_slice %arg4[%add3A_109] : memref<335872xi32, #tpu.memory_space<hbm>> -> memref<128xi32, #tpu.memory_space<hbm>>
      %dma_wait3A_111 = tpu.memref_slice %arg4[%add3A_109] : memref<335872xi32, #tpu.memory_space<hbm>> -> memref<128xi32, #tpu.memory_space<hbm>>
      tpu.wait_dma2 semaphore(%arg21 : memref<!tpu.dma_semaphore, #tpu.memory_space<semaphore_mem>>) src(%dma_wait3A_111 : memref<128xi32, #tpu.memory_space<hbm>>) dst(%arg11 : memref<128xi32, #tpu.memory_space<vmem>>)
      %dma_start3A_112 = arith.constant 0 : i32
      %dma_start3A_113 = arith.constant 0 : i32
      %dma_start3A_114 = tpu.memref_slice %arg3[%dma_start3A_112, %dma_start3A_113] : memref<10000x128xf32, #tpu.memory_space<hbm>> -> memref<10000x128xf32, #tpu.memory_space<hbm>>
      tpu.enqueue_indirect_dma source(%dma_start3A_114 : memref<10000x128xf32, #tpu.memory_space<hbm>>) target(%arg15 : memref<128x128xf32, #tpu.memory_space<vmem>>) offsets(%arg11 : memref<128xi32, #tpu.memory_space<vmem>>) semaphore(%arg25 : memref<!tpu.dma_semaphore, #tpu.memory_space<semaphore_mem>>)
      %dma_wait3A_115 = arith.constant 0 : i32
      %dma_wait3A_116 = arith.constant 0 : i32
      %dma_wait3A_117 = tpu.memref_slice %arg3[%dma_wait3A_115, %dma_wait3A_116] : memref<10000x128xf32, #tpu.memory_space<hbm>> -> memref<10000x128xf32, #tpu.memory_space<hbm>>
      tpu.wait_indirect_dma semaphore(%arg26 : memref<!tpu.dma_semaphore, #tpu.memory_space<semaphore_mem>>) src(%dma_wait3A_117 : memref<10000x128xf32, #tpu.memory_space<hbm>>) dst(%arg16 : memref<128x128xf32, #tpu.memory_space<vmem>>)
      %add3A_118 = arith.constant 20608 : i32
      %add3A_119 = arith.addi %mul3A_30, %add3A_118 : i32
      %dma_wait3A_120 = tpu.memref_slice %arg5[%add3A_119] : memref<335872xi32, #tpu.memory_space<hbm>> -> memref<128xi32, #tpu.memory_space<hbm>>
      %dma_wait3A_121 = tpu.memref_slice %arg5[%add3A_119] : memref<335872xi32, #tpu.memory_space<hbm>> -> memref<128xi32, #tpu.memory_space<hbm>>
      tpu.wait_dma2 semaphore(%arg24 : memref<!tpu.dma_semaphore, #tpu.memory_space<semaphore_mem>>) src(%dma_wait3A_121 : memref<128xi32, #tpu.memory_space<hbm>>) dst(%arg14 : memref<128xi32, #tpu.memory_space<vmem>>)
      "tpu.region"() ({
        %run_scoped3A = tpu.sem_alloc : memref<!tpu.dma_semaphore, #tpu.memory_space<semaphore_mem>>
        %dma_start3A_147 = arith.constant 0 : i32
        %dma_start3A_148 = arith.constant 0 : i32
        %dma_start3A_149 = tpu.memref_slice %arg18[%dma_start3A_147, %dma_start3A_148] : memref<10240x128xf32, #tpu.memory_space<vmem_shared>> -> memref<10240x128xf32, #tpu.memory_space<vmem_shared>>
        tpu.enqueue_indirect_dma source(%arg16 : memref<128x128xf32, #tpu.memory_space<vmem>>) target(%dma_start3A_149 : memref<10240x128xf32, #tpu.memory_space<vmem_shared>>) offsets(%arg14 : memref<128xi32, #tpu.memory_space<vmem>>) semaphore(%run_scoped3A : memref<!tpu.dma_semaphore, #tpu.memory_space<semaphore_mem>>) {add = true}
        %dma_wait3A_150 = arith.constant 0 : i32
        %dma_wait3A_151 = arith.constant 0 : i32
        %dma_wait3A_152 = tpu.memref_slice %arg18[%dma_wait3A_150, %dma_wait3A_151] : memref<10240x128xf32, #tpu.memory_space<vmem_shared>> -> memref<10240x128xf32, #tpu.memory_space<vmem_shared>>
        tpu.wait_indirect_dma semaphore(%run_scoped3A : memref<!tpu.dma_semaphore, #tpu.memory_space<semaphore_mem>>) src(%arg16 : memref<128x128xf32, #tpu.memory_space<vmem>>) dst(%dma_wait3A_152 : memref<10240x128xf32, #tpu.memory_space<vmem_shared>>)
        tpu.yield
      }) : () -> ()
      %add3A_122 = arith.constant 20864 : i32
      %add3A_123 = arith.addi %mul3A_30, %add3A_122 : i32
      %dma_start3A_124 = tpu.memref_slice %arg5[%add3A_123] : memref<335872xi32, #tpu.memory_space<hbm>> -> memref<128xi32, #tpu.memory_space<hbm>>
      %dma_start3A_125 = tpu.memref_slice %arg5[%add3A_123] : memref<335872xi32, #tpu.memory_space<hbm>> -> memref<128xi32, #tpu.memory_space<hbm>>
      tpu.enqueue_dma source(%dma_start3A_125 : memref<128xi32, #tpu.memory_space<hbm>>) target(%arg14 : memref<128xi32, #tpu.memory_space<vmem>>) target_semaphore(%arg24 : memref<!tpu.dma_semaphore, #tpu.memory_space<semaphore_mem>>)
      %add3A_126 = arith.constant 20864 : i32
      %add3A_127 = arith.addi %mul3A_30, %add3A_126 : i32
      %dma_wait3A_128 = tpu.memref_slice %arg4[%add3A_127] : memref<335872xi32, #tpu.memory_space<hbm>> -> memref<128xi32, #tpu.memory_space<hbm>>
      %dma_wait3A_129 = tpu.memref_slice %arg4[%add3A_127] : memref<335872xi32, #tpu.memory_space<hbm>> -> memref<128xi32, #tpu.memory_space<hbm>>
      tpu.wait_dma2 semaphore(%arg22 : memref<!tpu.dma_semaphore, #tpu.memory_space<semaphore_mem>>) src(%dma_wait3A_129 : memref<128xi32, #tpu.memory_space<hbm>>) dst(%arg12 : memref<128xi32, #tpu.memory_space<vmem>>)
      %dma_start3A_130 = arith.constant 0 : i32
      %dma_start3A_131 = arith.constant 0 : i32
      %dma_start3A_132 = tpu.memref_slice %arg3[%dma_start3A_130, %dma_start3A_131] : memref<10000x128xf32, #tpu.memory_space<hbm>> -> memref<10000x128xf32, #tpu.memory_space<hbm>>
      tpu.enqueue_indirect_dma source(%dma_start3A_132 : memref<10000x128xf32, #tpu.memory_space<hbm>>) target(%arg16 : memref<128x128xf32, #tpu.memory_space<vmem>>) offsets(%arg12 : memref<128xi32, #tpu.memory_space<vmem>>) semaphore(%arg26 : memref<!tpu.dma_semaphore, #tpu.memory_space<semaphore_mem>>)
      %dma_wait3A_133 = arith.constant 0 : i32
      %dma_wait3A_134 = arith.constant 0 : i32
      %dma_wait3A_135 = tpu.memref_slice %arg3[%dma_wait3A_133, %dma_wait3A_134] : memref<10000x128xf32, #tpu.memory_space<hbm>> -> memref<10000x128xf32, #tpu.memory_space<hbm>>
      tpu.wait_indirect_dma semaphore(%arg25 : memref<!tpu.dma_semaphore, #tpu.memory_space<semaphore_mem>>) src(%dma_wait3A_135 : memref<10000x128xf32, #tpu.memory_space<hbm>>) dst(%arg15 : memref<128x128xf32, #tpu.memory_space<vmem>>)
      %add3A_136 = arith.constant 20736 : i32
      %add3A_137 = arith.addi %mul3A_30, %add3A_136 : i32
      %dma_wait3A_138 = tpu.memref_slice %arg5[%add3A_137] : memref<335872xi32, #tpu.memory_space<hbm>> -> memref<128xi32, #tpu.memory_space<hbm>>
      %dma_wait3A_139 = tpu.memref_slice %arg5[%add3A_137] : memref<335872xi32, #tpu.memory_space<hbm>> -> memref<128xi32, #tpu.memory_space<hbm>>
      tpu.wait_dma2 semaphore(%arg23 : memref<!tpu.dma_semaphore, #tpu.memory_space<semaphore_mem>>) src(%dma_wait3A_139 : memref<128xi32, #tpu.memory_space<hbm>>) dst(%arg13 : memref<128xi32, #tpu.memory_space<vmem>>)
      "tpu.region"() ({
        %run_scoped3A = tpu.sem_alloc : memref<!tpu.dma_semaphore, #tpu.memory_space<semaphore_mem>>
        %dma_start3A_147 = arith.constant 0 : i32
        %dma_start3A_148 = arith.constant 0 : i32
        %dma_start3A_149 = tpu.memref_slice %arg18[%dma_start3A_147, %dma_start3A_148] : memref<10240x128xf32, #tpu.memory_space<vmem_shared>> -> memref<10240x128xf32, #tpu.memory_space<vmem_shared>>
        tpu.enqueue_indirect_dma source(%arg15 : memref<128x128xf32, #tpu.memory_space<vmem>>) target(%dma_start3A_149 : memref<10240x128xf32, #tpu.memory_space<vmem_shared>>) offsets(%arg13 : memref<128xi32, #tpu.memory_space<vmem>>) semaphore(%run_scoped3A : memref<!tpu.dma_semaphore, #tpu.memory_space<semaphore_mem>>) {add = true}
        %dma_wait3A_150 = arith.constant 0 : i32
        %dma_wait3A_151 = arith.constant 0 : i32
        %dma_wait3A_152 = tpu.memref_slice %arg18[%dma_wait3A_150, %dma_wait3A_151] : memref<10240x128xf32, #tpu.memory_space<vmem_shared>> -> memref<10240x128xf32, #tpu.memory_space<vmem_shared>>
        tpu.wait_indirect_dma semaphore(%run_scoped3A : memref<!tpu.dma_semaphore, #tpu.memory_space<semaphore_mem>>) src(%arg15 : memref<128x128xf32, #tpu.memory_space<vmem>>) dst(%dma_wait3A_152 : memref<10240x128xf32, #tpu.memory_space<vmem_shared>>)
        tpu.yield
      }) : () -> ()
      %dma_wait3A_140 = arith.constant 0 : i32
      %dma_wait3A_141 = arith.constant 0 : i32
      %dma_wait3A_142 = tpu.memref_slice %arg3[%dma_wait3A_140, %dma_wait3A_141] : memref<10000x128xf32, #tpu.memory_space<hbm>> -> memref<10000x128xf32, #tpu.memory_space<hbm>>
      tpu.wait_indirect_dma semaphore(%arg26 : memref<!tpu.dma_semaphore, #tpu.memory_space<semaphore_mem>>) src(%dma_wait3A_142 : memref<10000x128xf32, #tpu.memory_space<hbm>>) dst(%arg16 : memref<128x128xf32, #tpu.memory_space<vmem>>)
      %add3A_143 = arith.constant 20864 : i32
      %add3A_144 = arith.addi %mul3A_30, %add3A_143 : i32
      %dma_wait3A_145 = tpu.memref_slice %arg5[%add3A_144] : memref<335872xi32, #tpu.memory_space<hbm>> -> memref<128xi32, #tpu.memory_space<hbm>>
      %dma_wait3A_146 = tpu.memref_slice %arg5[%add3A_144] : memref<335872xi32, #tpu.memory_space<hbm>> -> memref<128xi32, #tpu.memory_space<hbm>>
      tpu.wait_dma2 semaphore(%arg24 : memref<!tpu.dma_semaphore, #tpu.memory_space<semaphore_mem>>) src(%dma_wait3A_146 : memref<128xi32, #tpu.memory_space<hbm>>) dst(%arg14 : memref<128xi32, #tpu.memory_space<vmem>>)
      "tpu.region"() ({
        %run_scoped3A = tpu.sem_alloc : memref<!tpu.dma_semaphore, #tpu.memory_space<semaphore_mem>>
        %dma_start3A_147 = arith.constant 0 : i32
        %dma_start3A_148 = arith.constant 0 : i32
        %dma_start3A_149 = tpu.memref_slice %arg18[%dma_start3A_147, %dma_start3A_148] : memref<10240x128xf32, #tpu.memory_space<vmem_shared>> -> memref<10240x128xf32, #tpu.memory_space<vmem_shared>>
        tpu.enqueue_indirect_dma source(%arg16 : memref<128x128xf32, #tpu.memory_space<vmem>>) target(%dma_start3A_149 : memref<10240x128xf32, #tpu.memory_space<vmem_shared>>) offsets(%arg14 : memref<128xi32, #tpu.memory_space<vmem>>) semaphore(%run_scoped3A : memref<!tpu.dma_semaphore, #tpu.memory_space<semaphore_mem>>) {add = true}
        %dma_wait3A_150 = arith.constant 0 : i32
        %dma_wait3A_151 = arith.constant 0 : i32
        %dma_wait3A_152 = tpu.memref_slice %arg18[%dma_wait3A_150, %dma_wait3A_151] : memref<10240x128xf32, #tpu.memory_space<vmem_shared>> -> memref<10240x128xf32, #tpu.memory_space<vmem_shared>>
        tpu.wait_indirect_dma semaphore(%run_scoped3A : memref<!tpu.dma_semaphore, #tpu.memory_space<semaphore_mem>>) src(%arg16 : memref<128x128xf32, #tpu.memory_space<vmem>>) dst(%dma_wait3A_152 : memref<10240x128xf32, #tpu.memory_space<vmem_shared>>)
        tpu.yield
      }) : () -> ()
    } else {
    }
    %barrier3A_41 = arith.constant 0 : index
    tpu.barrier barrier_id(%barrier3A_41)
    %eq3A_42 = arith.constant 0 : i32
    %eq3A_43 = arith.cmpi eq, %arg0, %eq3A_42 : i32
    %convert_element_type3A_44 = arith.extui %eq3A_43 : i1 to i32
    %cond3A_45 = arith.constant 0 : i32
    %cond3A_46 = arith.cmpi ne, %convert_element_type3A_44, %cond3A_45 : i32
    scf.if %cond3A_46 {
      %mul3A_52 = arith.constant 640 : i32
      %mul3A_53 = arith.muli %arg1, %mul3A_52 : i32
      %mul3A_54 = arith.constant 640 : i32
      %mul3A_55 = arith.muli %arg1, %mul3A_54 : i32
      "tpu.region"() ({
        %run_scoped3A = tpu.sem_alloc : memref<!tpu.dma_semaphore, #tpu.memory_space<semaphore_mem>>
        %dma_start3A = arith.constant 0 : i32
        %dma_start3A_56 = tpu.memref_slice %arg6[%mul3A_55, %dma_start3A] : memref<10240x128xf32, #tpu.memory_space<hbm>> -> memref<640x128xf32, #tpu.memory_space<hbm>>
        %dma_start3A_57 = arith.constant 0 : i32
        %dma_start3A_58 = tpu.memref_slice %arg18[%mul3A_53, %dma_start3A_57] : memref<10240x128xf32, #tpu.memory_space<vmem_shared>> -> memref<640x128xf32, #tpu.memory_space<vmem_shared>>
        tpu.enqueue_dma source(%dma_start3A_58 : memref<640x128xf32, #tpu.memory_space<vmem_shared>>) target(%dma_start3A_56 : memref<640x128xf32, #tpu.memory_space<hbm>>) target_semaphore(%run_scoped3A : memref<!tpu.dma_semaphore, #tpu.memory_space<semaphore_mem>>)
        %dma_wait3A = arith.constant 0 : i32
        %dma_wait3A_59 = tpu.memref_slice %arg6[%mul3A_55, %dma_wait3A] : memref<10240x128xf32, #tpu.memory_space<hbm>> -> memref<640x128xf32, #tpu.memory_space<hbm>>
        %dma_wait3A_60 = arith.constant 0 : i32
        %dma_wait3A_61 = tpu.memref_slice %arg18[%mul3A_53, %dma_wait3A_60] : memref<10240x128xf32, #tpu.memory_space<vmem_shared>> -> memref<640x128xf32, #tpu.memory_space<vmem_shared>>
        tpu.wait_dma2 semaphore(%run_scoped3A : memref<!tpu.dma_semaphore, #tpu.memory_space<semaphore_mem>>) src(%dma_wait3A_61 : memref<640x128xf32, #tpu.memory_space<vmem_shared>>) dst(%dma_wait3A_59 : memref<640x128xf32, #tpu.memory_space<hbm>>)
        tpu.yield
      }) : () -> ()
    } else {
    }
    %eq3A_47 = arith.constant 1 : i32
    %eq3A_48 = arith.cmpi eq, %arg0, %eq3A_47 : i32
    %convert_element_type3A_49 = arith.extui %eq3A_48 : i1 to i32
    %cond3A_50 = arith.constant 0 : i32
    %cond3A_51 = arith.cmpi ne, %convert_element_type3A_49, %cond3A_50 : i32
    scf.if %cond3A_51 {
      %mul3A_52 = arith.constant 640 : i32
      %mul3A_53 = arith.muli %arg1, %mul3A_52 : i32
      %mul3A_54 = arith.constant 640 : i32
      %mul3A_55 = arith.muli %arg1, %mul3A_54 : i32
      "tpu.region"() ({
        %run_scoped3A = tpu.sem_alloc : memref<!tpu.dma_semaphore, #tpu.memory_space<semaphore_mem>>
        %dma_start3A = arith.constant 0 : i32
        %dma_start3A_56 = tpu.memref_slice %arg7[%mul3A_55, %dma_start3A] : memref<10240x128xf32, #tpu.memory_space<hbm>> -> memref<640x128xf32, #tpu.memory_space<hbm>>
        %dma_start3A_57 = arith.constant 0 : i32
        %dma_start3A_58 = tpu.memref_slice %arg18[%mul3A_53, %dma_start3A_57] : memref<10240x128xf32, #tpu.memory_space<vmem_shared>> -> memref<640x128xf32, #tpu.memory_space<vmem_shared>>
        tpu.enqueue_dma source(%dma_start3A_58 : memref<640x128xf32, #tpu.memory_space<vmem_shared>>) target(%dma_start3A_56 : memref<640x128xf32, #tpu.memory_space<hbm>>) target_semaphore(%run_scoped3A : memref<!tpu.dma_semaphore, #tpu.memory_space<semaphore_mem>>)
        %dma_wait3A = arith.constant 0 : i32
        %dma_wait3A_59 = tpu.memref_slice %arg7[%mul3A_55, %dma_wait3A] : memref<10240x128xf32, #tpu.memory_space<hbm>> -> memref<640x128xf32, #tpu.memory_space<hbm>>
        %dma_wait3A_60 = arith.constant 0 : i32
        %dma_wait3A_61 = tpu.memref_slice %arg18[%mul3A_53, %dma_wait3A_60] : memref<10240x128xf32, #tpu.memory_space<vmem_shared>> -> memref<640x128xf32, #tpu.memory_space<vmem_shared>>
        tpu.wait_dma2 semaphore(%run_scoped3A : memref<!tpu.dma_semaphore, #tpu.memory_space<semaphore_mem>>) src(%dma_wait3A_61 : memref<640x128xf32, #tpu.memory_space<vmem_shared>>) dst(%dma_wait3A_59 : memref<640x128xf32, #tpu.memory_space<hbm>>)
        tpu.yield
      }) : () -> ()
    } else {
    }
    return
  }
}

#map = affine_map<(d0, d1) -> (0, 0)>
#map1 = affine_map<(d0, d1) -> (0)>
module attributes {stable_mosaic.version = 14 : i64} {
  func.func @_seg2_body(%arg0: i32, %arg1: i32, %arg2: memref<10000x128xf32, #tpu.memory_space<hbm>>, %arg3: memref<335872xi32, #tpu.memory_space<hbm>>, %arg4: memref<335872xi32, #tpu.memory_space<hbm>>, %arg5: memref<10240x128xf32, #tpu.memory_space<hbm>>, %arg6: memref<10240x128xf32, #tpu.memory_space<hbm>>, %arg7: memref<128xi32, #tpu.memory_space<vmem>>, %arg8: memref<128xi32, #tpu.memory_space<vmem>>, %arg9: memref<128xi32, #tpu.memory_space<vmem>>, %arg10: memref<128xi32, #tpu.memory_space<vmem>>, %arg11: memref<128xi32, #tpu.memory_space<vmem>>, %arg12: memref<128xi32, #tpu.memory_space<vmem>>, %arg13: memref<128x128xf32, #tpu.memory_space<vmem>>, %arg14: memref<128x128xf32, #tpu.memory_space<vmem>>, %arg15: memref<10240x128xf32, #tpu.memory_space<vmem_shared>>, %arg16: memref<!tpu.dma_semaphore, #tpu.memory_space<semaphore_mem>>, %arg17: memref<!tpu.dma_semaphore, #tpu.memory_space<semaphore_mem>>, %arg18: memref<!tpu.dma_semaphore, #tpu.memory_space<semaphore_mem>>, %arg19: memref<!tpu.dma_semaphore, #tpu.memory_space<semaphore_mem>>, %arg20: memref<!tpu.dma_semaphore, #tpu.memory_space<semaphore_mem>>, %arg21: memref<!tpu.dma_semaphore, #tpu.memory_space<semaphore_mem>>, %arg22: memref<!tpu.dma_semaphore, #tpu.memory_space<semaphore_mem>>, %arg23: memref<!tpu.dma_semaphore, #tpu.memory_space<semaphore_mem>>) attributes {dimension_semantics = [#tpu.dimension_semantics<core_parallel>, #tpu.dimension_semantics<subcore_parallel>], iteration_bounds = array<i64: 2, 16>, scalar_prefetch = 0 : i64, scratch_operands = 17 : i64, tpu.core_type = #tpu.core_type<sc_vector_subcore>, window_params = [{transform_indices = #map}, {transform_indices = #map1}, {transform_indices = #map1}, {transform_indices = #map}, {transform_indices = #map}]} {
    %broadcast_in_dim3A = arith.constant 0.000000e+00 : f32
    %broadcast_in_dim3A_0 = vector.broadcast %broadcast_in_dim3A : f32 to vector<16xf32>
    %scan3A = arith.constant 0 : i32
    %scan3A_1 = arith.constant 0 : i32
    %scan3A_2 = arith.constant 1024 : i32
    %scan3A_3 = arith.addi %scan3A_1, %scan3A_2 : i32
    %scan3A_4 = arith.constant 1 : i32
    %scan3A_5 = scf.for %scan3A_177 = %scan3A_1 to %scan3A_3 step %scan3A_4 iter_args(%scan3A_178 = %scan3A) -> (i32)  : i32 {
      %jit3A = arith.constant 8 : i32
      %div3A = arith.divsi %scan3A_177, %jit3A : i32
      %sign3A = arith.constant 0 : i32
      %sign3A_179 = arith.cmpi sgt, %scan3A_177, %sign3A : i32
      %sign3A_180 = arith.extui %sign3A_179 : i1 to i32
      %sign3A_181 = arith.constant 0 : i32
      %sign3A_182 = arith.cmpi slt, %scan3A_177, %sign3A_181 : i32
      %sign3A_183 = arith.extui %sign3A_182 : i1 to i32
      %sign3A_184 = arith.subi %sign3A_180, %sign3A_183 : i32
      %sign3A_185 = arith.constant 0 : i32
      %sign3A_186 = arith.cmpi sgt, %jit3A, %sign3A_185 : i32
      %sign3A_187 = arith.extui %sign3A_186 : i1 to i32
      %sign3A_188 = arith.constant 0 : i32
      %sign3A_189 = arith.cmpi slt, %jit3A, %sign3A_188 : i32
      %sign3A_190 = arith.extui %sign3A_189 : i1 to i32
      %sign3A_191 = arith.subi %sign3A_187, %sign3A_190 : i32
      %ne3A = arith.cmpi ne, %sign3A_184, %sign3A_191 : i32
      %rem3A = arith.remsi %scan3A_177, %jit3A : i32
      %ne3A_192 = arith.constant 0 : i32
      %ne3A_193 = arith.cmpi ne, %rem3A, %ne3A_192 : i32
      %and3A = arith.andi %ne3A, %ne3A_193 : i1
      %sub3A = arith.constant 1 : i32
      %sub3A_194 = arith.subi %div3A, %sub3A : i32
      %select_n3A = arith.select %and3A, %sub3A_194, %div3A : i32
      %jit3A_195 = arith.constant 8 : i32
      %eq3A_196 = arith.constant 0 : i32
      %eq3A_197 = arith.cmpi eq, %jit3A_195, %eq3A_196 : i32
      %jit3A_198 = arith.constant 1 : i32
      %select_n3A_199 = arith.select %eq3A_197, %jit3A_198, %jit3A_195 : i32
      %rem3A_200 = arith.remsi %scan3A_177, %select_n3A_199 : i32
      %ne3A_201 = arith.constant 0 : i32
      %ne3A_202 = arith.cmpi ne, %rem3A_200, %ne3A_201 : i32
      %lt3A = arith.constant 0 : i32
      %lt3A_203 = arith.cmpi slt, %rem3A_200, %lt3A : i32
      %lt3A_204 = arith.constant 0 : i32
      %lt3A_205 = arith.cmpi slt, %select_n3A_199, %lt3A_204 : i32
      %ne3A_206 = arith.xori %lt3A_203, %lt3A_205 : i1
      %and3A_207 = arith.andi %ne3A_206, %ne3A_202 : i1
      %add3A_208 = arith.addi %rem3A_200, %select_n3A_199 : i32
      %select_n3A_209 = arith.select %and3A_207, %add3A_208, %rem3A_200 : i32
      %mul3A_210 = arith.constant 16 : i32
      %mul3A_211 = arith.muli %select_n3A_209, %mul3A_210 : i32
      %swap3A = arith.index_cast %select_n3A : i32 to index
      %swap3A_212 = arith.index_cast %mul3A_211 : i32 to index
      %swap3A_213 = tpu.vector_load %arg13[%swap3A, %swap3A_212] {strides = array<i32>} : memref<128x128xf32, #tpu.memory_space<vmem>>, vector<16xf32>,
      tpu.vector_store %arg13[%swap3A, %swap3A_212], %broadcast_in_dim3A_0 {strides = array<i32>} : memref<128x128xf32, #tpu.memory_space<vmem>>, vector<16xf32>,
      %scan3A_214 = arith.constant 0 : i32
      scf.yield %scan3A_214 : i32
    }
    %scan3A_6 = arith.constant 1024 : i32
    %mul3A = arith.constant 640 : i32
    %mul3A_7 = arith.muli %arg1, %mul3A : i32
    %add3A = arith.constant 0 : i32
    %add3A_8 = arith.addi %mul3A_7, %add3A : i32
    "tpu.region"() ({
      %run_scoped3A = tpu.sem_alloc : memref<!tpu.dma_semaphore, #tpu.memory_space<semaphore_mem>>
      %dma_start3A_177 = arith.constant 0 : i32
      %dma_start3A_178 = tpu.memref_slice %arg15[%add3A_8, %dma_start3A_177] : memref<10240x128xf32, #tpu.memory_space<vmem_shared>> -> memref<128x128xf32, #tpu.memory_space<vmem_shared>>
      %dma_start3A_179 = arith.constant 0 : i32
      %dma_start3A_180 = tpu.memref_slice %arg15[%add3A_8, %dma_start3A_179] : memref<10240x128xf32, #tpu.memory_space<vmem_shared>> -> memref<128x128xf32, #tpu.memory_space<vmem_shared>>
      tpu.enqueue_dma source(%arg13 : memref<128x128xf32, #tpu.memory_space<vmem>>) target(%dma_start3A_180 : memref<128x128xf32, #tpu.memory_space<vmem_shared>>) target_semaphore(%run_scoped3A : memref<!tpu.dma_semaphore, #tpu.memory_space<semaphore_mem>>)
      %dma_wait3A_181 = arith.constant 0 : i32
      %dma_wait3A_182 = tpu.memref_slice %arg15[%add3A_8, %dma_wait3A_181] : memref<10240x128xf32, #tpu.memory_space<vmem_shared>> -> memref<128x128xf32, #tpu.memory_space<vmem_shared>>
      %dma_wait3A_183 = arith.constant 0 : i32
      %dma_wait3A_184 = tpu.memref_slice %arg15[%add3A_8, %dma_wait3A_183] : memref<10240x128xf32, #tpu.memory_space<vmem_shared>> -> memref<128x128xf32, #tpu.memory_space<vmem_shared>>
      tpu.wait_dma2 semaphore(%run_scoped3A : memref<!tpu.dma_semaphore, #tpu.memory_space<semaphore_mem>>) src(%arg13 : memref<128x128xf32, #tpu.memory_space<vmem>>) dst(%dma_wait3A_184 : memref<128x128xf32, #tpu.memory_space<vmem_shared>>)
      tpu.yield
    }) : () -> ()
    %mul3A_9 = arith.constant 640 : i32
    %mul3A_10 = arith.muli %arg1, %mul3A_9 : i32
    %add3A_11 = arith.constant 128 : i32
    %add3A_12 = arith.addi %mul3A_10, %add3A_11 : i32
    "tpu.region"() ({
      %run_scoped3A = tpu.sem_alloc : memref<!tpu.dma_semaphore, #tpu.memory_space<semaphore_mem>>
      %dma_start3A_177 = arith.constant 0 : i32
      %dma_start3A_178 = tpu.memref_slice %arg15[%add3A_12, %dma_start3A_177] : memref<10240x128xf32, #tpu.memory_space<vmem_shared>> -> memref<128x128xf32, #tpu.memory_space<vmem_shared>>
      %dma_start3A_179 = arith.constant 0 : i32
      %dma_start3A_180 = tpu.memref_slice %arg15[%add3A_12, %dma_start3A_179] : memref<10240x128xf32, #tpu.memory_space<vmem_shared>> -> memref<128x128xf32, #tpu.memory_space<vmem_shared>>
      tpu.enqueue_dma source(%arg13 : memref<128x128xf32, #tpu.memory_space<vmem>>) target(%dma_start3A_180 : memref<128x128xf32, #tpu.memory_space<vmem_shared>>) target_semaphore(%run_scoped3A : memref<!tpu.dma_semaphore, #tpu.memory_space<semaphore_mem>>)
      %dma_wait3A_181 = arith.constant 0 : i32
      %dma_wait3A_182 = tpu.memref_slice %arg15[%add3A_12, %dma_wait3A_181] : memref<10240x128xf32, #tpu.memory_space<vmem_shared>> -> memref<128x128xf32, #tpu.memory_space<vmem_shared>>
      %dma_wait3A_183 = arith.constant 0 : i32
      %dma_wait3A_184 = tpu.memref_slice %arg15[%add3A_12, %dma_wait3A_183] : memref<10240x128xf32, #tpu.memory_space<vmem_shared>> -> memref<128x128xf32, #tpu.memory_space<vmem_shared>>
      tpu.wait_dma2 semaphore(%run_scoped3A : memref<!tpu.dma_semaphore, #tpu.memory_space<semaphore_mem>>) src(%arg13 : memref<128x128xf32, #tpu.memory_space<vmem>>) dst(%dma_wait3A_184 : memref<128x128xf32, #tpu.memory_space<vmem_shared>>)
      tpu.yield
    }) : () -> ()
    %mul3A_13 = arith.constant 640 : i32
    %mul3A_14 = arith.muli %arg1, %mul3A_13 : i32
    %add3A_15 = arith.constant 256 : i32
    %add3A_16 = arith.addi %mul3A_14, %add3A_15 : i32
    "tpu.region"() ({
      %run_scoped3A = tpu.sem_alloc : memref<!tpu.dma_semaphore, #tpu.memory_space<semaphore_mem>>
      %dma_start3A_177 = arith.constant 0 : i32
      %dma_start3A_178 = tpu.memref_slice %arg15[%add3A_16, %dma_start3A_177] : memref<10240x128xf32, #tpu.memory_space<vmem_shared>> -> memref<128x128xf32, #tpu.memory_space<vmem_shared>>
      %dma_start3A_179 = arith.constant 0 : i32
      %dma_start3A_180 = tpu.memref_slice %arg15[%add3A_16, %dma_start3A_179] : memref<10240x128xf32, #tpu.memory_space<vmem_shared>> -> memref<128x128xf32, #tpu.memory_space<vmem_shared>>
      tpu.enqueue_dma source(%arg13 : memref<128x128xf32, #tpu.memory_space<vmem>>) target(%dma_start3A_180 : memref<128x128xf32, #tpu.memory_space<vmem_shared>>) target_semaphore(%run_scoped3A : memref<!tpu.dma_semaphore, #tpu.memory_space<semaphore_mem>>)
      %dma_wait3A_181 = arith.constant 0 : i32
      %dma_wait3A_182 = tpu.memref_slice %arg15[%add3A_16, %dma_wait3A_181] : memref<10240x128xf32, #tpu.memory_space<vmem_shared>> -> memref<128x128xf32, #tpu.memory_space<vmem_shared>>
      %dma_wait3A_183 = arith.constant 0 : i32
      %dma_wait3A_184 = tpu.memref_slice %arg15[%add3A_16, %dma_wait3A_183] : memref<10240x128xf32, #tpu.memory_space<vmem_shared>> -> memref<128x128xf32, #tpu.memory_space<vmem_shared>>
      tpu.wait_dma2 semaphore(%run_scoped3A : memref<!tpu.dma_semaphore, #tpu.memory_space<semaphore_mem>>) src(%arg13 : memref<128x128xf32, #tpu.memory_space<vmem>>) dst(%dma_wait3A_184 : memref<128x128xf32, #tpu.memory_space<vmem_shared>>)
      tpu.yield
    }) : () -> ()
    %mul3A_17 = arith.constant 640 : i32
    %mul3A_18 = arith.muli %arg1, %mul3A_17 : i32
    %add3A_19 = arith.constant 384 : i32
    %add3A_20 = arith.addi %mul3A_18, %add3A_19 : i32
    "tpu.region"() ({
      %run_scoped3A = tpu.sem_alloc : memref<!tpu.dma_semaphore, #tpu.memory_space<semaphore_mem>>
      %dma_start3A_177 = arith.constant 0 : i32
      %dma_start3A_178 = tpu.memref_slice %arg15[%add3A_20, %dma_start3A_177] : memref<10240x128xf32, #tpu.memory_space<vmem_shared>> -> memref<128x128xf32, #tpu.memory_space<vmem_shared>>
      %dma_start3A_179 = arith.constant 0 : i32
      %dma_start3A_180 = tpu.memref_slice %arg15[%add3A_20, %dma_start3A_179] : memref<10240x128xf32, #tpu.memory_space<vmem_shared>> -> memref<128x128xf32, #tpu.memory_space<vmem_shared>>
      tpu.enqueue_dma source(%arg13 : memref<128x128xf32, #tpu.memory_space<vmem>>) target(%dma_start3A_180 : memref<128x128xf32, #tpu.memory_space<vmem_shared>>) target_semaphore(%run_scoped3A : memref<!tpu.dma_semaphore, #tpu.memory_space<semaphore_mem>>)
      %dma_wait3A_181 = arith.constant 0 : i32
      %dma_wait3A_182 = tpu.memref_slice %arg15[%add3A_20, %dma_wait3A_181] : memref<10240x128xf32, #tpu.memory_space<vmem_shared>> -> memref<128x128xf32, #tpu.memory_space<vmem_shared>>
      %dma_wait3A_183 = arith.constant 0 : i32
      %dma_wait3A_184 = tpu.memref_slice %arg15[%add3A_20, %dma_wait3A_183] : memref<10240x128xf32, #tpu.memory_space<vmem_shared>> -> memref<128x128xf32, #tpu.memory_space<vmem_shared>>
      tpu.wait_dma2 semaphore(%run_scoped3A : memref<!tpu.dma_semaphore, #tpu.memory_space<semaphore_mem>>) src(%arg13 : memref<128x128xf32, #tpu.memory_space<vmem>>) dst(%dma_wait3A_184 : memref<128x128xf32, #tpu.memory_space<vmem_shared>>)
      tpu.yield
    }) : () -> ()
    %mul3A_21 = arith.constant 640 : i32
    %mul3A_22 = arith.muli %arg1, %mul3A_21 : i32
    %add3A_23 = arith.constant 512 : i32
    %add3A_24 = arith.addi %mul3A_22, %add3A_23 : i32
    "tpu.region"() ({
      %run_scoped3A = tpu.sem_alloc : memref<!tpu.dma_semaphore, #tpu.memory_space<semaphore_mem>>
      %dma_start3A_177 = arith.constant 0 : i32
      %dma_start3A_178 = tpu.memref_slice %arg15[%add3A_24, %dma_start3A_177] : memref<10240x128xf32, #tpu.memory_space<vmem_shared>> -> memref<128x128xf32, #tpu.memory_space<vmem_shared>>
      %dma_start3A_179 = arith.constant 0 : i32
      %dma_start3A_180 = tpu.memref_slice %arg15[%add3A_24, %dma_start3A_179] : memref<10240x128xf32, #tpu.memory_space<vmem_shared>> -> memref<128x128xf32, #tpu.memory_space<vmem_shared>>
      tpu.enqueue_dma source(%arg13 : memref<128x128xf32, #tpu.memory_space<vmem>>) target(%dma_start3A_180 : memref<128x128xf32, #tpu.memory_space<vmem_shared>>) target_semaphore(%run_scoped3A : memref<!tpu.dma_semaphore, #tpu.memory_space<semaphore_mem>>)
      %dma_wait3A_181 = arith.constant 0 : i32
      %dma_wait3A_182 = tpu.memref_slice %arg15[%add3A_24, %dma_wait3A_181] : memref<10240x128xf32, #tpu.memory_space<vmem_shared>> -> memref<128x128xf32, #tpu.memory_space<vmem_shared>>
      %dma_wait3A_183 = arith.constant 0 : i32
      %dma_wait3A_184 = tpu.memref_slice %arg15[%add3A_24, %dma_wait3A_183] : memref<10240x128xf32, #tpu.memory_space<vmem_shared>> -> memref<128x128xf32, #tpu.memory_space<vmem_shared>>
      tpu.wait_dma2 semaphore(%run_scoped3A : memref<!tpu.dma_semaphore, #tpu.memory_space<semaphore_mem>>) src(%arg13 : memref<128x128xf32, #tpu.memory_space<vmem>>) dst(%dma_wait3A_184 : memref<128x128xf32, #tpu.memory_space<vmem_shared>>)
      tpu.yield
    }) : () -> ()
    %barrier3A = arith.constant 0 : index
    tpu.barrier barrier_id(%barrier3A)
    %mul3A_25 = arith.constant 16 : i32
    %mul3A_26 = arith.muli %arg0, %mul3A_25 : i32
    %add3A_27 = arith.addi %mul3A_26, %arg1 : i32
    %mul3A_28 = arith.constant 10496 : i32
    %mul3A_29 = arith.muli %add3A_27, %mul3A_28 : i32
    %broadcast_in_dim3A_30 = arith.constant 1.000000e+00 : f32
    %broadcast_in_dim3A_31 = vector.broadcast %broadcast_in_dim3A_30 : f32 to vector<16xf32>
    %add3A_32 = arith.constant 0 : i32
    %add3A_33 = arith.addi %mul3A_29, %add3A_32 : i32
    %dma_start3A = tpu.memref_slice %arg3[%add3A_33] : memref<335872xi32, #tpu.memory_space<hbm>> -> memref<128xi32, #tpu.memory_space<hbm>>
    %dma_start3A_34 = tpu.memref_slice %arg3[%add3A_33] : memref<335872xi32, #tpu.memory_space<hbm>> -> memref<128xi32, #tpu.memory_space<hbm>>
    tpu.enqueue_dma source(%dma_start3A_34 : memref<128xi32, #tpu.memory_space<hbm>>) target(%arg7 : memref<128xi32, #tpu.memory_space<vmem>>) target_semaphore(%arg16 : memref<!tpu.dma_semaphore, #tpu.memory_space<semaphore_mem>>)
    %add3A_35 = arith.constant 128 : i32
    %add3A_36 = arith.addi %mul3A_29, %add3A_35 : i32
    %dma_start3A_37 = tpu.memref_slice %arg3[%add3A_36] : memref<335872xi32, #tpu.memory_space<hbm>> -> memref<128xi32, #tpu.memory_space<hbm>>
    %dma_start3A_38 = tpu.memref_slice %arg3[%add3A_36] : memref<335872xi32, #tpu.memory_space<hbm>> -> memref<128xi32, #tpu.memory_space<hbm>>
    tpu.enqueue_dma source(%dma_start3A_38 : memref<128xi32, #tpu.memory_space<hbm>>) target(%arg8 : memref<128xi32, #tpu.memory_space<vmem>>) target_semaphore(%arg17 : memref<!tpu.dma_semaphore, #tpu.memory_space<semaphore_mem>>)
    %add3A_39 = arith.constant 256 : i32
    %add3A_40 = arith.addi %mul3A_29, %add3A_39 : i32
    %dma_start3A_41 = tpu.memref_slice %arg3[%add3A_40] : memref<335872xi32, #tpu.memory_space<hbm>> -> memref<128xi32, #tpu.memory_space<hbm>>
    %dma_start3A_42 = tpu.memref_slice %arg3[%add3A_40] : memref<335872xi32, #tpu.memory_space<hbm>> -> memref<128xi32, #tpu.memory_space<hbm>>
    tpu.enqueue_dma source(%dma_start3A_42 : memref<128xi32, #tpu.memory_space<hbm>>) target(%arg9 : memref<128xi32, #tpu.memory_space<vmem>>) target_semaphore(%arg18 : memref<!tpu.dma_semaphore, #tpu.memory_space<semaphore_mem>>)
    %add3A_43 = arith.constant 384 : i32
    %add3A_44 = arith.addi %mul3A_29, %add3A_43 : i32
    %dma_start3A_45 = tpu.memref_slice %arg3[%add3A_44] : memref<335872xi32, #tpu.memory_space<hbm>> -> memref<128xi32, #tpu.memory_space<hbm>>
    %dma_start3A_46 = tpu.memref_slice %arg3[%add3A_44] : memref<335872xi32, #tpu.memory_space<hbm>> -> memref<128xi32, #tpu.memory_space<hbm>>
    tpu.enqueue_dma source(%dma_start3A_46 : memref<128xi32, #tpu.memory_space<hbm>>) target(%arg10 : memref<128xi32, #tpu.memory_space<vmem>>) target_semaphore(%arg19 : memref<!tpu.dma_semaphore, #tpu.memory_space<semaphore_mem>>)
    %add3A_47 = arith.constant 0 : i32
    %add3A_48 = arith.addi %mul3A_29, %add3A_47 : i32
    %dma_start3A_49 = tpu.memref_slice %arg4[%add3A_48] : memref<335872xi32, #tpu.memory_space<hbm>> -> memref<128xi32, #tpu.memory_space<hbm>>
    %dma_start3A_50 = tpu.memref_slice %arg4[%add3A_48] : memref<335872xi32, #tpu.memory_space<hbm>> -> memref<128xi32, #tpu.memory_space<hbm>>
    tpu.enqueue_dma source(%dma_start3A_50 : memref<128xi32, #tpu.memory_space<hbm>>) target(%arg11 : memref<128xi32, #tpu.memory_space<vmem>>) target_semaphore(%arg20 : memref<!tpu.dma_semaphore, #tpu.memory_space<semaphore_mem>>)
    %add3A_51 = arith.constant 128 : i32
    %add3A_52 = arith.addi %mul3A_29, %add3A_51 : i32
    %dma_start3A_53 = tpu.memref_slice %arg4[%add3A_52] : memref<335872xi32, #tpu.memory_space<hbm>> -> memref<128xi32, #tpu.memory_space<hbm>>
    %dma_start3A_54 = tpu.memref_slice %arg4[%add3A_52] : memref<335872xi32, #tpu.memory_space<hbm>> -> memref<128xi32, #tpu.memory_space<hbm>>
    tpu.enqueue_dma source(%dma_start3A_54 : memref<128xi32, #tpu.memory_space<hbm>>) target(%arg12 : memref<128xi32, #tpu.memory_space<vmem>>) target_semaphore(%arg21 : memref<!tpu.dma_semaphore, #tpu.memory_space<semaphore_mem>>)
    %add3A_55 = arith.constant 0 : i32
    %add3A_56 = arith.addi %mul3A_29, %add3A_55 : i32
    %dma_wait3A = tpu.memref_slice %arg3[%add3A_56] : memref<335872xi32, #tpu.memory_space<hbm>> -> memref<128xi32, #tpu.memory_space<hbm>>
    %dma_wait3A_57 = tpu.memref_slice %arg3[%add3A_56] : memref<335872xi32, #tpu.memory_space<hbm>> -> memref<128xi32, #tpu.memory_space<hbm>>
    tpu.wait_dma2 semaphore(%arg16 : memref<!tpu.dma_semaphore, #tpu.memory_space<semaphore_mem>>) src(%dma_wait3A_57 : memref<128xi32, #tpu.memory_space<hbm>>) dst(%arg7 : memref<128xi32, #tpu.memory_space<vmem>>)
    %dma_start3A_58 = arith.constant 0 : i32
    %dma_start3A_59 = arith.constant 0 : i32
    %dma_start3A_60 = tpu.memref_slice %arg2[%dma_start3A_58, %dma_start3A_59] : memref<10000x128xf32, #tpu.memory_space<hbm>> -> memref<10000x128xf32, #tpu.memory_space<hbm>>
    tpu.enqueue_indirect_dma source(%dma_start3A_60 : memref<10000x128xf32, #tpu.memory_space<hbm>>) target(%arg13 : memref<128x128xf32, #tpu.memory_space<vmem>>) offsets(%arg7 : memref<128xi32, #tpu.memory_space<vmem>>) semaphore(%arg22 : memref<!tpu.dma_semaphore, #tpu.memory_space<semaphore_mem>>)
    %scan3A_61 = arith.constant 0 : i32
    %scan3A_62 = arith.constant 0 : i32
    %scan3A_63 = arith.constant 19 : i32
    %scan3A_64 = arith.addi %scan3A_62, %scan3A_63 : i32
    %scan3A_65 = arith.constant 1 : i32
    %scan3A_66 = scf.for %scan3A_177 = %scan3A_62 to %scan3A_64 step %scan3A_65 iter_args(%scan3A_178 = %scan3A_61) -> (i32)  : i32 {
      %mul3A_179 = arith.constant 4 : i32
      %mul3A_180 = arith.muli %mul3A_179, %scan3A_177 : i32
      %add3A_181 = arith.constant 0 : i32
      %add3A_182 = arith.addi %mul3A_180, %add3A_181 : i32
      %add3A_183 = arith.constant 1 : i32
      %add3A_184 = arith.addi %add3A_182, %add3A_183 : i32
      %mul3A_185 = arith.constant 128 : i32
      %mul3A_186 = arith.muli %add3A_184, %mul3A_185 : i32
      %add3A_187 = arith.addi %mul3A_29, %mul3A_186 : i32
      %dma_wait3A_188 = tpu.memref_slice %arg3[%add3A_187] : memref<335872xi32, #tpu.memory_space<hbm>> -> memref<128xi32, #tpu.memory_space<hbm>>
      %dma_wait3A_189 = tpu.memref_slice %arg3[%add3A_187] : memref<335872xi32, #tpu.memory_space<hbm>> -> memref<128xi32, #tpu.memory_space<hbm>>
      tpu.wait_dma2 semaphore(%arg17 : memref<!tpu.dma_semaphore, #tpu.memory_space<semaphore_mem>>) src(%dma_wait3A_189 : memref<128xi32, #tpu.memory_space<hbm>>) dst(%arg8 : memref<128xi32, #tpu.memory_space<vmem>>)
      %dma_start3A_190 = arith.constant 0 : i32
      %dma_start3A_191 = arith.constant 0 : i32
      %dma_start3A_192 = tpu.memref_slice %arg2[%dma_start3A_190, %dma_start3A_191] : memref<10000x128xf32, #tpu.memory_space<hbm>> -> memref<10000x128xf32, #tpu.memory_space<hbm>>
      tpu.enqueue_indirect_dma source(%dma_start3A_192 : memref<10000x128xf32, #tpu.memory_space<hbm>>) target(%arg14 : memref<128x128xf32, #tpu.memory_space<vmem>>) offsets(%arg8 : memref<128xi32, #tpu.memory_space<vmem>>) semaphore(%arg23 : memref<!tpu.dma_semaphore, #tpu.memory_space<semaphore_mem>>)
      %dma_wait3A_193 = arith.constant 0 : i32
      %dma_wait3A_194 = arith.constant 0 : i32
      %dma_wait3A_195 = tpu.memref_slice %arg2[%dma_wait3A_193, %dma_wait3A_194] : memref<10000x128xf32, #tpu.memory_space<hbm>> -> memref<10000x128xf32, #tpu.memory_space<hbm>>
      tpu.wait_indirect_dma semaphore(%arg22 : memref<!tpu.dma_semaphore, #tpu.memory_space<semaphore_mem>>) src(%dma_wait3A_195 : memref<10000x128xf32, #tpu.memory_space<hbm>>) dst(%arg13 : memref<128x128xf32, #tpu.memory_space<vmem>>)
      %mul3A_196 = arith.constant 128 : i32
      %mul3A_197 = arith.muli %add3A_182, %mul3A_196 : i32
      %add3A_198 = arith.addi %mul3A_29, %mul3A_197 : i32
      %dma_wait3A_199 = tpu.memref_slice %arg4[%add3A_198] : memref<335872xi32, #tpu.memory_space<hbm>> -> memref<128xi32, #tpu.memory_space<hbm>>
      %dma_wait3A_200 = tpu.memref_slice %arg4[%add3A_198] : memref<335872xi32, #tpu.memory_space<hbm>> -> memref<128xi32, #tpu.memory_space<hbm>>
      tpu.wait_dma2 semaphore(%arg20 : memref<!tpu.dma_semaphore, #tpu.memory_space<semaphore_mem>>) src(%dma_wait3A_200 : memref<128xi32, #tpu.memory_space<hbm>>) dst(%arg11 : memref<128xi32, #tpu.memory_space<vmem>>)
      "tpu.region"() ({
        %run_scoped3A = tpu.sem_alloc : memref<!tpu.dma_semaphore, #tpu.memory_space<semaphore_mem>>
        %dma_start3A_324 = arith.constant 0 : i32
        %dma_start3A_325 = arith.constant 0 : i32
        %dma_start3A_326 = tpu.memref_slice %arg15[%dma_start3A_324, %dma_start3A_325] : memref<10240x128xf32, #tpu.memory_space<vmem_shared>> -> memref<10240x128xf32, #tpu.memory_space<vmem_shared>>
        tpu.enqueue_indirect_dma source(%arg13 : memref<128x128xf32, #tpu.memory_space<vmem>>) target(%dma_start3A_326 : memref<10240x128xf32, #tpu.memory_space<vmem_shared>>) offsets(%arg11 : memref<128xi32, #tpu.memory_space<vmem>>) semaphore(%run_scoped3A : memref<!tpu.dma_semaphore, #tpu.memory_space<semaphore_mem>>) {add = true}
        %dma_wait3A_327 = arith.constant 0 : i32
        %dma_wait3A_328 = arith.constant 0 : i32
        %dma_wait3A_329 = tpu.memref_slice %arg15[%dma_wait3A_327, %dma_wait3A_328] : memref<10240x128xf32, #tpu.memory_space<vmem_shared>> -> memref<10240x128xf32, #tpu.memory_space<vmem_shared>>
        tpu.wait_indirect_dma semaphore(%run_scoped3A : memref<!tpu.dma_semaphore, #tpu.memory_space<semaphore_mem>>) src(%arg13 : memref<128x128xf32, #tpu.memory_space<vmem>>) dst(%dma_wait3A_329 : memref<10240x128xf32, #tpu.memory_space<vmem_shared>>)
        tpu.yield
      }) : () -> ()
      %add3A_201 = arith.constant 4 : i32
      %add3A_202 = arith.addi %add3A_182, %add3A_201 : i32
      %mul3A_203 = arith.constant 128 : i32
      %mul3A_204 = arith.muli %add3A_202, %mul3A_203 : i32
      %add3A_205 = arith.addi %mul3A_29, %mul3A_204 : i32
      %dma_start3A_206 = tpu.memref_slice %arg3[%add3A_205] : memref<335872xi32, #tpu.memory_space<hbm>> -> memref<128xi32, #tpu.memory_space<hbm>>
      %dma_start3A_207 = tpu.memref_slice %arg3[%add3A_205] : memref<335872xi32, #tpu.memory_space<hbm>> -> memref<128xi32, #tpu.memory_space<hbm>>
      tpu.enqueue_dma source(%dma_start3A_207 : memref<128xi32, #tpu.memory_space<hbm>>) target(%arg7 : memref<128xi32, #tpu.memory_space<vmem>>) target_semaphore(%arg16 : memref<!tpu.dma_semaphore, #tpu.memory_space<semaphore_mem>>)
      %add3A_208 = arith.constant 2 : i32
      %add3A_209 = arith.addi %add3A_182, %add3A_208 : i32
      %mul3A_210 = arith.constant 128 : i32
      %mul3A_211 = arith.muli %add3A_209, %mul3A_210 : i32
      %add3A_212 = arith.addi %mul3A_29, %mul3A_211 : i32
      %dma_start3A_213 = tpu.memref_slice %arg4[%add3A_212] : memref<335872xi32, #tpu.memory_space<hbm>> -> memref<128xi32, #tpu.memory_space<hbm>>
      %dma_start3A_214 = tpu.memref_slice %arg4[%add3A_212] : memref<335872xi32, #tpu.memory_space<hbm>> -> memref<128xi32, #tpu.memory_space<hbm>>
      tpu.enqueue_dma source(%dma_start3A_214 : memref<128xi32, #tpu.memory_space<hbm>>) target(%arg11 : memref<128xi32, #tpu.memory_space<vmem>>) target_semaphore(%arg20 : memref<!tpu.dma_semaphore, #tpu.memory_space<semaphore_mem>>)
      %mul3A_215 = arith.constant 4 : i32
      %mul3A_216 = arith.muli %mul3A_215, %scan3A_177 : i32
      %add3A_217 = arith.constant 1 : i32
      %add3A_218 = arith.addi %mul3A_216, %add3A_217 : i32
      %add3A_219 = arith.constant 1 : i32
      %add3A_220 = arith.addi %add3A_218, %add3A_219 : i32
      %mul3A_221 = arith.constant 128 : i32
      %mul3A_222 = arith.muli %add3A_220, %mul3A_221 : i32
      %add3A_223 = arith.addi %mul3A_29, %mul3A_222 : i32
      %dma_wait3A_224 = tpu.memref_slice %arg3[%add3A_223] : memref<335872xi32, #tpu.memory_space<hbm>> -> memref<128xi32, #tpu.memory_space<hbm>>
      %dma_wait3A_225 = tpu.memref_slice %arg3[%add3A_223] : memref<335872xi32, #tpu.memory_space<hbm>> -> memref<128xi32, #tpu.memory_space<hbm>>
      tpu.wait_dma2 semaphore(%arg18 : memref<!tpu.dma_semaphore, #tpu.memory_space<semaphore_mem>>) src(%dma_wait3A_225 : memref<128xi32, #tpu.memory_space<hbm>>) dst(%arg9 : memref<128xi32, #tpu.memory_space<vmem>>)
      %dma_start3A_226 = arith.constant 0 : i32
      %dma_start3A_227 = arith.constant 0 : i32
      %dma_start3A_228 = tpu.memref_slice %arg2[%dma_start3A_226, %dma_start3A_227] : memref<10000x128xf32, #tpu.memory_space<hbm>> -> memref<10000x128xf32, #tpu.memory_space<hbm>>
      tpu.enqueue_indirect_dma source(%dma_start3A_228 : memref<10000x128xf32, #tpu.memory_space<hbm>>) target(%arg13 : memref<128x128xf32, #tpu.memory_space<vmem>>) offsets(%arg9 : memref<128xi32, #tpu.memory_space<vmem>>) semaphore(%arg22 : memref<!tpu.dma_semaphore, #tpu.memory_space<semaphore_mem>>)
      %dma_wait3A_229 = arith.constant 0 : i32
      %dma_wait3A_230 = arith.constant 0 : i32
      %dma_wait3A_231 = tpu.memref_slice %arg2[%dma_wait3A_229, %dma_wait3A_230] : memref<10000x128xf32, #tpu.memory_space<hbm>> -> memref<10000x128xf32, #tpu.memory_space<hbm>>
      tpu.wait_indirect_dma semaphore(%arg23 : memref<!tpu.dma_semaphore, #tpu.memory_space<semaphore_mem>>) src(%dma_wait3A_231 : memref<10000x128xf32, #tpu.memory_space<hbm>>) dst(%arg14 : memref<128x128xf32, #tpu.memory_space<vmem>>)
      %mul3A_232 = arith.constant 128 : i32
      %mul3A_233 = arith.muli %add3A_218, %mul3A_232 : i32
      %add3A_234 = arith.addi %mul3A_29, %mul3A_233 : i32
      %dma_wait3A_235 = tpu.memref_slice %arg4[%add3A_234] : memref<335872xi32, #tpu.memory_space<hbm>> -> memref<128xi32, #tpu.memory_space<hbm>>
      %dma_wait3A_236 = tpu.memref_slice %arg4[%add3A_234] : memref<335872xi32, #tpu.memory_space<hbm>> -> memref<128xi32, #tpu.memory_space<hbm>>
      tpu.wait_dma2 semaphore(%arg21 : memref<!tpu.dma_semaphore, #tpu.memory_space<semaphore_mem>>) src(%dma_wait3A_236 : memref<128xi32, #tpu.memory_space<hbm>>) dst(%arg12 : memref<128xi32, #tpu.memory_space<vmem>>)
      "tpu.region"() ({
        %run_scoped3A = tpu.sem_alloc : memref<!tpu.dma_semaphore, #tpu.memory_space<semaphore_mem>>
        %dma_start3A_324 = arith.constant 0 : i32
        %dma_start3A_325 = arith.constant 0 : i32
        %dma_start3A_326 = tpu.memref_slice %arg15[%dma_start3A_324, %dma_start3A_325] : memref<10240x128xf32, #tpu.memory_space<vmem_shared>> -> memref<10240x128xf32, #tpu.memory_space<vmem_shared>>
        tpu.enqueue_indirect_dma source(%arg14 : memref<128x128xf32, #tpu.memory_space<vmem>>) target(%dma_start3A_326 : memref<10240x128xf32, #tpu.memory_space<vmem_shared>>) offsets(%arg12 : memref<128xi32, #tpu.memory_space<vmem>>) semaphore(%run_scoped3A : memref<!tpu.dma_semaphore, #tpu.memory_space<semaphore_mem>>) {add = true}
        %dma_wait3A_327 = arith.constant 0 : i32
        %dma_wait3A_328 = arith.constant 0 : i32
        %dma_wait3A_329 = tpu.memref_slice %arg15[%dma_wait3A_327, %dma_wait3A_328] : memref<10240x128xf32, #tpu.memory_space<vmem_shared>> -> memref<10240x128xf32, #tpu.memory_space<vmem_shared>>
        tpu.wait_indirect_dma semaphore(%run_scoped3A : memref<!tpu.dma_semaphore, #tpu.memory_space<semaphore_mem>>) src(%arg14 : memref<128x128xf32, #tpu.memory_space<vmem>>) dst(%dma_wait3A_329 : memref<10240x128xf32, #tpu.memory_space<vmem_shared>>)
        tpu.yield
      }) : () -> ()
      %add3A_237 = arith.constant 4 : i32
      %add3A_238 = arith.addi %add3A_218, %add3A_237 : i32
      %mul3A_239 = arith.constant 128 : i32
      %mul3A_240 = arith.muli %add3A_238, %mul3A_239 : i32
      %add3A_241 = arith.addi %mul3A_29, %mul3A_240 : i32
      %dma_start3A_242 = tpu.memref_slice %arg3[%add3A_241] : memref<335872xi32, #tpu.memory_space<hbm>> -> memref<128xi32, #tpu.memory_space<hbm>>
      %dma_start3A_243 = tpu.memref_slice %arg3[%add3A_241] : memref<335872xi32, #tpu.memory_space<hbm>> -> memref<128xi32, #tpu.memory_space<hbm>>
      tpu.enqueue_dma source(%dma_start3A_243 : memref<128xi32, #tpu.memory_space<hbm>>) target(%arg8 : memref<128xi32, #tpu.memory_space<vmem>>) target_semaphore(%arg17 : memref<!tpu.dma_semaphore, #tpu.memory_space<semaphore_mem>>)
      %add3A_244 = arith.constant 2 : i32
      %add3A_245 = arith.addi %add3A_218, %add3A_244 : i32
      %mul3A_246 = arith.constant 128 : i32
      %mul3A_247 = arith.muli %add3A_245, %mul3A_246 : i32
      %add3A_248 = arith.addi %mul3A_29, %mul3A_247 : i32
      %dma_start3A_249 = tpu.memref_slice %arg4[%add3A_248] : memref<335872xi32, #tpu.memory_space<hbm>> -> memref<128xi32, #tpu.memory_space<hbm>>
      %dma_start3A_250 = tpu.memref_slice %arg4[%add3A_248] : memref<335872xi32, #tpu.memory_space<hbm>> -> memref<128xi32, #tpu.memory_space<hbm>>
      tpu.enqueue_dma source(%dma_start3A_250 : memref<128xi32, #tpu.memory_space<hbm>>) target(%arg12 : memref<128xi32, #tpu.memory_space<vmem>>) target_semaphore(%arg21 : memref<!tpu.dma_semaphore, #tpu.memory_space<semaphore_mem>>)
      %mul3A_251 = arith.constant 4 : i32
      %mul3A_252 = arith.muli %mul3A_251, %scan3A_177 : i32
      %add3A_253 = arith.constant 2 : i32
      %add3A_254 = arith.addi %mul3A_252, %add3A_253 : i32
      %add3A_255 = arith.constant 1 : i32
      %add3A_256 = arith.addi %add3A_254, %add3A_255 : i32
      %mul3A_257 = arith.constant 128 : i32
      %mul3A_258 = arith.muli %add3A_256, %mul3A_257 : i32
      %add3A_259 = arith.addi %mul3A_29, %mul3A_258 : i32
      %dma_wait3A_260 = tpu.memref_slice %arg3[%add3A_259] : memref<335872xi32, #tpu.memory_space<hbm>> -> memref<128xi32, #tpu.memory_space<hbm>>
      %dma_wait3A_261 = tpu.memref_slice %arg3[%add3A_259] : memref<335872xi32, #tpu.memory_space<hbm>> -> memref<128xi32, #tpu.memory_space<hbm>>
      tpu.wait_dma2 semaphore(%arg19 : memref<!tpu.dma_semaphore, #tpu.memory_space<semaphore_mem>>) src(%dma_wait3A_261 : memref<128xi32, #tpu.memory_space<hbm>>) dst(%arg10 : memref<128xi32, #tpu.memory_space<vmem>>)
      %dma_start3A_262 = arith.constant 0 : i32
      %dma_start3A_263 = arith.constant 0 : i32
      %dma_start3A_264 = tpu.memref_slice %arg2[%dma_start3A_262, %dma_start3A_263] : memref<10000x128xf32, #tpu.memory_space<hbm>> -> memref<10000x128xf32, #tpu.memory_space<hbm>>
      tpu.enqueue_indirect_dma source(%dma_start3A_264 : memref<10000x128xf32, #tpu.memory_space<hbm>>) target(%arg14 : memref<128x128xf32, #tpu.memory_space<vmem>>) offsets(%arg10 : memref<128xi32, #tpu.memory_space<vmem>>) semaphore(%arg23 : memref<!tpu.dma_semaphore, #tpu.memory_space<semaphore_mem>>)
      %dma_wait3A_265 = arith.constant 0 : i32
      %dma_wait3A_266 = arith.constant 0 : i32
      %dma_wait3A_267 = tpu.memref_slice %arg2[%dma_wait3A_265, %dma_wait3A_266] : memref<10000x128xf32, #tpu.memory_space<hbm>> -> memref<10000x128xf32, #tpu.memory_space<hbm>>
      tpu.wait_indirect_dma semaphore(%arg22 : memref<!tpu.dma_semaphore, #tpu.memory_space<semaphore_mem>>) src(%dma_wait3A_267 : memref<10000x128xf32, #tpu.memory_space<hbm>>) dst(%arg13 : memref<128x128xf32, #tpu.memory_space<vmem>>)
      %mul3A_268 = arith.constant 128 : i32
      %mul3A_269 = arith.muli %add3A_254, %mul3A_268 : i32
      %add3A_270 = arith.addi %mul3A_29, %mul3A_269 : i32
      %dma_wait3A_271 = tpu.memref_slice %arg4[%add3A_270] : memref<335872xi32, #tpu.memory_space<hbm>> -> memref<128xi32, #tpu.memory_space<hbm>>
      %dma_wait3A_272 = tpu.memref_slice %arg4[%add3A_270] : memref<335872xi32, #tpu.memory_space<hbm>> -> memref<128xi32, #tpu.memory_space<hbm>>
      tpu.wait_dma2 semaphore(%arg20 : memref<!tpu.dma_semaphore, #tpu.memory_space<semaphore_mem>>) src(%dma_wait3A_272 : memref<128xi32, #tpu.memory_space<hbm>>) dst(%arg11 : memref<128xi32, #tpu.memory_space<vmem>>)
      "tpu.region"() ({
        %run_scoped3A = tpu.sem_alloc : memref<!tpu.dma_semaphore, #tpu.memory_space<semaphore_mem>>
        %dma_start3A_324 = arith.constant 0 : i32
        %dma_start3A_325 = arith.constant 0 : i32
        %dma_start3A_326 = tpu.memref_slice %arg15[%dma_start3A_324, %dma_start3A_325] : memref<10240x128xf32, #tpu.memory_space<vmem_shared>> -> memref<10240x128xf32, #tpu.memory_space<vmem_shared>>
        tpu.enqueue_indirect_dma source(%arg13 : memref<128x128xf32, #tpu.memory_space<vmem>>) target(%dma_start3A_326 : memref<10240x128xf32, #tpu.memory_space<vmem_shared>>) offsets(%arg11 : memref<128xi32, #tpu.memory_space<vmem>>) semaphore(%run_scoped3A : memref<!tpu.dma_semaphore, #tpu.memory_space<semaphore_mem>>) {add = true}
        %dma_wait3A_327 = arith.constant 0 : i32
        %dma_wait3A_328 = arith.constant 0 : i32
        %dma_wait3A_329 = tpu.memref_slice %arg15[%dma_wait3A_327, %dma_wait3A_328] : memref<10240x128xf32, #tpu.memory_space<vmem_shared>> -> memref<10240x128xf32, #tpu.memory_space<vmem_shared>>
        tpu.wait_indirect_dma semaphore(%run_scoped3A : memref<!tpu.dma_semaphore, #tpu.memory_space<semaphore_mem>>) src(%arg13 : memref<128x128xf32, #tpu.memory_space<vmem>>) dst(%dma_wait3A_329 : memref<10240x128xf32, #tpu.memory_space<vmem_shared>>)
        tpu.yield
      }) : () -> ()
      %add3A_273 = arith.constant 4 : i32
      %add3A_274 = arith.addi %add3A_254, %add3A_273 : i32
      %mul3A_275 = arith.constant 128 : i32
      %mul3A_276 = arith.muli %add3A_274, %mul3A_275 : i32
      %add3A_277 = arith.addi %mul3A_29, %mul3A_276 : i32
      %dma_start3A_278 = tpu.memref_slice %arg3[%add3A_277] : memref<335872xi32, #tpu.memory_space<hbm>> -> memref<128xi32, #tpu.memory_space<hbm>>
      %dma_start3A_279 = tpu.memref_slice %arg3[%add3A_277] : memref<335872xi32, #tpu.memory_space<hbm>> -> memref<128xi32, #tpu.memory_space<hbm>>
      tpu.enqueue_dma source(%dma_start3A_279 : memref<128xi32, #tpu.memory_space<hbm>>) target(%arg9 : memref<128xi32, #tpu.memory_space<vmem>>) target_semaphore(%arg18 : memref<!tpu.dma_semaphore, #tpu.memory_space<semaphore_mem>>)
      %add3A_280 = arith.constant 2 : i32
      %add3A_281 = arith.addi %add3A_254, %add3A_280 : i32
      %mul3A_282 = arith.constant 128 : i32
      %mul3A_283 = arith.muli %add3A_281, %mul3A_282 : i32
      %add3A_284 = arith.addi %mul3A_29, %mul3A_283 : i32
      %dma_start3A_285 = tpu.memref_slice %arg4[%add3A_284] : memref<335872xi32, #tpu.memory_space<hbm>> -> memref<128xi32, #tpu.memory_space<hbm>>
      %dma_start3A_286 = tpu.memref_slice %arg4[%add3A_284] : memref<335872xi32, #tpu.memory_space<hbm>> -> memref<128xi32, #tpu.memory_space<hbm>>
      tpu.enqueue_dma source(%dma_start3A_286 : memref<128xi32, #tpu.memory_space<hbm>>) target(%arg11 : memref<128xi32, #tpu.memory_space<vmem>>) target_semaphore(%arg20 : memref<!tpu.dma_semaphore, #tpu.memory_space<semaphore_mem>>)
      %mul3A_287 = arith.constant 4 : i32
      %mul3A_288 = arith.muli %mul3A_287, %scan3A_177 : i32
      %add3A_289 = arith.constant 3 : i32
      %add3A_290 = arith.addi %mul3A_288, %add3A_289 : i32
      %add3A_291 = arith.constant 1 : i32
      %add3A_292 = arith.addi %add3A_290, %add3A_291 : i32
      %mul3A_293 = arith.constant 128 : i32
      %mul3A_294 = arith.muli %add3A_292, %mul3A_293 : i32
      %add3A_295 = arith.addi %mul3A_29, %mul3A_294 : i32
      %dma_wait3A_296 = tpu.memref_slice %arg3[%add3A_295] : memref<335872xi32, #tpu.memory_space<hbm>> -> memref<128xi32, #tpu.memory_space<hbm>>
      %dma_wait3A_297 = tpu.memref_slice %arg3[%add3A_295] : memref<335872xi32, #tpu.memory_space<hbm>> -> memref<128xi32, #tpu.memory_space<hbm>>
      tpu.wait_dma2 semaphore(%arg16 : memref<!tpu.dma_semaphore, #tpu.memory_space<semaphore_mem>>) src(%dma_wait3A_297 : memref<128xi32, #tpu.memory_space<hbm>>) dst(%arg7 : memref<128xi32, #tpu.memory_space<vmem>>)
      %dma_start3A_298 = arith.constant 0 : i32
      %dma_start3A_299 = arith.constant 0 : i32
      %dma_start3A_300 = tpu.memref_slice %arg2[%dma_start3A_298, %dma_start3A_299] : memref<10000x128xf32, #tpu.memory_space<hbm>> -> memref<10000x128xf32, #tpu.memory_space<hbm>>
      tpu.enqueue_indirect_dma source(%dma_start3A_300 : memref<10000x128xf32, #tpu.memory_space<hbm>>) target(%arg13 : memref<128x128xf32, #tpu.memory_space<vmem>>) offsets(%arg7 : memref<128xi32, #tpu.memory_space<vmem>>) semaphore(%arg22 : memref<!tpu.dma_semaphore, #tpu.memory_space<semaphore_mem>>)
      %dma_wait3A_301 = arith.constant 0 : i32
      %dma_wait3A_302 = arith.constant 0 : i32
      %dma_wait3A_303 = tpu.memref_slice %arg2[%dma_wait3A_301, %dma_wait3A_302] : memref<10000x128xf32, #tpu.memory_space<hbm>> -> memref<10000x128xf32, #tpu.memory_space<hbm>>
      tpu.wait_indirect_dma semaphore(%arg23 : memref<!tpu.dma_semaphore, #tpu.memory_space<semaphore_mem>>) src(%dma_wait3A_303 : memref<10000x128xf32, #tpu.memory_space<hbm>>) dst(%arg14 : memref<128x128xf32, #tpu.memory_space<vmem>>)
      %mul3A_304 = arith.constant 128 : i32
      %mul3A_305 = arith.muli %add3A_290, %mul3A_304 : i32
      %add3A_306 = arith.addi %mul3A_29, %mul3A_305 : i32
      %dma_wait3A_307 = tpu.memref_slice %arg4[%add3A_306] : memref<335872xi32, #tpu.memory_space<hbm>> -> memref<128xi32, #tpu.memory_space<hbm>>
      %dma_wait3A_308 = tpu.memref_slice %arg4[%add3A_306] : memref<335872xi32, #tpu.memory_space<hbm>> -> memref<128xi32, #tpu.memory_space<hbm>>
      tpu.wait_dma2 semaphore(%arg21 : memref<!tpu.dma_semaphore, #tpu.memory_space<semaphore_mem>>) src(%dma_wait3A_308 : memref<128xi32, #tpu.memory_space<hbm>>) dst(%arg12 : memref<128xi32, #tpu.memory_space<vmem>>)
      "tpu.region"() ({
        %run_scoped3A = tpu.sem_alloc : memref<!tpu.dma_semaphore, #tpu.memory_space<semaphore_mem>>
        %dma_start3A_324 = arith.constant 0 : i32
        %dma_start3A_325 = arith.constant 0 : i32
        %dma_start3A_326 = tpu.memref_slice %arg15[%dma_start3A_324, %dma_start3A_325] : memref<10240x128xf32, #tpu.memory_space<vmem_shared>> -> memref<10240x128xf32, #tpu.memory_space<vmem_shared>>
        tpu.enqueue_indirect_dma source(%arg14 : memref<128x128xf32, #tpu.memory_space<vmem>>) target(%dma_start3A_326 : memref<10240x128xf32, #tpu.memory_space<vmem_shared>>) offsets(%arg12 : memref<128xi32, #tpu.memory_space<vmem>>) semaphore(%run_scoped3A : memref<!tpu.dma_semaphore, #tpu.memory_space<semaphore_mem>>) {add = true}
        %dma_wait3A_327 = arith.constant 0 : i32
        %dma_wait3A_328 = arith.constant 0 : i32
        %dma_wait3A_329 = tpu.memref_slice %arg15[%dma_wait3A_327, %dma_wait3A_328] : memref<10240x128xf32, #tpu.memory_space<vmem_shared>> -> memref<10240x128xf32, #tpu.memory_space<vmem_shared>>
        tpu.wait_indirect_dma semaphore(%run_scoped3A : memref<!tpu.dma_semaphore, #tpu.memory_space<semaphore_mem>>) src(%arg14 : memref<128x128xf32, #tpu.memory_space<vmem>>) dst(%dma_wait3A_329 : memref<10240x128xf32, #tpu.memory_space<vmem_shared>>)
        tpu.yield
      }) : () -> ()
      %add3A_309 = arith.constant 4 : i32
      %add3A_310 = arith.addi %add3A_290, %add3A_309 : i32
      %mul3A_311 = arith.constant 128 : i32
      %mul3A_312 = arith.muli %add3A_310, %mul3A_311 : i32
      %add3A_313 = arith.addi %mul3A_29, %mul3A_312 : i32
      %dma_start3A_314 = tpu.memref_slice %arg3[%add3A_313] : memref<335872xi32, #tpu.memory_space<hbm>> -> memref<128xi32, #tpu.memory_space<hbm>>
      %dma_start3A_315 = tpu.memref_slice %arg3[%add3A_313] : memref<335872xi32, #tpu.memory_space<hbm>> -> memref<128xi32, #tpu.memory_space<hbm>>
      tpu.enqueue_dma source(%dma_start3A_315 : memref<128xi32, #tpu.memory_space<hbm>>) target(%arg10 : memref<128xi32, #tpu.memory_space<vmem>>) target_semaphore(%arg19 : memref<!tpu.dma_semaphore, #tpu.memory_space<semaphore_mem>>)
      %add3A_316 = arith.constant 2 : i32
      %add3A_317 = arith.addi %add3A_290, %add3A_316 : i32
      %mul3A_318 = arith.constant 128 : i32
      %mul3A_319 = arith.muli %add3A_317, %mul3A_318 : i32
      %add3A_320 = arith.addi %mul3A_29, %mul3A_319 : i32
      %dma_start3A_321 = tpu.memref_slice %arg4[%add3A_320] : memref<335872xi32, #tpu.memory_space<hbm>> -> memref<128xi32, #tpu.memory_space<hbm>>
      %dma_start3A_322 = tpu.memref_slice %arg4[%add3A_320] : memref<335872xi32, #tpu.memory_space<hbm>> -> memref<128xi32, #tpu.memory_space<hbm>>
      tpu.enqueue_dma source(%dma_start3A_322 : memref<128xi32, #tpu.memory_space<hbm>>) target(%arg12 : memref<128xi32, #tpu.memory_space<vmem>>) target_semaphore(%arg21 : memref<!tpu.dma_semaphore, #tpu.memory_space<semaphore_mem>>)
      %scan3A_323 = arith.constant 0 : i32
      scf.yield %scan3A_323 : i32
    }
    %scan3A_67 = arith.constant 19 : i32
    %add3A_68 = arith.constant 9856 : i32
    %add3A_69 = arith.addi %mul3A_29, %add3A_68 : i32
    %dma_wait3A_70 = tpu.memref_slice %arg3[%add3A_69] : memref<335872xi32, #tpu.memory_space<hbm>> -> memref<128xi32, #tpu.memory_space<hbm>>
    %dma_wait3A_71 = tpu.memref_slice %arg3[%add3A_69] : memref<335872xi32, #tpu.memory_space<hbm>> -> memref<128xi32, #tpu.memory_space<hbm>>
    tpu.wait_dma2 semaphore(%arg17 : memref<!tpu.dma_semaphore, #tpu.memory_space<semaphore_mem>>) src(%dma_wait3A_71 : memref<128xi32, #tpu.memory_space<hbm>>) dst(%arg8 : memref<128xi32, #tpu.memory_space<vmem>>)
    %dma_start3A_72 = arith.constant 0 : i32
    %dma_start3A_73 = arith.constant 0 : i32
    %dma_start3A_74 = tpu.memref_slice %arg2[%dma_start3A_72, %dma_start3A_73] : memref<10000x128xf32, #tpu.memory_space<hbm>> -> memref<10000x128xf32, #tpu.memory_space<hbm>>
    tpu.enqueue_indirect_dma source(%dma_start3A_74 : memref<10000x128xf32, #tpu.memory_space<hbm>>) target(%arg14 : memref<128x128xf32, #tpu.memory_space<vmem>>) offsets(%arg8 : memref<128xi32, #tpu.memory_space<vmem>>) semaphore(%arg23 : memref<!tpu.dma_semaphore, #tpu.memory_space<semaphore_mem>>)
    %dma_wait3A_75 = arith.constant 0 : i32
    %dma_wait3A_76 = arith.constant 0 : i32
    %dma_wait3A_77 = tpu.memref_slice %arg2[%dma_wait3A_75, %dma_wait3A_76] : memref<10000x128xf32, #tpu.memory_space<hbm>> -> memref<10000x128xf32, #tpu.memory_space<hbm>>
    tpu.wait_indirect_dma semaphore(%arg22 : memref<!tpu.dma_semaphore, #tpu.memory_space<semaphore_mem>>) src(%dma_wait3A_77 : memref<10000x128xf32, #tpu.memory_space<hbm>>) dst(%arg13 : memref<128x128xf32, #tpu.memory_space<vmem>>)
    %add3A_78 = arith.constant 9728 : i32
    %add3A_79 = arith.addi %mul3A_29, %add3A_78 : i32
    %dma_wait3A_80 = tpu.memref_slice %arg4[%add3A_79] : memref<335872xi32, #tpu.memory_space<hbm>> -> memref<128xi32, #tpu.memory_space<hbm>>
    %dma_wait3A_81 = tpu.memref_slice %arg4[%add3A_79] : memref<335872xi32, #tpu.memory_space<hbm>> -> memref<128xi32, #tpu.memory_space<hbm>>
    tpu.wait_dma2 semaphore(%arg20 : memref<!tpu.dma_semaphore, #tpu.memory_space<semaphore_mem>>) src(%dma_wait3A_81 : memref<128xi32, #tpu.memory_space<hbm>>) dst(%arg11 : memref<128xi32, #tpu.memory_space<vmem>>)
    "tpu.region"() ({
      %run_scoped3A = tpu.sem_alloc : memref<!tpu.dma_semaphore, #tpu.memory_space<semaphore_mem>>
      %dma_start3A_177 = arith.constant 0 : i32
      %dma_start3A_178 = arith.constant 0 : i32
      %dma_start3A_179 = tpu.memref_slice %arg15[%dma_start3A_177, %dma_start3A_178] : memref<10240x128xf32, #tpu.memory_space<vmem_shared>> -> memref<10240x128xf32, #tpu.memory_space<vmem_shared>>
      tpu.enqueue_indirect_dma source(%arg13 : memref<128x128xf32, #tpu.memory_space<vmem>>) target(%dma_start3A_179 : memref<10240x128xf32, #tpu.memory_space<vmem_shared>>) offsets(%arg11 : memref<128xi32, #tpu.memory_space<vmem>>) semaphore(%run_scoped3A : memref<!tpu.dma_semaphore, #tpu.memory_space<semaphore_mem>>) {add = true}
      %dma_wait3A_180 = arith.constant 0 : i32
      %dma_wait3A_181 = arith.constant 0 : i32
      %dma_wait3A_182 = tpu.memref_slice %arg15[%dma_wait3A_180, %dma_wait3A_181] : memref<10240x128xf32, #tpu.memory_space<vmem_shared>> -> memref<10240x128xf32, #tpu.memory_space<vmem_shared>>
      tpu.wait_indirect_dma semaphore(%run_scoped3A : memref<!tpu.dma_semaphore, #tpu.memory_space<semaphore_mem>>) src(%arg13 : memref<128x128xf32, #tpu.memory_space<vmem>>) dst(%dma_wait3A_182 : memref<10240x128xf32, #tpu.memory_space<vmem_shared>>)
      tpu.yield
    }) : () -> ()
    %add3A_82 = arith.constant 10240 : i32
    %add3A_83 = arith.addi %mul3A_29, %add3A_82 : i32
    %dma_start3A_84 = tpu.memref_slice %arg3[%add3A_83] : memref<335872xi32, #tpu.memory_space<hbm>> -> memref<128xi32, #tpu.memory_space<hbm>>
    %dma_start3A_85 = tpu.memref_slice %arg3[%add3A_83] : memref<335872xi32, #tpu.memory_space<hbm>> -> memref<128xi32, #tpu.memory_space<hbm>>
    tpu.enqueue_dma source(%dma_start3A_85 : memref<128xi32, #tpu.memory_space<hbm>>) target(%arg7 : memref<128xi32, #tpu.memory_space<vmem>>) target_semaphore(%arg16 : memref<!tpu.dma_semaphore, #tpu.memory_space<semaphore_mem>>)
    %add3A_86 = arith.constant 9984 : i32
    %add3A_87 = arith.addi %mul3A_29, %add3A_86 : i32
    %dma_start3A_88 = tpu.memref_slice %arg4[%add3A_87] : memref<335872xi32, #tpu.memory_space<hbm>> -> memref<128xi32, #tpu.memory_space<hbm>>
    %dma_start3A_89 = tpu.memref_slice %arg4[%add3A_87] : memref<335872xi32, #tpu.memory_space<hbm>> -> memref<128xi32, #tpu.memory_space<hbm>>
    tpu.enqueue_dma source(%dma_start3A_89 : memref<128xi32, #tpu.memory_space<hbm>>) target(%arg11 : memref<128xi32, #tpu.memory_space<vmem>>) target_semaphore(%arg20 : memref<!tpu.dma_semaphore, #tpu.memory_space<semaphore_mem>>)
    %add3A_90 = arith.constant 9984 : i32
    %add3A_91 = arith.addi %mul3A_29, %add3A_90 : i32
    %dma_wait3A_92 = tpu.memref_slice %arg3[%add3A_91] : memref<335872xi32, #tpu.memory_space<hbm>> -> memref<128xi32, #tpu.memory_space<hbm>>
    %dma_wait3A_93 = tpu.memref_slice %arg3[%add3A_91] : memref<335872xi32, #tpu.memory_space<hbm>> -> memref<128xi32, #tpu.memory_space<hbm>>
    tpu.wait_dma2 semaphore(%arg18 : memref<!tpu.dma_semaphore, #tpu.memory_space<semaphore_mem>>) src(%dma_wait3A_93 : memref<128xi32, #tpu.memory_space<hbm>>) dst(%arg9 : memref<128xi32, #tpu.memory_space<vmem>>)
    %dma_start3A_94 = arith.constant 0 : i32
    %dma_start3A_95 = arith.constant 0 : i32
    %dma_start3A_96 = tpu.memref_slice %arg2[%dma_start3A_94, %dma_start3A_95] : memref<10000x128xf32, #tpu.memory_space<hbm>> -> memref<10000x128xf32, #tpu.memory_space<hbm>>
    tpu.enqueue_indirect_dma source(%dma_start3A_96 : memref<10000x128xf32, #tpu.memory_space<hbm>>) target(%arg13 : memref<128x128xf32, #tpu.memory_space<vmem>>) offsets(%arg9 : memref<128xi32, #tpu.memory_space<vmem>>) semaphore(%arg22 : memref<!tpu.dma_semaphore, #tpu.memory_space<semaphore_mem>>)
    %dma_wait3A_97 = arith.constant 0 : i32
    %dma_wait3A_98 = arith.constant 0 : i32
    %dma_wait3A_99 = tpu.memref_slice %arg2[%dma_wait3A_97, %dma_wait3A_98] : memref<10000x128xf32, #tpu.memory_space<hbm>> -> memref<10000x128xf32, #tpu.memory_space<hbm>>
    tpu.wait_indirect_dma semaphore(%arg23 : memref<!tpu.dma_semaphore, #tpu.memory_space<semaphore_mem>>) src(%dma_wait3A_99 : memref<10000x128xf32, #tpu.memory_space<hbm>>) dst(%arg14 : memref<128x128xf32, #tpu.memory_space<vmem>>)
    %add3A_100 = arith.constant 9856 : i32
    %add3A_101 = arith.addi %mul3A_29, %add3A_100 : i32
    %dma_wait3A_102 = tpu.memref_slice %arg4[%add3A_101] : memref<335872xi32, #tpu.memory_space<hbm>> -> memref<128xi32, #tpu.memory_space<hbm>>
    %dma_wait3A_103 = tpu.memref_slice %arg4[%add3A_101] : memref<335872xi32, #tpu.memory_space<hbm>> -> memref<128xi32, #tpu.memory_space<hbm>>
    tpu.wait_dma2 semaphore(%arg21 : memref<!tpu.dma_semaphore, #tpu.memory_space<semaphore_mem>>) src(%dma_wait3A_103 : memref<128xi32, #tpu.memory_space<hbm>>) dst(%arg12 : memref<128xi32, #tpu.memory_space<vmem>>)
    "tpu.region"() ({
      %run_scoped3A = tpu.sem_alloc : memref<!tpu.dma_semaphore, #tpu.memory_space<semaphore_mem>>
      %dma_start3A_177 = arith.constant 0 : i32
      %dma_start3A_178 = arith.constant 0 : i32
      %dma_start3A_179 = tpu.memref_slice %arg15[%dma_start3A_177, %dma_start3A_178] : memref<10240x128xf32, #tpu.memory_space<vmem_shared>> -> memref<10240x128xf32, #tpu.memory_space<vmem_shared>>
      tpu.enqueue_indirect_dma source(%arg14 : memref<128x128xf32, #tpu.memory_space<vmem>>) target(%dma_start3A_179 : memref<10240x128xf32, #tpu.memory_space<vmem_shared>>) offsets(%arg12 : memref<128xi32, #tpu.memory_space<vmem>>) semaphore(%run_scoped3A : memref<!tpu.dma_semaphore, #tpu.memory_space<semaphore_mem>>) {add = true}
      %dma_wait3A_180 = arith.constant 0 : i32
      %dma_wait3A_181 = arith.constant 0 : i32
      %dma_wait3A_182 = tpu.memref_slice %arg15[%dma_wait3A_180, %dma_wait3A_181] : memref<10240x128xf32, #tpu.memory_space<vmem_shared>> -> memref<10240x128xf32, #tpu.memory_space<vmem_shared>>
      tpu.wait_indirect_dma semaphore(%run_scoped3A : memref<!tpu.dma_semaphore, #tpu.memory_space<semaphore_mem>>) src(%arg14 : memref<128x128xf32, #tpu.memory_space<vmem>>) dst(%dma_wait3A_182 : memref<10240x128xf32, #tpu.memory_space<vmem_shared>>)
      tpu.yield
    }) : () -> ()
    %add3A_104 = arith.constant 10368 : i32
    %add3A_105 = arith.addi %mul3A_29, %add3A_104 : i32
    %dma_start3A_106 = tpu.memref_slice %arg3[%add3A_105] : memref<335872xi32, #tpu.memory_space<hbm>> -> memref<128xi32, #tpu.memory_space<hbm>>
    %dma_start3A_107 = tpu.memref_slice %arg3[%add3A_105] : memref<335872xi32, #tpu.memory_space<hbm>> -> memref<128xi32, #tpu.memory_space<hbm>>
    tpu.enqueue_dma source(%dma_start3A_107 : memref<128xi32, #tpu.memory_space<hbm>>) target(%arg8 : memref<128xi32, #tpu.memory_space<vmem>>) target_semaphore(%arg17 : memref<!tpu.dma_semaphore, #tpu.memory_space<semaphore_mem>>)
    %add3A_108 = arith.constant 10112 : i32
    %add3A_109 = arith.addi %mul3A_29, %add3A_108 : i32
    %dma_start3A_110 = tpu.memref_slice %arg4[%add3A_109] : memref<335872xi32, #tpu.memory_space<hbm>> -> memref<128xi32, #tpu.memory_space<hbm>>
    %dma_start3A_111 = tpu.memref_slice %arg4[%add3A_109] : memref<335872xi32, #tpu.memory_space<hbm>> -> memref<128xi32, #tpu.memory_space<hbm>>
    tpu.enqueue_dma source(%dma_start3A_111 : memref<128xi32, #tpu.memory_space<hbm>>) target(%arg12 : memref<128xi32, #tpu.memory_space<vmem>>) target_semaphore(%arg21 : memref<!tpu.dma_semaphore, #tpu.memory_space<semaphore_mem>>)
    %add3A_112 = arith.constant 10112 : i32
    %add3A_113 = arith.addi %mul3A_29, %add3A_112 : i32
    %dma_wait3A_114 = tpu.memref_slice %arg3[%add3A_113] : memref<335872xi32, #tpu.memory_space<hbm>> -> memref<128xi32, #tpu.memory_space<hbm>>
    %dma_wait3A_115 = tpu.memref_slice %arg3[%add3A_113] : memref<335872xi32, #tpu.memory_space<hbm>> -> memref<128xi32, #tpu.memory_space<hbm>>
    tpu.wait_dma2 semaphore(%arg19 : memref<!tpu.dma_semaphore, #tpu.memory_space<semaphore_mem>>) src(%dma_wait3A_115 : memref<128xi32, #tpu.memory_space<hbm>>) dst(%arg10 : memref<128xi32, #tpu.memory_space<vmem>>)
    %dma_start3A_116 = arith.constant 0 : i32
    %dma_start3A_117 = arith.constant 0 : i32
    %dma_start3A_118 = tpu.memref_slice %arg2[%dma_start3A_116, %dma_start3A_117] : memref<10000x128xf32, #tpu.memory_space<hbm>> -> memref<10000x128xf32, #tpu.memory_space<hbm>>
    tpu.enqueue_indirect_dma source(%dma_start3A_118 : memref<10000x128xf32, #tpu.memory_space<hbm>>) target(%arg14 : memref<128x128xf32, #tpu.memory_space<vmem>>) offsets(%arg10 : memref<128xi32, #tpu.memory_space<vmem>>) semaphore(%arg23 : memref<!tpu.dma_semaphore, #tpu.memory_space<semaphore_mem>>)
    %dma_wait3A_119 = arith.constant 0 : i32
    %dma_wait3A_120 = arith.constant 0 : i32
    %dma_wait3A_121 = tpu.memref_slice %arg2[%dma_wait3A_119, %dma_wait3A_120] : memref<10000x128xf32, #tpu.memory_space<hbm>> -> memref<10000x128xf32, #tpu.memory_space<hbm>>
    tpu.wait_indirect_dma semaphore(%arg22 : memref<!tpu.dma_semaphore, #tpu.memory_space<semaphore_mem>>) src(%dma_wait3A_121 : memref<10000x128xf32, #tpu.memory_space<hbm>>) dst(%arg13 : memref<128x128xf32, #tpu.memory_space<vmem>>)
    %add3A_122 = arith.constant 9984 : i32
    %add3A_123 = arith.addi %mul3A_29, %add3A_122 : i32
    %dma_wait3A_124 = tpu.memref_slice %arg4[%add3A_123] : memref<335872xi32, #tpu.memory_space<hbm>> -> memref<128xi32, #tpu.memory_space<hbm>>
    %dma_wait3A_125 = tpu.memref_slice %arg4[%add3A_123] : memref<335872xi32, #tpu.memory_space<hbm>> -> memref<128xi32, #tpu.memory_space<hbm>>
    tpu.wait_dma2 semaphore(%arg20 : memref<!tpu.dma_semaphore, #tpu.memory_space<semaphore_mem>>) src(%dma_wait3A_125 : memref<128xi32, #tpu.memory_space<hbm>>) dst(%arg11 : memref<128xi32, #tpu.memory_space<vmem>>)
    "tpu.region"() ({
      %run_scoped3A = tpu.sem_alloc : memref<!tpu.dma_semaphore, #tpu.memory_space<semaphore_mem>>
      %dma_start3A_177 = arith.constant 0 : i32
      %dma_start3A_178 = arith.constant 0 : i32
      %dma_start3A_179 = tpu.memref_slice %arg15[%dma_start3A_177, %dma_start3A_178] : memref<10240x128xf32, #tpu.memory_space<vmem_shared>> -> memref<10240x128xf32, #tpu.memory_space<vmem_shared>>
      tpu.enqueue_indirect_dma source(%arg13 : memref<128x128xf32, #tpu.memory_space<vmem>>) target(%dma_start3A_179 : memref<10240x128xf32, #tpu.memory_space<vmem_shared>>) offsets(%arg11 : memref<128xi32, #tpu.memory_space<vmem>>) semaphore(%run_scoped3A : memref<!tpu.dma_semaphore, #tpu.memory_space<semaphore_mem>>) {add = true}
      %dma_wait3A_180 = arith.constant 0 : i32
      %dma_wait3A_181 = arith.constant 0 : i32
      %dma_wait3A_182 = tpu.memref_slice %arg15[%dma_wait3A_180, %dma_wait3A_181] : memref<10240x128xf32, #tpu.memory_space<vmem_shared>> -> memref<10240x128xf32, #tpu.memory_space<vmem_shared>>
      tpu.wait_indirect_dma semaphore(%run_scoped3A : memref<!tpu.dma_semaphore, #tpu.memory_space<semaphore_mem>>) src(%arg13 : memref<128x128xf32, #tpu.memory_space<vmem>>) dst(%dma_wait3A_182 : memref<10240x128xf32, #tpu.memory_space<vmem_shared>>)
      tpu.yield
    }) : () -> ()
    %add3A_126 = arith.constant 10240 : i32
    %add3A_127 = arith.addi %mul3A_29, %add3A_126 : i32
    %dma_start3A_128 = tpu.memref_slice %arg4[%add3A_127] : memref<335872xi32, #tpu.memory_space<hbm>> -> memref<128xi32, #tpu.memory_space<hbm>>
    %dma_start3A_129 = tpu.memref_slice %arg4[%add3A_127] : memref<335872xi32, #tpu.memory_space<hbm>> -> memref<128xi32, #tpu.memory_space<hbm>>
    tpu.enqueue_dma source(%dma_start3A_129 : memref<128xi32, #tpu.memory_space<hbm>>) target(%arg11 : memref<128xi32, #tpu.memory_space<vmem>>) target_semaphore(%arg20 : memref<!tpu.dma_semaphore, #tpu.memory_space<semaphore_mem>>)
    %add3A_130 = arith.constant 10240 : i32
    %add3A_131 = arith.addi %mul3A_29, %add3A_130 : i32
    %dma_wait3A_132 = tpu.memref_slice %arg3[%add3A_131] : memref<335872xi32, #tpu.memory_space<hbm>> -> memref<128xi32, #tpu.memory_space<hbm>>
    %dma_wait3A_133 = tpu.memref_slice %arg3[%add3A_131] : memref<335872xi32, #tpu.memory_space<hbm>> -> memref<128xi32, #tpu.memory_space<hbm>>
    tpu.wait_dma2 semaphore(%arg16 : memref<!tpu.dma_semaphore, #tpu.memory_space<semaphore_mem>>) src(%dma_wait3A_133 : memref<128xi32, #tpu.memory_space<hbm>>) dst(%arg7 : memref<128xi32, #tpu.memory_space<vmem>>)
    %dma_start3A_134 = arith.constant 0 : i32
    %dma_start3A_135 = arith.constant 0 : i32
    %dma_start3A_136 = tpu.memref_slice %arg2[%dma_start3A_134, %dma_start3A_135] : memref<10000x128xf32, #tpu.memory_space<hbm>> -> memref<10000x128xf32, #tpu.memory_space<hbm>>
    tpu.enqueue_indirect_dma source(%dma_start3A_136 : memref<10000x128xf32, #tpu.memory_space<hbm>>) target(%arg13 : memref<128x128xf32, #tpu.memory_space<vmem>>) offsets(%arg7 : memref<128xi32, #tpu.memory_space<vmem>>) semaphore(%arg22 : memref<!tpu.dma_semaphore, #tpu.memory_space<semaphore_mem>>)
    %dma_wait3A_137 = arith.constant 0 : i32
    %dma_wait3A_138 = arith.constant 0 : i32
    %dma_wait3A_139 = tpu.memref_slice %arg2[%dma_wait3A_137, %dma_wait3A_138] : memref<10000x128xf32, #tpu.memory_space<hbm>> -> memref<10000x128xf32, #tpu.memory_space<hbm>>
    tpu.wait_indirect_dma semaphore(%arg23 : memref<!tpu.dma_semaphore, #tpu.memory_space<semaphore_mem>>) src(%dma_wait3A_139 : memref<10000x128xf32, #tpu.memory_space<hbm>>) dst(%arg14 : memref<128x128xf32, #tpu.memory_space<vmem>>)
    %add3A_140 = arith.constant 10112 : i32
    %add3A_141 = arith.addi %mul3A_29, %add3A_140 : i32
    %dma_wait3A_142 = tpu.memref_slice %arg4[%add3A_141] : memref<335872xi32, #tpu.memory_space<hbm>> -> memref<128xi32, #tpu.memory_space<hbm>>
    %dma_wait3A_143 = tpu.memref_slice %arg4[%add3A_141] : memref<335872xi32, #tpu.memory_space<hbm>> -> memref<128xi32, #tpu.memory_space<hbm>>
    tpu.wait_dma2 semaphore(%arg21 : memref<!tpu.dma_semaphore, #tpu.memory_space<semaphore_mem>>) src(%dma_wait3A_143 : memref<128xi32, #tpu.memory_space<hbm>>) dst(%arg12 : memref<128xi32, #tpu.memory_space<vmem>>)
    "tpu.region"() ({
      %run_scoped3A = tpu.sem_alloc : memref<!tpu.dma_semaphore, #tpu.memory_space<semaphore_mem>>
      %dma_start3A_177 = arith.constant 0 : i32
      %dma_start3A_178 = arith.constant 0 : i32
      %dma_start3A_179 = tpu.memref_slice %arg15[%dma_start3A_177, %dma_start3A_178] : memref<10240x128xf32, #tpu.memory_space<vmem_shared>> -> memref<10240x128xf32, #tpu.memory_space<vmem_shared>>
      tpu.enqueue_indirect_dma source(%arg14 : memref<128x128xf32, #tpu.memory_space<vmem>>) target(%dma_start3A_179 : memref<10240x128xf32, #tpu.memory_space<vmem_shared>>) offsets(%arg12 : memref<128xi32, #tpu.memory_space<vmem>>) semaphore(%run_scoped3A : memref<!tpu.dma_semaphore, #tpu.memory_space<semaphore_mem>>) {add = true}
      %dma_wait3A_180 = arith.constant 0 : i32
      %dma_wait3A_181 = arith.constant 0 : i32
      %dma_wait3A_182 = tpu.memref_slice %arg15[%dma_wait3A_180, %dma_wait3A_181] : memref<10240x128xf32, #tpu.memory_space<vmem_shared>> -> memref<10240x128xf32, #tpu.memory_space<vmem_shared>>
      tpu.wait_indirect_dma semaphore(%run_scoped3A : memref<!tpu.dma_semaphore, #tpu.memory_space<semaphore_mem>>) src(%arg14 : memref<128x128xf32, #tpu.memory_space<vmem>>) dst(%dma_wait3A_182 : memref<10240x128xf32, #tpu.memory_space<vmem_shared>>)
      tpu.yield
    }) : () -> ()
    %add3A_144 = arith.constant 10368 : i32
    %add3A_145 = arith.addi %mul3A_29, %add3A_144 : i32
    %dma_start3A_146 = tpu.memref_slice %arg4[%add3A_145] : memref<335872xi32, #tpu.memory_space<hbm>> -> memref<128xi32, #tpu.memory_space<hbm>>
    %dma_start3A_147 = tpu.memref_slice %arg4[%add3A_145] : memref<335872xi32, #tpu.memory_space<hbm>> -> memref<128xi32, #tpu.memory_space<hbm>>
    tpu.enqueue_dma source(%dma_start3A_147 : memref<128xi32, #tpu.memory_space<hbm>>) target(%arg12 : memref<128xi32, #tpu.memory_space<vmem>>) target_semaphore(%arg21 : memref<!tpu.dma_semaphore, #tpu.memory_space<semaphore_mem>>)
    %add3A_148 = arith.constant 10368 : i32
    %add3A_149 = arith.addi %mul3A_29, %add3A_148 : i32
    %dma_wait3A_150 = tpu.memref_slice %arg3[%add3A_149] : memref<335872xi32, #tpu.memory_space<hbm>> -> memref<128xi32, #tpu.memory_space<hbm>>
    %dma_wait3A_151 = tpu.memref_slice %arg3[%add3A_149] : memref<335872xi32, #tpu.memory_space<hbm>> -> memref<128xi32, #tpu.memory_space<hbm>>
    tpu.wait_dma2 semaphore(%arg17 : memref<!tpu.dma_semaphore, #tpu.memory_space<semaphore_mem>>) src(%dma_wait3A_151 : memref<128xi32, #tpu.memory_space<hbm>>) dst(%arg8 : memref<128xi32, #tpu.memory_space<vmem>>)
    %dma_start3A_152 = arith.constant 0 : i32
    %dma_start3A_153 = arith.constant 0 : i32
    %dma_start3A_154 = tpu.memref_slice %arg2[%dma_start3A_152, %dma_start3A_153] : memref<10000x128xf32, #tpu.memory_space<hbm>> -> memref<10000x128xf32, #tpu.memory_space<hbm>>
    tpu.enqueue_indirect_dma source(%dma_start3A_154 : memref<10000x128xf32, #tpu.memory_space<hbm>>) target(%arg14 : memref<128x128xf32, #tpu.memory_space<vmem>>) offsets(%arg8 : memref<128xi32, #tpu.memory_space<vmem>>) semaphore(%arg23 : memref<!tpu.dma_semaphore, #tpu.memory_space<semaphore_mem>>)
    %dma_wait3A_155 = arith.constant 0 : i32
    %dma_wait3A_156 = arith.constant 0 : i32
    %dma_wait3A_157 = tpu.memref_slice %arg2[%dma_wait3A_155, %dma_wait3A_156] : memref<10000x128xf32, #tpu.memory_space<hbm>> -> memref<10000x128xf32, #tpu.memory_space<hbm>>
    tpu.wait_indirect_dma semaphore(%arg22 : memref<!tpu.dma_semaphore, #tpu.memory_space<semaphore_mem>>) src(%dma_wait3A_157 : memref<10000x128xf32, #tpu.memory_space<hbm>>) dst(%arg13 : memref<128x128xf32, #tpu.memory_space<vmem>>)
    %add3A_158 = arith.constant 10240 : i32
    %add3A_159 = arith.addi %mul3A_29, %add3A_158 : i32
    %dma_wait3A_160 = tpu.memref_slice %arg4[%add3A_159] : memref<335872xi32, #tpu.memory_space<hbm>> -> memref<128xi32, #tpu.memory_space<hbm>>
    %dma_wait3A_161 = tpu.memref_slice %arg4[%add3A_159] : memref<335872xi32, #tpu.memory_space<hbm>> -> memref<128xi32, #tpu.memory_space<hbm>>
    tpu.wait_dma2 semaphore(%arg20 : memref<!tpu.dma_semaphore, #tpu.memory_space<semaphore_mem>>) src(%dma_wait3A_161 : memref<128xi32, #tpu.memory_space<hbm>>) dst(%arg11 : memref<128xi32, #tpu.memory_space<vmem>>)
    "tpu.region"() ({
      %run_scoped3A = tpu.sem_alloc : memref<!tpu.dma_semaphore, #tpu.memory_space<semaphore_mem>>
      %dma_start3A_177 = arith.constant 0 : i32
      %dma_start3A_178 = arith.constant 0 : i32
      %dma_start3A_179 = tpu.memref_slice %arg15[%dma_start3A_177, %dma_start3A_178] : memref<10240x128xf32, #tpu.memory_space<vmem_shared>> -> memref<10240x128xf32, #tpu.memory_space<vmem_shared>>
      tpu.enqueue_indirect_dma source(%arg13 : memref<128x128xf32, #tpu.memory_space<vmem>>) target(%dma_start3A_179 : memref<10240x128xf32, #tpu.memory_space<vmem_shared>>) offsets(%arg11 : memref<128xi32, #tpu.memory_space<vmem>>) semaphore(%run_scoped3A : memref<!tpu.dma_semaphore, #tpu.memory_space<semaphore_mem>>) {add = true}
      %dma_wait3A_180 = arith.constant 0 : i32
      %dma_wait3A_181 = arith.constant 0 : i32
      %dma_wait3A_182 = tpu.memref_slice %arg15[%dma_wait3A_180, %dma_wait3A_181] : memref<10240x128xf32, #tpu.memory_space<vmem_shared>> -> memref<10240x128xf32, #tpu.memory_space<vmem_shared>>
      tpu.wait_indirect_dma semaphore(%run_scoped3A : memref<!tpu.dma_semaphore, #tpu.memory_space<semaphore_mem>>) src(%arg13 : memref<128x128xf32, #tpu.memory_space<vmem>>) dst(%dma_wait3A_182 : memref<10240x128xf32, #tpu.memory_space<vmem_shared>>)
      tpu.yield
    }) : () -> ()
    %dma_wait3A_162 = arith.constant 0 : i32
    %dma_wait3A_163 = arith.constant 0 : i32
    %dma_wait3A_164 = tpu.memref_slice %arg2[%dma_wait3A_162, %dma_wait3A_163] : memref<10000x128xf32, #tpu.memory_space<hbm>> -> memref<10000x128xf32, #tpu.memory_space<hbm>>
    tpu.wait_indirect_dma semaphore(%arg23 : memref<!tpu.dma_semaphore, #tpu.memory_space<semaphore_mem>>) src(%dma_wait3A_164 : memref<10000x128xf32, #tpu.memory_space<hbm>>) dst(%arg14 : memref<128x128xf32, #tpu.memory_space<vmem>>)
    %add3A_165 = arith.constant 10368 : i32
    %add3A_166 = arith.addi %mul3A_29, %add3A_165 : i32
    %dma_wait3A_167 = tpu.memref_slice %arg4[%add3A_166] : memref<335872xi32, #tpu.memory_space<hbm>> -> memref<128xi32, #tpu.memory_space<hbm>>
    %dma_wait3A_168 = tpu.memref_slice %arg4[%add3A_166] : memref<335872xi32, #tpu.memory_space<hbm>> -> memref<128xi32, #tpu.memory_space<hbm>>
    tpu.wait_dma2 semaphore(%arg21 : memref<!tpu.dma_semaphore, #tpu.memory_space<semaphore_mem>>) src(%dma_wait3A_168 : memref<128xi32, #tpu.memory_space<hbm>>) dst(%arg12 : memref<128xi32, #tpu.memory_space<vmem>>)
    "tpu.region"() ({
      %run_scoped3A = tpu.sem_alloc : memref<!tpu.dma_semaphore, #tpu.memory_space<semaphore_mem>>
      %dma_start3A_177 = arith.constant 0 : i32
      %dma_start3A_178 = arith.constant 0 : i32
      %dma_start3A_179 = tpu.memref_slice %arg15[%dma_start3A_177, %dma_start3A_178] : memref<10240x128xf32, #tpu.memory_space<vmem_shared>> -> memref<10240x128xf32, #tpu.memory_space<vmem_shared>>
      tpu.enqueue_indirect_dma source(%arg14 : memref<128x128xf32, #tpu.memory_space<vmem>>) target(%dma_start3A_179 : memref<10240x128xf32, #tpu.memory_space<vmem_shared>>) offsets(%arg12 : memref<128xi32, #tpu.memory_space<vmem>>) semaphore(%run_scoped3A : memref<!tpu.dma_semaphore, #tpu.memory_space<semaphore_mem>>) {add = true}
      %dma_wait3A_180 = arith.constant 0 : i32
      %dma_wait3A_181 = arith.constant 0 : i32
      %dma_wait3A_182 = tpu.memref_slice %arg15[%dma_wait3A_180, %dma_wait3A_181] : memref<10240x128xf32, #tpu.memory_space<vmem_shared>> -> memref<10240x128xf32, #tpu.memory_space<vmem_shared>>
      tpu.wait_indirect_dma semaphore(%run_scoped3A : memref<!tpu.dma_semaphore, #tpu.memory_space<semaphore_mem>>) src(%arg14 : memref<128x128xf32, #tpu.memory_space<vmem>>) dst(%dma_wait3A_182 : memref<10240x128xf32, #tpu.memory_space<vmem_shared>>)
      tpu.yield
    }) : () -> ()
    %barrier3A_169 = arith.constant 0 : index
    tpu.barrier barrier_id(%barrier3A_169)
    %eq3A = arith.constant 0 : i32
    %eq3A_170 = arith.cmpi eq, %arg0, %eq3A : i32
    %convert_element_type3A = arith.extui %eq3A_170 : i1 to i32
    %cond3A = arith.constant 0 : i32
    %cond3A_171 = arith.cmpi ne, %convert_element_type3A, %cond3A : i32
    scf.if %cond3A_171 {
      %mul3A_177 = arith.constant 640 : i32
      %mul3A_178 = arith.muli %arg1, %mul3A_177 : i32
      %mul3A_179 = arith.constant 640 : i32
      %mul3A_180 = arith.muli %arg1, %mul3A_179 : i32
      "tpu.region"() ({
        %run_scoped3A = tpu.sem_alloc : memref<!tpu.dma_semaphore, #tpu.memory_space<semaphore_mem>>
        %dma_start3A_181 = arith.constant 0 : i32
        %dma_start3A_182 = tpu.memref_slice %arg5[%mul3A_180, %dma_start3A_181] : memref<10240x128xf32, #tpu.memory_space<hbm>> -> memref<640x128xf32, #tpu.memory_space<hbm>>
        %dma_start3A_183 = arith.constant 0 : i32
        %dma_start3A_184 = tpu.memref_slice %arg15[%mul3A_178, %dma_start3A_183] : memref<10240x128xf32, #tpu.memory_space<vmem_shared>> -> memref<640x128xf32, #tpu.memory_space<vmem_shared>>
        tpu.enqueue_dma source(%dma_start3A_184 : memref<640x128xf32, #tpu.memory_space<vmem_shared>>) target(%dma_start3A_182 : memref<640x128xf32, #tpu.memory_space<hbm>>) target_semaphore(%run_scoped3A : memref<!tpu.dma_semaphore, #tpu.memory_space<semaphore_mem>>)
        %dma_wait3A_185 = arith.constant 0 : i32
        %dma_wait3A_186 = tpu.memref_slice %arg5[%mul3A_180, %dma_wait3A_185] : memref<10240x128xf32, #tpu.memory_space<hbm>> -> memref<640x128xf32, #tpu.memory_space<hbm>>
        %dma_wait3A_187 = arith.constant 0 : i32
        %dma_wait3A_188 = tpu.memref_slice %arg15[%mul3A_178, %dma_wait3A_187] : memref<10240x128xf32, #tpu.memory_space<vmem_shared>> -> memref<640x128xf32, #tpu.memory_space<vmem_shared>>
        tpu.wait_dma2 semaphore(%run_scoped3A : memref<!tpu.dma_semaphore, #tpu.memory_space<semaphore_mem>>) src(%dma_wait3A_188 : memref<640x128xf32, #tpu.memory_space<vmem_shared>>) dst(%dma_wait3A_186 : memref<640x128xf32, #tpu.memory_space<hbm>>)
        tpu.yield
      }) : () -> ()
    } else {
    }
    %eq3A_172 = arith.constant 1 : i32
    %eq3A_173 = arith.cmpi eq, %arg0, %eq3A_172 : i32
    %convert_element_type3A_174 = arith.extui %eq3A_173 : i1 to i32
    %cond3A_175 = arith.constant 0 : i32
    %cond3A_176 = arith.cmpi ne, %convert_element_type3A_174, %cond3A_175 : i32
    scf.if %cond3A_176 {
      %mul3A_177 = arith.constant 640 : i32
      %mul3A_178 = arith.muli %arg1, %mul3A_177 : i32
      %mul3A_179 = arith.constant 640 : i32
      %mul3A_180 = arith.muli %arg1, %mul3A_179 : i32
      "tpu.region"() ({
        %run_scoped3A = tpu.sem_alloc : memref<!tpu.dma_semaphore, #tpu.memory_space<semaphore_mem>>
        %dma_start3A_181 = arith.constant 0 : i32
        %dma_start3A_182 = tpu.memref_slice %arg6[%mul3A_180, %dma_start3A_181] : memref<10240x128xf32, #tpu.memory_space<hbm>> -> memref<640x128xf32, #tpu.memory_space<hbm>>
        %dma_start3A_183 = arith.constant 0 : i32
        %dma_start3A_184 = tpu.memref_slice %arg15[%mul3A_178, %dma_start3A_183] : memref<10240x128xf32, #tpu.memory_space<vmem_shared>> -> memref<640x128xf32, #tpu.memory_space<vmem_shared>>
        tpu.enqueue_dma source(%dma_start3A_184 : memref<640x128xf32, #tpu.memory_space<vmem_shared>>) target(%dma_start3A_182 : memref<640x128xf32, #tpu.memory_space<hbm>>) target_semaphore(%run_scoped3A : memref<!tpu.dma_semaphore, #tpu.memory_space<semaphore_mem>>)
        %dma_wait3A_185 = arith.constant 0 : i32
        %dma_wait3A_186 = tpu.memref_slice %arg6[%mul3A_180, %dma_wait3A_185] : memref<10240x128xf32, #tpu.memory_space<hbm>> -> memref<640x128xf32, #tpu.memory_space<hbm>>
        %dma_wait3A_187 = arith.constant 0 : i32
        %dma_wait3A_188 = tpu.memref_slice %arg15[%mul3A_178, %dma_wait3A_187] : memref<10240x128xf32, #tpu.memory_space<vmem_shared>> -> memref<640x128xf32, #tpu.memory_space<vmem_shared>>
        tpu.wait_dma2 semaphore(%run_scoped3A : memref<!tpu.dma_semaphore, #tpu.memory_space<semaphore_mem>>) src(%dma_wait3A_188 : memref<640x128xf32, #tpu.memory_space<vmem_shared>>) dst(%dma_wait3A_186 : memref<640x128xf32, #tpu.memory_space<hbm>>)
        tpu.yield
      }) : () -> ()
    } else {
    }
    return
  }
}

module attributes {stable_mosaic.version = 14 : i64} {
  func.func @_tc1_body(%arg0: i32, %arg1: memref<1024x128xf32, #tpu.memory_space<vmem>>, %arg2: memref<1024x128xf32, #tpu.memory_space<vmem>>, %arg3: memref<16x1024xf32, #tpu.memory_space<vmem>>, %arg4: memref<1024x128xf32, #tpu.memory_space<vmem>>, %arg5: memref<128x384xf32, #tpu.memory_space<vmem>>, %arg6: memref<128x256xf32, #tpu.memory_space<vmem>>, %arg7: memref<1024x128xf32, #tpu.memory_space<vmem>>, %arg8: memref<1024x128xf32, #tpu.memory_space<vmem>>, %arg9: memref<1024x128xf32, #tpu.memory_space<vmem>>, %arg10: memref<1024x1xf32, #tpu.memory_space<vmem>>) attributes {dimension_semantics = [#tpu.dimension_semantics<arbitrary>], iteration_bounds = array<i64: 10>, scalar_prefetch = 0 : i64, scratch_operands = 0 : i64, tpu.core_type = #tpu.core_type<tc>, window_params = [{transform_indices = @transform_0, window_bounds = array<i64: 1024, 128>}, {transform_indices = @transform_1, window_bounds = array<i64: 1024, 128>}, {transform_indices = @transform_2, window_bounds = array<i64: 16, 1024>}, {transform_indices = @transform_3, window_bounds = array<i64: 1024, 128>}, {pipeline_mode = #tpu.pipeline_mode<synchronous>, transform_indices = @transform_4, window_bounds = array<i64: 128, 384>}, {pipeline_mode = #tpu.pipeline_mode<synchronous>, transform_indices = @transform_5, window_bounds = array<i64: 128, 256>}, {transform_indices = @transform_6, window_bounds = array<i64: 1024, 128>}, {transform_indices = @transform_7, window_bounds = array<i64: 1024, 128>}, {transform_indices = @transform_8, window_bounds = array<i64: 1024, 128>}, {transform_indices = @transform_9, window_bounds = array<i64: 1024, 1>}]} {
    %get3A = arith.constant 0 : index
    %get3A_0 = arith.constant 0 : index
    %get3A_1 = vector.load %arg3[%get3A, %get3A_0] : memref<16x1024xf32, #tpu.memory_space<vmem>>, vector<16x1024xf32>
    %transpose3A = tpu.transpose %get3A_1, [1, 0] : vector<16x1024xf32> -> vector<1024x16xf32>
    %reduce_sum3A = arith.constant dense<0.000000e+00> : vector<1024xf32>
    %reduce_sum3A_2 = vector.multi_reduction <add>, %transpose3A, %reduce_sum3A [1] : vector<1024x16xf32> to vector<1024xf32>
    %broadcast_in_dim3A = vector.shape_cast %reduce_sum3A_2 : vector<1024xf32> to vector<1024x1xf32>
    %max3A = arith.constant 1.000000e+00 : f32
    %max3A_3 = vector.broadcast %max3A : f32 to vector<1024x1xf32>
    %max3A_4 = arith.maximumf %broadcast_in_dim3A, %max3A_3 : vector<1024x1xf32>
    %div3A = arith.constant 1.000000e+00 : f32
    %div3A_5 = vector.broadcast %div3A : f32 to vector<1024x1xf32>
    %div3A_6 = arith.divf %div3A_5, %max3A_4 : vector<1024x1xf32>
    %get3A_7 = arith.constant 0 : index
    %get3A_8 = arith.constant 0 : index
    %get3A_9 = vector.load %arg1[%get3A_7, %get3A_8] : memref<1024x128xf32, #tpu.memory_space<vmem>>, vector<1024x128xf32>
    %mul3A = vector.broadcast %div3A_6 : vector<1024x1xf32> to vector<1024x128xf32>
    %mul3A_10 = arith.mulf %get3A_9, %mul3A : vector<1024x128xf32>
    %get3A_11 = arith.constant 0 : index
    %get3A_12 = arith.constant 0 : index
    %get3A_13 = vector.load %arg2[%get3A_11, %get3A_12] : memref<1024x128xf32, #tpu.memory_space<vmem>>, vector<1024x128xf32>
    %mul3A_14 = vector.broadcast %div3A_6 : vector<1024x1xf32> to vector<1024x128xf32>
    %mul3A_15 = arith.mulf %get3A_13, %mul3A_14 : vector<1024x128xf32>
    %get3A_16 = arith.constant 0 : index
    %get3A_17 = arith.constant 0 : index
    %get3A_18 = vector.load %arg5[%get3A_16, %get3A_17] : memref<128x384xf32, #tpu.memory_space<vmem>>, vector<128x384xf32>
    %dot_general3A = arith.constant dense<0.000000e+00> : vector<1024x384xf32>
    %dot_general3A_19 = tpu.matmul %mul3A_10, %get3A_18, %dot_general3A {dimension_numbers = #tpu.dot_dimension_numbers<[1], [0], [0], [1], [0, 0, 1, 1], [], []>, transpose_lhs_hint = false} : vector<1024x128xf32>, vector<128x384xf32>, vector<1024x384xf32> -> vector<1024x384xf32>
    %max3A_20 = arith.constant 0.000000e+00 : f32
    %max3A_21 = vector.broadcast %max3A_20 : f32 to vector<1024x384xf32>
    %max3A_22 = arith.maximumf %dot_general3A_19, %max3A_21 : vector<1024x384xf32>
    %get3A_23 = arith.constant 0 : index
    %get3A_24 = arith.constant 0 : index
    %get3A_25 = vector.load %arg6[%get3A_23, %get3A_24] : memref<128x256xf32, #tpu.memory_space<vmem>>, vector<128x256xf32>
    %dot_general3A_26 = arith.constant dense<0.000000e+00> : vector<1024x256xf32>
    %dot_general3A_27 = tpu.matmul %mul3A_15, %get3A_25, %dot_general3A_26 {dimension_numbers = #tpu.dot_dimension_numbers<[1], [0], [0], [1], [0, 0, 1, 1], [], []>, transpose_lhs_hint = false} : vector<1024x128xf32>, vector<128x256xf32>, vector<1024x256xf32> -> vector<1024x256xf32>
    %max3A_28 = arith.constant 0.000000e+00 : f32
    %max3A_29 = vector.broadcast %max3A_28 : f32 to vector<1024x256xf32>
    %max3A_30 = arith.maximumf %dot_general3A_27, %max3A_29 : vector<1024x256xf32>
    %slice3A = vector.extract_strided_slice %max3A_22 {offsets = [0, 0], sizes = [1024, 128], strides = [1, 1]} : vector<1024x384xf32> to vector<1024x128xf32>
    %slice3A_31 = vector.extract_strided_slice %max3A_30 {offsets = [0, 0], sizes = [1024, 128], strides = [1, 1]} : vector<1024x256xf32> to vector<1024x128xf32>
    %add3A = arith.addf %slice3A, %slice3A_31 : vector<1024x128xf32>
    %logistic3A = arith.negf %add3A : vector<1024x128xf32>
    %logistic3A_32 = math.exp %logistic3A : vector<1024x128xf32>
    %logistic3A_33 = arith.constant 1.000000e+00 : f32
    %logistic3A_34 = vector.broadcast %logistic3A_33 : f32 to vector<1024x128xf32>
    %logistic3A_35 = arith.addf %logistic3A_34, %logistic3A_32 : vector<1024x128xf32>
    %logistic3A_36 = arith.divf %logistic3A_34, %logistic3A_35 : vector<1024x128xf32>
    %slice3A_37 = vector.extract_strided_slice %max3A_22 {offsets = [0, 128], sizes = [1024, 128], strides = [1, 1]} : vector<1024x384xf32> to vector<1024x128xf32>
    %slice3A_38 = vector.extract_strided_slice %max3A_30 {offsets = [0, 128], sizes = [1024, 128], strides = [1, 1]} : vector<1024x256xf32> to vector<1024x128xf32>
    %add3A_39 = arith.addf %slice3A_37, %slice3A_38 : vector<1024x128xf32>
    %logistic3A_40 = arith.negf %add3A_39 : vector<1024x128xf32>
    %logistic3A_41 = math.exp %logistic3A_40 : vector<1024x128xf32>
    %logistic3A_42 = arith.constant 1.000000e+00 : f32
    %logistic3A_43 = vector.broadcast %logistic3A_42 : f32 to vector<1024x128xf32>
    %logistic3A_44 = arith.addf %logistic3A_43, %logistic3A_41 : vector<1024x128xf32>
    %logistic3A_45 = arith.divf %logistic3A_43, %logistic3A_44 : vector<1024x128xf32>
    %swap3A = arith.constant 0 : index
    %swap3A_46 = arith.constant 0 : index
    %swap3A_47 = vector.load %arg7[%swap3A, %swap3A_46] : memref<1024x128xf32, #tpu.memory_space<vmem>>, vector<1024x128xf32>
    tpu.vector_store %arg7[%swap3A, %swap3A_46], %logistic3A_36 {strides = array<i32>} : memref<1024x128xf32, #tpu.memory_space<vmem>>, vector<1024x128xf32>,
    %get3A_48 = arith.constant 0 : index
    %get3A_49 = arith.constant 0 : index
    %get3A_50 = vector.load %arg4[%get3A_48, %get3A_49] : memref<1024x128xf32, #tpu.memory_space<vmem>>, vector<1024x128xf32>
    %mul3A_51 = arith.mulf %logistic3A_45, %get3A_50 : vector<1024x128xf32>
    %swap3A_52 = arith.constant 0 : index
    %swap3A_53 = arith.constant 0 : index
    %swap3A_54 = vector.load %arg8[%swap3A_52, %swap3A_53] : memref<1024x128xf32, #tpu.memory_space<vmem>>, vector<1024x128xf32>
    tpu.vector_store %arg8[%swap3A_52, %swap3A_53], %mul3A_51 {strides = array<i32>} : memref<1024x128xf32, #tpu.memory_space<vmem>>, vector<1024x128xf32>,
    %slice3A_55 = vector.extract_strided_slice %max3A_22 {offsets = [0, 256], sizes = [1024, 128], strides = [1, 1]} : vector<1024x384xf32> to vector<1024x128xf32>
    %swap3A_56 = arith.constant 0 : index
    %swap3A_57 = arith.constant 0 : index
    %swap3A_58 = vector.load %arg9[%swap3A_56, %swap3A_57] : memref<1024x128xf32, #tpu.memory_space<vmem>>, vector<1024x128xf32>
    tpu.vector_store %arg9[%swap3A_56, %swap3A_57], %slice3A_55 {strides = array<i32>} : memref<1024x128xf32, #tpu.memory_space<vmem>>, vector<1024x128xf32>,
    %swap3A_59 = arith.constant 0 : index
    %swap3A_60 = arith.constant 0 : index
    %swap3A_61 = vector.load %arg10[%swap3A_59, %swap3A_60] : memref<1024x1xf32, #tpu.memory_space<vmem>>, vector<1024x1xf32>
    tpu.vector_store %arg10[%swap3A_59, %swap3A_60], %div3A_6 {strides = array<i32>} : memref<1024x1xf32, #tpu.memory_space<vmem>>, vector<1024x1xf32>,
    return
  }
  func.func @transform_0(%arg0: i32) -> (i32, i32) {
    %c0_i32 = arith.constant 0 : i32
    %c0_i32_0 = arith.constant 0 : i32
    return %arg0, %c0_i32 : i32, i32
  }
  func.func @transform_1(%arg0: i32) -> (i32, i32) {
    %c0_i32 = arith.constant 0 : i32
    %c0_i32_0 = arith.constant 0 : i32
    return %arg0, %c0_i32 : i32, i32
  }
  func.func @transform_2(%arg0: i32) -> (i32, i32) {
    %c0_i32 = arith.constant 0 : i32
    %c0_i32_0 = arith.constant 0 : i32
    return %c0_i32, %arg0 : i32, i32
  }
  func.func @transform_3(%arg0: i32) -> (i32, i32) {
    %c0_i32 = arith.constant 0 : i32
    %c0_i32_0 = arith.constant 0 : i32
    return %arg0, %c0_i32 : i32, i32
  }
  func.func @transform_4(%arg0: i32) -> (i32, i32) {
    %c0_i32 = arith.constant 0 : i32
    %c0_i32_0 = arith.constant 0 : i32
    %c0_i32_1 = arith.constant 0 : i32
    return %c0_i32, %c0_i32_0 : i32, i32
  }
  func.func @transform_5(%arg0: i32) -> (i32, i32) {
    %c0_i32 = arith.constant 0 : i32
    %c0_i32_0 = arith.constant 0 : i32
    %c0_i32_1 = arith.constant 0 : i32
    return %c0_i32, %c0_i32_0 : i32, i32
  }
  func.func @transform_6(%arg0: i32) -> (i32, i32) {
    %c0_i32 = arith.constant 0 : i32
    %c0_i32_0 = arith.constant 0 : i32
    return %arg0, %c0_i32 : i32, i32
  }
  func.func @transform_7(%arg0: i32) -> (i32, i32) {
    %c0_i32 = arith.constant 0 : i32
    %c0_i32_0 = arith.constant 0 : i32
    return %arg0, %c0_i32 : i32, i32
  }
  func.func @transform_8(%arg0: i32) -> (i32, i32) {
    %c0_i32 = arith.constant 0 : i32
    %c0_i32_0 = arith.constant 0 : i32
    return %arg0, %c0_i32 : i32, i32
  }
  func.func @transform_9(%arg0: i32) -> (i32, i32) {
    %c0_i32 = arith.constant 0 : i32
    %c0_i32_0 = arith.constant 0 : i32
    return %arg0, %c0_i32 : i32, i32
  }
}

module attributes {stable_mosaic.version = 14 : i64} {
  func.func @_tc2_body(%arg0: i32, %arg1: memref<1024x128xf32, #tpu.memory_space<vmem>>, %arg2: memref<1024x128xf32, #tpu.memory_space<vmem>>, %arg3: memref<1024x1xf32, #tpu.memory_space<vmem>>, %arg4: memref<1024x128xf32, #tpu.memory_space<vmem>>, %arg5: memref<1024x128xf32, #tpu.memory_space<vmem>>, %arg6: memref<1024x128xf32, #tpu.memory_space<vmem>>, %arg7: memref<128x128xf32, #tpu.memory_space<vmem>>, %arg8: memref<1024x128xf32, #tpu.memory_space<vmem>>) attributes {dimension_semantics = [#tpu.dimension_semantics<arbitrary>], iteration_bounds = array<i64: 10>, scalar_prefetch = 0 : i64, scratch_operands = 0 : i64, tpu.core_type = #tpu.core_type<tc>, window_params = [{transform_indices = @transform_0, window_bounds = array<i64: 1024, 128>}, {transform_indices = @transform_1, window_bounds = array<i64: 1024, 128>}, {transform_indices = @transform_2, window_bounds = array<i64: 1024, 1>}, {transform_indices = @transform_3, window_bounds = array<i64: 1024, 128>}, {transform_indices = @transform_4, window_bounds = array<i64: 1024, 128>}, {transform_indices = @transform_5, window_bounds = array<i64: 1024, 128>}, {pipeline_mode = #tpu.pipeline_mode<synchronous>, transform_indices = @transform_6, window_bounds = array<i64: 128, 128>}, {transform_indices = @transform_7, window_bounds = array<i64: 1024, 128>}]} {
    %get3A = arith.constant 0 : index
    %get3A_0 = arith.constant 0 : index
    %get3A_1 = vector.load %arg1[%get3A, %get3A_0] : memref<1024x128xf32, #tpu.memory_space<vmem>>, vector<1024x128xf32>
    %get3A_2 = arith.constant 0 : index
    %get3A_3 = arith.constant 0 : index
    %get3A_4 = vector.load %arg2[%get3A_2, %get3A_3] : memref<1024x128xf32, #tpu.memory_space<vmem>>, vector<1024x128xf32>
    %add3A = arith.addf %get3A_1, %get3A_4 : vector<1024x128xf32>
    %get3A_5 = arith.constant 0 : index
    %get3A_6 = arith.constant 0 : index
    %get3A_7 = vector.load %arg3[%get3A_5, %get3A_6] : memref<1024x1xf32, #tpu.memory_space<vmem>>, vector<1024x1xf32>
    %mul3A = vector.broadcast %get3A_7 : vector<1024x1xf32> to vector<1024x128xf32>
    %mul3A_8 = arith.mulf %add3A, %mul3A : vector<1024x128xf32>
    %get3A_9 = arith.constant 0 : index
    %get3A_10 = arith.constant 0 : index
    %get3A_11 = vector.load %arg7[%get3A_9, %get3A_10] : memref<128x128xf32, #tpu.memory_space<vmem>>, vector<128x128xf32>
    %dot_general3A = arith.constant dense<0.000000e+00> : vector<1024x128xf32>
    %dot_general3A_12 = tpu.matmul %mul3A_8, %get3A_11, %dot_general3A {dimension_numbers = #tpu.dot_dimension_numbers<[1], [0], [0], [1], [0, 0, 1, 1], [], []>, transpose_lhs_hint = false} : vector<1024x128xf32>, vector<128x128xf32>, vector<1024x128xf32> -> vector<1024x128xf32>
    %max3A = arith.constant 0.000000e+00 : f32
    %max3A_13 = vector.broadcast %max3A : f32 to vector<1024x128xf32>
    %max3A_14 = arith.maximumf %dot_general3A_12, %max3A_13 : vector<1024x128xf32>
    %get3A_15 = arith.constant 0 : index
    %get3A_16 = arith.constant 0 : index
    %get3A_17 = vector.load %arg6[%get3A_15, %get3A_16] : memref<1024x128xf32, #tpu.memory_space<vmem>>, vector<1024x128xf32>
    %add3A_18 = arith.addf %get3A_17, %max3A_14 : vector<1024x128xf32>
    %tanh3A = math.tanh %add3A_18 : vector<1024x128xf32>
    %get3A_19 = arith.constant 0 : index
    %get3A_20 = arith.constant 0 : index
    %get3A_21 = vector.load %arg5[%get3A_19, %get3A_20] : memref<1024x128xf32, #tpu.memory_space<vmem>>, vector<1024x128xf32>
    %get3A_22 = arith.constant 0 : index
    %get3A_23 = arith.constant 0 : index
    %get3A_24 = vector.load %arg4[%get3A_22, %get3A_23] : memref<1024x128xf32, #tpu.memory_space<vmem>>, vector<1024x128xf32>
    %mul3A_25 = arith.mulf %get3A_21, %get3A_24 : vector<1024x128xf32>
    %sub3A = arith.constant 1.000000e+00 : f32
    %sub3A_26 = vector.broadcast %sub3A : f32 to vector<1024x128xf32>
    %sub3A_27 = arith.subf %sub3A_26, %get3A_21 : vector<1024x128xf32>
    %mul3A_28 = arith.mulf %sub3A_27, %tanh3A : vector<1024x128xf32>
    %add3A_29 = arith.addf %mul3A_25, %mul3A_28 : vector<1024x128xf32>
    %swap3A = arith.constant 0 : index
    %swap3A_30 = arith.constant 0 : index
    %swap3A_31 = vector.load %arg8[%swap3A, %swap3A_30] : memref<1024x128xf32, #tpu.memory_space<vmem>>, vector<1024x128xf32>
    tpu.vector_store %arg8[%swap3A, %swap3A_30], %add3A_29 {strides = array<i32>} : memref<1024x128xf32, #tpu.memory_space<vmem>>, vector<1024x128xf32>,
    return
  }
  func.func @transform_0(%arg0: i32) -> (i32, i32) {
    %c0_i32 = arith.constant 0 : i32
    %c0_i32_0 = arith.constant 0 : i32
    return %arg0, %c0_i32 : i32, i32
  }
  func.func @transform_1(%arg0: i32) -> (i32, i32) {
    %c0_i32 = arith.constant 0 : i32
    %c0_i32_0 = arith.constant 0 : i32
    return %arg0, %c0_i32 : i32, i32
  }
  func.func @transform_2(%arg0: i32) -> (i32, i32) {
    %c0_i32 = arith.constant 0 : i32
    %c0_i32_0 = arith.constant 0 : i32
    return %arg0, %c0_i32 : i32, i32
  }
  func.func @transform_3(%arg0: i32) -> (i32, i32) {
    %c0_i32 = arith.constant 0 : i32
    %c0_i32_0 = arith.constant 0 : i32
    return %arg0, %c0_i32 : i32, i32
  }
  func.func @transform_4(%arg0: i32) -> (i32, i32) {
    %c0_i32 = arith.constant 0 : i32
    %c0_i32_0 = arith.constant 0 : i32
    return %arg0, %c0_i32 : i32, i32
  }
  func.func @transform_5(%arg0: i32) -> (i32, i32) {
    %c0_i32 = arith.constant 0 : i32
    %c0_i32_0 = arith.constant 0 : i32
    return %arg0, %c0_i32 : i32, i32
  }
  func.func @transform_6(%arg0: i32) -> (i32, i32) {
    %c0_i32 = arith.constant 0 : i32
    %c0_i32_0 = arith.constant 0 : i32
    %c0_i32_1 = arith.constant 0 : i32
    return %c0_i32, %c0_i32_0 : i32, i32
  }
  func.func @transform_7(%arg0: i32) -> (i32, i32) {
    %c0_i32 = arith.constant 0 : i32
    %c0_i32_0 = arith.constant 0 : i32
    return %arg0, %c0_i32 : i32, i32
  }
}

</mosaic_0001>

<sc_bundles>
// kernel: kernel.6.cloned.1.call-start
scs
__scs_entry_jumppad:
0x0: {  	(pc) =	sbr.rel $0x88, $3  }
0x1: {  	(tag) =	ssettag $0x0;
	lr =	simm.s32 $0x1  }
0x2: {  	[smem:$0x3F98] =	sst lr;
	_ =	strace $0xD0000000  }
0x3: {  	_ = 	snop  }
0x4: {  	_ = 	snop  }
0x5: {  	_ = 	snop  }
0x6: {  	_ = 	snop  }
0x7: {  	_ = 	snop  }
__scs_overlays_trampoline_lowered:
0x8: {  	[smem:$0x3FA7] =	sst s0  }
0x9: {  	[smem:$0x3FA8] =	sst s1  }
0xa: {  	[smem:$0x3FA9] =	sst s2  }
0xb: {  	[smem:$0x3FAA] =	sst s3  }
0xc: {  	[smem:$0x3FAB] =	sst s4  }
0xd: {  	[smem:$0x3FAC] =	sst s5  }
0xe: {  	[smem:$0x3FAD] =	sst s6  }
0xf: {  	[smem:$0x3FAE] =	sst s7  }
0x10: {  	[smem:$0x3FAF] =	sst s8  }
0x11: {  	[smem:$0x3FB0] =	sst s9;
	s0 =	simm.s32 @!p0 $0x0  }
0x12: {  	s1 =	sld [smem:$0x3F96];
	s0 =	simm.s32 @p0 $0x1  }
0x13: {  	[smem:$0x3FB1] =	sst s0;
	s0 =	simm.s32 @!p1 $0x0  }
0x14: {  	s2 =	sld [smem:$0x3F95];
	s0 =	simm.s32 @p1 $0x1  }
0x15: {  	[smem:$0x3FB2] =	sst s0;
	s0 =	simm.s32 @!p2 $0x0  }
0x16: {  	s3 =	sld [smem:$0x3FDB];
	s0 =	simm.s32 @p2 $0x1  }
0x17: {  	s4 =	simm.s32 $0x1BF5;
	[smem:$0x3FB4] =	sst s0  }
0x18: {  	s0 =	sld [smem:$0x3F97];
	_ =	swait.ge [sflag:s4], $0x0  }
0x19: {  	s7 =	sld [smem:$0x3F98]  }
0x1a: {  	s8 =	sadd.s32 $0xFFFFE003, lr  }
0x1b: {  	s9 =	sadd.s32 $0xFFFFFEF7, lr;
	s5 =	simm.s32 $0xFFFFFFFF;
	p2 =	slt.u32 s8, $0xFFFFF086  }
0x1c: {  	p1 =	slt.u32 s9, $0xF7A;
	s5 =	simm.s32 @!p2 $0x0  }
0x1d: {  	s5 =	simm.s32 @p1 $0x1;
	p0 =	seq.s32 s7, s2  }
0x1e: {  	s7 =	smul.u32 @!p0 $0xF7A, s2;
	p2 =	seq.s32 @!p0 s5, $0x0  }
0x1f: {  	s9 =	smul.u32 $0xF7A, s1;
	s8 =	simm.s32 @!p0 $0x1BF5;
	p2 =	por !p2, p0  }
0x20: {  	[sflag:s8] =	ssyncset.s32 @!p0 $0xFFFFF086;
	s6 =	sadd.s32 @!p0 s3, s7;
	s7 =	simm.s32 @!p0 $0x108  }
0x21: {  	s3 =	sadd.s32 s3, s9;
	s6 =	sadd.s32 @!p0 $0x88, s6;
	s7 =	simm.s32 @p2 $0x1082  }
0x22: {  	[simem:s7], [sflag:s8] =	dma.local @!p0 [hbm:s6], $0xF7A  }
0x23: {  	s9 =	sor.u32 $0xD0000000, s2;
	s6 =	simm.s32 $0x108;
	_ =	swait.ge @!p0 [sflag:s8], $0x0  }
0x24: {  	s3 =	sadd.s32 $0x88, s3;
	s6 =	simm.s32 @!p1 $0x1082;
	[sflag:s4] =	ssyncset.s32 $0xFFFFF086  }
0x25: {  	[simem:s6], [sflag:s4] =	dma.local [hbm:s3], $0xF7A  }
0x26: {  	[smem:$0x3F98] =	sst s1;
	(tag) =	ssettag s2;
	_ =	strace s9  }
0x27: {  	s1 =	sld [smem:$0x3FA8]  }
0x28: {  	s2 =	sld [smem:$0x3FA9]  }
0x29: {  	s4 =	sld [smem:$0x3FAB]  }
0x2a: {  	p0 =	seq.s32 s5, $0x0;
	s5 =	sld [smem:$0x3FAC]  }
0x2b: {  	s6 =	sld [smem:$0x3FAD]  }
0x2c: {  	s7 =	sld [smem:$0x3FAE]  }
0x2d: {  	s3 =	simm.s32 $0x108;
	s8 =	sld [smem:$0x3FAF]  }
0x2e: {  	s3 =	simm.s32 @!p0 $0x1082;
	s9 =	sld [smem:$0x3FB0]  }
0x2f: {  	lr =	sadd.s32 s0, s3;
	s0 =	sld [smem:$0x3FA7]  }
0x30: {  	s3 =	sld [smem:$0x3FAA]  }
0x31: {  	[smem:$0x3FB3] =	sst s10  }
0x32: {  	s10 =	sld [smem:$0x3FB1];
	_ =	sdelay $0x3  }
0x33: {  	p0 =	seq.s32 s10, $0x1;
	s10 =	sld [smem:$0x3FB3];
	_ =	sdelay $0x3  }
0x34: {  	[smem:$0x3FB3] =	sst s10  }
0x35: {  	s10 =	sld [smem:$0x3FB2];
	_ =	sdelay $0x3  }
0x36: {  	p1 =	seq.s32 s10, $0x1;
	s10 =	sld [smem:$0x3FB3];
	_ =	sdelay $0x3  }
0x37: {  	[smem:$0x3FB3] =	sst s10  }
0x38: {  	s10 =	sld [smem:$0x3FB4]  }
0x39: {  	_ = 	snop;
	(pc) =	sbr.ind lr, $3  }
0x3a: {  	_ = 	snop  }
0x3b: {  	_ = 	snop  }
0x3c: {  	p2 =	seq.s32 s10, $0x1;
	s10 =	sld [smem:$0x3FB3]  }
0x3d: {  	_ =	shalt  }
0x3e: {  	_ =	shalt  }
0x3f: {  	_ =	shalt  }
0x40: {  	_ =	shalt  }
0x41: {  	_ =	shalt  }
0x42: {  	_ =	shalt  }
0x43: {  	_ =	shalt  }
0x44: {  	_ =	shalt  }
0x45: {  	_ =	shalt  }
0x46: {  	_ =	shalt  }
0x47: {  	_ =	shalt  }
0x48: {  	_ =	shalt  }
0x49: {  	_ =	shalt  }
0x4a: {  	_ =	shalt  }
0x4b: {  	_ =	shalt  }
0x4c: {  	_ =	shalt  }
0x4d: {  	_ =	shalt  }
0x4e: {  	_ =	shalt  }
0x4f: {  	_ =	shalt  }
0x50: {  	_ =	shalt  }
0x51: {  	_ =	shalt  }
0x52: {  	_ =	shalt  }
0x53: {  	_ =	shalt  }
0x54: {  	_ =	shalt  }
0x55: {  	_ =	shalt  }
0x56: {  	_ =	shalt  }
0x57: {  	_ =	shalt  }
0x58: {  	_ =	shalt  }
0x59: {  	_ =	shalt  }
0x5a: {  	_ =	shalt  }
0x5b: {  	_ =	shalt  }
0x5c: {  	_ =	shalt  }
0x5d: {  	_ =	shalt  }
0x5e: {  	_ =	shalt  }
0x5f: {  	_ =	shalt  }
0x60: {  	_ =	shalt  }
0x61: {  	_ =	shalt  }
0x62: {  	_ =	shalt  }
0x63: {  	_ =	shalt  }
0x64: {  	_ =	shalt  }
0x65: {  	_ =	shalt  }
0x66: {  	_ =	shalt  }
0x67: {  	_ =	shalt  }
0x68: {  	_ =	shalt  }
0x69: {  	_ =	shalt  }
0x6a: {  	_ =	shalt  }
0x6b: {  	_ =	shalt  }
0x6c: {  	_ =	shalt  }
0x6d: {  	_ =	shalt  }
0x6e: {  	_ =	shalt  }
0x6f: {  	_ =	shalt  }
0x70: {  	_ =	shalt  }
0x71: {  	_ =	shalt  }
0x72: {  	_ =	shalt  }
0x73: {  	_ =	shalt  }
0x74: {  	_ =	shalt  }
0x75: {  	_ =	shalt  }
0x76: {  	_ =	shalt  }
0x77: {  	_ =	shalt  }
0x78: {  	_ =	shalt  }
0x79: {  	_ =	shalt  }
0x7a: {  	_ =	shalt  }
0x7b: {  	_ =	shalt  }
0x7c: {  	_ =	shalt  }
0x7d: {  	_ =	shalt  }
0x7e: {  	_ =	shalt  }
0x7f: {  	_ =	shalt  }
0x80: {  	_ =	shalt  }
0x81: {  	_ =	shalt  }
0x82: {  	_ =	shalt  }
0x83: {  	_ =	shalt  }
0x84: {  	_ =	shalt  }
0x85: {  	_ =	shalt  }
0x86: {  	_ =	shalt  }
0x87: {  	_ =	shalt  }
.Lfunc_end0:
.L_simem_size_0:
called_computation_lowered:
.L_overlay_start_0:
0x88: {  	s2 =	sld [smem:$0x3FD9]  }
0x89: {  	s3 =	sld [smem:$0x3FFE];
	_ =	sdelay $0x1  }
0x8a: {  	s1 =	srdreg.scid  }
0x8b: {  	s0 =	sand.u32 $0x1, s1  }
0x8c: {  	s17 =	sshll.u32 s0, $0xA;
	s2 =	sadd.s32 s3, s2  }
0x8d: {  	s2 =	sadd.s32 s2, s17  }
0x8e: {  	[smem:$0x3FBF] =	sst s2  }
0x8f: {  	_ = 	snop  }
0x90: {  	s2 =	sld [smem:$0x3FC9]  }
0x91: {  	s18 =	sld [smem:$0x3FC7]  }
0x92: {  	s4 =	sld [smem:$0x3FD0];
	(tm) =	ssettm $0x1  }
0x93: {  	s5 =	sld [smem:$0x3FFB];
	_ =	sdelay $0x3  }
0x94: {  	_ =	strace s5  }
0x95: {  	s5 =	sld [smem:$0x3FFC];
	_ =	sdelay $0x3  }
0x96: {  	_ =	strace s5  }
0x97: {  	s5 =	sld [smem:$0x3FFD];
	_ =	sdelay $0x3  }
0x98: {  	_ =	strace s5  }
0x99: {  	_ =	strace $0x8FFFFFFF  }
0x9a: {  	s19 =	sld [smem:$0x3FDB];
	_ =	sdelay $0x1  }
0x9b: {  	s6 =	simm.s32 $_scs_section_size  }
0x9c: {  	s7 =	simm.s32 $_size__tile_overlayer_lowered;
	s8 =	simm.s32 $_tile_overlayer_lowered  }
0x9d: {  	s22 =	simm.s32 $0x1BFF;
	s21 =	sshll.u32 s8, $0x1;
	s5 =	sadd.s32 s6, s19  }
0x9e: {  	s9 =	simm.s32 $0x0;
	s20 =	sshll.u32 s7, $0x1;
	s7 =	sadd.s32 s21, s5  }
0x9f: {  	[timem:s9], [sflag:s22] =	dma.local [hbm:s7], s20  }
0xa0: {  	_ =	swait.ge [sflag:s22], s20  }
0xa1: {  	s6 =	ssub.s32 $0x0, s20;
	[sflag:s22] =	ssyncset.done $0x0  }
0xa2: {  	[sflag:s22] =	ssyncadd.s32 s6;
	_ =	sdelay $0x1  }
0xa3: {  	s23 =	simm.s32 $0x1B8B  }
0xa4: {  	_ =	swait.ge [sflag:s23], $0x1  }
0xa5: {  	[sflag:s23] =	ssyncset.done $0x0  }
0xa6: {  	s25 =	simm.s32 $0x1B8E;
	s24 =	sld [smem:$0x3FFE];
	[sflag:s23] =	ssyncadd.s32 $0xFFFFFFFF  }
0xa7: {  	s26 =	simm.s32 $execute0_lowered;
	[smem:$0x3FD2] =	sst s25  }
0xa8: {  	s7 =	sshll.u32 s26, $0x1;
	_ =	strace $0x80000046;
	[dreg:$0x1] =	wrdreg $0xFFFFFFFF  }
0xa9: {  	s28 =	simm.s32 $_size_execute0_lowered;
	s5 =	sadd.s32 s5, s7;
	[dreg:$0x0] =	wrdreg $0x0  }
0xaa: {  	s7 =	sshll.u32 s28, $0x1;
	[dreg:$0x2] =	wrdreg s5  }
0xab: {  	[dreg:$0x3] =	wrdreg s7  }
0xac: {  	[dreg:$0x4] =	wrdreg $0xC0  }
0xad: {  	_ =	task [dreg:s9], $0x5FFFF  }
0xae: {  	[dreg:$0x1] =	wrdreg $0xFFFFFFFF  }
0xaf: {  	[dreg:$0x0] =	wrdreg $0x60  }
0xb0: {  	[dreg:$0x2] =	wrdreg s2  }
0xb1: {  	[dreg:$0x3] =	wrdreg s18  }
0xb2: {  	[dreg:$0x4] =	wrdreg s24  }
0xb3: {  	[dreg:$0x5] =	wrdreg s4  }
0xb4: {  	[dreg:$0x6] =	wrdreg $0xAB000  }
0xb5: {  	[dreg:$0x7] =	wrdreg $0x9  }
0xb6: {  	_ =	task.clear_ibuf [dreg:s9], $0x8FFFF;
	_ =	strace $0x90000046  }
0xb7: {  	s29 =	simm.s32 $0x9;
	_ =	strace $0x80000048  }
0xb8: {  	_ =	swait.ge [sflag:s29], $0x1  }
0xb9: {  	[sflag:s29] =	ssyncadd.s32 $0xFFFFFFFF  }
0xba: {  	_ =	strace $0x90000048  }
0xbb: {  	_ =	sfence  }
0xbc: {  	s30 =	sld [smem:$0x0];
	_ =	sdelay $0x2  }
0xbd: {  	s31 =	sshll.u32 s1, $0xD;
	s1 =	sshrl.u32 s1, $0x2  }
0xbe: {  	s3 =	sand.u32 $0x4000, s31;
	s1 =	sadd.s32 s1, s30  }
0xbf: {  	s0 =	sor.u32 s3, s0;
	s1 =	sshll.u32 s1, $0x11  }
0xc0: {  	s0 =	sor.u32 s1, s0  }
0xc1: {  	s0 =	sadd.s32 $0x8F2B, s0  }
0xc2: {  	[sflag:s0] =	ssyncadd.remote.s32 $0x1  }
0xc3: {  	_ =	sfence.sel $0xFFFF  }
0xc4: {  	[dreg:$0x0] =	wrdreg $0xFFFFFFFF;
	(pc) =	sbr.abs _section_cstart, $3  }
0xc5: {  	[dreg:$0x1] =	wrdreg $0xFFFFFFFF  }
0xc6: {  	_ =	task.clear_ibuf [dreg:s9], $0x2FFFF;
	_ =	strace $0x9FFFFFFF  }
0xc7: {  	(tm) =	ssettm $0x7FFFFFFF  }
tec
execute0_lowered:
.L_overlay_start_1:
0x0: {  	(tag) =	ssettag $0x1  }
0x1: {  	s1 =	rddreg [dreg:$0x0]  }
0x2: {  	s2 =	rddreg [dreg:$0x1]  }
0x3: {  	s0 =	rddreg [dreg:$0x2]  }
0x4: {  	s3 =	rddreg [dreg:$0x3]  }
0x5: {  	s4 =	rddreg [dreg:$0x4]  }
0x6: {  	s5 =	simm.s32 $0x0;
	s15 =	stileid.u32;
	s6 =	srdreg.scid  }
0x7: {  	s28 =	simm.s32 $0x9;
	s29 =	simm.s32 $0x80;
	s30 =	simm.s32 $0x100  }
0x8: {  	s31 =	simm.s32 $0x180;
	[smem:$0x7FF] =	sst s5;
	s7 =	smul.u32 $0x50000, s15  }
0x9: {  	s8 =	sadd.s32 $0xC600, s0;
	s9 =	sadd.s32 $0x2200, s0;
	s6 =	sand.u32 $0x1, s6  }
0xa: {  	s10 =	sadd.s32 $0x16A00, s0;
	s12 =	smul.u32 $0x5200, s15;
	s0 =	sadd.s32 $0x3EA00, s0  }
0xb: {  	s17 =	sshrl.u32 s15, $0x3;
	s14 =	sshll.u32 s15, $0x7;
	s20 =	smul.u32 $0xA40, s15  }
0xc: {  	_ =	strace $0x80000047;
	[dreg:$0x6] =	wrdreg s10;
	s22 =	ssub.s32 $0x2, s6  }
0xd: {  	[dreg:$0x7] =	wrdreg s0;
	s14 =	sand.u32 $0x380, s14;
	p0 =	seq.s32 s6, $0x0  }
0xe: {  	s6 =	simm.s32 $0x280;
	s10 =	simm.s32 $0x5;
	s7 =	sshrl.u32 s7, $0x2  }
0xf: {  	s11 =	sshrl.u32 s22, $0x1;
	s26 =	sshrl.u32 s12, $0x3;
	s7 =	sadd.s32 s7, s4  }
0x10: {  	s21 =	sadd.s32 s20, s8;
	s0 =	ssub.s32 s22, s11;
	s23 =	sadd.s32 $0x4000, s7  }
0x11: {  	s13 =	sadd.s32 s8, s26;
	s24 =	sadd.s32 $0x8000, s7;
	[dreg:$0x8] =	wrdreg s23  }
0x12: {  	s12 =	sor.u32 $0x10, s26;
	s25 =	sadd.s32 $0xC000, s7;
	[dreg:$0x9] =	wrdreg s24  }
0x13: {  	s11 =	smul.u32 $0x14000, s17;
	s16 =	sadd.s32 $0x10000, s7;
	[dreg:$0xa] =	wrdreg s25  }
0x14: {  	s17 =	sadd.s32 s9, s26;
	s18 =	sadd.s32 $0x20, s13;
	[dreg:$0xb] =	wrdreg s16  }
0x15: {  	s26 =	smul.u32 $0x2800, s15;
	s19 =	sadd.s32 $0x30, s13;
	[dreg:$0xd] =	wrdreg s18  }
0x16: {  	s15 =	simm.s32 $0x6;
	s22 =	sadd.s32 s9, s12;
	[dreg:$0xe] =	wrdreg s19  }
0x17: {  	s0 =	smax.u32 s0, $0x1;
	s16 =	sadd.s32 s8, s12;
	[dreg:$0xf] =	wrdreg s22  }
0x18: {  	s11 =	sor.u32 s14, s11;
	s24 =	sadd.s32 $0xA20, s17;
	[dreg:$0x13] =	wrdreg s26  }
0x19: {  	s22 =	sadd.s32 s20, s9;
	s25 =	sadd.s32 $0xA30, s17;
	[dreg:$0x14] =	wrdreg s0  }
0x1a: {  	s26 =	simm.s32 $0x300;
	s0 =	simm.s32 $0x200;
	s8 =	simm.s32 $0x1  }
.Ltmp0:
0x1b: {  	s19 =	simm.s32 $0x2;
	s9 =	simm.s32 $0x7;
	(pc) =	sbr.rel .LBB2_1-.Ltmp0, $4  }
0x1c: {  	s12 =	simm.s32 $0x3;
	s14 =	simm.s32 $0x8;
	[dreg:$0xc] =	wrdreg s16  }
0x1d: {  	s18 =	simm.s32 $0x0;
	s23 =	sshrl.u32 s11, $0x3;
	[dreg:$0x11] =	wrdreg s24  }
0x1e: {  	[dreg:$0x12] =	wrdreg s25;
	s11 =	simm.s32 $0x8300;
	s3 =	sadd.s32 s3, s23  }
0x1f: {  	v0 =	vimm.f32 $0.0e+00;
	v1 =	vimm.f32 $1.000000000e+00;
	s16 =	simm.s32 $0x4;
	[dreg:$0x10] =	wrdreg s3;
	s3 =	simm.s32 $0x4300  }
.LBB2_6:
0x20: {  	[tilespmem:s6], [sflag:$0x6] =	stream.linear.gather [hbm4b:s23+s5], $0x80, $0x38;
	[tilespmem:$0x1EB00] =	vst v63  }
0x21: {  	_ =	swait.ge [sflag:s19], $0x80  }
0x22: {  	[sflag:s19] =	ssyncset.done $0x0  }
0x23: {  	[sflag:s19] =	ssyncadd.s32 $0xFFFFFF80  }
0x24: {  	[tilespmem:s3], [sflag:$0x8] =	stream.indirect.gather [hbm4b:s2+s29], $0x80, s29, s29, $0xb8;
	[tilespmem:$0x1EB00] =	vst v63  }
0x25: {  	_ =	swait.ge [sflag:s9], $0x4000  }
0x26: {  	[sflag:s9] =	ssyncset.done $0x0  }
0x27: {  	[sflag:s9] =	ssyncadd.s32 $0xFFFFC000  }
0x28: {  	_ =	swait.ge [sflag:s10], $0x80  }
0x29: {  	[sflag:s10] =	ssyncset.done $0x0  }
0x2a: {  	[sflag:s10] =	ssyncadd.s32 $0xFFFFFF80  }
0x2b: {  	[spmem:s4] =	stream.indirect.scatter.add.f32 [tilespmem:s26], [sflag:$0x9], $0x80, s0, s29, $0xb8;
	[tilespmem:$0x1EB00] =	vst v63  }
0x2c: {  	_ =	swait.ge [sflag:s28], $0x4000  }
0x2d: {  	[sflag:s28] =	ssyncset.done $0x0  }
0x2e: {  	s20 =	rddreg [dreg:$0x11];
	[sflag:s28] =	ssyncadd.s32 $0xFFFFC000  }
0x2f: {  	[tilespmem:s0], [sflag:$0x5] =	stream.linear.gather [hbm4b:s20+s5], $0x80, $0x38;
	[tilespmem:$0x1EB00] =	vst v63  }
0x30: {  	_ =	swait.ge [sflag:s12], $0x80  }
0x31: {  	[sflag:s12] =	ssyncset.done $0x0  }
0x32: {  	[sflag:s12] =	ssyncadd.s32 $0xFFFFFF80  }
0x33: {  	[tilespmem:s26], [sflag:$0x7] =	stream.indirect.gather [hbm4b:s2+s29], $0x80, s30, s29, $0xb8;
	[tilespmem:$0x1EB00] =	vst v63  }
0x34: {  	_ =	swait.ge [sflag:s14], $0x4000  }
0x35: {  	[sflag:s14] =	ssyncset.done $0x0  }
0x36: {  	[sflag:s14] =	ssyncadd.s32 $0xFFFFC000  }
0x37: {  	_ =	swait.ge [sflag:s15], $0x80  }
0x38: {  	[sflag:s15] =	ssyncset.done $0x0  }
0x39: {  	[sflag:s15] =	ssyncadd.s32 $0xFFFFFF80  }
0x3a: {  	[spmem:s4] =	stream.indirect.scatter.add.f32 [tilespmem:s3], [sflag:$0x9], $0x80, s6, s29, $0xb8;
	[tilespmem:$0x1EB00] =	vst v63  }
0x3b: {  	_ =	swait.ge [sflag:s28], $0x4000  }
0x3c: {  	[sflag:s28] =	ssyncset.done $0x0  }
0x3d: {  	s25 =	rddreg [dreg:$0x12];
	[sflag:s28] =	ssyncadd.s32 $0xFFFFC000  }
0x3e: {  	[tilespmem:s6], [sflag:$0x6] =	stream.linear.gather [hbm4b:s25+s5], $0x80, $0x38;
	[tilespmem:$0x1EB00] =	vst v63  }
0x3f: {  	_ =	swait.ge [sflag:s16], $0x80  }
0x40: {  	[sflag:s16] =	ssyncset.done $0x0  }
0x41: {  	[sflag:s16] =	ssyncadd.s32 $0xFFFFFF80  }
0x42: {  	[tilespmem:s3], [sflag:$0x8] =	stream.indirect.gather [hbm4b:s2+s29], $0x80, s31, s29, $0xb8;
	[tilespmem:$0x1EB00] =	vst v63  }
0x43: {  	_ =	swait.ge [sflag:s9], $0x4000  }
0x44: {  	[sflag:s9] =	ssyncset.done $0x0  }
0x45: {  	[sflag:s9] =	ssyncadd.s32 $0xFFFFC000  }
0x46: {  	_ =	swait.ge [sflag:s10], $0x80  }
0x47: {  	[sflag:s10] =	ssyncset.done $0x0  }
0x48: {  	[sflag:s10] =	ssyncadd.s32 $0xFFFFFF80  }
0x49: {  	[spmem:s4] =	stream.indirect.scatter.add.f32 [tilespmem:s26], [sflag:$0x9], $0x80, s0, s29, $0xb8;
	[tilespmem:$0x1EB00] =	vst v63  }
0x4a: {  	_ =	swait.ge [sflag:s28], $0x4000  }
0x4b: {  	[sflag:s28] =	ssyncset.done $0x0  }
0x4c: {  	[sflag:s28] =	ssyncadd.s32 $0xFFFFC000  }
0x4d: {  	_ =	swait.ge [sflag:s14], $0x4000  }
0x4e: {  	[sflag:s14] =	ssyncset.done $0x0  }
0x4f: {  	[sflag:s14] =	ssyncadd.s32 $0xFFFFC000  }
0x50: {  	_ =	swait.ge [sflag:s15], $0x80  }
0x51: {  	[sflag:s15] =	ssyncset.done $0x0  }
0x52: {  	[sflag:s15] =	ssyncadd.s32 $0xFFFFFF80  }
0x53: {  	[spmem:s4] =	stream.indirect.scatter.add.f32 [tilespmem:s3], [sflag:$0x9], $0x80, s6, s29, $0xb8;
	[tilespmem:$0x1EB00] =	vst v63  }
0x54: {  	_ =	swait.ge [sflag:s28], $0x4000  }
0x55: {  	[sflag:s28] =	ssyncset.done $0x0  }
0x56: {  	s20 =	rddreg [dreg:$0x7];
	[sflag:s28] =	ssyncadd.s32 $0xFFFFC000  }
.LBB2_12:
0x57: {  	s23 =	rddreg [dreg:$0x13];
	s24 =	stileid.u32  }
0x58: {  	s20 =	sadd.s32 s20, s23;
	s23 =	sshll.u32 s24, $0x6  }
0x59: {  	[bflag:$0x0] =	sbarrier.arrive $0xFFFF;
	s24 =	sshrl.u32 s7, $0x3;
	s23 =	sor.u32 $0x1C09, s23  }
0x5a: {  	[hbm:s20], [sflag:s23] =	dma.local [spmem:s24], $0x2800  }
0x5b: {  	_ =	swait.ge [sflag:s28], $0x2800  }
0x5c: {  	s18 =	sadd.s32 $0x1, s18;
	s25 =	rddreg [dreg:$0x14]  }
0x5d: {  	p1 =	sne.s32 s18, s25  }
.Ltmp1:
0x5e: {  	_ = 	snop;
	(pc) =	sbr.rel @!p1 .LBB2_13-.Ltmp1, $3  }
0x5f: {  	_ =	sdelay $0x1  }
0x60: {  	[sflag:s28] =	ssyncset.done $0x0  }
0x61: {  	[sflag:s28] =	ssyncadd.s32 $0xFFFFD800  }
.LBB2_1:
0x62: {  	s20 =	sand.u32 $0xFE00, s5  }
0x63: {  	s23 =	sand.u32 $0x70, s5;
	s24 =	sshrl.u32 s20, $0x2  }
0x64: {  	s20 =	simm.s32 $0x40;
	s24 =	sor.u32 s23, s24;
	s23 =	simm.s32 $0x0  }
.LBB2_2:
0x65: {  	p1 =	sne.s32 s20, $0xFFC0  }
0x66: {  	[tilespmem:s24+$0x300] =	vst v0;
	s23 =	sadd.s32 $0x10, s23;
	s24 =	smov.u32 s20;
	s20 =	sadd.s32 $0x40, s20  }
.Ltmp2:
0x67: {  	(pc) =	sbr.rel @p1 .LBB2_2-.Ltmp2, $4  }
0x68: {  	_ = 	snop  }
0x69: {  	s24 =	sand.u32 $0xFE00, s24  }
0x6a: {  	s25 =	sand.u32 $0x70, s23;
	s24 =	sshrl.u32 s24, $0x2  }
0x6b: {  	s24 =	sor.u32 s25, s24  }
0x6c: {  	[tilespmem:s24+$0x300] =	vst v0  }
0x6d: {  	[spmem:s7] =	stream.linear.scatter [tilespmem:s26], [sflag:$0x9], $0x4000, $0x38;
	[tilespmem:$0x1EB00] =	vst v63  }
0x6e: {  	_ =	swait.ge [sflag:s28], $0x4000  }
0x6f: {  	[sflag:s28] =	ssyncset.done $0x0  }
0x70: {  	s20 =	rddreg [dreg:$0x8];
	[sflag:s28] =	ssyncadd.s32 $0xFFFFC000  }
0x71: {  	[spmem:s20] =	stream.linear.scatter [tilespmem:s26], [sflag:$0x9], $0x4000, $0x38;
	[tilespmem:$0x1EB00] =	vst v63  }
0x72: {  	_ =	swait.ge [sflag:s28], $0x4000  }
0x73: {  	[sflag:s28] =	ssyncset.done $0x0  }
0x74: {  	s23 =	rddreg [dreg:$0x9];
	[sflag:s28] =	ssyncadd.s32 $0xFFFFC000  }
0x75: {  	[spmem:s23] =	stream.linear.scatter [tilespmem:s26], [sflag:$0x9], $0x4000, $0x38;
	[tilespmem:$0x1EB00] =	vst v63  }
0x76: {  	_ =	swait.ge [sflag:s28], $0x4000  }
0x77: {  	[sflag:s28] =	ssyncset.done $0x0  }
0x78: {  	s24 =	rddreg [dreg:$0xa];
	[sflag:s28] =	ssyncadd.s32 $0xFFFFC000  }
0x79: {  	[spmem:s24] =	stream.linear.scatter [tilespmem:s26], [sflag:$0x9], $0x4000, $0x38;
	[tilespmem:$0x1EB00] =	vst v63  }
0x7a: {  	_ =	swait.ge [sflag:s28], $0x4000  }
0x7b: {  	[sflag:s28] =	ssyncset.done $0x0  }
.Ltmp3:
0x7c: {  	s25 =	rddreg [dreg:$0xb];
	[sflag:s28] =	ssyncadd.s32 $0xFFFFC000;
	(pc) =	sbr.rel @!p0 .LBB2_4-.Ltmp3, $4  }
0x7d: {  	[spmem:s25] =	stream.linear.scatter [tilespmem:s26], [sflag:$0x9], $0x4000, $0x38;
	[tilespmem:$0x1EB00] =	vst v63  }
0x7e: {  	_ =	swait.ge [sflag:s28], $0x4000  }
0x7f: {  	[sflag:s28] =	ssyncset.done $0x0  }
0x80: {  	s20 =	simm.s32 $0x0;
	[sflag:s28] =	ssyncadd.s32 $0xFFFFC000  }
0x81: {  	s20 =	simm.s32 $0x40;
	s23 =	simm.s32 $0x0  }
.LBB2_8:
0x82: {  	p1 =	sne.s32 s20, $0x9FC0;
	[tilespmem:s23+$0x8300] =	vst v0;
	s23 =	smov.u32 s20;
	s20 =	sadd.s32 $0x40, s20  }
.Ltmp4:
0x83: {  	(pc) =	sbr.rel @p1 .LBB2_8-.Ltmp4, $2  }
0x84: {  	_ =	sdelay $0x2  }
0x85: {  	s23 =	sshra.s32 s23, $0x2  }
0x86: {  	[tilespmem:s23+$0x8300] =	vst v0  }
0x87: {  	s20 =	simm.s32 $0x0;
	[bflag:$0x0] =	sbarrier.arrive $0xFFFF  }
0x88: {  	[tilespmem:s20], [sflag:$0x1] =	stream.linear.gather [hbm4b:s13+s20], $0x80, $0x38;
	[tilespmem:$0x1EB00] =	vst v63  }
0x89: {  	s24 =	rddreg [dreg:$0xc]  }
0x8a: {  	[tilespmem:s29], [sflag:$0x2] =	stream.linear.gather [hbm4b:s24+s20], $0x80, $0x38;
	[tilespmem:$0x1EB00] =	vst v63  }
0x8b: {  	s25 =	rddreg [dreg:$0xd]  }
0x8c: {  	[tilespmem:s30], [sflag:$0x3] =	stream.linear.gather [hbm4b:s25+s20], $0x80, $0x38;
	[tilespmem:$0x1EB00] =	vst v63  }
0x8d: {  	s24 =	rddreg [dreg:$0xe]  }
0x8e: {  	[tilespmem:s31], [sflag:$0x4] =	stream.linear.gather [hbm4b:s24+s20], $0x80, $0x38;
	[tilespmem:$0x1EB00] =	vst v63  }
0x8f: {  	_ = 	snop  }
0x90: {  	[tilespmem:s0], [sflag:$0x5] =	stream.linear.gather [hbm4b:s17+s20], $0x80, $0x38;
	[tilespmem:$0x1EB00] =	vst v63  }
0x91: {  	s25 =	rddreg [dreg:$0xf]  }
0x92: {  	[tilespmem:s6], [sflag:$0x6] =	stream.linear.gather [hbm4b:s25+s20], $0x80, $0x38;
	[tilespmem:$0x1EB00] =	vst v63  }
0x93: {  	_ =	swait.ge [sflag:s8], $0x80  }
0x94: {  	[sflag:s8] =	ssyncset.done $0x0  }
0x95: {  	[sflag:s8] =	ssyncadd.s32 $0xFFFFFF80  }
0x96: {  	[tilespmem:s26], [sflag:$0x7] =	stream.indirect.gather [hbm4b:s1+s29], $0x80, s20, s29, $0xb8;
	[tilespmem:$0x1EB00] =	vst v63  }
.LBB2_10:
0x97: {  	_ =	swait.ge [sflag:s19], $0x80  }
0x98: {  	[sflag:s19] =	ssyncset.done $0x0  }
0x99: {  	[sflag:s19] =	ssyncadd.s32 $0xFFFFFF80  }
0x9a: {  	[tilespmem:s3], [sflag:$0x8] =	stream.indirect.gather [hbm4b:s1+s29], $0x80, s29, s29, $0xb8;
	[tilespmem:$0x1EB00] =	vst v63  }
0x9b: {  	_ =	swait.ge [sflag:s9], $0x4000  }
0x9c: {  	[sflag:s9] =	ssyncset.done $0x0  }
0x9d: {  	[sflag:s9] =	ssyncadd.s32 $0xFFFFC000  }
0x9e: {  	_ =	swait.ge [sflag:s10], $0x80  }
0x9f: {  	[sflag:s10] =	ssyncset.done $0x0  }
0xa0: {  	[sflag:s10] =	ssyncadd.s32 $0xFFFFFF80  }
0xa1: {  	[spmem:s4] =	stream.indirect.scatter.add.f32 [tilespmem:s26], [sflag:$0x9], $0x80, s0, s29, $0xb8;
	[tilespmem:$0x1EB00] =	vst v63  }
0xa2: {  	_ =	swait.ge [sflag:s28], $0x4000  }
0xa3: {  	[sflag:s28] =	ssyncset.done $0x0  }
0xa4: {  	[sflag:s28] =	ssyncadd.s32 $0xFFFFC000  }
0xa5: {  	v2 =	vld [tilespmem:$0x200];
	_ =	sdelay $0x7  }
0xa6: {  	[tilespmem:v2+s11+$0x0] =	vst.idx.add.f32.msk $0xffff, v1  }
0xa7: {  	v2 =	vld [tilespmem:$0x210];
	_ =	sdelay $0x7  }
0xa8: {  	[tilespmem:v2+s11+$0x0] =	vst.idx.add.f32.msk $0xffff, v1  }
0xa9: {  	v2 =	vld [tilespmem:$0x220];
	_ =	sdelay $0x7  }
0xaa: {  	[tilespmem:v2+s11+$0x0] =	vst.idx.add.f32.msk $0xffff, v1  }
0xab: {  	v2 =	vld [tilespmem:$0x230];
	_ =	sdelay $0x7  }
0xac: {  	[tilespmem:v2+s11+$0x0] =	vst.idx.add.f32.msk $0xffff, v1  }
0xad: {  	v2 =	vld [tilespmem:$0x240];
	_ =	sdelay $0x7  }
0xae: {  	[tilespmem:v2+s11+$0x0] =	vst.idx.add.f32.msk $0xffff, v1  }
0xaf: {  	v2 =	vld [tilespmem:$0x250];
	_ =	sdelay $0x7  }
0xb0: {  	[tilespmem:v2+s11+$0x0] =	vst.idx.add.f32.msk $0xffff, v1  }
0xb1: {  	v2 =	vld [tilespmem:$0x260];
	_ =	sdelay $0x7  }
0xb2: {  	[tilespmem:v2+s11+$0x0] =	vst.idx.add.f32.msk $0xffff, v1  }
0xb3: {  	v2 =	vld [tilespmem:$0x270];
	_ =	sdelay $0x6  }
0xb4: {  	s23 =	sadd.s32 s20, s21  }
0xb5: {  	s24 =	sadd.s32 $0x40, s23;
	[tilespmem:v2+s11+$0x0] =	vst.idx.add.f32.msk $0xffff, v1  }
0xb6: {  	[tilespmem:s5], [sflag:$0x1] =	stream.linear.gather [hbm4b:s24+s5], $0x80, $0x38;
	[tilespmem:$0x1EB00] =	vst v63  }
0xb7: {  	s24 =	sadd.s32 s20, s22  }
0xb8: {  	s25 =	sadd.s32 $0x20, s24  }
0xb9: {  	[tilespmem:s0], [sflag:$0x5] =	stream.linear.gather [hbm4b:s25+s5], $0x80, $0x38;
	[tilespmem:$0x1EB00] =	vst v63  }
0xba: {  	_ =	swait.ge [sflag:s12], $0x80  }
0xbb: {  	[sflag:s12] =	ssyncset.done $0x0  }
0xbc: {  	[sflag:s12] =	ssyncadd.s32 $0xFFFFFF80  }
0xbd: {  	[tilespmem:s26], [sflag:$0x7] =	stream.indirect.gather [hbm4b:s1+s29], $0x80, s30, s29, $0xb8;
	[tilespmem:$0x1EB00] =	vst v63  }
0xbe: {  	_ =	swait.ge [sflag:s14], $0x4000  }
0xbf: {  	[sflag:s14] =	ssyncset.done $0x0  }
0xc0: {  	[sflag:s14] =	ssyncadd.s32 $0xFFFFC000  }
0xc1: {  	_ =	swait.ge [sflag:s15], $0x80  }
0xc2: {  	[sflag:s15] =	ssyncset.done $0x0  }
0xc3: {  	[sflag:s15] =	ssyncadd.s32 $0xFFFFFF80  }
0xc4: {  	[spmem:s4] =	stream.indirect.scatter.add.f32 [tilespmem:s3], [sflag:$0x9], $0x80, s6, s29, $0xb8;
	[tilespmem:$0x1EB00] =	vst v63  }
0xc5: {  	_ =	swait.ge [sflag:s28], $0x4000  }
0xc6: {  	[sflag:s28] =	ssyncset.done $0x0  }
0xc7: {  	[sflag:s28] =	ssyncadd.s32 $0xFFFFC000  }
0xc8: {  	v2 =	vld [tilespmem:$0x280];
	_ =	sdelay $0x7  }
0xc9: {  	[tilespmem:v2+s11+$0x0] =	vst.idx.add.f32.msk $0xffff, v1  }
0xca: {  	v2 =	vld [tilespmem:$0x290];
	_ =	sdelay $0x7  }
0xcb: {  	[tilespmem:v2+s11+$0x0] =	vst.idx.add.f32.msk $0xffff, v1  }
0xcc: {  	v2 =	vld [tilespmem:$0x2A0];
	_ =	sdelay $0x7  }
0xcd: {  	[tilespmem:v2+s11+$0x0] =	vst.idx.add.f32.msk $0xffff, v1  }
0xce: {  	v2 =	vld [tilespmem:$0x2B0];
	_ =	sdelay $0x7  }
0xcf: {  	[tilespmem:v2+s11+$0x0] =	vst.idx.add.f32.msk $0xffff, v1  }
0xd0: {  	v2 =	vld [tilespmem:$0x2C0];
	_ =	sdelay $0x7  }
0xd1: {  	[tilespmem:v2+s11+$0x0] =	vst.idx.add.f32.msk $0xffff, v1  }
0xd2: {  	v2 =	vld [tilespmem:$0x2D0];
	_ =	sdelay $0x7  }
0xd3: {  	[tilespmem:v2+s11+$0x0] =	vst.idx.add.f32.msk $0xffff, v1  }
0xd4: {  	v2 =	vld [tilespmem:$0x2E0];
	_ =	sdelay $0x7  }
0xd5: {  	[tilespmem:v2+s11+$0x0] =	vst.idx.add.f32.msk $0xffff, v1  }
0xd6: {  	v2 =	vld [tilespmem:$0x2F0];
	_ =	sdelay $0x7  }
0xd7: {  	s25 =	sadd.s32 $0x50, s23;
	[tilespmem:v2+s11+$0x0] =	vst.idx.add.f32.msk $0xffff, v1  }
0xd8: {  	[tilespmem:s29], [sflag:$0x2] =	stream.linear.gather [hbm4b:s25+s5], $0x80, $0x38;
	[tilespmem:$0x1EB00] =	vst v63  }
0xd9: {  	s25 =	sadd.s32 $0x30, s24  }
0xda: {  	[tilespmem:s6], [sflag:$0x6] =	stream.linear.gather [hbm4b:s25+s5], $0x80, $0x38;
	[tilespmem:$0x1EB00] =	vst v63  }
0xdb: {  	_ =	swait.ge [sflag:s16], $0x80  }
0xdc: {  	[sflag:s16] =	ssyncset.done $0x0  }
0xdd: {  	[sflag:s16] =	ssyncadd.s32 $0xFFFFFF80  }
0xde: {  	[tilespmem:s3], [sflag:$0x8] =	stream.indirect.gather [hbm4b:s1+s29], $0x80, s31, s29, $0xb8;
	[tilespmem:$0x1EB00] =	vst v63  }
0xdf: {  	_ =	swait.ge [sflag:s9], $0x4000  }
0xe0: {  	[sflag:s9] =	ssyncset.done $0x0  }
0xe1: {  	[sflag:s9] =	ssyncadd.s32 $0xFFFFC000  }
0xe2: {  	_ =	swait.ge [sflag:s10], $0x80  }
0xe3: {  	[sflag:s10] =	ssyncset.done $0x0  }
0xe4: {  	[sflag:s10] =	ssyncadd.s32 $0xFFFFFF80  }
0xe5: {  	[spmem:s4] =	stream.indirect.scatter.add.f32 [tilespmem:s26], [sflag:$0x9], $0x80, s0, s29, $0xb8;
	[tilespmem:$0x1EB00] =	vst v63  }
0xe6: {  	_ =	swait.ge [sflag:s28], $0x4000  }
0xe7: {  	[sflag:s28] =	ssyncset.done $0x0  }
0xe8: {  	[sflag:s28] =	ssyncadd.s32 $0xFFFFC000  }
0xe9: {  	v2 =	vld [tilespmem:$0x200];
	_ =	sdelay $0x7  }
0xea: {  	[tilespmem:v2+s11+$0x0] =	vst.idx.add.f32.msk $0xffff, v1  }
0xeb: {  	v2 =	vld [tilespmem:$0x210];
	_ =	sdelay $0x7  }
0xec: {  	[tilespmem:v2+s11+$0x0] =	vst.idx.add.f32.msk $0xffff, v1  }
0xed: {  	v2 =	vld [tilespmem:$0x220];
	_ =	sdelay $0x7  }
0xee: {  	[tilespmem:v2+s11+$0x0] =	vst.idx.add.f32.msk $0xffff, v1  }
0xef: {  	v2 =	vld [tilespmem:$0x230];
	_ =	sdelay $0x7  }
0xf0: {  	[tilespmem:v2+s11+$0x0] =	vst.idx.add.f32.msk $0xffff, v1  }
0xf1: {  	v2 =	vld [tilespmem:$0x240];
	_ =	sdelay $0x7  }
0xf2: {  	[tilespmem:v2+s11+$0x0] =	vst.idx.add.f32.msk $0xffff, v1  }
0xf3: {  	v2 =	vld [tilespmem:$0x250];
	_ =	sdelay $0x7  }
0xf4: {  	[tilespmem:v2+s11+$0x0] =	vst.idx.add.f32.msk $0xffff, v1  }
0xf5: {  	v2 =	vld [tilespmem:$0x260];
	_ =	sdelay $0x7  }
0xf6: {  	[tilespmem:v2+s11+$0x0] =	vst.idx.add.f32.msk $0xffff, v1  }
0xf7: {  	v2 =	vld [tilespmem:$0x270];
	_ =	sdelay $0x7  }
0xf8: {  	s25 =	sadd.s32 $0x60, s23;
	[tilespmem:v2+s11+$0x0] =	vst.idx.add.f32.msk $0xffff, v1  }
0xf9: {  	[tilespmem:s30], [sflag:$0x3] =	stream.linear.gather [hbm4b:s25+s5], $0x80, $0x38;
	[tilespmem:$0x1EB00] =	vst v63  }
0xfa: {  	s25 =	sadd.s32 $0x40, s24  }
0xfb: {  	[tilespmem:s0], [sflag:$0x5] =	stream.linear.gather [hbm4b:s25+s5], $0x80, $0x38;
	[tilespmem:$0x1EB00] =	vst v63  }
0xfc: {  	_ =	swait.ge [sflag:s8], $0x80  }
0xfd: {  	[sflag:s8] =	ssyncset.done $0x0  }
0xfe: {  	[sflag:s8] =	ssyncadd.s32 $0xFFFFFF80  }
0xff: {  	[tilespmem:s26], [sflag:$0x7] =	stream.indirect.gather [hbm4b:s1+s29], $0x80, s5, s29, $0xb8;
	[tilespmem:$0x1EB00] =	vst v63  }
0x100: {  	_ =	swait.ge [sflag:s14], $0x4000  }
0x101: {  	[sflag:s14] =	ssyncset.done $0x0  }
0x102: {  	[sflag:s14] =	ssyncadd.s32 $0xFFFFC000  }
0x103: {  	_ =	swait.ge [sflag:s15], $0x80  }
0x104: {  	[sflag:s15] =	ssyncset.done $0x0  }
0x105: {  	[sflag:s15] =	ssyncadd.s32 $0xFFFFFF80  }
0x106: {  	[spmem:s4] =	stream.indirect.scatter.add.f32 [tilespmem:s3], [sflag:$0x9], $0x80, s6, s29, $0xb8;
	[tilespmem:$0x1EB00] =	vst v63  }
0x107: {  	_ =	swait.ge [sflag:s28], $0x4000  }
0x108: {  	[sflag:s28] =	ssyncset.done $0x0  }
0x109: {  	[sflag:s28] =	ssyncadd.s32 $0xFFFFC000  }
0x10a: {  	v2 =	vld [tilespmem:$0x280];
	_ =	sdelay $0x7  }
0x10b: {  	[tilespmem:v2+s11+$0x0] =	vst.idx.add.f32.msk $0xffff, v1  }
0x10c: {  	v2 =	vld [tilespmem:$0x290];
	_ =	sdelay $0x7  }
0x10d: {  	[tilespmem:v2+s11+$0x0] =	vst.idx.add.f32.msk $0xffff, v1  }
0x10e: {  	v2 =	vld [tilespmem:$0x2A0];
	_ =	sdelay $0x7  }
0x10f: {  	[tilespmem:v2+s11+$0x0] =	vst.idx.add.f32.msk $0xffff, v1  }
0x110: {  	v2 =	vld [tilespmem:$0x2B0];
	_ =	sdelay $0x7  }
0x111: {  	[tilespmem:v2+s11+$0x0] =	vst.idx.add.f32.msk $0xffff, v1  }
0x112: {  	v2 =	vld [tilespmem:$0x2C0];
	_ =	sdelay $0x7  }
0x113: {  	[tilespmem:v2+s11+$0x0] =	vst.idx.add.f32.msk $0xffff, v1  }
0x114: {  	v2 =	vld [tilespmem:$0x2D0];
	_ =	sdelay $0x7  }
0x115: {  	[tilespmem:v2+s11+$0x0] =	vst.idx.add.f32.msk $0xffff, v1  }
0x116: {  	v2 =	vld [tilespmem:$0x2E0];
	_ =	sdelay $0x7  }
0x117: {  	[tilespmem:v2+s11+$0x0] =	vst.idx.add.f32.msk $0xffff, v1  }
0x118: {  	v2 =	vld [tilespmem:$0x2F0];
	_ =	sdelay $0x5  }
0x119: {  	p1 =	sne.s32 s20, $0x9C0  }
.Ltmp5:
0x11a: {  	_ = 	snop;
	(pc) =	sbr.rel @p1 .LBB2_10-.Ltmp5, $4  }
0x11b: {  	s23 =	sadd.s32 $0x70, s23;
	[tilespmem:v2+s11+$0x0] =	vst.idx.add.f32.msk $0xffff, v1  }
0x11c: {  	[tilespmem:s31], [sflag:$0x4] =	stream.linear.gather [hbm4b:s23+s5], $0x80, $0x38;
	[tilespmem:$0x1EB00] =	vst v63  }
0x11d: {  	s20 =	sadd.s32 $0x40, s20;
	s25 =	sadd.s32 $0x50, s24  }
0x11e: {  	[tilespmem:s6], [sflag:$0x6] =	stream.linear.gather [hbm4b:s25+s5], $0x80, $0x38;
	[tilespmem:$0x1EB00] =	vst v63  }
0x11f: {  	_ =	swait.ge [sflag:s19], $0x80  }
0x120: {  	[sflag:s19] =	ssyncset.done $0x0  }
0x121: {  	[sflag:s19] =	ssyncadd.s32 $0xFFFFFF80  }
0x122: {  	[tilespmem:s3], [sflag:$0x8] =	stream.indirect.gather [hbm4b:s1+s29], $0x80, s29, s29, $0xb8;
	[tilespmem:$0x1EB00] =	vst v63  }
0x123: {  	_ =	swait.ge [sflag:s9], $0x4000  }
0x124: {  	[sflag:s9] =	ssyncset.done $0x0  }
0x125: {  	[sflag:s9] =	ssyncadd.s32 $0xFFFFC000  }
0x126: {  	_ =	swait.ge [sflag:s10], $0x80  }
0x127: {  	[sflag:s10] =	ssyncset.done $0x0  }
0x128: {  	[sflag:s10] =	ssyncadd.s32 $0xFFFFFF80  }
0x129: {  	[spmem:s4] =	stream.indirect.scatter.add.f32 [tilespmem:s26], [sflag:$0x9], $0x80, s0, s29, $0xb8;
	[tilespmem:$0x1EB00] =	vst v63  }
0x12a: {  	_ =	swait.ge [sflag:s28], $0x4000  }
0x12b: {  	[sflag:s28] =	ssyncset.done $0x0  }
0x12c: {  	[sflag:s28] =	ssyncadd.s32 $0xFFFFC000  }
0x12d: {  	v2 =	vld [tilespmem:$0x200];
	_ =	sdelay $0x7  }
0x12e: {  	[tilespmem:v2+s11+$0x0] =	vst.idx.add.f32.msk $0xffff, v1  }
0x12f: {  	v2 =	vld [tilespmem:$0x210];
	_ =	sdelay $0x7  }
0x130: {  	[tilespmem:v2+s11+$0x0] =	vst.idx.add.f32.msk $0xffff, v1  }
0x131: {  	v2 =	vld [tilespmem:$0x220];
	_ =	sdelay $0x7  }
0x132: {  	[tilespmem:v2+s11+$0x0] =	vst.idx.add.f32.msk $0xffff, v1  }
0x133: {  	v2 =	vld [tilespmem:$0x230];
	_ =	sdelay $0x7  }
0x134: {  	[tilespmem:v2+s11+$0x0] =	vst.idx.add.f32.msk $0xffff, v1  }
0x135: {  	v2 =	vld [tilespmem:$0x240];
	_ =	sdelay $0x7  }
0x136: {  	[tilespmem:v2+s11+$0x0] =	vst.idx.add.f32.msk $0xffff, v1  }
0x137: {  	v2 =	vld [tilespmem:$0x250];
	_ =	sdelay $0x7  }
0x138: {  	[tilespmem:v2+s11+$0x0] =	vst.idx.add.f32.msk $0xffff, v1  }
0x139: {  	v2 =	vld [tilespmem:$0x260];
	_ =	sdelay $0x7  }
0x13a: {  	[tilespmem:v2+s11+$0x0] =	vst.idx.add.f32.msk $0xffff, v1  }
0x13b: {  	v2 =	vld [tilespmem:$0x270];
	_ =	sdelay $0x7  }
0x13c: {  	s20 =	rddreg [dreg:$0x11];
	[tilespmem:v2+s11+$0x0] =	vst.idx.add.f32.msk $0xffff, v1  }
0x13d: {  	[tilespmem:s0], [sflag:$0x5] =	stream.linear.gather [hbm4b:s20+s5], $0x80, $0x38;
	[tilespmem:$0x1EB00] =	vst v63  }
0x13e: {  	_ =	swait.ge [sflag:s12], $0x80  }
0x13f: {  	[sflag:s12] =	ssyncset.done $0x0  }
0x140: {  	[sflag:s12] =	ssyncadd.s32 $0xFFFFFF80  }
0x141: {  	[tilespmem:s26], [sflag:$0x7] =	stream.indirect.gather [hbm4b:s1+s29], $0x80, s30, s29, $0xb8;
	[tilespmem:$0x1EB00] =	vst v63  }
0x142: {  	_ =	swait.ge [sflag:s14], $0x4000  }
0x143: {  	[sflag:s14] =	ssyncset.done $0x0  }
0x144: {  	[sflag:s14] =	ssyncadd.s32 $0xFFFFC000  }
0x145: {  	_ =	swait.ge [sflag:s15], $0x80  }
0x146: {  	[sflag:s15] =	ssyncset.done $0x0  }
0x147: {  	[sflag:s15] =	ssyncadd.s32 $0xFFFFFF80  }
0x148: {  	[spmem:s4] =	stream.indirect.scatter.add.f32 [tilespmem:s3], [sflag:$0x9], $0x80, s6, s29, $0xb8;
	[tilespmem:$0x1EB00] =	vst v63  }
0x149: {  	_ =	swait.ge [sflag:s28], $0x4000  }
0x14a: {  	[sflag:s28] =	ssyncset.done $0x0  }
0x14b: {  	[sflag:s28] =	ssyncadd.s32 $0xFFFFC000  }
0x14c: {  	v2 =	vld [tilespmem:$0x280];
	_ =	sdelay $0x7  }
0x14d: {  	[tilespmem:v2+s11+$0x0] =	vst.idx.add.f32.msk $0xffff, v1  }
0x14e: {  	v2 =	vld [tilespmem:$0x290];
	_ =	sdelay $0x7  }
0x14f: {  	[tilespmem:v2+s11+$0x0] =	vst.idx.add.f32.msk $0xffff, v1  }
0x150: {  	v2 =	vld [tilespmem:$0x2A0];
	_ =	sdelay $0x7  }
0x151: {  	[tilespmem:v2+s11+$0x0] =	vst.idx.add.f32.msk $0xffff, v1  }
0x152: {  	v2 =	vld [tilespmem:$0x2B0];
	_ =	sdelay $0x7  }
0x153: {  	[tilespmem:v2+s11+$0x0] =	vst.idx.add.f32.msk $0xffff, v1  }
0x154: {  	v2 =	vld [tilespmem:$0x2C0];
	_ =	sdelay $0x7  }
0x155: {  	[tilespmem:v2+s11+$0x0] =	vst.idx.add.f32.msk $0xffff, v1  }
0x156: {  	v2 =	vld [tilespmem:$0x2D0];
	_ =	sdelay $0x7  }
0x157: {  	[tilespmem:v2+s11+$0x0] =	vst.idx.add.f32.msk $0xffff, v1  }
0x158: {  	v2 =	vld [tilespmem:$0x2E0];
	_ =	sdelay $0x7  }
0x159: {  	[tilespmem:v2+s11+$0x0] =	vst.idx.add.f32.msk $0xffff, v1  }
0x15a: {  	v2 =	vld [tilespmem:$0x2F0];
	_ =	sdelay $0x7  }
0x15b: {  	s24 =	rddreg [dreg:$0x12];
	[tilespmem:v2+s11+$0x0] =	vst.idx.add.f32.msk $0xffff, v1  }
0x15c: {  	[tilespmem:s6], [sflag:$0x6] =	stream.linear.gather [hbm4b:s24+s5], $0x80, $0x38;
	[tilespmem:$0x1EB00] =	vst v63  }
0x15d: {  	_ =	swait.ge [sflag:s16], $0x80  }
0x15e: {  	[sflag:s16] =	ssyncset.done $0x0  }
0x15f: {  	[sflag:s16] =	ssyncadd.s32 $0xFFFFFF80  }
0x160: {  	[tilespmem:s3], [sflag:$0x8] =	stream.indirect.gather [hbm4b:s1+s29], $0x80, s31, s29, $0xb8;
	[tilespmem:$0x1EB00] =	vst v63  }
0x161: {  	_ =	swait.ge [sflag:s9], $0x4000  }
0x162: {  	[sflag:s9] =	ssyncset.done $0x0  }
0x163: {  	[sflag:s9] =	ssyncadd.s32 $0xFFFFC000  }
0x164: {  	_ =	swait.ge [sflag:s10], $0x80  }
0x165: {  	[sflag:s10] =	ssyncset.done $0x0  }
0x166: {  	[sflag:s10] =	ssyncadd.s32 $0xFFFFFF80  }
0x167: {  	[spmem:s4] =	stream.indirect.scatter.add.f32 [tilespmem:s26], [sflag:$0x9], $0x80, s0, s29, $0xb8;
	[tilespmem:$0x1EB00] =	vst v63  }
0x168: {  	_ =	swait.ge [sflag:s28], $0x4000  }
0x169: {  	[sflag:s28] =	ssyncset.done $0x0  }
0x16a: {  	[sflag:s28] =	ssyncadd.s32 $0xFFFFC000  }
0x16b: {  	v2 =	vld [tilespmem:$0x200];
	_ =	sdelay $0x7  }
0x16c: {  	[tilespmem:v2+s11+$0x0] =	vst.idx.add.f32.msk $0xffff, v1  }
0x16d: {  	v2 =	vld [tilespmem:$0x210];
	_ =	sdelay $0x7  }
0x16e: {  	[tilespmem:v2+s11+$0x0] =	vst.idx.add.f32.msk $0xffff, v1  }
0x16f: {  	v2 =	vld [tilespmem:$0x220];
	_ =	sdelay $0x7  }
0x170: {  	[tilespmem:v2+s11+$0x0] =	vst.idx.add.f32.msk $0xffff, v1  }
0x171: {  	v2 =	vld [tilespmem:$0x230];
	_ =	sdelay $0x7  }
0x172: {  	[tilespmem:v2+s11+$0x0] =	vst.idx.add.f32.msk $0xffff, v1  }
0x173: {  	v2 =	vld [tilespmem:$0x240];
	_ =	sdelay $0x7  }
0x174: {  	[tilespmem:v2+s11+$0x0] =	vst.idx.add.f32.msk $0xffff, v1  }
0x175: {  	v2 =	vld [tilespmem:$0x250];
	_ =	sdelay $0x7  }
0x176: {  	[tilespmem:v2+s11+$0x0] =	vst.idx.add.f32.msk $0xffff, v1  }
0x177: {  	v2 =	vld [tilespmem:$0x260];
	_ =	sdelay $0x7  }
0x178: {  	[tilespmem:v2+s11+$0x0] =	vst.idx.add.f32.msk $0xffff, v1  }
0x179: {  	v2 =	vld [tilespmem:$0x270];
	_ =	sdelay $0x7  }
0x17a: {  	[tilespmem:v2+s11+$0x0] =	vst.idx.add.f32.msk $0xffff, v1  }
0x17b: {  	_ =	swait.ge [sflag:s14], $0x4000  }
0x17c: {  	[sflag:s14] =	ssyncset.done $0x0  }
0x17d: {  	[sflag:s14] =	ssyncadd.s32 $0xFFFFC000  }
0x17e: {  	_ =	swait.ge [sflag:s15], $0x80  }
0x17f: {  	[sflag:s15] =	ssyncset.done $0x0  }
0x180: {  	[sflag:s15] =	ssyncadd.s32 $0xFFFFFF80  }
0x181: {  	[spmem:s4] =	stream.indirect.scatter.add.f32 [tilespmem:s3], [sflag:$0x9], $0x80, s6, s29, $0xb8;
	[tilespmem:$0x1EB00] =	vst v63  }
0x182: {  	_ =	swait.ge [sflag:s28], $0x4000  }
0x183: {  	[sflag:s28] =	ssyncset.done $0x0  }
0x184: {  	[sflag:s28] =	ssyncadd.s32 $0xFFFFC000  }
0x185: {  	v2 =	vld [tilespmem:$0x280];
	_ =	sdelay $0x7  }
0x186: {  	[tilespmem:v2+s11+$0x0] =	vst.idx.add.f32.msk $0xffff, v1  }
0x187: {  	v2 =	vld [tilespmem:$0x290];
	_ =	sdelay $0x7  }
0x188: {  	[tilespmem:v2+s11+$0x0] =	vst.idx.add.f32.msk $0xffff, v1  }
0x189: {  	v2 =	vld [tilespmem:$0x2A0];
	_ =	sdelay $0x7  }
0x18a: {  	[tilespmem:v2+s11+$0x0] =	vst.idx.add.f32.msk $0xffff, v1  }
0x18b: {  	v2 =	vld [tilespmem:$0x2B0];
	_ =	sdelay $0x7  }
0x18c: {  	[tilespmem:v2+s11+$0x0] =	vst.idx.add.f32.msk $0xffff, v1  }
0x18d: {  	v2 =	vld [tilespmem:$0x2C0];
	_ =	sdelay $0x7  }
0x18e: {  	[tilespmem:v2+s11+$0x0] =	vst.idx.add.f32.msk $0xffff, v1  }
0x18f: {  	v2 =	vld [tilespmem:$0x2D0];
	_ =	sdelay $0x7  }
0x190: {  	[tilespmem:v2+s11+$0x0] =	vst.idx.add.f32.msk $0xffff, v1  }
0x191: {  	v2 =	vld [tilespmem:$0x2E0];
	_ =	sdelay $0x7  }
0x192: {  	[tilespmem:v2+s11+$0x0] =	vst.idx.add.f32.msk $0xffff, v1  }
0x193: {  	v2 =	vld [tilespmem:$0x2F0];
	_ =	sdelay $0x7  }
.Ltmp6:
0x194: {  	s23 =	simm.s32 $0x400;
	s25 =	rddreg [dreg:$0x10];
	[tilespmem:v2+s11+$0x0] =	vst.idx.add.f32.msk $0xffff, v1;
	(pc) =	sbr.rel .LBB2_12-.Ltmp6, $4  }
0x195: {  	[hbm4b:s25+s29] =	stream.strided.scatter [tilespmem:s11], [sflag:$0x9], $0x2800, s23, s29, $0x38;
	[tilespmem:$0x1EB00] =	vst v63  }
0x196: {  	_ =	swait.ge [sflag:s28], $0x2800  }
0x197: {  	[sflag:s28] =	ssyncset.done $0x0  }
0x198: {  	s20 =	rddreg [dreg:$0x6];
	[sflag:s28] =	ssyncadd.s32 $0xFFFFD800  }
.LBB2_4:
0x199: {  	[bflag:$0x0] =	sbarrier.arrive $0xFFFF  }
0x19a: {  	[tilespmem:s20], [sflag:$0x1] =	stream.linear.gather [hbm4b:s13+s20], $0x80, $0x38;
	[tilespmem:$0x1EB00] =	vst v63  }
0x19b: {  	s23 =	rddreg [dreg:$0xc]  }
0x19c: {  	[tilespmem:s29], [sflag:$0x2] =	stream.linear.gather [hbm4b:s23+s20], $0x80, $0x38;
	[tilespmem:$0x1EB00] =	vst v63  }
0x19d: {  	s24 =	rddreg [dreg:$0xd]  }
0x19e: {  	[tilespmem:s30], [sflag:$0x3] =	stream.linear.gather [hbm4b:s24+s20], $0x80, $0x38;
	[tilespmem:$0x1EB00] =	vst v63  }
0x19f: {  	s25 =	rddreg [dreg:$0xe]  }
0x1a0: {  	[tilespmem:s31], [sflag:$0x4] =	stream.linear.gather [hbm4b:s25+s20], $0x80, $0x38;
	[tilespmem:$0x1EB00] =	vst v63  }
0x1a1: {  	_ = 	snop  }
0x1a2: {  	[tilespmem:s0], [sflag:$0x5] =	stream.linear.gather [hbm4b:s17+s20], $0x80, $0x38;
	[tilespmem:$0x1EB00] =	vst v63  }
0x1a3: {  	s24 =	rddreg [dreg:$0xf]  }
0x1a4: {  	[tilespmem:s6], [sflag:$0x6] =	stream.linear.gather [hbm4b:s24+s20], $0x80, $0x38;
	[tilespmem:$0x1EB00] =	vst v63  }
0x1a5: {  	_ =	swait.ge [sflag:s8], $0x80  }
0x1a6: {  	[sflag:s8] =	ssyncset.done $0x0  }
0x1a7: {  	[sflag:s8] =	ssyncadd.s32 $0xFFFFFF80  }
0x1a8: {  	[tilespmem:s26], [sflag:$0x7] =	stream.indirect.gather [hbm4b:s2+s29], $0x80, s20, s29, $0xb8;
	[tilespmem:$0x1EB00] =	vst v63  }
0x1a9: {  	_ =	swait.ge [sflag:s19], $0x80  }
0x1aa: {  	[sflag:s19] =	ssyncset.done $0x0  }
0x1ab: {  	[sflag:s19] =	ssyncadd.s32 $0xFFFFFF80  }
0x1ac: {  	[tilespmem:s3], [sflag:$0x8] =	stream.indirect.gather [hbm4b:s2+s29], $0x80, s29, s29, $0xb8;
	[tilespmem:$0x1EB00] =	vst v63  }
0x1ad: {  	_ =	swait.ge [sflag:s9], $0x4000  }
0x1ae: {  	[sflag:s9] =	ssyncset.done $0x0  }
0x1af: {  	[sflag:s9] =	ssyncadd.s32 $0xFFFFC000  }
0x1b0: {  	_ =	swait.ge [sflag:s10], $0x80  }
0x1b1: {  	[sflag:s10] =	ssyncset.done $0x0  }
0x1b2: {  	[sflag:s10] =	ssyncadd.s32 $0xFFFFFF80  }
0x1b3: {  	[spmem:s4] =	stream.indirect.scatter.add.f32 [tilespmem:s26], [sflag:$0x9], $0x80, s0, s29, $0xb8;
	[tilespmem:$0x1EB00] =	vst v63  }
0x1b4: {  	_ =	swait.ge [sflag:s28], $0x4000  }
0x1b5: {  	s20 =	sadd.s32 $0x0, s21;
	[sflag:s28] =	ssyncset.done $0x0  }
0x1b6: {  	s24 =	sadd.s32 $0x0, s22;
	s25 =	sadd.s32 $0x40, s20;
	[sflag:s28] =	ssyncadd.s32 $0xFFFFC000  }
0x1b7: {  	[tilespmem:s5], [sflag:$0x1] =	stream.linear.gather [hbm4b:s25+s5], $0x80, $0x38;
	[tilespmem:$0x1EB00] =	vst v63  }
0x1b8: {  	s25 =	sadd.s32 $0x20, s24  }
0x1b9: {  	[tilespmem:s0], [sflag:$0x5] =	stream.linear.gather [hbm4b:s25+s5], $0x80, $0x38;
	[tilespmem:$0x1EB00] =	vst v63  }
0x1ba: {  	_ =	swait.ge [sflag:s12], $0x80  }
0x1bb: {  	[sflag:s12] =	ssyncset.done $0x0  }
0x1bc: {  	[sflag:s12] =	ssyncadd.s32 $0xFFFFFF80  }
0x1bd: {  	[tilespmem:s26], [sflag:$0x7] =	stream.indirect.gather [hbm4b:s2+s29], $0x80, s30, s29, $0xb8;
	[tilespmem:$0x1EB00] =	vst v63  }
0x1be: {  	_ =	swait.ge [sflag:s14], $0x4000  }
0x1bf: {  	[sflag:s14] =	ssyncset.done $0x0  }
0x1c0: {  	[sflag:s14] =	ssyncadd.s32 $0xFFFFC000  }
0x1c1: {  	_ =	swait.ge [sflag:s15], $0x80  }
0x1c2: {  	[sflag:s15] =	ssyncset.done $0x0  }
0x1c3: {  	[sflag:s15] =	ssyncadd.s32 $0xFFFFFF80  }
0x1c4: {  	[spmem:s4] =	stream.indirect.scatter.add.f32 [tilespmem:s3], [sflag:$0x9], $0x80, s6, s29, $0xb8;
	[tilespmem:$0x1EB00] =	vst v63  }
0x1c5: {  	_ =	swait.ge [sflag:s28], $0x4000  }
0x1c6: {  	[sflag:s28] =	ssyncset.done $0x0  }
0x1c7: {  	s25 =	sadd.s32 $0x50, s20;
	[sflag:s28] =	ssyncadd.s32 $0xFFFFC000  }
0x1c8: {  	[tilespmem:s29], [sflag:$0x2] =	stream.linear.gather [hbm4b:s25+s5], $0x80, $0x38;
	[tilespmem:$0x1EB00] =	vst v63  }
0x1c9: {  	s25 =	sadd.s32 $0x30, s24  }
0x1ca: {  	[tilespmem:s6], [sflag:$0x6] =	stream.linear.gather [hbm4b:s25+s5], $0x80, $0x38;
	[tilespmem:$0x1EB00] =	vst v63  }
0x1cb: {  	_ =	swait.ge [sflag:s16], $0x80  }
0x1cc: {  	[sflag:s16] =	ssyncset.done $0x0  }
0x1cd: {  	[sflag:s16] =	ssyncadd.s32 $0xFFFFFF80  }
0x1ce: {  	[tilespmem:s3], [sflag:$0x8] =	stream.indirect.gather [hbm4b:s2+s29], $0x80, s31, s29, $0xb8;
	[tilespmem:$0x1EB00] =	vst v63  }
0x1cf: {  	_ =	swait.ge [sflag:s9], $0x4000  }
0x1d0: {  	[sflag:s9] =	ssyncset.done $0x0  }
0x1d1: {  	[sflag:s9] =	ssyncadd.s32 $0xFFFFC000  }
0x1d2: {  	_ =	swait.ge [sflag:s10], $0x80  }
0x1d3: {  	[sflag:s10] =	ssyncset.done $0x0  }
0x1d4: {  	[sflag:s10] =	ssyncadd.s32 $0xFFFFFF80  }
0x1d5: {  	[spmem:s4] =	stream.indirect.scatter.add.f32 [tilespmem:s26], [sflag:$0x9], $0x80, s0, s29, $0xb8;
	[tilespmem:$0x1EB00] =	vst v63  }
0x1d6: {  	_ =	swait.ge [sflag:s28], $0x4000  }
0x1d7: {  	[sflag:s28] =	ssyncset.done $0x0  }
0x1d8: {  	s25 =	sadd.s32 $0x60, s20;
	[sflag:s28] =	ssyncadd.s32 $0xFFFFC000  }
0x1d9: {  	[tilespmem:s30], [sflag:$0x3] =	stream.linear.gather [hbm4b:s25+s5], $0x80, $0x38;
	[tilespmem:$0x1EB00] =	vst v63  }
0x1da: {  	s25 =	sadd.s32 $0x40, s24  }
0x1db: {  	[tilespmem:s0], [sflag:$0x5] =	stream.linear.gather [hbm4b:s25+s5], $0x80, $0x38;
	[tilespmem:$0x1EB00] =	vst v63  }
0x1dc: {  	_ =	swait.ge [sflag:s8], $0x80  }
0x1dd: {  	[sflag:s8] =	ssyncset.done $0x0  }
0x1de: {  	[sflag:s8] =	ssyncadd.s32 $0xFFFFFF80  }
0x1df: {  	[tilespmem:s26], [sflag:$0x7] =	stream.indirect.gather [hbm4b:s2+s29], $0x80, s5, s29, $0xb8;
	[tilespmem:$0x1EB00] =	vst v63  }
0x1e0: {  	_ =	swait.ge [sflag:s14], $0x4000  }
0x1e1: {  	[sflag:s14] =	ssyncset.done $0x0  }
0x1e2: {  	[sflag:s14] =	ssyncadd.s32 $0xFFFFC000  }
0x1e3: {  	_ =	swait.ge [sflag:s15], $0x80  }
0x1e4: {  	[sflag:s15] =	ssyncset.done $0x0  }
0x1e5: {  	[sflag:s15] =	ssyncadd.s32 $0xFFFFFF80  }
0x1e6: {  	[spmem:s4] =	stream.indirect.scatter.add.f32 [tilespmem:s3], [sflag:$0x9], $0x80, s6, s29, $0xb8;
	[tilespmem:$0x1EB00] =	vst v63  }
0x1e7: {  	_ =	swait.ge [sflag:s28], $0x4000  }
0x1e8: {  	[sflag:s28] =	ssyncset.done $0x0  }
0x1e9: {  	s20 =	sadd.s32 $0x70, s20;
	[sflag:s28] =	ssyncadd.s32 $0xFFFFC000  }
0x1ea: {  	[tilespmem:s31], [sflag:$0x4] =	stream.linear.gather [hbm4b:s20+s5], $0x80, $0x38;
	[tilespmem:$0x1EB00] =	vst v63  }
0x1eb: {  	s23 =	sadd.s32 $0x50, s24;
	s20 =	simm.s32 $0x40  }
.LBB2_5:
0x1ec: {  	[tilespmem:s6], [sflag:$0x6] =	stream.linear.gather [hbm4b:s23+s5], $0x80, $0x38;
	[tilespmem:$0x1EB00] =	vst v63  }
0x1ed: {  	s24 =	smov.u32 s20  }
0x1ee: {  	p1 =	sne.s32 s20, $0x9C0;
	s20 =	sadd.s32 $0x40, s20;
	_ =	swait.ge [sflag:s19], $0x80  }
0x1ef: {  	[sflag:s19] =	ssyncset.done $0x0  }
0x1f0: {  	[sflag:s19] =	ssyncadd.s32 $0xFFFFFF80  }
0x1f1: {  	[tilespmem:s3], [sflag:$0x8] =	stream.indirect.gather [hbm4b:s2+s29], $0x80, s29, s29, $0xb8;
	[tilespmem:$0x1EB00] =	vst v63  }
0x1f2: {  	_ =	swait.ge [sflag:s9], $0x4000  }
0x1f3: {  	[sflag:s9] =	ssyncset.done $0x0  }
0x1f4: {  	[sflag:s9] =	ssyncadd.s32 $0xFFFFC000  }
0x1f5: {  	_ =	swait.ge [sflag:s10], $0x80  }
0x1f6: {  	[sflag:s10] =	ssyncset.done $0x0  }
0x1f7: {  	[sflag:s10] =	ssyncadd.s32 $0xFFFFFF80  }
0x1f8: {  	[spmem:s4] =	stream.indirect.scatter.add.f32 [tilespmem:s26], [sflag:$0x9], $0x80, s0, s29, $0xb8;
	[tilespmem:$0x1EB00] =	vst v63  }
0x1f9: {  	_ =	swait.ge [sflag:s28], $0x4000  }
0x1fa: {  	s23 =	sadd.s32 s24, s21;
	[sflag:s28] =	ssyncset.done $0x0  }
0x1fb: {  	s24 =	sadd.s32 s24, s22;
	s25 =	sadd.s32 $0x40, s23;
	[sflag:s28] =	ssyncadd.s32 $0xFFFFC000  }
0x1fc: {  	[tilespmem:s5], [sflag:$0x1] =	stream.linear.gather [hbm4b:s25+s5], $0x80, $0x38;
	[tilespmem:$0x1EB00] =	vst v63  }
0x1fd: {  	s25 =	sadd.s32 $0x20, s24  }
0x1fe: {  	[tilespmem:s0], [sflag:$0x5] =	stream.linear.gather [hbm4b:s25+s5], $0x80, $0x38;
	[tilespmem:$0x1EB00] =	vst v63  }
0x1ff: {  	_ =	swait.ge [sflag:s12], $0x80  }
0x200: {  	[sflag:s12] =	ssyncset.done $0x0  }
0x201: {  	[sflag:s12] =	ssyncadd.s32 $0xFFFFFF80  }
0x202: {  	[tilespmem:s26], [sflag:$0x7] =	stream.indirect.gather [hbm4b:s2+s29], $0x80, s30, s29, $0xb8;
	[tilespmem:$0x1EB00] =	vst v63  }
0x203: {  	_ =	swait.ge [sflag:s14], $0x4000  }
0x204: {  	[sflag:s14] =	ssyncset.done $0x0  }
0x205: {  	[sflag:s14] =	ssyncadd.s32 $0xFFFFC000  }
0x206: {  	_ =	swait.ge [sflag:s15], $0x80  }
0x207: {  	[sflag:s15] =	ssyncset.done $0x0  }
0x208: {  	[sflag:s15] =	ssyncadd.s32 $0xFFFFFF80  }
0x209: {  	[spmem:s4] =	stream.indirect.scatter.add.f32 [tilespmem:s3], [sflag:$0x9], $0x80, s6, s29, $0xb8;
	[tilespmem:$0x1EB00] =	vst v63  }
0x20a: {  	_ =	swait.ge [sflag:s28], $0x4000  }
0x20b: {  	[sflag:s28] =	ssyncset.done $0x0  }
0x20c: {  	s25 =	sadd.s32 $0x50, s23;
	[sflag:s28] =	ssyncadd.s32 $0xFFFFC000  }
0x20d: {  	[tilespmem:s29], [sflag:$0x2] =	stream.linear.gather [hbm4b:s25+s5], $0x80, $0x38;
	[tilespmem:$0x1EB00] =	vst v63  }
0x20e: {  	s25 =	sadd.s32 $0x30, s24  }
0x20f: {  	[tilespmem:s6], [sflag:$0x6] =	stream.linear.gather [hbm4b:s25+s5], $0x80, $0x38;
	[tilespmem:$0x1EB00] =	vst v63  }
0x210: {  	_ =	swait.ge [sflag:s16], $0x80  }
0x211: {  	[sflag:s16] =	ssyncset.done $0x0  }
0x212: {  	[sflag:s16] =	ssyncadd.s32 $0xFFFFFF80  }
0x213: {  	[tilespmem:s3], [sflag:$0x8] =	stream.indirect.gather [hbm4b:s2+s29], $0x80, s31, s29, $0xb8;
	[tilespmem:$0x1EB00] =	vst v63  }
0x214: {  	_ =	swait.ge [sflag:s9], $0x4000  }
0x215: {  	[sflag:s9] =	ssyncset.done $0x0  }
0x216: {  	[sflag:s9] =	ssyncadd.s32 $0xFFFFC000  }
0x217: {  	_ =	swait.ge [sflag:s10], $0x80  }
0x218: {  	[sflag:s10] =	ssyncset.done $0x0  }
0x219: {  	[sflag:s10] =	ssyncadd.s32 $0xFFFFFF80  }
0x21a: {  	[spmem:s4] =	stream.indirect.scatter.add.f32 [tilespmem:s26], [sflag:$0x9], $0x80, s0, s29, $0xb8;
	[tilespmem:$0x1EB00] =	vst v63  }
0x21b: {  	_ =	swait.ge [sflag:s28], $0x4000  }
0x21c: {  	[sflag:s28] =	ssyncset.done $0x0  }
0x21d: {  	s25 =	sadd.s32 $0x60, s23;
	[sflag:s28] =	ssyncadd.s32 $0xFFFFC000  }
0x21e: {  	[tilespmem:s30], [sflag:$0x3] =	stream.linear.gather [hbm4b:s25+s5], $0x80, $0x38;
	[tilespmem:$0x1EB00] =	vst v63  }
0x21f: {  	s25 =	sadd.s32 $0x40, s24  }
0x220: {  	[tilespmem:s0], [sflag:$0x5] =	stream.linear.gather [hbm4b:s25+s5], $0x80, $0x38;
	[tilespmem:$0x1EB00] =	vst v63  }
0x221: {  	_ =	swait.ge [sflag:s8], $0x80  }
0x222: {  	[sflag:s8] =	ssyncset.done $0x0  }
0x223: {  	[sflag:s8] =	ssyncadd.s32 $0xFFFFFF80  }
0x224: {  	[tilespmem:s26], [sflag:$0x7] =	stream.indirect.gather [hbm4b:s2+s29], $0x80, s5, s29, $0xb8;
	[tilespmem:$0x1EB00] =	vst v63  }
0x225: {  	_ =	swait.ge [sflag:s14], $0x4000  }
0x226: {  	[sflag:s14] =	ssyncset.done $0x0  }
0x227: {  	[sflag:s14] =	ssyncadd.s32 $0xFFFFC000  }
0x228: {  	_ =	swait.ge [sflag:s15], $0x80  }
0x229: {  	[sflag:s15] =	ssyncset.done $0x0  }
0x22a: {  	[sflag:s15] =	ssyncadd.s32 $0xFFFFFF80  }
0x22b: {  	[spmem:s4] =	stream.indirect.scatter.add.f32 [tilespmem:s3], [sflag:$0x9], $0x80, s6, s29, $0xb8;
	[tilespmem:$0x1EB00] =	vst v63  }
.Ltmp7:
0x22c: {  	_ =	swait.ge [sflag:s28], $0x4000;
	(pc) =	sbr.rel @p1 .LBB2_5-.Ltmp7, $4  }
0x22d: {  	[sflag:s28] =	ssyncset.done $0x0  }
0x22e: {  	s23 =	sadd.s32 $0x70, s23;
	[sflag:s28] =	ssyncadd.s32 $0xFFFFC000  }
0x22f: {  	[tilespmem:s31], [sflag:$0x4] =	stream.linear.gather [hbm4b:s23+s5], $0x80, $0x38;
	[tilespmem:$0x1EB00] =	vst v63  }
0x230: {  	s23 =	sadd.s32 $0x50, s24  }
.Ltmp8:
0x231: {  	_ = 	snop;
	(pc) =	sbr.rel .LBB2_6-.Ltmp8, $1  }
0x232: {  	_ =	sdelay $0x3  }
.LBB2_13:
0x233: {  	_ =	sfence.sel $0x180000  }
0x234: {  	[bflag:$0x0] =	sbarrier.arrive $0xFFFF  }
0x235: {  	_ =	strace $0x90000047  }
0x236: {  	s0 =	stileid.u32;
	[bflag:$0x2] =	sbarrier.arrive $0xFFFF  }
0x237: {  	p0 =	sne.s32 s0, $0x0;
	s0 =	rddreg [dreg:$0x5]  }
0x238: {  	s0 =	sadd.s32 @!p0 $0x100000, s0  }
0x239: {  	[sflag:s0] =	ssyncadd.tile.s32 @!p0 $0x1;
	_ =	shalt  }
.Lfunc_end2:
_tile_overlayer_lowered:
.L_overlay_start_2:
0x23a: {  	(tag) =	ssettag $0x2  }
0x23b: {  	s0 =	rddreg [dreg:$0x0];
	s2 =	stileid.u32  }
0x23c: {  	s1 =	rddreg [dreg:$0x1];
	p0 =	sne.s32 s2, $0x0  }
0x23d: {  	s3 =	rddreg [dreg:$0x2];
	[bflag:$0x3] =	sbarrier.arrive $0xFFFF;
	s2 =	simm.s32 @!p0 $0x1C09  }
0x23e: {  	[timem:s3], [sflag:s2] =	dma.local @!p0 [hbm:s0], s1  }
0x23f: {  	s0 =	simm.s32 @!p0 $0x9  }
0x240: {  	_ =	swait.ge @!p0 [sflag:s0], s1  }
0x241: {  	s1 =	ssub.s32 @!p0 $0x0, s1;
	[sflag:s0] =	ssyncset.done @!p0 $0x0  }
0x242: {  	[sflag:s0] =	ssyncadd.s32 @!p0 s1  }
0x243: {  	[bflag:$0x3] =	sbarrier.arrive $0xFFFF  }
0x244: {  	_ =	shalt  }

// kernel: kernel.9.cloned.1.call-start
scs
__scs_entry_jumppad:
0x0: {  	(pc) =	sbr.rel $0x88, $3  }
0x1: {  	(tag) =	ssettag $0x0;
	lr =	simm.s32 $0x1  }
0x2: {  	[smem:$0x3F98] =	sst lr;
	_ =	strace $0xD0000000  }
0x3: {  	_ = 	snop  }
0x4: {  	_ = 	snop  }
0x5: {  	_ = 	snop  }
0x6: {  	_ = 	snop  }
0x7: {  	_ = 	snop  }
__scs_overlays_trampoline_lowered:
0x8: {  	[smem:$0x3FA7] =	sst s0  }
0x9: {  	[smem:$0x3FA8] =	sst s1  }
0xa: {  	[smem:$0x3FA9] =	sst s2  }
0xb: {  	[smem:$0x3FAA] =	sst s3  }
0xc: {  	[smem:$0x3FAB] =	sst s4  }
0xd: {  	[smem:$0x3FAC] =	sst s5  }
0xe: {  	[smem:$0x3FAD] =	sst s6  }
0xf: {  	[smem:$0x3FAE] =	sst s7  }
0x10: {  	[smem:$0x3FAF] =	sst s8  }
0x11: {  	[smem:$0x3FB0] =	sst s9;
	s0 =	simm.s32 @!p0 $0x0  }
0x12: {  	s1 =	sld [smem:$0x3F96];
	s0 =	simm.s32 @p0 $0x1  }
0x13: {  	[smem:$0x3FB1] =	sst s0;
	s0 =	simm.s32 @!p1 $0x0  }
0x14: {  	s2 =	sld [smem:$0x3F95];
	s0 =	simm.s32 @p1 $0x1  }
0x15: {  	[smem:$0x3FB2] =	sst s0;
	s0 =	simm.s32 @!p2 $0x0  }
0x16: {  	s3 =	sld [smem:$0x3FDB];
	s0 =	simm.s32 @p2 $0x1  }
0x17: {  	s4 =	simm.s32 $0x1BF5;
	[smem:$0x3FB4] =	sst s0  }
0x18: {  	s0 =	sld [smem:$0x3F97];
	_ =	swait.ge [sflag:s4], $0x0  }
0x19: {  	s7 =	sld [smem:$0x3F98]  }
0x1a: {  	s8 =	sadd.s32 $0xFFFFE003, lr  }
0x1b: {  	s9 =	sadd.s32 $0xFFFFFEF7, lr;
	s5 =	simm.s32 $0xFFFFFFFF;
	p2 =	slt.u32 s8, $0xFFFFF086  }
0x1c: {  	p1 =	slt.u32 s9, $0xF7A;
	s5 =	simm.s32 @!p2 $0x0  }
0x1d: {  	s5 =	simm.s32 @p1 $0x1;
	p0 =	seq.s32 s7, s2  }
0x1e: {  	s7 =	smul.u32 @!p0 $0xF7A, s2;
	p2 =	seq.s32 @!p0 s5, $0x0  }
0x1f: {  	s9 =	smul.u32 $0xF7A, s1;
	s8 =	simm.s32 @!p0 $0x1BF5;
	p2 =	por !p2, p0  }
0x20: {  	[sflag:s8] =	ssyncset.s32 @!p0 $0xFFFFF086;
	s6 =	sadd.s32 @!p0 s3, s7;
	s7 =	simm.s32 @!p0 $0x108  }
0x21: {  	s3 =	sadd.s32 s3, s9;
	s6 =	sadd.s32 @!p0 $0x88, s6;
	s7 =	simm.s32 @p2 $0x1082  }
0x22: {  	[simem:s7], [sflag:s8] =	dma.local @!p0 [hbm:s6], $0xF7A  }
0x23: {  	s9 =	sor.u32 $0xD0000000, s2;
	s6 =	simm.s32 $0x108;
	_ =	swait.ge @!p0 [sflag:s8], $0x0  }
0x24: {  	s3 =	sadd.s32 $0x88, s3;
	s6 =	simm.s32 @!p1 $0x1082;
	[sflag:s4] =	ssyncset.s32 $0xFFFFF086  }
0x25: {  	[simem:s6], [sflag:s4] =	dma.local [hbm:s3], $0xF7A  }
0x26: {  	[smem:$0x3F98] =	sst s1;
	(tag) =	ssettag s2;
	_ =	strace s9  }
0x27: {  	s1 =	sld [smem:$0x3FA8]  }
0x28: {  	s2 =	sld [smem:$0x3FA9]  }
0x29: {  	s4 =	sld [smem:$0x3FAB]  }
0x2a: {  	p0 =	seq.s32 s5, $0x0;
	s5 =	sld [smem:$0x3FAC]  }
0x2b: {  	s6 =	sld [smem:$0x3FAD]  }
0x2c: {  	s7 =	sld [smem:$0x3FAE]  }
0x2d: {  	s3 =	simm.s32 $0x108;
	s8 =	sld [smem:$0x3FAF]  }
0x2e: {  	s3 =	simm.s32 @!p0 $0x1082;
	s9 =	sld [smem:$0x3FB0]  }
0x2f: {  	lr =	sadd.s32 s0, s3;
	s0 =	sld [smem:$0x3FA7]  }
0x30: {  	s3 =	sld [smem:$0x3FAA]  }
0x31: {  	[smem:$0x3FB3] =	sst s10  }
0x32: {  	s10 =	sld [smem:$0x3FB1];
	_ =	sdelay $0x3  }
0x33: {  	p0 =	seq.s32 s10, $0x1;
	s10 =	sld [smem:$0x3FB3];
	_ =	sdelay $0x3  }
0x34: {  	[smem:$0x3FB3] =	sst s10  }
0x35: {  	s10 =	sld [smem:$0x3FB2];
	_ =	sdelay $0x3  }
0x36: {  	p1 =	seq.s32 s10, $0x1;
	s10 =	sld [smem:$0x3FB3];
	_ =	sdelay $0x3  }
0x37: {  	[smem:$0x3FB3] =	sst s10  }
0x38: {  	s10 =	sld [smem:$0x3FB4]  }
0x39: {  	_ = 	snop;
	(pc) =	sbr.ind lr, $3  }
0x3a: {  	_ = 	snop  }
0x3b: {  	_ = 	snop  }
0x3c: {  	p2 =	seq.s32 s10, $0x1;
	s10 =	sld [smem:$0x3FB3]  }
0x3d: {  	_ =	shalt  }
0x3e: {  	_ =	shalt  }
0x3f: {  	_ =	shalt  }
0x40: {  	_ =	shalt  }
0x41: {  	_ =	shalt  }
0x42: {  	_ =	shalt  }
0x43: {  	_ =	shalt  }
0x44: {  	_ =	shalt  }
0x45: {  	_ =	shalt  }
0x46: {  	_ =	shalt  }
0x47: {  	_ =	shalt  }
0x48: {  	_ =	shalt  }
0x49: {  	_ =	shalt  }
0x4a: {  	_ =	shalt  }
0x4b: {  	_ =	shalt  }
0x4c: {  	_ =	shalt  }
0x4d: {  	_ =	shalt  }
0x4e: {  	_ =	shalt  }
0x4f: {  	_ =	shalt  }
0x50: {  	_ =	shalt  }
0x51: {  	_ =	shalt  }
0x52: {  	_ =	shalt  }
0x53: {  	_ =	shalt  }
0x54: {  	_ =	shalt  }
0x55: {  	_ =	shalt  }
0x56: {  	_ =	shalt  }
0x57: {  	_ =	shalt  }
0x58: {  	_ =	shalt  }
0x59: {  	_ =	shalt  }
0x5a: {  	_ =	shalt  }
0x5b: {  	_ =	shalt  }
0x5c: {  	_ =	shalt  }
0x5d: {  	_ =	shalt  }
0x5e: {  	_ =	shalt  }
0x5f: {  	_ =	shalt  }
0x60: {  	_ =	shalt  }
0x61: {  	_ =	shalt  }
0x62: {  	_ =	shalt  }
0x63: {  	_ =	shalt  }
0x64: {  	_ =	shalt  }
0x65: {  	_ =	shalt  }
0x66: {  	_ =	shalt  }
0x67: {  	_ =	shalt  }
0x68: {  	_ =	shalt  }
0x69: {  	_ =	shalt  }
0x6a: {  	_ =	shalt  }
0x6b: {  	_ =	shalt  }
0x6c: {  	_ =	shalt  }
0x6d: {  	_ =	shalt  }
0x6e: {  	_ =	shalt  }
0x6f: {  	_ =	shalt  }
0x70: {  	_ =	shalt  }
0x71: {  	_ =	shalt  }
0x72: {  	_ =	shalt  }
0x73: {  	_ =	shalt  }
0x74: {  	_ =	shalt  }
0x75: {  	_ =	shalt  }
0x76: {  	_ =	shalt  }
0x77: {  	_ =	shalt  }
0x78: {  	_ =	shalt  }
0x79: {  	_ =	shalt  }
0x7a: {  	_ =	shalt  }
0x7b: {  	_ =	shalt  }
0x7c: {  	_ =	shalt  }
0x7d: {  	_ =	shalt  }
0x7e: {  	_ =	shalt  }
0x7f: {  	_ =	shalt  }
0x80: {  	_ =	shalt  }
0x81: {  	_ =	shalt  }
0x82: {  	_ =	shalt  }
0x83: {  	_ =	shalt  }
0x84: {  	_ =	shalt  }
0x85: {  	_ =	shalt  }
0x86: {  	_ =	shalt  }
0x87: {  	_ =	shalt  }
.Lfunc_end0:
.L_simem_size_0:
called_computation.1_lowered:
.L_overlay_start_0:
0x88: {  	s2 =	sld [smem:$0x3FD9]  }
0x89: {  	s3 =	sld [smem:$0x3FFE];
	_ =	sdelay $0x1  }
0x8a: {  	s1 =	srdreg.scid  }
0x8b: {  	s0 =	sand.u32 $0x1, s1  }
0x8c: {  	s17 =	sshll.u32 s0, $0xA;
	s2 =	sadd.s32 s3, s2  }
0x8d: {  	s2 =	sadd.s32 s2, s17  }
0x8e: {  	[smem:$0x3FBF] =	sst s2  }
0x8f: {  	_ = 	snop  }
0x90: {  	s2 =	sld [smem:$0x3FD0];
	(tm) =	ssettm $0x1  }
0x91: {  	s18 =	sld [smem:$0x3FFB];
	_ =	sdelay $0x3  }
0x92: {  	_ =	strace s18  }
0x93: {  	s3 =	sld [smem:$0x3FFC];
	_ =	sdelay $0x3  }
0x94: {  	_ =	strace s3  }
0x95: {  	s3 =	sld [smem:$0x3FFD];
	_ =	sdelay $0x3  }
0x96: {  	_ =	strace s3  }
0x97: {  	_ =	strace $0x8FFFFFFF  }
0x98: {  	s19 =	sld [smem:$0x3FDB];
	_ =	sdelay $0x1  }
0x99: {  	s4 =	simm.s32 $_scs_section_size  }
0x9a: {  	s5 =	simm.s32 $_size__tile_overlayer_lowered;
	s6 =	simm.s32 $_tile_overlayer_lowered  }
0x9b: {  	s22 =	simm.s32 $0x1BFF;
	s21 =	sshll.u32 s6, $0x1;
	s3 =	sadd.s32 s4, s19  }
0x9c: {  	s7 =	simm.s32 $0x0;
	s20 =	sshll.u32 s5, $0x1;
	s5 =	sadd.s32 s21, s3  }
0x9d: {  	[timem:s7], [sflag:s22] =	dma.local [hbm:s5], s20  }
0x9e: {  	_ =	swait.ge [sflag:s22], s20  }
0x9f: {  	s4 =	ssub.s32 $0x0, s20;
	[sflag:s22] =	ssyncset.done $0x0  }
0xa0: {  	[sflag:s22] =	ssyncadd.s32 s4;
	_ =	sdelay $0x1  }
0xa1: {  	s23 =	simm.s32 $0x1B8B  }
0xa2: {  	_ =	swait.ge [sflag:s23], $0x1  }
0xa3: {  	[sflag:s23] =	ssyncset.done $0x0  }
0xa4: {  	s25 =	simm.s32 $0x1B8E;
	s24 =	sld [smem:$0x3FFE];
	[sflag:s23] =	ssyncadd.s32 $0xFFFFFFFF  }
0xa5: {  	s26 =	simm.s32 $execute0_lowered;
	[smem:$0x3FD2] =	sst s25  }
0xa6: {  	s5 =	sshll.u32 s26, $0x1;
	_ =	strace $0x80000049;
	[dreg:$0x1] =	wrdreg $0xFFFFFFFF  }
0xa7: {  	s28 =	simm.s32 $_size_execute0_lowered;
	s3 =	sadd.s32 s3, s5;
	[dreg:$0x0] =	wrdreg $0x0  }
0xa8: {  	s5 =	sshll.u32 s28, $0x1;
	[dreg:$0x2] =	wrdreg s3  }
0xa9: {  	[dreg:$0x3] =	wrdreg s5  }
0xaa: {  	[dreg:$0x4] =	wrdreg $0xC0  }
0xab: {  	_ =	task [dreg:s7], $0x5FFFF  }
0xac: {  	[dreg:$0x1] =	wrdreg $0xFFFFFFFF  }
0xad: {  	[dreg:$0x0] =	wrdreg $0x60  }
0xae: {  	[dreg:$0x2] =	wrdreg s2  }
0xaf: {  	[dreg:$0x3] =	wrdreg s24  }
0xb0: {  	[dreg:$0x4] =	wrdreg $0x83000  }
0xb1: {  	[dreg:$0x5] =	wrdreg $0x9  }
0xb2: {  	_ =	task.clear_ibuf [dreg:s7], $0x6FFFF;
	_ =	strace $0x90000049  }
0xb3: {  	s29 =	simm.s32 $0x9;
	_ =	strace $0x8000004B  }
0xb4: {  	_ =	swait.ge [sflag:s29], $0x1  }
0xb5: {  	[sflag:s29] =	ssyncadd.s32 $0xFFFFFFFF  }
0xb6: {  	_ =	strace $0x9000004B  }
0xb7: {  	_ =	sfence  }
0xb8: {  	s30 =	sld [smem:$0x0];
	_ =	sdelay $0x2  }
0xb9: {  	s31 =	sshll.u32 s1, $0xD;
	s1 =	sshrl.u32 s1, $0x2  }
0xba: {  	s3 =	sand.u32 $0x4000, s31;
	s1 =	sadd.s32 s1, s30  }
0xbb: {  	s0 =	sor.u32 s3, s0;
	s1 =	sshll.u32 s1, $0x11  }
0xbc: {  	s0 =	sor.u32 s1, s0  }
0xbd: {  	s0 =	sadd.s32 $0x8F2B, s0  }
0xbe: {  	[sflag:s0] =	ssyncadd.remote.s32 $0x1  }
0xbf: {  	_ =	sfence.sel $0xFFFF  }
0xc0: {  	[dreg:$0x0] =	wrdreg $0xFFFFFFFF;
	(pc) =	sbr.abs _section_cstart, $3  }
0xc1: {  	[dreg:$0x1] =	wrdreg $0xFFFFFFFF  }
0xc2: {  	_ =	task.clear_ibuf [dreg:s7], $0x2FFFF;
	_ =	strace $0x9FFFFFFF  }
0xc3: {  	(tm) =	ssettm $0x7FFFFFFF  }
tec
execute0_lowered:
.L_overlay_start_1:
0x0: {  	(tag) =	ssettag $0x1  }
0x1: {  	s1 =	rddreg [dreg:$0x0]  }
0x2: {  	s0 =	rddreg [dreg:$0x1]  }
0x3: {  	s3 =	rddreg [dreg:$0x2]  }
0x4: {  	s4 =	simm.s32 $0x0;
	s2 =	srdreg.scid;
	s13 =	stileid.u32  }
0x5: {  	s28 =	simm.s32 $0x300;
	s29 =	simm.s32 $0x9;
	s30 =	simm.s32 $0x80  }
0x6: {  	s31 =	simm.s32 $0x100;
	[smem:$0x7FF] =	sst s4;
	s6 =	smul.u32 $0x50000, s13  }
0x7: {  	s2 =	sand.u32 $0x1, s2;
	s5 =	sadd.s32 $0xC600, s0;
	s17 =	smul.u32 $0x2900, s13  }
0x8: {  	s18 =	smul.u32 $0x2800, s13;
	_ =	strace $0x8000004A;
	s7 =	sshll.u32 s2, $0x4  }
0x9: {  	s8 =	ssub.s32 $0x2, s2;
	p0 =	seq.s32 s2, $0x1;
	s6 =	sshrl.u32 s6, $0x2  }
0xa: {  	s7 =	sor.u32 s13, s7;
	s9 =	sshrl.u32 s8, $0x1;
	s6 =	sadd.s32 s6, s3  }
0xb: {  	s13 =	simm.s32 $0x7;
	s10 =	smul.u32 $0x2900, s7;
	s11 =	sadd.s32 $0x4000, s6  }
0xc: {  	s7 =	sadd.s32 $0x2200, s0;
	s12 =	sadd.s32 $0x8000, s6;
	[dreg:$0xa] =	wrdreg s11  }
0xd: {  	s8 =	ssub.s32 s8, s9;
	s14 =	sadd.s32 $0xC000, s6;
	[dreg:$0xb] =	wrdreg s12  }
0xe: {  	s15 =	sadd.s32 $0x10000, s6;
	[dreg:$0xc] =	wrdreg s14;
	s9 =	sshrl.u32 s10, $0x3  }
0xf: {  	[dreg:$0xd] =	wrdreg s15;
	s16 =	sor.u32 $0x10, s9;
	s14 =	sadd.s32 s5, s9  }
0x10: {  	s11 =	smul.u32 $0x29000, s2;
	s12 =	sadd.s32 s5, s16;
	[dreg:$0xe] =	wrdreg s14  }
0x11: {  	s26 =	sadd.s32 $0x500, s9;
	s15 =	sadd.s32 $0x20, s14;
	[dreg:$0xf] =	wrdreg s12  }
0x12: {  	s14 =	sadd.s32 $0x30, s14;
	s10 =	sadd.s32 s7, s16;
	[dreg:$0x10] =	wrdreg s15  }
0x13: {  	s2 =	sadd.s32 s17, s11;
	s11 =	simm.s32 $0x3EA00;
	[dreg:$0x11] =	wrdreg s14  }
0x14: {  	s17 =	sadd.s32 s5, s26;
	s14 =	sadd.s32 s7, s9;
	[dreg:$0x12] =	wrdreg s10  }
0x15: {  	s12 =	sadd.s32 $0x380, s2;
	s11 =	simm.s32 @!p0 $0x16A00;
	s19 =	sadd.s32 $0x300, s2  }
0x16: {  	s23 =	sadd.s32 $0x180, s2;
	s25 =	sadd.s32 $0x280, s2;
	s16 =	sadd.s32 $0x100, s2  }
0x17: {  	[dreg:$0x14] =	wrdreg s17;
	s9 =	sadd.s32 $0x510, s9;
	s10 =	simm.s32 $0x2  }
0x18: {  	s12 =	sshrl.u32 s12, $0x3;
	s21 =	sshrl.u32 s19, $0x3;
	s19 =	sadd.s32 $0x4E0, s14  }
0x19: {  	s24 =	sshrl.u32 s23, $0x3;
	s23 =	smax.u32 s8, $0x1;
	[dreg:$0x15] =	wrdreg s19  }
0x1a: {  	s17 =	simm.s32 $0x8;
	s20 =	sadd.s32 s12, s5;
	[dreg:$0x19] =	wrdreg s23  }
0x1b: {  	s0 =	sadd.s32 s11, s0;
	s22 =	sadd.s32 s21, s5;
	[dreg:$0x4] =	wrdreg s20  }
0x1c: {  	s8 =	simm.s32 $0x280;
	s0 =	sadd.s32 s0, s18;
	[dreg:$0x5] =	wrdreg s22  }
0x1d: {  	s11 =	sadd.s32 s24, s7;
	s12 =	sshrl.u32 s25, $0x3;
	[dreg:$0x13] =	wrdreg s0  }
0x1e: {  	s18 =	sshrl.u32 s16, $0x3;
	s21 =	sadd.s32 s7, s26;
	[dreg:$0x6] =	wrdreg s11  }
0x1f: {  	s25 =	sadd.s32 $0x200, s2;
	s24 =	sadd.s32 $0x4F0, s14;
	[dreg:$0x17] =	wrdreg s21  }
0x20: {  	s26 =	smov.u32 s14;
	s11 =	sadd.s32 s12, s7;
	[dreg:$0x1a] =	wrdreg s24  }
0x21: {  	s2 =	simm.s32 $0x200;
	s15 =	sadd.s32 s12, s5;
	[dreg:$0x7] =	wrdreg s11  }
0x22: {  	s14 =	simm.s32 $0x5;
	s0 =	sadd.s32 s18, s7;
	[dreg:$0x8] =	wrdreg s15  }
0x23: {  	s16 =	simm.s32 $0x0;
	s20 =	sadd.s32 s5, s9;
	[dreg:$0x9] =	wrdreg s0  }
0x24: {  	s22 =	sadd.s32 s7, s9;
	s9 =	simm.s32 $0x1;
	[dreg:$0x16] =	wrdreg s20  }
0x25: {  	s18 =	simm.s32 $0x6;
	s12 =	simm.s32 $0x4;
	[dreg:$0x18] =	wrdreg s22  }
0x26: {  	v0 =	vimm.f32 $0.0e+00;
	s0 =	simm.s32 $0x180;
	s11 =	simm.s32 $0x4300;
	s15 =	simm.s32 $0x3  }
.LBB2_1:
0x27: {  	s19 =	sand.u32 $0xFE00, s4  }
0x28: {  	s20 =	sand.u32 $0x70, s4;
	s21 =	sshrl.u32 s19, $0x2  }
0x29: {  	s19 =	simm.s32 $0x40;
	s21 =	sor.u32 s20, s21;
	s20 =	simm.s32 $0x0  }
.LBB2_2:
0x2a: {  	p0 =	sne.s32 s19, $0xFFC0  }
0x2b: {  	[tilespmem:s21+$0x300] =	vst v0;
	s20 =	sadd.s32 $0x10, s20;
	s21 =	smov.u32 s19;
	s19 =	sadd.s32 $0x40, s19  }
.Ltmp0:
0x2c: {  	(pc) =	sbr.rel @p0 .LBB2_2-.Ltmp0, $4  }
0x2d: {  	_ = 	snop  }
0x2e: {  	s21 =	sand.u32 $0xFE00, s21  }
0x2f: {  	s22 =	sand.u32 $0x70, s20;
	s21 =	sshrl.u32 s21, $0x2  }
0x30: {  	s21 =	sor.u32 s22, s21  }
0x31: {  	[tilespmem:s21+$0x300] =	vst v0  }
0x32: {  	[spmem:s6] =	stream.linear.scatter [tilespmem:s28], [sflag:$0x9], $0x4000, $0x38;
	[tilespmem:$0x1C300] =	vst v63  }
0x33: {  	_ =	swait.ge [sflag:s29], $0x4000  }
0x34: {  	[sflag:s29] =	ssyncset.done $0x0  }
0x35: {  	s19 =	rddreg [dreg:$0xa];
	[sflag:s29] =	ssyncadd.s32 $0xFFFFC000  }
0x36: {  	[spmem:s19] =	stream.linear.scatter [tilespmem:s28], [sflag:$0x9], $0x4000, $0x38;
	[tilespmem:$0x1C300] =	vst v63  }
0x37: {  	_ =	swait.ge [sflag:s29], $0x4000  }
0x38: {  	[sflag:s29] =	ssyncset.done $0x0  }
0x39: {  	s21 =	rddreg [dreg:$0xb];
	[sflag:s29] =	ssyncadd.s32 $0xFFFFC000  }
0x3a: {  	[spmem:s21] =	stream.linear.scatter [tilespmem:s28], [sflag:$0x9], $0x4000, $0x38;
	[tilespmem:$0x1C300] =	vst v63  }
0x3b: {  	_ =	swait.ge [sflag:s29], $0x4000  }
0x3c: {  	[sflag:s29] =	ssyncset.done $0x0  }
0x3d: {  	s22 =	rddreg [dreg:$0xc];
	[sflag:s29] =	ssyncadd.s32 $0xFFFFC000  }
0x3e: {  	[spmem:s22] =	stream.linear.scatter [tilespmem:s28], [sflag:$0x9], $0x4000, $0x38;
	[tilespmem:$0x1C300] =	vst v63  }
0x3f: {  	_ =	swait.ge [sflag:s29], $0x4000  }
0x40: {  	[sflag:s29] =	ssyncset.done $0x0  }
0x41: {  	s23 =	rddreg [dreg:$0xd];
	[sflag:s29] =	ssyncadd.s32 $0xFFFFC000  }
0x42: {  	[spmem:s23] =	stream.linear.scatter [tilespmem:s28], [sflag:$0x9], $0x4000, $0x38;
	[tilespmem:$0x1C300] =	vst v63  }
0x43: {  	_ =	swait.ge [sflag:s29], $0x4000  }
0x44: {  	[sflag:s29] =	ssyncset.done $0x0  }
0x45: {  	[sflag:s29] =	ssyncadd.s32 $0xFFFFC000  }
0x46: {  	[bflag:$0x0] =	sbarrier.arrive $0xFFFF  }
0x47: {  	s19 =	simm.s32 $0x0;
	s20 =	rddreg [dreg:$0xe]  }
0x48: {  	[tilespmem:s19], [sflag:$0x1] =	stream.linear.gather [hbm4b:s20+s19], $0x80, $0x38;
	[tilespmem:$0x1C300] =	vst v63  }
0x49: {  	s24 =	rddreg [dreg:$0xf]  }
0x4a: {  	[tilespmem:s30], [sflag:$0x2] =	stream.linear.gather [hbm4b:s24+s19], $0x80, $0x38;
	[tilespmem:$0x1C300] =	vst v63  }
0x4b: {  	s21 =	rddreg [dreg:$0x10]  }
0x4c: {  	[tilespmem:s31], [sflag:$0x3] =	stream.linear.gather [hbm4b:s21+s19], $0x80, $0x38;
	[tilespmem:$0x1C300] =	vst v63  }
0x4d: {  	s22 =	rddreg [dreg:$0x11]  }
0x4e: {  	[tilespmem:s0], [sflag:$0x4] =	stream.linear.gather [hbm4b:s22+s19], $0x80, $0x38;
	[tilespmem:$0x1C300] =	vst v63  }
0x4f: {  	_ = 	snop  }
0x50: {  	[tilespmem:s2], [sflag:$0x5] =	stream.linear.gather [hbm4b:s26+s19], $0x80, $0x38;
	[tilespmem:$0x1C300] =	vst v63  }
0x51: {  	s23 =	rddreg [dreg:$0x12]  }
0x52: {  	[tilespmem:s8], [sflag:$0x6] =	stream.linear.gather [hbm4b:s23+s19], $0x80, $0x38;
	[tilespmem:$0x1C300] =	vst v63  }
0x53: {  	_ =	swait.ge [sflag:s9], $0x80  }
0x54: {  	[sflag:s9] =	ssyncset.done $0x0  }
0x55: {  	[sflag:s9] =	ssyncadd.s32 $0xFFFFFF80  }
0x56: {  	[tilespmem:s28], [sflag:$0x7] =	stream.indirect.gather [hbm4b:s1+s30], $0x80, s19, s30, $0xb8;
	[tilespmem:$0x1C300] =	vst v63  }
0x57: {  	_ =	swait.ge [sflag:s10], $0x80  }
0x58: {  	[sflag:s10] =	ssyncset.done $0x0  }
0x59: {  	[sflag:s10] =	ssyncadd.s32 $0xFFFFFF80  }
0x5a: {  	[tilespmem:s11], [sflag:$0x8] =	stream.indirect.gather [hbm4b:s1+s30], $0x80, s30, s30, $0xb8;
	[tilespmem:$0x1C300] =	vst v63  }
0x5b: {  	_ =	swait.ge [sflag:s13], $0x4000  }
0x5c: {  	[sflag:s13] =	ssyncset.done $0x0  }
0x5d: {  	[sflag:s13] =	ssyncadd.s32 $0xFFFFC000  }
0x5e: {  	_ =	swait.ge [sflag:s14], $0x80  }
0x5f: {  	[sflag:s14] =	ssyncset.done $0x0  }
0x60: {  	[sflag:s14] =	ssyncadd.s32 $0xFFFFFF80  }
0x61: {  	[spmem:s3] =	stream.indirect.scatter.add.f32 [tilespmem:s28], [sflag:$0x9], $0x80, s2, s30, $0xb8;
	[tilespmem:$0x1C300] =	vst v63  }
0x62: {  	_ =	swait.ge [sflag:s29], $0x4000  }
0x63: {  	s19 =	sshrl.u32 s25, $0x3;
	[sflag:s29] =	ssyncset.done $0x0  }
0x64: {  	s22 =	sadd.s32 s5, s19;
	s24 =	rddreg [dreg:$0x9];
	[sflag:s29] =	ssyncadd.s32 $0xFFFFC000  }
0x65: {  	[tilespmem:s4], [sflag:$0x1] =	stream.linear.gather [hbm4b:s22+s4], $0x80, $0x38;
	[tilespmem:$0x1C300] =	vst v63  }
0x66: {  	s20 =	sadd.s32 $0x0, s24  }
0x67: {  	[tilespmem:s2], [sflag:$0x5] =	stream.linear.gather [hbm4b:s20+s4], $0x80, $0x38;
	[tilespmem:$0x1C300] =	vst v63  }
0x68: {  	_ =	swait.ge [sflag:s15], $0x80  }
0x69: {  	[sflag:s15] =	ssyncset.done $0x0  }
0x6a: {  	[sflag:s15] =	ssyncadd.s32 $0xFFFFFF80  }
0x6b: {  	[tilespmem:s28], [sflag:$0x7] =	stream.indirect.gather [hbm4b:s1+s30], $0x80, s31, s30, $0xb8;
	[tilespmem:$0x1C300] =	vst v63  }
0x6c: {  	_ =	swait.ge [sflag:s17], $0x4000  }
0x6d: {  	[sflag:s17] =	ssyncset.done $0x0  }
0x6e: {  	[sflag:s17] =	ssyncadd.s32 $0xFFFFC000  }
0x6f: {  	_ =	swait.ge [sflag:s18], $0x80  }
0x70: {  	[sflag:s18] =	ssyncset.done $0x0  }
0x71: {  	[sflag:s18] =	ssyncadd.s32 $0xFFFFFF80  }
0x72: {  	[spmem:s3] =	stream.indirect.scatter.add.f32 [tilespmem:s11], [sflag:$0x9], $0x80, s8, s30, $0xb8;
	[tilespmem:$0x1C300] =	vst v63  }
0x73: {  	_ =	swait.ge [sflag:s29], $0x4000  }
0x74: {  	s23 =	rddreg [dreg:$0x8];
	[sflag:s29] =	ssyncset.done $0x0  }
0x75: {  	s24 =	rddreg [dreg:$0x6];
	[sflag:s29] =	ssyncadd.s32 $0xFFFFC000;
	s20 =	sadd.s32 $0x0, s23  }
0x76: {  	[tilespmem:s30], [sflag:$0x2] =	stream.linear.gather [hbm4b:s20+s4], $0x80, $0x38;
	[tilespmem:$0x1C300] =	vst v63  }
0x77: {  	s21 =	sadd.s32 $0x0, s24  }
0x78: {  	[tilespmem:s8], [sflag:$0x6] =	stream.linear.gather [hbm4b:s21+s4], $0x80, $0x38;
	[tilespmem:$0x1C300] =	vst v63  }
0x79: {  	_ =	swait.ge [sflag:s12], $0x80  }
0x7a: {  	[sflag:s12] =	ssyncset.done $0x0  }
0x7b: {  	[sflag:s12] =	ssyncadd.s32 $0xFFFFFF80  }
0x7c: {  	[tilespmem:s11], [sflag:$0x8] =	stream.indirect.gather [hbm4b:s1+s30], $0x80, s0, s30, $0xb8;
	[tilespmem:$0x1C300] =	vst v63  }
0x7d: {  	_ =	swait.ge [sflag:s13], $0x4000  }
0x7e: {  	[sflag:s13] =	ssyncset.done $0x0  }
0x7f: {  	[sflag:s13] =	ssyncadd.s32 $0xFFFFC000  }
0x80: {  	_ =	swait.ge [sflag:s14], $0x80  }
0x81: {  	[sflag:s14] =	ssyncset.done $0x0  }
0x82: {  	[sflag:s14] =	ssyncadd.s32 $0xFFFFFF80  }
0x83: {  	[spmem:s3] =	stream.indirect.scatter.add.f32 [tilespmem:s28], [sflag:$0x9], $0x80, s2, s30, $0xb8;
	[tilespmem:$0x1C300] =	vst v63  }
0x84: {  	_ =	swait.ge [sflag:s29], $0x4000  }
0x85: {  	s22 =	rddreg [dreg:$0x5];
	[sflag:s29] =	ssyncset.done $0x0  }
0x86: {  	[sflag:s29] =	ssyncadd.s32 $0xFFFFC000;
	s20 =	sadd.s32 $0x0, s22  }
0x87: {  	[tilespmem:s31], [sflag:$0x3] =	stream.linear.gather [hbm4b:s20+s4], $0x80, $0x38;
	[tilespmem:$0x1C300] =	vst v63  }
0x88: {  	s19 =	sadd.s32 s7, s19  }
0x89: {  	[tilespmem:s2], [sflag:$0x5] =	stream.linear.gather [hbm4b:s19+s4], $0x80, $0x38;
	[tilespmem:$0x1C300] =	vst v63  }
0x8a: {  	_ =	swait.ge [sflag:s9], $0x80  }
0x8b: {  	[sflag:s9] =	ssyncset.done $0x0  }
0x8c: {  	[sflag:s9] =	ssyncadd.s32 $0xFFFFFF80  }
0x8d: {  	[tilespmem:s28], [sflag:$0x7] =	stream.indirect.gather [hbm4b:s1+s30], $0x80, s4, s30, $0xb8;
	[tilespmem:$0x1C300] =	vst v63  }
0x8e: {  	_ =	swait.ge [sflag:s17], $0x4000  }
0x8f: {  	[sflag:s17] =	ssyncset.done $0x0  }
0x90: {  	[sflag:s17] =	ssyncadd.s32 $0xFFFFC000  }
0x91: {  	_ =	swait.ge [sflag:s18], $0x80  }
0x92: {  	[sflag:s18] =	ssyncset.done $0x0  }
0x93: {  	[sflag:s18] =	ssyncadd.s32 $0xFFFFFF80  }
0x94: {  	[spmem:s3] =	stream.indirect.scatter.add.f32 [tilespmem:s11], [sflag:$0x9], $0x80, s8, s30, $0xb8;
	[tilespmem:$0x1C300] =	vst v63  }
0x95: {  	_ =	swait.ge [sflag:s29], $0x4000  }
0x96: {  	s23 =	rddreg [dreg:$0x4];
	[sflag:s29] =	ssyncset.done $0x0  }
0x97: {  	s24 =	rddreg [dreg:$0x7];
	[sflag:s29] =	ssyncadd.s32 $0xFFFFC000;
	s19 =	sadd.s32 $0x0, s23  }
0x98: {  	[tilespmem:s0], [sflag:$0x4] =	stream.linear.gather [hbm4b:s19+s4], $0x80, $0x38;
	[tilespmem:$0x1C300] =	vst v63  }
0x99: {  	s20 =	sadd.s32 $0x200, s25;
	s21 =	sadd.s32 $0x0, s24;
	s19 =	simm.s32 $0x40  }
.LBB2_4:
0x9a: {  	[tilespmem:s8], [sflag:$0x6] =	stream.linear.gather [hbm4b:s21+s4], $0x80, $0x38;
	[tilespmem:$0x1C300] =	vst v63  }
0x9b: {  	_ =	swait.ge [sflag:s10], $0x80  }
0x9c: {  	[sflag:s10] =	ssyncset.done $0x0  }
0x9d: {  	[sflag:s10] =	ssyncadd.s32 $0xFFFFFF80  }
0x9e: {  	[tilespmem:s11], [sflag:$0x8] =	stream.indirect.gather [hbm4b:s1+s30], $0x80, s30, s30, $0xb8;
	[tilespmem:$0x1C300] =	vst v63  }
0x9f: {  	_ =	swait.ge [sflag:s13], $0x4000  }
0xa0: {  	[sflag:s13] =	ssyncset.done $0x0  }
0xa1: {  	[sflag:s13] =	ssyncadd.s32 $0xFFFFC000  }
0xa2: {  	_ =	swait.ge [sflag:s14], $0x80  }
0xa3: {  	[sflag:s14] =	ssyncset.done $0x0  }
0xa4: {  	[sflag:s14] =	ssyncadd.s32 $0xFFFFFF80  }
0xa5: {  	[spmem:s3] =	stream.indirect.scatter.add.f32 [tilespmem:s28], [sflag:$0x9], $0x80, s2, s30, $0xb8;
	[tilespmem:$0x1C300] =	vst v63  }
0xa6: {  	_ =	swait.ge [sflag:s29], $0x4000  }
0xa7: {  	s21 =	smov.u32 s19;
	s22 =	sshrl.u32 s20, $0x3;
	[sflag:s29] =	ssyncset.done $0x0  }
0xa8: {  	s24 =	sadd.s32 s5, s22;
	s23 =	rddreg [dreg:$0x9];
	[sflag:s29] =	ssyncadd.s32 $0xFFFFC000  }
0xa9: {  	[tilespmem:s4], [sflag:$0x1] =	stream.linear.gather [hbm4b:s24+s4], $0x80, $0x38;
	[tilespmem:$0x1C300] =	vst v63  }
0xaa: {  	s23 =	sadd.s32 s21, s23  }
0xab: {  	[tilespmem:s2], [sflag:$0x5] =	stream.linear.gather [hbm4b:s23+s4], $0x80, $0x38;
	[tilespmem:$0x1C300] =	vst v63  }
0xac: {  	_ =	swait.ge [sflag:s15], $0x80  }
0xad: {  	[sflag:s15] =	ssyncset.done $0x0  }
0xae: {  	[sflag:s15] =	ssyncadd.s32 $0xFFFFFF80  }
0xaf: {  	[tilespmem:s28], [sflag:$0x7] =	stream.indirect.gather [hbm4b:s1+s30], $0x80, s31, s30, $0xb8;
	[tilespmem:$0x1C300] =	vst v63  }
0xb0: {  	_ =	swait.ge [sflag:s17], $0x4000  }
0xb1: {  	[sflag:s17] =	ssyncset.done $0x0  }
0xb2: {  	[sflag:s17] =	ssyncadd.s32 $0xFFFFC000  }
0xb3: {  	_ =	swait.ge [sflag:s18], $0x80  }
0xb4: {  	[sflag:s18] =	ssyncset.done $0x0  }
0xb5: {  	[sflag:s18] =	ssyncadd.s32 $0xFFFFFF80  }
0xb6: {  	[spmem:s3] =	stream.indirect.scatter.add.f32 [tilespmem:s11], [sflag:$0x9], $0x80, s8, s30, $0xb8;
	[tilespmem:$0x1C300] =	vst v63  }
0xb7: {  	_ =	swait.ge [sflag:s29], $0x4000  }
0xb8: {  	s23 =	rddreg [dreg:$0x8];
	[sflag:s29] =	ssyncset.done $0x0  }
0xb9: {  	s24 =	rddreg [dreg:$0x6];
	[sflag:s29] =	ssyncadd.s32 $0xFFFFC000;
	s23 =	sadd.s32 s21, s23  }
0xba: {  	[tilespmem:s30], [sflag:$0x2] =	stream.linear.gather [hbm4b:s23+s4], $0x80, $0x38;
	[tilespmem:$0x1C300] =	vst v63  }
0xbb: {  	s24 =	sadd.s32 s21, s24  }
0xbc: {  	[tilespmem:s8], [sflag:$0x6] =	stream.linear.gather [hbm4b:s24+s4], $0x80, $0x38;
	[tilespmem:$0x1C300] =	vst v63  }
0xbd: {  	_ =	swait.ge [sflag:s12], $0x80  }
0xbe: {  	[sflag:s12] =	ssyncset.done $0x0  }
0xbf: {  	[sflag:s12] =	ssyncadd.s32 $0xFFFFFF80  }
0xc0: {  	[tilespmem:s11], [sflag:$0x8] =	stream.indirect.gather [hbm4b:s1+s30], $0x80, s0, s30, $0xb8;
	[tilespmem:$0x1C300] =	vst v63  }
0xc1: {  	_ =	swait.ge [sflag:s13], $0x4000  }
0xc2: {  	[sflag:s13] =	ssyncset.done $0x0  }
0xc3: {  	[sflag:s13] =	ssyncadd.s32 $0xFFFFC000  }
0xc4: {  	_ =	swait.ge [sflag:s14], $0x80  }
0xc5: {  	[sflag:s14] =	ssyncset.done $0x0  }
0xc6: {  	[sflag:s14] =	ssyncadd.s32 $0xFFFFFF80  }
0xc7: {  	[spmem:s3] =	stream.indirect.scatter.add.f32 [tilespmem:s28], [sflag:$0x9], $0x80, s2, s30, $0xb8;
	[tilespmem:$0x1C300] =	vst v63  }
0xc8: {  	_ =	swait.ge [sflag:s29], $0x4000  }
0xc9: {  	s24 =	rddreg [dreg:$0x5];
	[sflag:s29] =	ssyncset.done $0x0  }
0xca: {  	[sflag:s29] =	ssyncadd.s32 $0xFFFFC000;
	s23 =	sadd.s32 s21, s24  }
0xcb: {  	[tilespmem:s31], [sflag:$0x3] =	stream.linear.gather [hbm4b:s23+s4], $0x80, $0x38;
	[tilespmem:$0x1C300] =	vst v63  }
0xcc: {  	s22 =	sadd.s32 s7, s22  }
0xcd: {  	[tilespmem:s2], [sflag:$0x5] =	stream.linear.gather [hbm4b:s22+s4], $0x80, $0x38;
	[tilespmem:$0x1C300] =	vst v63  }
0xce: {  	_ =	swait.ge [sflag:s9], $0x80  }
0xcf: {  	[sflag:s9] =	ssyncset.done $0x0  }
0xd0: {  	[sflag:s9] =	ssyncadd.s32 $0xFFFFFF80  }
0xd1: {  	[tilespmem:s28], [sflag:$0x7] =	stream.indirect.gather [hbm4b:s1+s30], $0x80, s4, s30, $0xb8;
	[tilespmem:$0x1C300] =	vst v63  }
0xd2: {  	_ =	swait.ge [sflag:s17], $0x4000  }
0xd3: {  	[sflag:s17] =	ssyncset.done $0x0  }
0xd4: {  	[sflag:s17] =	ssyncadd.s32 $0xFFFFC000  }
0xd5: {  	_ =	swait.ge [sflag:s18], $0x80  }
0xd6: {  	[sflag:s18] =	ssyncset.done $0x0  }
0xd7: {  	p0 =	sne.s32 s19, $0x480;
	[sflag:s18] =	ssyncadd.s32 $0xFFFFFF80  }
0xd8: {  	[spmem:s3] =	stream.indirect.scatter.add.f32 [tilespmem:s11], [sflag:$0x9], $0x80, s8, s30, $0xb8;
	[tilespmem:$0x1C300] =	vst v63  }
.Ltmp1:
0xd9: {  	_ =	swait.ge [sflag:s29], $0x4000;
	(pc) =	sbr.rel @p0 .LBB2_4-.Ltmp1, $4  }
0xda: {  	s19 =	sadd.s32 $0x40, s19;
	s23 =	rddreg [dreg:$0x4]  }
0xdb: {  	s20 =	sadd.s32 $0x200, s20;
	s24 =	rddreg [dreg:$0x7];
	[sflag:s29] =	ssyncset.done $0x0  }
0xdc: {  	[sflag:s29] =	ssyncadd.s32 $0xFFFFC000;
	s22 =	sadd.s32 s21, s23;
	s21 =	sadd.s32 s21, s24  }
0xdd: {  	[tilespmem:s0], [sflag:$0x4] =	stream.linear.gather [hbm4b:s22+s4], $0x80, $0x38;
	[tilespmem:$0x1C300] =	vst v63  }
0xde: {  	[tilespmem:s8], [sflag:$0x6] =	stream.linear.gather [hbm4b:s21+s4], $0x80, $0x38;
	[tilespmem:$0x1C300] =	vst v63  }
0xdf: {  	_ =	swait.ge [sflag:s10], $0x80  }
0xe0: {  	[sflag:s10] =	ssyncset.done $0x0  }
0xe1: {  	[sflag:s10] =	ssyncadd.s32 $0xFFFFFF80  }
0xe2: {  	[tilespmem:s11], [sflag:$0x8] =	stream.indirect.gather [hbm4b:s1+s30], $0x80, s30, s30, $0xb8;
	[tilespmem:$0x1C300] =	vst v63  }
0xe3: {  	_ =	swait.ge [sflag:s13], $0x4000  }
0xe4: {  	[sflag:s13] =	ssyncset.done $0x0  }
0xe5: {  	[sflag:s13] =	ssyncadd.s32 $0xFFFFC000  }
0xe6: {  	_ =	swait.ge [sflag:s14], $0x80  }
0xe7: {  	[sflag:s14] =	ssyncset.done $0x0  }
0xe8: {  	[sflag:s14] =	ssyncadd.s32 $0xFFFFFF80  }
0xe9: {  	[spmem:s3] =	stream.indirect.scatter.add.f32 [tilespmem:s28], [sflag:$0x9], $0x80, s2, s30, $0xb8;
	[tilespmem:$0x1C300] =	vst v63  }
0xea: {  	_ =	swait.ge [sflag:s29], $0x4000  }
0xeb: {  	[sflag:s29] =	ssyncset.done $0x0  }
0xec: {  	s19 =	rddreg [dreg:$0x14];
	[sflag:s29] =	ssyncadd.s32 $0xFFFFC000  }
0xed: {  	[tilespmem:s4], [sflag:$0x1] =	stream.linear.gather [hbm4b:s19+s4], $0x80, $0x38;
	[tilespmem:$0x1C300] =	vst v63  }
0xee: {  	s22 =	rddreg [dreg:$0x15]  }
0xef: {  	[tilespmem:s2], [sflag:$0x5] =	stream.linear.gather [hbm4b:s22+s4], $0x80, $0x38;
	[tilespmem:$0x1C300] =	vst v63  }
0xf0: {  	_ =	swait.ge [sflag:s15], $0x80  }
0xf1: {  	[sflag:s15] =	ssyncset.done $0x0  }
0xf2: {  	[sflag:s15] =	ssyncadd.s32 $0xFFFFFF80  }
0xf3: {  	[tilespmem:s28], [sflag:$0x7] =	stream.indirect.gather [hbm4b:s1+s30], $0x80, s31, s30, $0xb8;
	[tilespmem:$0x1C300] =	vst v63  }
0xf4: {  	_ =	swait.ge [sflag:s17], $0x4000  }
0xf5: {  	[sflag:s17] =	ssyncset.done $0x0  }
0xf6: {  	[sflag:s17] =	ssyncadd.s32 $0xFFFFC000  }
0xf7: {  	_ =	swait.ge [sflag:s18], $0x80  }
0xf8: {  	[sflag:s18] =	ssyncset.done $0x0  }
0xf9: {  	[sflag:s18] =	ssyncadd.s32 $0xFFFFFF80  }
0xfa: {  	[spmem:s3] =	stream.indirect.scatter.add.f32 [tilespmem:s11], [sflag:$0x9], $0x80, s8, s30, $0xb8;
	[tilespmem:$0x1C300] =	vst v63  }
0xfb: {  	_ =	swait.ge [sflag:s29], $0x4000  }
0xfc: {  	[sflag:s29] =	ssyncset.done $0x0  }
0xfd: {  	s23 =	rddreg [dreg:$0x16];
	[sflag:s29] =	ssyncadd.s32 $0xFFFFC000  }
0xfe: {  	[tilespmem:s30], [sflag:$0x2] =	stream.linear.gather [hbm4b:s23+s4], $0x80, $0x38;
	[tilespmem:$0x1C300] =	vst v63  }
0xff: {  	s24 =	rddreg [dreg:$0x1a]  }
0x100: {  	[tilespmem:s8], [sflag:$0x6] =	stream.linear.gather [hbm4b:s24+s4], $0x80, $0x38;
	[tilespmem:$0x1C300] =	vst v63  }
0x101: {  	_ =	swait.ge [sflag:s12], $0x80  }
0x102: {  	[sflag:s12] =	ssyncset.done $0x0  }
0x103: {  	[sflag:s12] =	ssyncadd.s32 $0xFFFFFF80  }
0x104: {  	[tilespmem:s11], [sflag:$0x8] =	stream.indirect.gather [hbm4b:s1+s30], $0x80, s0, s30, $0xb8;
	[tilespmem:$0x1C300] =	vst v63  }
0x105: {  	_ =	swait.ge [sflag:s13], $0x4000  }
0x106: {  	[sflag:s13] =	ssyncset.done $0x0  }
0x107: {  	[sflag:s13] =	ssyncadd.s32 $0xFFFFC000  }
0x108: {  	_ =	swait.ge [sflag:s14], $0x80  }
0x109: {  	[sflag:s14] =	ssyncset.done $0x0  }
0x10a: {  	[sflag:s14] =	ssyncadd.s32 $0xFFFFFF80  }
0x10b: {  	[spmem:s3] =	stream.indirect.scatter.add.f32 [tilespmem:s28], [sflag:$0x9], $0x80, s2, s30, $0xb8;
	[tilespmem:$0x1C300] =	vst v63  }
0x10c: {  	_ =	swait.ge [sflag:s29], $0x4000  }
0x10d: {  	[sflag:s29] =	ssyncset.done $0x0  }
0x10e: {  	s20 =	rddreg [dreg:$0x17];
	[sflag:s29] =	ssyncadd.s32 $0xFFFFC000  }
0x10f: {  	[tilespmem:s2], [sflag:$0x5] =	stream.linear.gather [hbm4b:s20+s4], $0x80, $0x38;
	[tilespmem:$0x1C300] =	vst v63  }
0x110: {  	_ =	swait.ge [sflag:s9], $0x80  }
0x111: {  	[sflag:s9] =	ssyncset.done $0x0  }
0x112: {  	[sflag:s9] =	ssyncadd.s32 $0xFFFFFF80  }
0x113: {  	[tilespmem:s28], [sflag:$0x7] =	stream.indirect.gather [hbm4b:s1+s30], $0x80, s4, s30, $0xb8;
	[tilespmem:$0x1C300] =	vst v63  }
0x114: {  	_ =	swait.ge [sflag:s17], $0x4000  }
0x115: {  	[sflag:s17] =	ssyncset.done $0x0  }
0x116: {  	[sflag:s17] =	ssyncadd.s32 $0xFFFFC000  }
0x117: {  	_ =	swait.ge [sflag:s18], $0x80  }
0x118: {  	[sflag:s18] =	ssyncset.done $0x0  }
0x119: {  	[sflag:s18] =	ssyncadd.s32 $0xFFFFFF80  }
0x11a: {  	[spmem:s3] =	stream.indirect.scatter.add.f32 [tilespmem:s11], [sflag:$0x9], $0x80, s8, s30, $0xb8;
	[tilespmem:$0x1C300] =	vst v63  }
0x11b: {  	_ =	swait.ge [sflag:s29], $0x4000  }
0x11c: {  	[sflag:s29] =	ssyncset.done $0x0  }
0x11d: {  	s21 =	rddreg [dreg:$0x18];
	[sflag:s29] =	ssyncadd.s32 $0xFFFFC000  }
0x11e: {  	[tilespmem:s8], [sflag:$0x6] =	stream.linear.gather [hbm4b:s21+s4], $0x80, $0x38;
	[tilespmem:$0x1C300] =	vst v63  }
0x11f: {  	_ =	swait.ge [sflag:s10], $0x80  }
0x120: {  	[sflag:s10] =	ssyncset.done $0x0  }
0x121: {  	[sflag:s10] =	ssyncadd.s32 $0xFFFFFF80  }
0x122: {  	[tilespmem:s11], [sflag:$0x8] =	stream.indirect.gather [hbm4b:s1+s30], $0x80, s30, s30, $0xb8;
	[tilespmem:$0x1C300] =	vst v63  }
0x123: {  	_ =	swait.ge [sflag:s13], $0x4000  }
0x124: {  	[sflag:s13] =	ssyncset.done $0x0  }
0x125: {  	[sflag:s13] =	ssyncadd.s32 $0xFFFFC000  }
0x126: {  	_ =	swait.ge [sflag:s14], $0x80  }
0x127: {  	[sflag:s14] =	ssyncset.done $0x0  }
0x128: {  	[sflag:s14] =	ssyncadd.s32 $0xFFFFFF80  }
0x129: {  	[spmem:s3] =	stream.indirect.scatter.add.f32 [tilespmem:s28], [sflag:$0x9], $0x80, s2, s30, $0xb8;
	[tilespmem:$0x1C300] =	vst v63  }
0x12a: {  	_ =	swait.ge [sflag:s29], $0x4000  }
0x12b: {  	[sflag:s29] =	ssyncset.done $0x0  }
0x12c: {  	[sflag:s29] =	ssyncadd.s32 $0xFFFFC000  }
0x12d: {  	_ =	swait.ge [sflag:s17], $0x4000  }
0x12e: {  	[sflag:s17] =	ssyncset.done $0x0  }
0x12f: {  	[sflag:s17] =	ssyncadd.s32 $0xFFFFC000  }
0x130: {  	_ =	swait.ge [sflag:s18], $0x80  }
0x131: {  	[sflag:s18] =	ssyncset.done $0x0  }
0x132: {  	[sflag:s18] =	ssyncadd.s32 $0xFFFFFF80  }
0x133: {  	[spmem:s3] =	stream.indirect.scatter.add.f32 [tilespmem:s11], [sflag:$0x9], $0x80, s8, s30, $0xb8;
	[tilespmem:$0x1C300] =	vst v63  }
0x134: {  	_ =	swait.ge [sflag:s29], $0x4000  }
0x135: {  	[sflag:s29] =	ssyncset.done $0x0  }
0x136: {  	s22 =	stileid.u32;
	[sflag:s29] =	ssyncadd.s32 $0xFFFFC000  }
0x137: {  	s19 =	sshll.u32 s22, $0x6;
	[bflag:$0x0] =	sbarrier.arrive $0xFFFF  }
0x138: {  	s19 =	sor.u32 $0x1C09, s19;
	s20 =	sshrl.u32 s6, $0x3;
	s23 =	rddreg [dreg:$0x13]  }
0x139: {  	[hbm:s23], [sflag:s19] =	dma.local [spmem:s20], $0x2800  }
0x13a: {  	_ =	swait.ge [sflag:s29], $0x2800  }
0x13b: {  	s16 =	sadd.s32 $0x1, s16;
	s24 =	rddreg [dreg:$0x19]  }
0x13c: {  	p0 =	sne.s32 s16, s24  }
.Ltmp2:
0x13d: {  	_ = 	snop;
	(pc) =	sbr.rel @p0 .LBB2_1-.Ltmp2, $3  }
0x13e: {  	_ =	sdelay $0x1  }
0x13f: {  	[sflag:s29] =	ssyncset.done $0x0  }
0x140: {  	[sflag:s29] =	ssyncadd.s32 $0xFFFFD800  }
0x141: {  	_ =	sfence.sel $0x180000  }
0x142: {  	[bflag:$0x0] =	sbarrier.arrive $0xFFFF  }
0x143: {  	_ =	strace $0x9000004A  }
0x144: {  	s0 =	stileid.u32;
	[bflag:$0x2] =	sbarrier.arrive $0xFFFF  }
0x145: {  	p0 =	sne.s32 s0, $0x0;
	s0 =	rddreg [dreg:$0x3]  }
0x146: {  	s0 =	sadd.s32 @!p0 $0x100000, s0  }
0x147: {  	[sflag:s0] =	ssyncadd.tile.s32 @!p0 $0x1;
	_ =	shalt  }
.Lfunc_end2:
_tile_overlayer_lowered:
.L_overlay_start_2:
0x148: {  	(tag) =	ssettag $0x2  }
0x149: {  	s0 =	rddreg [dreg:$0x0];
	s2 =	stileid.u32  }
0x14a: {  	s1 =	rddreg [dreg:$0x1];
	p0 =	sne.s32 s2, $0x0  }
0x14b: {  	s3 =	rddreg [dreg:$0x2];
	[bflag:$0x3] =	sbarrier.arrive $0xFFFF;
	s2 =	simm.s32 @!p0 $0x1C09  }
0x14c: {  	[timem:s3], [sflag:s2] =	dma.local @!p0 [hbm:s0], s1  }
0x14d: {  	s0 =	simm.s32 @!p0 $0x9  }
0x14e: {  	_ =	swait.ge @!p0 [sflag:s0], s1  }
0x14f: {  	s1 =	ssub.s32 @!p0 $0x0, s1;
	[sflag:s0] =	ssyncset.done @!p0 $0x0  }
0x150: {  	[sflag:s0] =	ssyncadd.s32 @!p0 s1  }
0x151: {  	[bflag:$0x3] =	sbarrier.arrive $0xFFFF  }
0x152: {  	_ =	shalt  }

</sc_bundles>
